<compile_context>
chip_gen: v7x
topology: tpu7x:2x2x1
jax: 0.10.2.dev20260603
libtpu: 0.0.44.dev20260713+nightly
codegen_flags: <defaults>
</compile_context>

<pallas_src>
import functools

import jax
import jax.numpy as jnp
from jax import lax
from jax.experimental import pallas as pl
from jax.experimental.pallas import tpu as pltpu
from jax.experimental.pallas import tpu_sc as plsc

_NUM_CORES = 2
_NUM_SUBCORES = 16
_NUM_WORKERS = _NUM_CORES * _NUM_SUBCORES

_BLK = 128
_NBUF = 4


@functools.lru_cache(maxsize=None)
def _make_gather(n_b: int, n_s: int, d: int):
    assert d == 64 and n_b % _BLK == 0
    n_bh = n_b // _BLK
    n_blocks = n_s * n_bh
    blocks_per_w = n_blocks // _NUM_WORKERS
    assert blocks_per_w % _NBUF == 0 and blocks_per_w >= 2 * _NBUF

    mesh = plsc.VectorSubcoreMesh(
        core_axis_name="c", subcore_axis_name="s",
        num_cores=_NUM_CORES, num_subcores=_NUM_SUBCORES)

    @functools.partial(
        pl.kernel,
        out_type=jax.ShapeDtypeStruct((n_s, 8, n_bh, 8, _BLK), jnp.float32),
        mesh=mesh,
        scratch_types=[
            pltpu.VMEM((blocks_per_w, _BLK), jnp.int32),
            [pltpu.VMEM((_BLK, d), jnp.float32)] * _NBUF,
            [pltpu.VMEM((8, 8, _BLK + 1), jnp.float32)] * _NBUF,
            [pltpu.SemaphoreType.DMA] * _NBUF,
            [pltpu.SemaphoreType.DMA] * _NBUF,
        ],
        compiler_params=pltpu.CompilerParams(
            use_tc_tiling_on_sc=False, needs_layout_passes=False),
    )
    def gather_kernel(table, idx_hbm, out5, idx_v, bufs, tbufs, gsems, ssems):
        wid = lax.axis_index("s") * _NUM_CORES + lax.axis_index("c")
        blk_base = wid * blocks_per_w
        pltpu.sync_copy(idx_hbm.at[pl.ds(blk_base, blocks_per_w)], idx_v)

        d16 = lax.iota(jnp.int32, 16)
        dh_vecs = [(d16 + 16 * k) >> 3 for k in range(4)]
        dl_vecs = [(d16 + 16 * k) & 7 for k in range(4)]

        def fire_gather(i, b):
            pltpu.async_copy(table.at[idx_v.at[i]], bufs[b], gsems[b])

        def wait_gather(b):
            pltpu.make_async_copy(
                table.at[idx_v.at[0]], bufs[b], gsems[b]).wait()

        def fire_store(i, b):
            blk = blk_base + i
            s = blk >> 5
            bh = blk & (n_bh - 1)
            pltpu.async_copy(tbufs[b].at[:, :, pl.ds(0, _BLK)],
                             out5.at[s, :, bh], ssems[b])

        def wait_store(b):
            pltpu.make_async_copy(
                tbufs[b].at[:, :, pl.ds(0, _BLK)],
                out5.at[0, :, 0], ssems[b]).wait()

        def transpose_block(b):
            buf_r, tbuf_r = bufs[b], tbufs[b]

            @pl.loop(0, _BLK, unroll=8)
            def _(bl):
                blv = jnp.full((16,), bl, jnp.int32)
                vs = [buf_r[bl, pl.ds(16 * k, 16)] for k in range(4)]
                for k in range(4):
                    plsc.store_scatter(
                        tbuf_r, [dh_vecs[k], dl_vecs[k], blv], vs[k])

        def step(i, j, guard_store, guard_gather):
            if guard_store:
                wait_store(j)
            ahead = (j + 3) % _NBUF
            if guard_gather:

                @pl.when(i + 3 < blocks_per_w)
                def _():
                    fire_gather(i + 3, ahead)
            else:
                fire_gather(i + 3, ahead)
            wait_gather(j)
            transpose_block(j)
            fire_store(i, j)

        fire_gather(0, 0)
        fire_gather(1, 1)
        fire_gather(2, 2)
        for j in range(_NBUF):
            step(j, j, guard_store=False, guard_gather=False)

        @pl.loop(1, blocks_per_w // _NBUF)
        def _(t):
            for j in range(_NBUF):
                step(_NBUF * t + j, j, guard_store=True, guard_gather=True)

        for j in range(_NBUF):
            wait_store(j)

    return gather_kernel


def kernel(inputs, embedding):
    b, s = inputs.shape
    v, d = embedding.shape
    idx = inputs.T.reshape(-1, _BLK).astype(jnp.int32)
    y = _make_gather(b, s, d)(embedding, idx)
    return y.transpose(2, 4, 0, 1, 3).reshape(b, s, d)

# --- scband reference (transcript-rebuilt; emitter-appended) ---
"""Pipeline reference for scband-character-embedding-layer-73675868996128 (READ-ONLY COPY).

The authoritative reference and input builder live on the scoring server;
editing this copy changes nothing except your own understanding.
"""

import jax, jax.numpy as jnp
import numpy as np

VOCAB_SIZE = 100000
EMBED_DIM = 64

def setup_inputs(seed: int = 0) -> dict:
    key = jax.random.key(seed)
    k_idx, k_emb = jax.random.split(key)
    inputs = jax.random.randint(k_idx, (4096, 200), 0, VOCAB_SIZE, dtype=jnp.int64 if jax.config.jax_enable_x64 else jnp.int32)
    # Keras 'uniform' initializer: U(-0.05, 0.05)
    embedding = jax.random.uniform(k_emb, (VOCAB_SIZE, EMBED_DIM), dtype=jnp.float32, minval=-0.05, maxval=0.05)
    return {"inputs": inputs, "embedding": embedding}

def reference(inputs, embedding):
    # tf.nn.embedding_lookup(self.embedding, inputs)
    return jnp.take(embedding, inputs, axis=0)

if __name__ == "__main__":
    import jax
    _d = setup_inputs()
    print(jax.jit(kernel)(*tuple(_d.values())))

</pallas_src>

<mosaic_0001>
#map = affine_map<(d0, d1) -> (0, 0)>
#map1 = affine_map<(d0, d1) -> (0, 0, 0, 0, 0)>
module attributes {stable_mosaic.version = 14 : i64} {
  func.func @gather_kernel(%arg0: i32, %arg1: i32, %arg2: memref<100000x64xf32, #tpu.memory_space<hbm>>, %arg3: memref<6400x128xi32, #tpu.memory_space<hbm>>, %arg4: memref<200x8x32x8x128xf32, #tpu.memory_space<hbm>>, %arg5: memref<200x128xi32, #tpu.memory_space<vmem>>, %arg6: memref<128x64xf32, #tpu.memory_space<vmem>>, %arg7: memref<128x64xf32, #tpu.memory_space<vmem>>, %arg8: memref<128x64xf32, #tpu.memory_space<vmem>>, %arg9: memref<128x64xf32, #tpu.memory_space<vmem>>, %arg10: memref<8x8x129xf32, #tpu.memory_space<vmem>>, %arg11: memref<8x8x129xf32, #tpu.memory_space<vmem>>, %arg12: memref<8x8x129xf32, #tpu.memory_space<vmem>>, %arg13: memref<8x8x129xf32, #tpu.memory_space<vmem>>, %arg14: memref<!tpu.dma_semaphore, #tpu.memory_space<semaphore_mem>>, %arg15: memref<!tpu.dma_semaphore, #tpu.memory_space<semaphore_mem>>, %arg16: memref<!tpu.dma_semaphore, #tpu.memory_space<semaphore_mem>>, %arg17: memref<!tpu.dma_semaphore, #tpu.memory_space<semaphore_mem>>, %arg18: memref<!tpu.dma_semaphore, #tpu.memory_space<semaphore_mem>>, %arg19: memref<!tpu.dma_semaphore, #tpu.memory_space<semaphore_mem>>, %arg20: memref<!tpu.dma_semaphore, #tpu.memory_space<semaphore_mem>>, %arg21: memref<!tpu.dma_semaphore, #tpu.memory_space<semaphore_mem>>) attributes {dimension_semantics = [#tpu.dimension_semantics<core_parallel>, #tpu.dimension_semantics<subcore_parallel>], iteration_bounds = array<i64: 2, 16>, scalar_prefetch = 0 : i64, scratch_operands = 17 : i64, tpu.core_type = #tpu.core_type<sc_vector_subcore>, window_params = [{transform_indices = #map}, {transform_indices = #map}, {transform_indices = #map1}]} {
    %mul3A = arith.constant 2 : i32
    %mul3A_0 = arith.muli %arg1, %mul3A : i32
    %add3A = arith.addi %mul3A_0, %arg0 : i32
    %mul3A_1 = arith.constant 200 : i32
    %mul3A_2 = arith.muli %add3A, %mul3A_1 : i32
    "tpu.region"() ({
      %run_scoped3A = tpu.sem_alloc : memref<!tpu.dma_semaphore, #tpu.memory_space<semaphore_mem>>
      %dma_start3A_324 = arith.constant 0 : i32
      %dma_start3A_325 = tpu.memref_slice %arg3[%mul3A_2, %dma_start3A_324] : memref<6400x128xi32, #tpu.memory_space<hbm>> -> memref<200x128xi32, #tpu.memory_space<hbm>>
      %dma_start3A_326 = arith.constant 0 : i32
      %dma_start3A_327 = tpu.memref_slice %arg3[%mul3A_2, %dma_start3A_326] : memref<6400x128xi32, #tpu.memory_space<hbm>> -> memref<200x128xi32, #tpu.memory_space<hbm>>
      tpu.enqueue_dma source(%dma_start3A_327 : memref<200x128xi32, #tpu.memory_space<hbm>>) target(%arg5 : memref<200x128xi32, #tpu.memory_space<vmem>>) target_semaphore(%run_scoped3A : memref<!tpu.dma_semaphore, #tpu.memory_space<semaphore_mem>>)
      %dma_wait3A_328 = arith.constant 0 : i32
      %dma_wait3A_329 = tpu.memref_slice %arg3[%mul3A_2, %dma_wait3A_328] : memref<6400x128xi32, #tpu.memory_space<hbm>> -> memref<200x128xi32, #tpu.memory_space<hbm>>
      %dma_wait3A_330 = arith.constant 0 : i32
      %dma_wait3A_331 = tpu.memref_slice %arg3[%mul3A_2, %dma_wait3A_330] : memref<6400x128xi32, #tpu.memory_space<hbm>> -> memref<200x128xi32, #tpu.memory_space<hbm>>
      tpu.wait_dma2 semaphore(%run_scoped3A : memref<!tpu.dma_semaphore, #tpu.memory_space<semaphore_mem>>) src(%dma_wait3A_331 : memref<200x128xi32, #tpu.memory_space<hbm>>) dst(%arg5 : memref<200x128xi32, #tpu.memory_space<vmem>>)
      tpu.yield
    }) : () -> ()
    %iota3A = tpu.iota {dimensions = array<i32: 0>} : vector<16xi32>
    %add3A_3 = arith.constant 0 : i32
    %add3A_4 = vector.broadcast %add3A_3 : i32 to vector<16xi32>
    %add3A_5 = arith.addi %iota3A, %add3A_4 : vector<16xi32>
    %shift_right_arithmetic3A = arith.constant 3 : i32
    %shift_right_arithmetic3A_6 = vector.broadcast %shift_right_arithmetic3A : i32 to vector<16xi32>
    %shift_right_arithmetic3A_7 = arith.shrsi %add3A_5, %shift_right_arithmetic3A_6 : vector<16xi32>
    %add3A_8 = arith.constant 16 : i32
    %add3A_9 = vector.broadcast %add3A_8 : i32 to vector<16xi32>
    %add3A_10 = arith.addi %iota3A, %add3A_9 : vector<16xi32>
    %shift_right_arithmetic3A_11 = arith.constant 3 : i32
    %shift_right_arithmetic3A_12 = vector.broadcast %shift_right_arithmetic3A_11 : i32 to vector<16xi32>
    %shift_right_arithmetic3A_13 = arith.shrsi %add3A_10, %shift_right_arithmetic3A_12 : vector<16xi32>
    %add3A_14 = arith.constant 32 : i32
    %add3A_15 = vector.broadcast %add3A_14 : i32 to vector<16xi32>
    %add3A_16 = arith.addi %iota3A, %add3A_15 : vector<16xi32>
    %shift_right_arithmetic3A_17 = arith.constant 3 : i32
    %shift_right_arithmetic3A_18 = vector.broadcast %shift_right_arithmetic3A_17 : i32 to vector<16xi32>
    %shift_right_arithmetic3A_19 = arith.shrsi %add3A_16, %shift_right_arithmetic3A_18 : vector<16xi32>
    %add3A_20 = arith.constant 48 : i32
    %add3A_21 = vector.broadcast %add3A_20 : i32 to vector<16xi32>
    %add3A_22 = arith.addi %iota3A, %add3A_21 : vector<16xi32>
    %shift_right_arithmetic3A_23 = arith.constant 3 : i32
    %shift_right_arithmetic3A_24 = vector.broadcast %shift_right_arithmetic3A_23 : i32 to vector<16xi32>
    %shift_right_arithmetic3A_25 = arith.shrsi %add3A_22, %shift_right_arithmetic3A_24 : vector<16xi32>
    %add3A_26 = arith.constant 0 : i32
    %add3A_27 = vector.broadcast %add3A_26 : i32 to vector<16xi32>
    %add3A_28 = arith.addi %iota3A, %add3A_27 : vector<16xi32>
    %and3A = arith.constant 7 : i32
    %and3A_29 = vector.broadcast %and3A : i32 to vector<16xi32>
    %and3A_30 = arith.andi %add3A_28, %and3A_29 : vector<16xi32>
    %add3A_31 = arith.constant 16 : i32
    %add3A_32 = vector.broadcast %add3A_31 : i32 to vector<16xi32>
    %add3A_33 = arith.addi %iota3A, %add3A_32 : vector<16xi32>
    %and3A_34 = arith.constant 7 : i32
    %and3A_35 = vector.broadcast %and3A_34 : i32 to vector<16xi32>
    %and3A_36 = arith.andi %add3A_33, %and3A_35 : vector<16xi32>
    %add3A_37 = arith.constant 32 : i32
    %add3A_38 = vector.broadcast %add3A_37 : i32 to vector<16xi32>
    %add3A_39 = arith.addi %iota3A, %add3A_38 : vector<16xi32>
    %and3A_40 = arith.constant 7 : i32
    %and3A_41 = vector.broadcast %and3A_40 : i32 to vector<16xi32>
    %and3A_42 = arith.andi %add3A_39, %and3A_41 : vector<16xi32>
    %add3A_43 = arith.constant 48 : i32
    %add3A_44 = vector.broadcast %add3A_43 : i32 to vector<16xi32>
    %add3A_45 = arith.addi %iota3A, %add3A_44 : vector<16xi32>
    %and3A_46 = arith.constant 7 : i32
    %and3A_47 = vector.broadcast %and3A_46 : i32 to vector<16xi32>
    %and3A_48 = arith.andi %add3A_45, %and3A_47 : vector<16xi32>
    %dma_start3A = arith.constant 0 : i32
    %dma_start3A_49 = arith.constant 0 : i32
    %dma_start3A_50 = tpu.memref_slice %arg5[%dma_start3A, %dma_start3A_49] : memref<200x128xi32, #tpu.memory_space<vmem>> -> memref<1x128xi32, #tpu.memory_space<vmem>>
    %dma_start3A_51 = tpu.memref_squeeze %dma_start3A_50 : memref<1x128xi32, #tpu.memory_space<vmem>> -> memref<128xi32, #tpu.memory_space<vmem>>
    %dma_start3A_52 = arith.constant 0 : i32
    %dma_start3A_53 = arith.constant 0 : i32
    %dma_start3A_54 = tpu.memref_slice %arg2[%dma_start3A_52, %dma_start3A_53] : memref<100000x64xf32, #tpu.memory_space<hbm>> -> memref<100000x64xf32, #tpu.memory_space<hbm>>
    tpu.enqueue_indirect_dma source(%dma_start3A_54 : memref<100000x64xf32, #tpu.memory_space<hbm>>) target(%arg6 : memref<128x64xf32, #tpu.memory_space<vmem>>) offsets(%dma_start3A_51 : memref<128xi32, #tpu.memory_space<vmem>>) semaphore(%arg14 : memref<!tpu.dma_semaphore, #tpu.memory_space<semaphore_mem>>)
    %dma_start3A_55 = arith.constant 1 : i32
    %dma_start3A_56 = arith.constant 0 : i32
    %dma_start3A_57 = tpu.memref_slice %arg5[%dma_start3A_55, %dma_start3A_56] : memref<200x128xi32, #tpu.memory_space<vmem>> -> memref<1x128xi32, #tpu.memory_space<vmem>>
    %dma_start3A_58 = tpu.memref_squeeze %dma_start3A_57 : memref<1x128xi32, #tpu.memory_space<vmem>> -> memref<128xi32, #tpu.memory_space<vmem>>
    %dma_start3A_59 = arith.constant 0 : i32
    %dma_start3A_60 = arith.constant 0 : i32
    %dma_start3A_61 = tpu.memref_slice %arg2[%dma_start3A_59, %dma_start3A_60] : memref<100000x64xf32, #tpu.memory_space<hbm>> -> memref<100000x64xf32, #tpu.memory_space<hbm>>
    tpu.enqueue_indirect_dma source(%dma_start3A_61 : memref<100000x64xf32, #tpu.memory_space<hbm>>) target(%arg7 : memref<128x64xf32, #tpu.memory_space<vmem>>) offsets(%dma_start3A_58 : memref<128xi32, #tpu.memory_space<vmem>>) semaphore(%arg15 : memref<!tpu.dma_semaphore, #tpu.memory_space<semaphore_mem>>)
    %dma_start3A_62 = arith.constant 2 : i32
    %dma_start3A_63 = arith.constant 0 : i32
    %dma_start3A_64 = tpu.memref_slice %arg5[%dma_start3A_62, %dma_start3A_63] : memref<200x128xi32, #tpu.memory_space<vmem>> -> memref<1x128xi32, #tpu.memory_space<vmem>>
    %dma_start3A_65 = tpu.memref_squeeze %dma_start3A_64 : memref<1x128xi32, #tpu.memory_space<vmem>> -> memref<128xi32, #tpu.memory_space<vmem>>
    %dma_start3A_66 = arith.constant 0 : i32
    %dma_start3A_67 = arith.constant 0 : i32
    %dma_start3A_68 = tpu.memref_slice %arg2[%dma_start3A_66, %dma_start3A_67] : memref<100000x64xf32, #tpu.memory_space<hbm>> -> memref<100000x64xf32, #tpu.memory_space<hbm>>
    tpu.enqueue_indirect_dma source(%dma_start3A_68 : memref<100000x64xf32, #tpu.memory_space<hbm>>) target(%arg8 : memref<128x64xf32, #tpu.memory_space<vmem>>) offsets(%dma_start3A_65 : memref<128xi32, #tpu.memory_space<vmem>>) semaphore(%arg16 : memref<!tpu.dma_semaphore, #tpu.memory_space<semaphore_mem>>)
    %dma_start3A_69 = arith.constant 3 : i32
    %dma_start3A_70 = arith.constant 0 : i32
    %dma_start3A_71 = tpu.memref_slice %arg5[%dma_start3A_69, %dma_start3A_70] : memref<200x128xi32, #tpu.memory_space<vmem>> -> memref<1x128xi32, #tpu.memory_space<vmem>>
    %dma_start3A_72 = tpu.memref_squeeze %dma_start3A_71 : memref<1x128xi32, #tpu.memory_space<vmem>> -> memref<128xi32, #tpu.memory_space<vmem>>
    %dma_start3A_73 = arith.constant 0 : i32
    %dma_start3A_74 = arith.constant 0 : i32
    %dma_start3A_75 = tpu.memref_slice %arg2[%dma_start3A_73, %dma_start3A_74] : memref<100000x64xf32, #tpu.memory_space<hbm>> -> memref<100000x64xf32, #tpu.memory_space<hbm>>
    tpu.enqueue_indirect_dma source(%dma_start3A_75 : memref<100000x64xf32, #tpu.memory_space<hbm>>) target(%arg9 : memref<128x64xf32, #tpu.memory_space<vmem>>) offsets(%dma_start3A_72 : memref<128xi32, #tpu.memory_space<vmem>>) semaphore(%arg17 : memref<!tpu.dma_semaphore, #tpu.memory_space<semaphore_mem>>)
    %dma_wait3A = arith.constant 0 : i32
    %dma_wait3A_76 = arith.constant 0 : i32
    %dma_wait3A_77 = tpu.memref_slice %arg5[%dma_wait3A, %dma_wait3A_76] : memref<200x128xi32, #tpu.memory_space<vmem>> -> memref<1x128xi32, #tpu.memory_space<vmem>>
    %dma_wait3A_78 = tpu.memref_squeeze %dma_wait3A_77 : memref<1x128xi32, #tpu.memory_space<vmem>> -> memref<128xi32, #tpu.memory_space<vmem>>
    %dma_wait3A_79 = arith.constant 0 : i32
    %dma_wait3A_80 = arith.constant 0 : i32
    %dma_wait3A_81 = tpu.memref_slice %arg2[%dma_wait3A_79, %dma_wait3A_80] : memref<100000x64xf32, #tpu.memory_space<hbm>> -> memref<100000x64xf32, #tpu.memory_space<hbm>>
    tpu.wait_indirect_dma semaphore(%arg14 : memref<!tpu.dma_semaphore, #tpu.memory_space<semaphore_mem>>) src(%dma_wait3A_81 : memref<100000x64xf32, #tpu.memory_space<hbm>>) dst(%arg6 : memref<128x64xf32, #tpu.memory_space<vmem>>)
    %scan3A = arith.constant 0 : i32
    %scan3A_82 = arith.constant 128 : i32
    %scan3A_83 = arith.addi %scan3A, %scan3A_82 : i32
    %scan3A_84 = arith.constant 8 : i32
    scf.for %scan3A_324 = %scan3A to %scan3A_83 step %scan3A_84  : i32 {
      %mul3A_325 = arith.constant 1 : i32
      %mul3A_326 = arith.muli %scan3A_324, %mul3A_325 : i32
      %add3A_327 = arith.constant 0 : i32
      %add3A_328 = arith.addi %add3A_327, %mul3A_326 : i32
      %broadcast_in_dim3A = vector.broadcast %add3A_328 : i32 to vector<16xi32>
      %get3A = arith.index_cast %add3A_328 : i32 to index
      %get3A_329 = arith.constant 0 : index
      %get3A_330 = tpu.vector_load %arg6[%get3A, %get3A_329] {strides = array<i32>} : memref<128x64xf32, #tpu.memory_space<vmem>>, vector<16xf32>,
      %get3A_331 = arith.index_cast %add3A_328 : i32 to index
      %get3A_332 = arith.constant 16 : index
      %get3A_333 = tpu.vector_load %arg6[%get3A_331, %get3A_332] {strides = array<i32>} : memref<128x64xf32, #tpu.memory_space<vmem>>, vector<16xf32>,
      %get3A_334 = arith.index_cast %add3A_328 : i32 to index
      %get3A_335 = arith.constant 32 : index
      %get3A_336 = tpu.vector_load %arg6[%get3A_334, %get3A_335] {strides = array<i32>} : memref<128x64xf32, #tpu.memory_space<vmem>>, vector<16xf32>,
      %get3A_337 = arith.index_cast %add3A_328 : i32 to index
      %get3A_338 = arith.constant 48 : index
      %get3A_339 = tpu.vector_load %arg6[%get3A_337, %get3A_338] {strides = array<i32>} : memref<128x64xf32, #tpu.memory_space<vmem>>, vector<16xf32>,
      tpu.vector_store_idx %arg10[%shift_right_arithmetic3A_7, %and3A_30, %broadcast_in_dim3A], %get3A_330 : memref<8x8x129xf32, #tpu.memory_space<vmem>>[vector<16xi32>, vector<16xi32>, vector<16xi32>], vector<16xf32>,
      tpu.vector_store_idx %arg10[%shift_right_arithmetic3A_13, %and3A_36, %broadcast_in_dim3A], %get3A_333 : memref<8x8x129xf32, #tpu.memory_space<vmem>>[vector<16xi32>, vector<16xi32>, vector<16xi32>], vector<16xf32>,
      tpu.vector_store_idx %arg10[%shift_right_arithmetic3A_19, %and3A_42, %broadcast_in_dim3A], %get3A_336 : memref<8x8x129xf32, #tpu.memory_space<vmem>>[vector<16xi32>, vector<16xi32>, vector<16xi32>], vector<16xf32>,
      tpu.vector_store_idx %arg10[%shift_right_arithmetic3A_25, %and3A_48, %broadcast_in_dim3A], %get3A_339 : memref<8x8x129xf32, #tpu.memory_space<vmem>>[vector<16xi32>, vector<16xi32>, vector<16xi32>], vector<16xf32>,
      %scan3A_340 = arith.constant 1 : i32
      %scan3A_341 = arith.addi %scan3A_324, %scan3A_340 : i32
      %mul3A_342 = arith.constant 1 : i32
      %mul3A_343 = arith.muli %scan3A_341, %mul3A_342 : i32
      %add3A_344 = arith.constant 0 : i32
      %add3A_345 = arith.addi %add3A_344, %mul3A_343 : i32
      %broadcast_in_dim3A_346 = vector.broadcast %add3A_345 : i32 to vector<16xi32>
      %get3A_347 = arith.index_cast %add3A_345 : i32 to index
      %get3A_348 = arith.constant 0 : index
      %get3A_349 = tpu.vector_load %arg6[%get3A_347, %get3A_348] {strides = array<i32>} : memref<128x64xf32, #tpu.memory_space<vmem>>, vector<16xf32>,
      %get3A_350 = arith.index_cast %add3A_345 : i32 to index
      %get3A_351 = arith.constant 16 : index
      %get3A_352 = tpu.vector_load %arg6[%get3A_350, %get3A_351] {strides = array<i32>} : memref<128x64xf32, #tpu.memory_space<vmem>>, vector<16xf32>,
      %get3A_353 = arith.index_cast %add3A_345 : i32 to index
      %get3A_354 = arith.constant 32 : index
      %get3A_355 = tpu.vector_load %arg6[%get3A_353, %get3A_354] {strides = array<i32>} : memref<128x64xf32, #tpu.memory_space<vmem>>, vector<16xf32>,
      %get3A_356 = arith.index_cast %add3A_345 : i32 to index
      %get3A_357 = arith.constant 48 : index
      %get3A_358 = tpu.vector_load %arg6[%get3A_356, %get3A_357] {strides = array<i32>} : memref<128x64xf32, #tpu.memory_space<vmem>>, vector<16xf32>,
      tpu.vector_store_idx %arg10[%shift_right_arithmetic3A_7, %and3A_30, %broadcast_in_dim3A_346], %get3A_349 : memref<8x8x129xf32, #tpu.memory_space<vmem>>[vector<16xi32>, vector<16xi32>, vector<16xi32>], vector<16xf32>,
      tpu.vector_store_idx %arg10[%shift_right_arithmetic3A_13, %and3A_36, %broadcast_in_dim3A_346], %get3A_352 : memref<8x8x129xf32, #tpu.memory_space<vmem>>[vector<16xi32>, vector<16xi32>, vector<16xi32>], vector<16xf32>,
      tpu.vector_store_idx %arg10[%shift_right_arithmetic3A_19, %and3A_42, %broadcast_in_dim3A_346], %get3A_355 : memref<8x8x129xf32, #tpu.memory_space<vmem>>[vector<16xi32>, vector<16xi32>, vector<16xi32>], vector<16xf32>,
      tpu.vector_store_idx %arg10[%shift_right_arithmetic3A_25, %and3A_48, %broadcast_in_dim3A_346], %get3A_358 : memref<8x8x129xf32, #tpu.memory_space<vmem>>[vector<16xi32>, vector<16xi32>, vector<16xi32>], vector<16xf32>,
      %scan3A_359 = arith.constant 2 : i32
      %scan3A_360 = arith.addi %scan3A_324, %scan3A_359 : i32
      %mul3A_361 = arith.constant 1 : i32
      %mul3A_362 = arith.muli %scan3A_360, %mul3A_361 : i32
      %add3A_363 = arith.constant 0 : i32
      %add3A_364 = arith.addi %add3A_363, %mul3A_362 : i32
      %broadcast_in_dim3A_365 = vector.broadcast %add3A_364 : i32 to vector<16xi32>
      %get3A_366 = arith.index_cast %add3A_364 : i32 to index
      %get3A_367 = arith.constant 0 : index
      %get3A_368 = tpu.vector_load %arg6[%get3A_366, %get3A_367] {strides = array<i32>} : memref<128x64xf32, #tpu.memory_space<vmem>>, vector<16xf32>,
      %get3A_369 = arith.index_cast %add3A_364 : i32 to index
      %get3A_370 = arith.constant 16 : index
      %get3A_371 = tpu.vector_load %arg6[%get3A_369, %get3A_370] {strides = array<i32>} : memref<128x64xf32, #tpu.memory_space<vmem>>, vector<16xf32>,
      %get3A_372 = arith.index_cast %add3A_364 : i32 to index
      %get3A_373 = arith.constant 32 : index
      %get3A_374 = tpu.vector_load %arg6[%get3A_372, %get3A_373] {strides = array<i32>} : memref<128x64xf32, #tpu.memory_space<vmem>>, vector<16xf32>,
      %get3A_375 = arith.index_cast %add3A_364 : i32 to index
      %get3A_376 = arith.constant 48 : index
      %get3A_377 = tpu.vector_load %arg6[%get3A_375, %get3A_376] {strides = array<i32>} : memref<128x64xf32, #tpu.memory_space<vmem>>, vector<16xf32>,
      tpu.vector_store_idx %arg10[%shift_right_arithmetic3A_7, %and3A_30, %broadcast_in_dim3A_365], %get3A_368 : memref<8x8x129xf32, #tpu.memory_space<vmem>>[vector<16xi32>, vector<16xi32>, vector<16xi32>], vector<16xf32>,
      tpu.vector_store_idx %arg10[%shift_right_arithmetic3A_13, %and3A_36, %broadcast_in_dim3A_365], %get3A_371 : memref<8x8x129xf32, #tpu.memory_space<vmem>>[vector<16xi32>, vector<16xi32>, vector<16xi32>], vector<16xf32>,
      tpu.vector_store_idx %arg10[%shift_right_arithmetic3A_19, %and3A_42, %broadcast_in_dim3A_365], %get3A_374 : memref<8x8x129xf32, #tpu.memory_space<vmem>>[vector<16xi32>, vector<16xi32>, vector<16xi32>], vector<16xf32>,
      tpu.vector_store_idx %arg10[%shift_right_arithmetic3A_25, %and3A_48, %broadcast_in_dim3A_365], %get3A_377 : memref<8x8x129xf32, #tpu.memory_space<vmem>>[vector<16xi32>, vector<16xi32>, vector<16xi32>], vector<16xf32>,
      %scan3A_378 = arith.constant 3 : i32
      %scan3A_379 = arith.addi %scan3A_324, %scan3A_378 : i32
      %mul3A_380 = arith.constant 1 : i32
      %mul3A_381 = arith.muli %scan3A_379, %mul3A_380 : i32
      %add3A_382 = arith.constant 0 : i32
      %add3A_383 = arith.addi %add3A_382, %mul3A_381 : i32
      %broadcast_in_dim3A_384 = vector.broadcast %add3A_383 : i32 to vector<16xi32>
      %get3A_385 = arith.index_cast %add3A_383 : i32 to index
      %get3A_386 = arith.constant 0 : index
      %get3A_387 = tpu.vector_load %arg6[%get3A_385, %get3A_386] {strides = array<i32>} : memref<128x64xf32, #tpu.memory_space<vmem>>, vector<16xf32>,
      %get3A_388 = arith.index_cast %add3A_383 : i32 to index
      %get3A_389 = arith.constant 16 : index
      %get3A_390 = tpu.vector_load %arg6[%get3A_388, %get3A_389] {strides = array<i32>} : memref<128x64xf32, #tpu.memory_space<vmem>>, vector<16xf32>,
      %get3A_391 = arith.index_cast %add3A_383 : i32 to index
      %get3A_392 = arith.constant 32 : index
      %get3A_393 = tpu.vector_load %arg6[%get3A_391, %get3A_392] {strides = array<i32>} : memref<128x64xf32, #tpu.memory_space<vmem>>, vector<16xf32>,
      %get3A_394 = arith.index_cast %add3A_383 : i32 to index
      %get3A_395 = arith.constant 48 : index
      %get3A_396 = tpu.vector_load %arg6[%get3A_394, %get3A_395] {strides = array<i32>} : memref<128x64xf32, #tpu.memory_space<vmem>>, vector<16xf32>,
      tpu.vector_store_idx %arg10[%shift_right_arithmetic3A_7, %and3A_30, %broadcast_in_dim3A_384], %get3A_387 : memref<8x8x129xf32, #tpu.memory_space<vmem>>[vector<16xi32>, vector<16xi32>, vector<16xi32>], vector<16xf32>,
      tpu.vector_store_idx %arg10[%shift_right_arithmetic3A_13, %and3A_36, %broadcast_in_dim3A_384], %get3A_390 : memref<8x8x129xf32, #tpu.memory_space<vmem>>[vector<16xi32>, vector<16xi32>, vector<16xi32>], vector<16xf32>,
      tpu.vector_store_idx %arg10[%shift_right_arithmetic3A_19, %and3A_42, %broadcast_in_dim3A_384], %get3A_393 : memref<8x8x129xf32, #tpu.memory_space<vmem>>[vector<16xi32>, vector<16xi32>, vector<16xi32>], vector<16xf32>,
      tpu.vector_store_idx %arg10[%shift_right_arithmetic3A_25, %and3A_48, %broadcast_in_dim3A_384], %get3A_396 : memref<8x8x129xf32, #tpu.memory_space<vmem>>[vector<16xi32>, vector<16xi32>, vector<16xi32>], vector<16xf32>,
      %scan3A_397 = arith.constant 4 : i32
      %scan3A_398 = arith.addi %scan3A_324, %scan3A_397 : i32
      %mul3A_399 = arith.constant 1 : i32
      %mul3A_400 = arith.muli %scan3A_398, %mul3A_399 : i32
      %add3A_401 = arith.constant 0 : i32
      %add3A_402 = arith.addi %add3A_401, %mul3A_400 : i32
      %broadcast_in_dim3A_403 = vector.broadcast %add3A_402 : i32 to vector<16xi32>
      %get3A_404 = arith.index_cast %add3A_402 : i32 to index
      %get3A_405 = arith.constant 0 : index
      %get3A_406 = tpu.vector_load %arg6[%get3A_404, %get3A_405] {strides = array<i32>} : memref<128x64xf32, #tpu.memory_space<vmem>>, vector<16xf32>,
      %get3A_407 = arith.index_cast %add3A_402 : i32 to index
      %get3A_408 = arith.constant 16 : index
      %get3A_409 = tpu.vector_load %arg6[%get3A_407, %get3A_408] {strides = array<i32>} : memref<128x64xf32, #tpu.memory_space<vmem>>, vector<16xf32>,
      %get3A_410 = arith.index_cast %add3A_402 : i32 to index
      %get3A_411 = arith.constant 32 : index
      %get3A_412 = tpu.vector_load %arg6[%get3A_410, %get3A_411] {strides = array<i32>} : memref<128x64xf32, #tpu.memory_space<vmem>>, vector<16xf32>,
      %get3A_413 = arith.index_cast %add3A_402 : i32 to index
      %get3A_414 = arith.constant 48 : index
      %get3A_415 = tpu.vector_load %arg6[%get3A_413, %get3A_414] {strides = array<i32>} : memref<128x64xf32, #tpu.memory_space<vmem>>, vector<16xf32>,
      tpu.vector_store_idx %arg10[%shift_right_arithmetic3A_7, %and3A_30, %broadcast_in_dim3A_403], %get3A_406 : memref<8x8x129xf32, #tpu.memory_space<vmem>>[vector<16xi32>, vector<16xi32>, vector<16xi32>], vector<16xf32>,
      tpu.vector_store_idx %arg10[%shift_right_arithmetic3A_13, %and3A_36, %broadcast_in_dim3A_403], %get3A_409 : memref<8x8x129xf32, #tpu.memory_space<vmem>>[vector<16xi32>, vector<16xi32>, vector<16xi32>], vector<16xf32>,
      tpu.vector_store_idx %arg10[%shift_right_arithmetic3A_19, %and3A_42, %broadcast_in_dim3A_403], %get3A_412 : memref<8x8x129xf32, #tpu.memory_space<vmem>>[vector<16xi32>, vector<16xi32>, vector<16xi32>], vector<16xf32>,
      tpu.vector_store_idx %arg10[%shift_right_arithmetic3A_25, %and3A_48, %broadcast_in_dim3A_403], %get3A_415 : memref<8x8x129xf32, #tpu.memory_space<vmem>>[vector<16xi32>, vector<16xi32>, vector<16xi32>], vector<16xf32>,
      %scan3A_416 = arith.constant 5 : i32
      %scan3A_417 = arith.addi %scan3A_324, %scan3A_416 : i32
      %mul3A_418 = arith.constant 1 : i32
      %mul3A_419 = arith.muli %scan3A_417, %mul3A_418 : i32
      %add3A_420 = arith.constant 0 : i32
      %add3A_421 = arith.addi %add3A_420, %mul3A_419 : i32
      %broadcast_in_dim3A_422 = vector.broadcast %add3A_421 : i32 to vector<16xi32>
      %get3A_423 = arith.index_cast %add3A_421 : i32 to index
      %get3A_424 = arith.constant 0 : index
      %get3A_425 = tpu.vector_load %arg6[%get3A_423, %get3A_424] {strides = array<i32>} : memref<128x64xf32, #tpu.memory_space<vmem>>, vector<16xf32>,
      %get3A_426 = arith.index_cast %add3A_421 : i32 to index
      %get3A_427 = arith.constant 16 : index
      %get3A_428 = tpu.vector_load %arg6[%get3A_426, %get3A_427] {strides = array<i32>} : memref<128x64xf32, #tpu.memory_space<vmem>>, vector<16xf32>,
      %get3A_429 = arith.index_cast %add3A_421 : i32 to index
      %get3A_430 = arith.constant 32 : index
      %get3A_431 = tpu.vector_load %arg6[%get3A_429, %get3A_430] {strides = array<i32>} : memref<128x64xf32, #tpu.memory_space<vmem>>, vector<16xf32>,
      %get3A_432 = arith.index_cast %add3A_421 : i32 to index
      %get3A_433 = arith.constant 48 : index
      %get3A_434 = tpu.vector_load %arg6[%get3A_432, %get3A_433] {strides = array<i32>} : memref<128x64xf32, #tpu.memory_space<vmem>>, vector<16xf32>,
      tpu.vector_store_idx %arg10[%shift_right_arithmetic3A_7, %and3A_30, %broadcast_in_dim3A_422], %get3A_425 : memref<8x8x129xf32, #tpu.memory_space<vmem>>[vector<16xi32>, vector<16xi32>, vector<16xi32>], vector<16xf32>,
      tpu.vector_store_idx %arg10[%shift_right_arithmetic3A_13, %and3A_36, %broadcast_in_dim3A_422], %get3A_428 : memref<8x8x129xf32, #tpu.memory_space<vmem>>[vector<16xi32>, vector<16xi32>, vector<16xi32>], vector<16xf32>,
      tpu.vector_store_idx %arg10[%shift_right_arithmetic3A_19, %and3A_42, %broadcast_in_dim3A_422], %get3A_431 : memref<8x8x129xf32, #tpu.memory_space<vmem>>[vector<16xi32>, vector<16xi32>, vector<16xi32>], vector<16xf32>,
      tpu.vector_store_idx %arg10[%shift_right_arithmetic3A_25, %and3A_48, %broadcast_in_dim3A_422], %get3A_434 : memref<8x8x129xf32, #tpu.memory_space<vmem>>[vector<16xi32>, vector<16xi32>, vector<16xi32>], vector<16xf32>,
      %scan3A_435 = arith.constant 6 : i32
      %scan3A_436 = arith.addi %scan3A_324, %scan3A_435 : i32
      %mul3A_437 = arith.constant 1 : i32
      %mul3A_438 = arith.muli %scan3A_436, %mul3A_437 : i32
      %add3A_439 = arith.constant 0 : i32
      %add3A_440 = arith.addi %add3A_439, %mul3A_438 : i32
      %broadcast_in_dim3A_441 = vector.broadcast %add3A_440 : i32 to vector<16xi32>
      %get3A_442 = arith.index_cast %add3A_440 : i32 to index
      %get3A_443 = arith.constant 0 : index
      %get3A_444 = tpu.vector_load %arg6[%get3A_442, %get3A_443] {strides = array<i32>} : memref<128x64xf32, #tpu.memory_space<vmem>>, vector<16xf32>,
      %get3A_445 = arith.index_cast %add3A_440 : i32 to index
      %get3A_446 = arith.constant 16 : index
      %get3A_447 = tpu.vector_load %arg6[%get3A_445, %get3A_446] {strides = array<i32>} : memref<128x64xf32, #tpu.memory_space<vmem>>, vector<16xf32>,
      %get3A_448 = arith.index_cast %add3A_440 : i32 to index
      %get3A_449 = arith.constant 32 : index
      %get3A_450 = tpu.vector_load %arg6[%get3A_448, %get3A_449] {strides = array<i32>} : memref<128x64xf32, #tpu.memory_space<vmem>>, vector<16xf32>,
      %get3A_451 = arith.index_cast %add3A_440 : i32 to index
      %get3A_452 = arith.constant 48 : index
      %get3A_453 = tpu.vector_load %arg6[%get3A_451, %get3A_452] {strides = array<i32>} : memref<128x64xf32, #tpu.memory_space<vmem>>, vector<16xf32>,
      tpu.vector_store_idx %arg10[%shift_right_arithmetic3A_7, %and3A_30, %broadcast_in_dim3A_441], %get3A_444 : memref<8x8x129xf32, #tpu.memory_space<vmem>>[vector<16xi32>, vector<16xi32>, vector<16xi32>], vector<16xf32>,
      tpu.vector_store_idx %arg10[%shift_right_arithmetic3A_13, %and3A_36, %broadcast_in_dim3A_441], %get3A_447 : memref<8x8x129xf32, #tpu.memory_space<vmem>>[vector<16xi32>, vector<16xi32>, vector<16xi32>], vector<16xf32>,
      tpu.vector_store_idx %arg10[%shift_right_arithmetic3A_19, %and3A_42, %broadcast_in_dim3A_441], %get3A_450 : memref<8x8x129xf32, #tpu.memory_space<vmem>>[vector<16xi32>, vector<16xi32>, vector<16xi32>], vector<16xf32>,
      tpu.vector_store_idx %arg10[%shift_right_arithmetic3A_25, %and3A_48, %broadcast_in_dim3A_441], %get3A_453 : memref<8x8x129xf32, #tpu.memory_space<vmem>>[vector<16xi32>, vector<16xi32>, vector<16xi32>], vector<16xf32>,
      %scan3A_454 = arith.constant 7 : i32
      %scan3A_455 = arith.addi %scan3A_324, %scan3A_454 : i32
      %mul3A_456 = arith.constant 1 : i32
      %mul3A_457 = arith.muli %scan3A_455, %mul3A_456 : i32
      %add3A_458 = arith.constant 0 : i32
      %add3A_459 = arith.addi %add3A_458, %mul3A_457 : i32
      %broadcast_in_dim3A_460 = vector.broadcast %add3A_459 : i32 to vector<16xi32>
      %get3A_461 = arith.index_cast %add3A_459 : i32 to index
      %get3A_462 = arith.constant 0 : index
      %get3A_463 = tpu.vector_load %arg6[%get3A_461, %get3A_462] {strides = array<i32>} : memref<128x64xf32, #tpu.memory_space<vmem>>, vector<16xf32>,
      %get3A_464 = arith.index_cast %add3A_459 : i32 to index
      %get3A_465 = arith.constant 16 : index
      %get3A_466 = tpu.vector_load %arg6[%get3A_464, %get3A_465] {strides = array<i32>} : memref<128x64xf32, #tpu.memory_space<vmem>>, vector<16xf32>,
      %get3A_467 = arith.index_cast %add3A_459 : i32 to index
      %get3A_468 = arith.constant 32 : index
      %get3A_469 = tpu.vector_load %arg6[%get3A_467, %get3A_468] {strides = array<i32>} : memref<128x64xf32, #tpu.memory_space<vmem>>, vector<16xf32>,
      %get3A_470 = arith.index_cast %add3A_459 : i32 to index
      %get3A_471 = arith.constant 48 : index
      %get3A_472 = tpu.vector_load %arg6[%get3A_470, %get3A_471] {strides = array<i32>} : memref<128x64xf32, #tpu.memory_space<vmem>>, vector<16xf32>,
      tpu.vector_store_idx %arg10[%shift_right_arithmetic3A_7, %and3A_30, %broadcast_in_dim3A_460], %get3A_463 : memref<8x8x129xf32, #tpu.memory_space<vmem>>[vector<16xi32>, vector<16xi32>, vector<16xi32>], vector<16xf32>,
      tpu.vector_store_idx %arg10[%shift_right_arithmetic3A_13, %and3A_36, %broadcast_in_dim3A_460], %get3A_466 : memref<8x8x129xf32, #tpu.memory_space<vmem>>[vector<16xi32>, vector<16xi32>, vector<16xi32>], vector<16xf32>,
      tpu.vector_store_idx %arg10[%shift_right_arithmetic3A_19, %and3A_42, %broadcast_in_dim3A_460], %get3A_469 : memref<8x8x129xf32, #tpu.memory_space<vmem>>[vector<16xi32>, vector<16xi32>, vector<16xi32>], vector<16xf32>,
      tpu.vector_store_idx %arg10[%shift_right_arithmetic3A_25, %and3A_48, %broadcast_in_dim3A_460], %get3A_472 : memref<8x8x129xf32, #tpu.memory_space<vmem>>[vector<16xi32>, vector<16xi32>, vector<16xi32>], vector<16xf32>,
    }
    %scan3A_85 = arith.constant 128 : i32
    %add3A_86 = arith.constant 0 : i32
    %add3A_87 = arith.addi %mul3A_2, %add3A_86 : i32
    %shift_right_arithmetic3A_88 = arith.constant 5 : i32
    %shift_right_arithmetic3A_89 = arith.shrsi %add3A_87, %shift_right_arithmetic3A_88 : i32
    %and3A_90 = arith.constant 31 : i32
    %and3A_91 = arith.andi %add3A_87, %and3A_90 : i32
    %dma_start3A_92 = arith.constant 0 : i32
    %dma_start3A_93 = arith.constant 0 : i32
    %dma_start3A_94 = arith.constant 0 : i32
    %dma_start3A_95 = tpu.memref_slice %arg10[%dma_start3A_92, %dma_start3A_93, %dma_start3A_94] : memref<8x8x129xf32, #tpu.memory_space<vmem>> -> memref<8x8x128xf32, #tpu.memory_space<vmem>>
    %dma_start3A_96 = arith.constant 0 : i32
    %dma_start3A_97 = arith.constant 0 : i32
    %dma_start3A_98 = arith.constant 0 : i32
    %dma_start3A_99 = tpu.memref_slice %arg4[%shift_right_arithmetic3A_89, %dma_start3A_96, %and3A_91, %dma_start3A_97, %dma_start3A_98] : memref<200x8x32x8x128xf32, #tpu.memory_space<hbm>> -> memref<1x8x1x8x128xf32, #tpu.memory_space<hbm>>
    %dma_start3A_100 = tpu.memref_squeeze %dma_start3A_99 : memref<1x8x1x8x128xf32, #tpu.memory_space<hbm>> -> memref<8x8x128xf32, #tpu.memory_space<hbm>>
    %dma_start3A_101 = arith.constant 0 : i32
    %dma_start3A_102 = arith.constant 0 : i32
    %dma_start3A_103 = arith.constant 0 : i32
    %dma_start3A_104 = tpu.memref_slice %arg4[%shift_right_arithmetic3A_89, %dma_start3A_101, %and3A_91, %dma_start3A_102, %dma_start3A_103] : memref<200x8x32x8x128xf32, #tpu.memory_space<hbm>> -> memref<1x8x1x8x128xf32, #tpu.memory_space<hbm>>
    %dma_start3A_105 = tpu.memref_squeeze %dma_start3A_104 : memref<1x8x1x8x128xf32, #tpu.memory_space<hbm>> -> memref<8x8x128xf32, #tpu.memory_space<hbm>>
    %dma_start3A_106 = arith.constant 0 : i32
    %dma_start3A_107 = arith.constant 0 : i32
    %dma_start3A_108 = arith.constant 0 : i32
    %dma_start3A_109 = tpu.memref_slice %arg10[%dma_start3A_106, %dma_start3A_107, %dma_start3A_108] : memref<8x8x129xf32, #tpu.memory_space<vmem>> -> memref<8x8x128xf32, #tpu.memory_space<vmem>>
    tpu.enqueue_dma source(%dma_start3A_109 : memref<8x8x128xf32, #tpu.memory_space<vmem>>) target(%dma_start3A_105 : memref<8x8x128xf32, #tpu.memory_space<hbm>>) target_semaphore(%arg18 : memref<!tpu.dma_semaphore, #tpu.memory_space<semaphore_mem>>)
    %dma_start3A_110 = arith.constant 4 : i32
    %dma_start3A_111 = arith.constant 0 : i32
    %dma_start3A_112 = tpu.memref_slice %arg5[%dma_start3A_110, %dma_start3A_111] : memref<200x128xi32, #tpu.memory_space<vmem>> -> memref<1x128xi32, #tpu.memory_space<vmem>>
    %dma_start3A_113 = tpu.memref_squeeze %dma_start3A_112 : memref<1x128xi32, #tpu.memory_space<vmem>> -> memref<128xi32, #tpu.memory_space<vmem>>
    %dma_start3A_114 = arith.constant 0 : i32
    %dma_start3A_115 = arith.constant 0 : i32
    %dma_start3A_116 = tpu.memref_slice %arg2[%dma_start3A_114, %dma_start3A_115] : memref<100000x64xf32, #tpu.memory_space<hbm>> -> memref<100000x64xf32, #tpu.memory_space<hbm>>
    tpu.enqueue_indirect_dma source(%dma_start3A_116 : memref<100000x64xf32, #tpu.memory_space<hbm>>) target(%arg6 : memref<128x64xf32, #tpu.memory_space<vmem>>) offsets(%dma_start3A_113 : memref<128xi32, #tpu.memory_space<vmem>>) semaphore(%arg14 : memref<!tpu.dma_semaphore, #tpu.memory_space<semaphore_mem>>)
    %dma_wait3A_117 = arith.constant 0 : i32
    %dma_wait3A_118 = arith.constant 0 : i32
    %dma_wait3A_119 = tpu.memref_slice %arg5[%dma_wait3A_117, %dma_wait3A_118] : memref<200x128xi32, #tpu.memory_space<vmem>> -> memref<1x128xi32, #tpu.memory_space<vmem>>
    %dma_wait3A_120 = tpu.memref_squeeze %dma_wait3A_119 : memref<1x128xi32, #tpu.memory_space<vmem>> -> memref<128xi32, #tpu.memory_space<vmem>>
    %dma_wait3A_121 = arith.constant 0 : i32
    %dma_wait3A_122 = arith.constant 0 : i32
    %dma_wait3A_123 = tpu.memref_slice %arg2[%dma_wait3A_121, %dma_wait3A_122] : memref<100000x64xf32, #tpu.memory_space<hbm>> -> memref<100000x64xf32, #tpu.memory_space<hbm>>
    tpu.wait_indirect_dma semaphore(%arg15 : memref<!tpu.dma_semaphore, #tpu.memory_space<semaphore_mem>>) src(%dma_wait3A_123 : memref<100000x64xf32, #tpu.memory_space<hbm>>) dst(%arg7 : memref<128x64xf32, #tpu.memory_space<vmem>>)
    %scan3A_124 = arith.constant 0 : i32
    %scan3A_125 = arith.constant 128 : i32
    %scan3A_126 = arith.addi %scan3A_124, %scan3A_125 : i32
    %scan3A_127 = arith.constant 8 : i32
    scf.for %scan3A_324 = %scan3A_124 to %scan3A_126 step %scan3A_127  : i32 {
      %mul3A_325 = arith.constant 1 : i32
      %mul3A_326 = arith.muli %scan3A_324, %mul3A_325 : i32
      %add3A_327 = arith.constant 0 : i32
      %add3A_328 = arith.addi %add3A_327, %mul3A_326 : i32
      %broadcast_in_dim3A = vector.broadcast %add3A_328 : i32 to vector<16xi32>
      %get3A = arith.index_cast %add3A_328 : i32 to index
      %get3A_329 = arith.constant 0 : index
      %get3A_330 = tpu.vector_load %arg7[%get3A, %get3A_329] {strides = array<i32>} : memref<128x64xf32, #tpu.memory_space<vmem>>, vector<16xf32>,
      %get3A_331 = arith.index_cast %add3A_328 : i32 to index
      %get3A_332 = arith.constant 16 : index
      %get3A_333 = tpu.vector_load %arg7[%get3A_331, %get3A_332] {strides = array<i32>} : memref<128x64xf32, #tpu.memory_space<vmem>>, vector<16xf32>,
      %get3A_334 = arith.index_cast %add3A_328 : i32 to index
      %get3A_335 = arith.constant 32 : index
      %get3A_336 = tpu.vector_load %arg7[%get3A_334, %get3A_335] {strides = array<i32>} : memref<128x64xf32, #tpu.memory_space<vmem>>, vector<16xf32>,
      %get3A_337 = arith.index_cast %add3A_328 : i32 to index
      %get3A_338 = arith.constant 48 : index
      %get3A_339 = tpu.vector_load %arg7[%get3A_337, %get3A_338] {strides = array<i32>} : memref<128x64xf32, #tpu.memory_space<vmem>>, vector<16xf32>,
      tpu.vector_store_idx %arg11[%shift_right_arithmetic3A_7, %and3A_30, %broadcast_in_dim3A], %get3A_330 : memref<8x8x129xf32, #tpu.memory_space<vmem>>[vector<16xi32>, vector<16xi32>, vector<16xi32>], vector<16xf32>,
      tpu.vector_store_idx %arg11[%shift_right_arithmetic3A_13, %and3A_36, %broadcast_in_dim3A], %get3A_333 : memref<8x8x129xf32, #tpu.memory_space<vmem>>[vector<16xi32>, vector<16xi32>, vector<16xi32>], vector<16xf32>,
      tpu.vector_store_idx %arg11[%shift_right_arithmetic3A_19, %and3A_42, %broadcast_in_dim3A], %get3A_336 : memref<8x8x129xf32, #tpu.memory_space<vmem>>[vector<16xi32>, vector<16xi32>, vector<16xi32>], vector<16xf32>,
      tpu.vector_store_idx %arg11[%shift_right_arithmetic3A_25, %and3A_48, %broadcast_in_dim3A], %get3A_339 : memref<8x8x129xf32, #tpu.memory_space<vmem>>[vector<16xi32>, vector<16xi32>, vector<16xi32>], vector<16xf32>,
      %scan3A_340 = arith.constant 1 : i32
      %scan3A_341 = arith.addi %scan3A_324, %scan3A_340 : i32
      %mul3A_342 = arith.constant 1 : i32
      %mul3A_343 = arith.muli %scan3A_341, %mul3A_342 : i32
      %add3A_344 = arith.constant 0 : i32
      %add3A_345 = arith.addi %add3A_344, %mul3A_343 : i32
      %broadcast_in_dim3A_346 = vector.broadcast %add3A_345 : i32 to vector<16xi32>
      %get3A_347 = arith.index_cast %add3A_345 : i32 to index
      %get3A_348 = arith.constant 0 : index
      %get3A_349 = tpu.vector_load %arg7[%get3A_347, %get3A_348] {strides = array<i32>} : memref<128x64xf32, #tpu.memory_space<vmem>>, vector<16xf32>,
      %get3A_350 = arith.index_cast %add3A_345 : i32 to index
      %get3A_351 = arith.constant 16 : index
      %get3A_352 = tpu.vector_load %arg7[%get3A_350, %get3A_351] {strides = array<i32>} : memref<128x64xf32, #tpu.memory_space<vmem>>, vector<16xf32>,
      %get3A_353 = arith.index_cast %add3A_345 : i32 to index
      %get3A_354 = arith.constant 32 : index
      %get3A_355 = tpu.vector_load %arg7[%get3A_353, %get3A_354] {strides = array<i32>} : memref<128x64xf32, #tpu.memory_space<vmem>>, vector<16xf32>,
      %get3A_356 = arith.index_cast %add3A_345 : i32 to index
      %get3A_357 = arith.constant 48 : index
      %get3A_358 = tpu.vector_load %arg7[%get3A_356, %get3A_357] {strides = array<i32>} : memref<128x64xf32, #tpu.memory_space<vmem>>, vector<16xf32>,
      tpu.vector_store_idx %arg11[%shift_right_arithmetic3A_7, %and3A_30, %broadcast_in_dim3A_346], %get3A_349 : memref<8x8x129xf32, #tpu.memory_space<vmem>>[vector<16xi32>, vector<16xi32>, vector<16xi32>], vector<16xf32>,
      tpu.vector_store_idx %arg11[%shift_right_arithmetic3A_13, %and3A_36, %broadcast_in_dim3A_346], %get3A_352 : memref<8x8x129xf32, #tpu.memory_space<vmem>>[vector<16xi32>, vector<16xi32>, vector<16xi32>], vector<16xf32>,
      tpu.vector_store_idx %arg11[%shift_right_arithmetic3A_19, %and3A_42, %broadcast_in_dim3A_346], %get3A_355 : memref<8x8x129xf32, #tpu.memory_space<vmem>>[vector<16xi32>, vector<16xi32>, vector<16xi32>], vector<16xf32>,
      tpu.vector_store_idx %arg11[%shift_right_arithmetic3A_25, %and3A_48, %broadcast_in_dim3A_346], %get3A_358 : memref<8x8x129xf32, #tpu.memory_space<vmem>>[vector<16xi32>, vector<16xi32>, vector<16xi32>], vector<16xf32>,
      %scan3A_359 = arith.constant 2 : i32
      %scan3A_360 = arith.addi %scan3A_324, %scan3A_359 : i32
      %mul3A_361 = arith.constant 1 : i32
      %mul3A_362 = arith.muli %scan3A_360, %mul3A_361 : i32
      %add3A_363 = arith.constant 0 : i32
      %add3A_364 = arith.addi %add3A_363, %mul3A_362 : i32
      %broadcast_in_dim3A_365 = vector.broadcast %add3A_364 : i32 to vector<16xi32>
      %get3A_366 = arith.index_cast %add3A_364 : i32 to index
      %get3A_367 = arith.constant 0 : index
      %get3A_368 = tpu.vector_load %arg7[%get3A_366, %get3A_367] {strides = array<i32>} : memref<128x64xf32, #tpu.memory_space<vmem>>, vector<16xf32>,
      %get3A_369 = arith.index_cast %add3A_364 : i32 to index
      %get3A_370 = arith.constant 16 : index
      %get3A_371 = tpu.vector_load %arg7[%get3A_369, %get3A_370] {strides = array<i32>} : memref<128x64xf32, #tpu.memory_space<vmem>>, vector<16xf32>,
      %get3A_372 = arith.index_cast %add3A_364 : i32 to index
      %get3A_373 = arith.constant 32 : index
      %get3A_374 = tpu.vector_load %arg7[%get3A_372, %get3A_373] {strides = array<i32>} : memref<128x64xf32, #tpu.memory_space<vmem>>, vector<16xf32>,
      %get3A_375 = arith.index_cast %add3A_364 : i32 to index
      %get3A_376 = arith.constant 48 : index
      %get3A_377 = tpu.vector_load %arg7[%get3A_375, %get3A_376] {strides = array<i32>} : memref<128x64xf32, #tpu.memory_space<vmem>>, vector<16xf32>,
      tpu.vector_store_idx %arg11[%shift_right_arithmetic3A_7, %and3A_30, %broadcast_in_dim3A_365], %get3A_368 : memref<8x8x129xf32, #tpu.memory_space<vmem>>[vector<16xi32>, vector<16xi32>, vector<16xi32>], vector<16xf32>,
      tpu.vector_store_idx %arg11[%shift_right_arithmetic3A_13, %and3A_36, %broadcast_in_dim3A_365], %get3A_371 : memref<8x8x129xf32, #tpu.memory_space<vmem>>[vector<16xi32>, vector<16xi32>, vector<16xi32>], vector<16xf32>,
      tpu.vector_store_idx %arg11[%shift_right_arithmetic3A_19, %and3A_42, %broadcast_in_dim3A_365], %get3A_374 : memref<8x8x129xf32, #tpu.memory_space<vmem>>[vector<16xi32>, vector<16xi32>, vector<16xi32>], vector<16xf32>,
      tpu.vector_store_idx %arg11[%shift_right_arithmetic3A_25, %and3A_48, %broadcast_in_dim3A_365], %get3A_377 : memref<8x8x129xf32, #tpu.memory_space<vmem>>[vector<16xi32>, vector<16xi32>, vector<16xi32>], vector<16xf32>,
      %scan3A_378 = arith.constant 3 : i32
      %scan3A_379 = arith.addi %scan3A_324, %scan3A_378 : i32
      %mul3A_380 = arith.constant 1 : i32
      %mul3A_381 = arith.muli %scan3A_379, %mul3A_380 : i32
      %add3A_382 = arith.constant 0 : i32
      %add3A_383 = arith.addi %add3A_382, %mul3A_381 : i32
      %broadcast_in_dim3A_384 = vector.broadcast %add3A_383 : i32 to vector<16xi32>
      %get3A_385 = arith.index_cast %add3A_383 : i32 to index
      %get3A_386 = arith.constant 0 : index
      %get3A_387 = tpu.vector_load %arg7[%get3A_385, %get3A_386] {strides = array<i32>} : memref<128x64xf32, #tpu.memory_space<vmem>>, vector<16xf32>,
      %get3A_388 = arith.index_cast %add3A_383 : i32 to index
      %get3A_389 = arith.constant 16 : index
      %get3A_390 = tpu.vector_load %arg7[%get3A_388, %get3A_389] {strides = array<i32>} : memref<128x64xf32, #tpu.memory_space<vmem>>, vector<16xf32>,
      %get3A_391 = arith.index_cast %add3A_383 : i32 to index
      %get3A_392 = arith.constant 32 : index
      %get3A_393 = tpu.vector_load %arg7[%get3A_391, %get3A_392] {strides = array<i32>} : memref<128x64xf32, #tpu.memory_space<vmem>>, vector<16xf32>,
      %get3A_394 = arith.index_cast %add3A_383 : i32 to index
      %get3A_395 = arith.constant 48 : index
      %get3A_396 = tpu.vector_load %arg7[%get3A_394, %get3A_395] {strides = array<i32>} : memref<128x64xf32, #tpu.memory_space<vmem>>, vector<16xf32>,
      tpu.vector_store_idx %arg11[%shift_right_arithmetic3A_7, %and3A_30, %broadcast_in_dim3A_384], %get3A_387 : memref<8x8x129xf32, #tpu.memory_space<vmem>>[vector<16xi32>, vector<16xi32>, vector<16xi32>], vector<16xf32>,
      tpu.vector_store_idx %arg11[%shift_right_arithmetic3A_13, %and3A_36, %broadcast_in_dim3A_384], %get3A_390 : memref<8x8x129xf32, #tpu.memory_space<vmem>>[vector<16xi32>, vector<16xi32>, vector<16xi32>], vector<16xf32>,
      tpu.vector_store_idx %arg11[%shift_right_arithmetic3A_19, %and3A_42, %broadcast_in_dim3A_384], %get3A_393 : memref<8x8x129xf32, #tpu.memory_space<vmem>>[vector<16xi32>, vector<16xi32>, vector<16xi32>], vector<16xf32>,
      tpu.vector_store_idx %arg11[%shift_right_arithmetic3A_25, %and3A_48, %broadcast_in_dim3A_384], %get3A_396 : memref<8x8x129xf32, #tpu.memory_space<vmem>>[vector<16xi32>, vector<16xi32>, vector<16xi32>], vector<16xf32>,
      %scan3A_397 = arith.constant 4 : i32
      %scan3A_398 = arith.addi %scan3A_324, %scan3A_397 : i32
      %mul3A_399 = arith.constant 1 : i32
      %mul3A_400 = arith.muli %scan3A_398, %mul3A_399 : i32
      %add3A_401 = arith.constant 0 : i32
      %add3A_402 = arith.addi %add3A_401, %mul3A_400 : i32
      %broadcast_in_dim3A_403 = vector.broadcast %add3A_402 : i32 to vector<16xi32>
      %get3A_404 = arith.index_cast %add3A_402 : i32 to index
      %get3A_405 = arith.constant 0 : index
      %get3A_406 = tpu.vector_load %arg7[%get3A_404, %get3A_405] {strides = array<i32>} : memref<128x64xf32, #tpu.memory_space<vmem>>, vector<16xf32>,
      %get3A_407 = arith.index_cast %add3A_402 : i32 to index
      %get3A_408 = arith.constant 16 : index
      %get3A_409 = tpu.vector_load %arg7[%get3A_407, %get3A_408] {strides = array<i32>} : memref<128x64xf32, #tpu.memory_space<vmem>>, vector<16xf32>,
      %get3A_410 = arith.index_cast %add3A_402 : i32 to index
      %get3A_411 = arith.constant 32 : index
      %get3A_412 = tpu.vector_load %arg7[%get3A_410, %get3A_411] {strides = array<i32>} : memref<128x64xf32, #tpu.memory_space<vmem>>, vector<16xf32>,
      %get3A_413 = arith.index_cast %add3A_402 : i32 to index
      %get3A_414 = arith.constant 48 : index
      %get3A_415 = tpu.vector_load %arg7[%get3A_413, %get3A_414] {strides = array<i32>} : memref<128x64xf32, #tpu.memory_space<vmem>>, vector<16xf32>,
      tpu.vector_store_idx %arg11[%shift_right_arithmetic3A_7, %and3A_30, %broadcast_in_dim3A_403], %get3A_406 : memref<8x8x129xf32, #tpu.memory_space<vmem>>[vector<16xi32>, vector<16xi32>, vector<16xi32>], vector<16xf32>,
      tpu.vector_store_idx %arg11[%shift_right_arithmetic3A_13, %and3A_36, %broadcast_in_dim3A_403], %get3A_409 : memref<8x8x129xf32, #tpu.memory_space<vmem>>[vector<16xi32>, vector<16xi32>, vector<16xi32>], vector<16xf32>,
      tpu.vector_store_idx %arg11[%shift_right_arithmetic3A_19, %and3A_42, %broadcast_in_dim3A_403], %get3A_412 : memref<8x8x129xf32, #tpu.memory_space<vmem>>[vector<16xi32>, vector<16xi32>, vector<16xi32>], vector<16xf32>,
      tpu.vector_store_idx %arg11[%shift_right_arithmetic3A_25, %and3A_48, %broadcast_in_dim3A_403], %get3A_415 : memref<8x8x129xf32, #tpu.memory_space<vmem>>[vector<16xi32>, vector<16xi32>, vector<16xi32>], vector<16xf32>,
      %scan3A_416 = arith.constant 5 : i32
      %scan3A_417 = arith.addi %scan3A_324, %scan3A_416 : i32
      %mul3A_418 = arith.constant 1 : i32
      %mul3A_419 = arith.muli %scan3A_417, %mul3A_418 : i32
      %add3A_420 = arith.constant 0 : i32
      %add3A_421 = arith.addi %add3A_420, %mul3A_419 : i32
      %broadcast_in_dim3A_422 = vector.broadcast %add3A_421 : i32 to vector<16xi32>
      %get3A_423 = arith.index_cast %add3A_421 : i32 to index
      %get3A_424 = arith.constant 0 : index
      %get3A_425 = tpu.vector_load %arg7[%get3A_423, %get3A_424] {strides = array<i32>} : memref<128x64xf32, #tpu.memory_space<vmem>>, vector<16xf32>,
      %get3A_426 = arith.index_cast %add3A_421 : i32 to index
      %get3A_427 = arith.constant 16 : index
      %get3A_428 = tpu.vector_load %arg7[%get3A_426, %get3A_427] {strides = array<i32>} : memref<128x64xf32, #tpu.memory_space<vmem>>, vector<16xf32>,
      %get3A_429 = arith.index_cast %add3A_421 : i32 to index
      %get3A_430 = arith.constant 32 : index
      %get3A_431 = tpu.vector_load %arg7[%get3A_429, %get3A_430] {strides = array<i32>} : memref<128x64xf32, #tpu.memory_space<vmem>>, vector<16xf32>,
      %get3A_432 = arith.index_cast %add3A_421 : i32 to index
      %get3A_433 = arith.constant 48 : index
      %get3A_434 = tpu.vector_load %arg7[%get3A_432, %get3A_433] {strides = array<i32>} : memref<128x64xf32, #tpu.memory_space<vmem>>, vector<16xf32>,
      tpu.vector_store_idx %arg11[%shift_right_arithmetic3A_7, %and3A_30, %broadcast_in_dim3A_422], %get3A_425 : memref<8x8x129xf32, #tpu.memory_space<vmem>>[vector<16xi32>, vector<16xi32>, vector<16xi32>], vector<16xf32>,
      tpu.vector_store_idx %arg11[%shift_right_arithmetic3A_13, %and3A_36, %broadcast_in_dim3A_422], %get3A_428 : memref<8x8x129xf32, #tpu.memory_space<vmem>>[vector<16xi32>, vector<16xi32>, vector<16xi32>], vector<16xf32>,
      tpu.vector_store_idx %arg11[%shift_right_arithmetic3A_19, %and3A_42, %broadcast_in_dim3A_422], %get3A_431 : memref<8x8x129xf32, #tpu.memory_space<vmem>>[vector<16xi32>, vector<16xi32>, vector<16xi32>], vector<16xf32>,
      tpu.vector_store_idx %arg11[%shift_right_arithmetic3A_25, %and3A_48, %broadcast_in_dim3A_422], %get3A_434 : memref<8x8x129xf32, #tpu.memory_space<vmem>>[vector<16xi32>, vector<16xi32>, vector<16xi32>], vector<16xf32>,
      %scan3A_435 = arith.constant 6 : i32
      %scan3A_436 = arith.addi %scan3A_324, %scan3A_435 : i32
      %mul3A_437 = arith.constant 1 : i32
      %mul3A_438 = arith.muli %scan3A_436, %mul3A_437 : i32
      %add3A_439 = arith.constant 0 : i32
      %add3A_440 = arith.addi %add3A_439, %mul3A_438 : i32
      %broadcast_in_dim3A_441 = vector.broadcast %add3A_440 : i32 to vector<16xi32>
      %get3A_442 = arith.index_cast %add3A_440 : i32 to index
      %get3A_443 = arith.constant 0 : index
      %get3A_444 = tpu.vector_load %arg7[%get3A_442, %get3A_443] {strides = array<i32>} : memref<128x64xf32, #tpu.memory_space<vmem>>, vector<16xf32>,
      %get3A_445 = arith.index_cast %add3A_440 : i32 to index
      %get3A_446 = arith.constant 16 : index
      %get3A_447 = tpu.vector_load %arg7[%get3A_445, %get3A_446] {strides = array<i32>} : memref<128x64xf32, #tpu.memory_space<vmem>>, vector<16xf32>,
      %get3A_448 = arith.index_cast %add3A_440 : i32 to index
      %get3A_449 = arith.constant 32 : index
      %get3A_450 = tpu.vector_load %arg7[%get3A_448, %get3A_449] {strides = array<i32>} : memref<128x64xf32, #tpu.memory_space<vmem>>, vector<16xf32>,
      %get3A_451 = arith.index_cast %add3A_440 : i32 to index
      %get3A_452 = arith.constant 48 : index
      %get3A_453 = tpu.vector_load %arg7[%get3A_451, %get3A_452] {strides = array<i32>} : memref<128x64xf32, #tpu.memory_space<vmem>>, vector<16xf32>,
      tpu.vector_store_idx %arg11[%shift_right_arithmetic3A_7, %and3A_30, %broadcast_in_dim3A_441], %get3A_444 : memref<8x8x129xf32, #tpu.memory_space<vmem>>[vector<16xi32>, vector<16xi32>, vector<16xi32>], vector<16xf32>,
      tpu.vector_store_idx %arg11[%shift_right_arithmetic3A_13, %and3A_36, %broadcast_in_dim3A_441], %get3A_447 : memref<8x8x129xf32, #tpu.memory_space<vmem>>[vector<16xi32>, vector<16xi32>, vector<16xi32>], vector<16xf32>,
      tpu.vector_store_idx %arg11[%shift_right_arithmetic3A_19, %and3A_42, %broadcast_in_dim3A_441], %get3A_450 : memref<8x8x129xf32, #tpu.memory_space<vmem>>[vector<16xi32>, vector<16xi32>, vector<16xi32>], vector<16xf32>,
      tpu.vector_store_idx %arg11[%shift_right_arithmetic3A_25, %and3A_48, %broadcast_in_dim3A_441], %get3A_453 : memref<8x8x129xf32, #tpu.memory_space<vmem>>[vector<16xi32>, vector<16xi32>, vector<16xi32>], vector<16xf32>,
      %scan3A_454 = arith.constant 7 : i32
      %scan3A_455 = arith.addi %scan3A_324, %scan3A_454 : i32
      %mul3A_456 = arith.constant 1 : i32
      %mul3A_457 = arith.muli %scan3A_455, %mul3A_456 : i32
      %add3A_458 = arith.constant 0 : i32
      %add3A_459 = arith.addi %add3A_458, %mul3A_457 : i32
      %broadcast_in_dim3A_460 = vector.broadcast %add3A_459 : i32 to vector<16xi32>
      %get3A_461 = arith.index_cast %add3A_459 : i32 to index
      %get3A_462 = arith.constant 0 : index
      %get3A_463 = tpu.vector_load %arg7[%get3A_461, %get3A_462] {strides = array<i32>} : memref<128x64xf32, #tpu.memory_space<vmem>>, vector<16xf32>,
      %get3A_464 = arith.index_cast %add3A_459 : i32 to index
      %get3A_465 = arith.constant 16 : index
      %get3A_466 = tpu.vector_load %arg7[%get3A_464, %get3A_465] {strides = array<i32>} : memref<128x64xf32, #tpu.memory_space<vmem>>, vector<16xf32>,
      %get3A_467 = arith.index_cast %add3A_459 : i32 to index
      %get3A_468 = arith.constant 32 : index
      %get3A_469 = tpu.vector_load %arg7[%get3A_467, %get3A_468] {strides = array<i32>} : memref<128x64xf32, #tpu.memory_space<vmem>>, vector<16xf32>,
      %get3A_470 = arith.index_cast %add3A_459 : i32 to index
      %get3A_471 = arith.constant 48 : index
      %get3A_472 = tpu.vector_load %arg7[%get3A_470, %get3A_471] {strides = array<i32>} : memref<128x64xf32, #tpu.memory_space<vmem>>, vector<16xf32>,
      tpu.vector_store_idx %arg11[%shift_right_arithmetic3A_7, %and3A_30, %broadcast_in_dim3A_460], %get3A_463 : memref<8x8x129xf32, #tpu.memory_space<vmem>>[vector<16xi32>, vector<16xi32>, vector<16xi32>], vector<16xf32>,
      tpu.vector_store_idx %arg11[%shift_right_arithmetic3A_13, %and3A_36, %broadcast_in_dim3A_460], %get3A_466 : memref<8x8x129xf32, #tpu.memory_space<vmem>>[vector<16xi32>, vector<16xi32>, vector<16xi32>], vector<16xf32>,
      tpu.vector_store_idx %arg11[%shift_right_arithmetic3A_19, %and3A_42, %broadcast_in_dim3A_460], %get3A_469 : memref<8x8x129xf32, #tpu.memory_space<vmem>>[vector<16xi32>, vector<16xi32>, vector<16xi32>], vector<16xf32>,
      tpu.vector_store_idx %arg11[%shift_right_arithmetic3A_25, %and3A_48, %broadcast_in_dim3A_460], %get3A_472 : memref<8x8x129xf32, #tpu.memory_space<vmem>>[vector<16xi32>, vector<16xi32>, vector<16xi32>], vector<16xf32>,
    }
    %scan3A_128 = arith.constant 128 : i32
    %add3A_129 = arith.constant 1 : i32
    %add3A_130 = arith.addi %mul3A_2, %add3A_129 : i32
    %shift_right_arithmetic3A_131 = arith.constant 5 : i32
    %shift_right_arithmetic3A_132 = arith.shrsi %add3A_130, %shift_right_arithmetic3A_131 : i32
    %and3A_133 = arith.constant 31 : i32
    %and3A_134 = arith.andi %add3A_130, %and3A_133 : i32
    %dma_start3A_135 = arith.constant 0 : i32
    %dma_start3A_136 = arith.constant 0 : i32
    %dma_start3A_137 = arith.constant 0 : i32
    %dma_start3A_138 = tpu.memref_slice %arg11[%dma_start3A_135, %dma_start3A_136, %dma_start3A_137] : memref<8x8x129xf32, #tpu.memory_space<vmem>> -> memref<8x8x128xf32, #tpu.memory_space<vmem>>
    %dma_start3A_139 = arith.constant 0 : i32
    %dma_start3A_140 = arith.constant 0 : i32
    %dma_start3A_141 = arith.constant 0 : i32
    %dma_start3A_142 = tpu.memref_slice %arg4[%shift_right_arithmetic3A_132, %dma_start3A_139, %and3A_134, %dma_start3A_140, %dma_start3A_141] : memref<200x8x32x8x128xf32, #tpu.memory_space<hbm>> -> memref<1x8x1x8x128xf32, #tpu.memory_space<hbm>>
    %dma_start3A_143 = tpu.memref_squeeze %dma_start3A_142 : memref<1x8x1x8x128xf32, #tpu.memory_space<hbm>> -> memref<8x8x128xf32, #tpu.memory_space<hbm>>
    %dma_start3A_144 = arith.constant 0 : i32
    %dma_start3A_145 = arith.constant 0 : i32
    %dma_start3A_146 = arith.constant 0 : i32
    %dma_start3A_147 = tpu.memref_slice %arg4[%shift_right_arithmetic3A_132, %dma_start3A_144, %and3A_134, %dma_start3A_145, %dma_start3A_146] : memref<200x8x32x8x128xf32, #tpu.memory_space<hbm>> -> memref<1x8x1x8x128xf32, #tpu.memory_space<hbm>>
    %dma_start3A_148 = tpu.memref_squeeze %dma_start3A_147 : memref<1x8x1x8x128xf32, #tpu.memory_space<hbm>> -> memref<8x8x128xf32, #tpu.memory_space<hbm>>
    %dma_start3A_149 = arith.constant 0 : i32
    %dma_start3A_150 = arith.constant 0 : i32
    %dma_start3A_151 = arith.constant 0 : i32
    %dma_start3A_152 = tpu.memref_slice %arg11[%dma_start3A_149, %dma_start3A_150, %dma_start3A_151] : memref<8x8x129xf32, #tpu.memory_space<vmem>> -> memref<8x8x128xf32, #tpu.memory_space<vmem>>
    tpu.enqueue_dma source(%dma_start3A_152 : memref<8x8x128xf32, #tpu.memory_space<vmem>>) target(%dma_start3A_148 : memref<8x8x128xf32, #tpu.memory_space<hbm>>) target_semaphore(%arg19 : memref<!tpu.dma_semaphore, #tpu.memory_space<semaphore_mem>>)
    %dma_start3A_153 = arith.constant 5 : i32
    %dma_start3A_154 = arith.constant 0 : i32
    %dma_start3A_155 = tpu.memref_slice %arg5[%dma_start3A_153, %dma_start3A_154] : memref<200x128xi32, #tpu.memory_space<vmem>> -> memref<1x128xi32, #tpu.memory_space<vmem>>
    %dma_start3A_156 = tpu.memref_squeeze %dma_start3A_155 : memref<1x128xi32, #tpu.memory_space<vmem>> -> memref<128xi32, #tpu.memory_space<vmem>>
    %dma_start3A_157 = arith.constant 0 : i32
    %dma_start3A_158 = arith.constant 0 : i32
    %dma_start3A_159 = tpu.memref_slice %arg2[%dma_start3A_157, %dma_start3A_158] : memref<100000x64xf32, #tpu.memory_space<hbm>> -> memref<100000x64xf32, #tpu.memory_space<hbm>>
    tpu.enqueue_indirect_dma source(%dma_start3A_159 : memref<100000x64xf32, #tpu.memory_space<hbm>>) target(%arg7 : memref<128x64xf32, #tpu.memory_space<vmem>>) offsets(%dma_start3A_156 : memref<128xi32, #tpu.memory_space<vmem>>) semaphore(%arg15 : memref<!tpu.dma_semaphore, #tpu.memory_space<semaphore_mem>>)
    %dma_wait3A_160 = arith.constant 0 : i32
    %dma_wait3A_161 = arith.constant 0 : i32
    %dma_wait3A_162 = tpu.memref_slice %arg5[%dma_wait3A_160, %dma_wait3A_161] : memref<200x128xi32, #tpu.memory_space<vmem>> -> memref<1x128xi32, #tpu.memory_space<vmem>>
    %dma_wait3A_163 = tpu.memref_squeeze %dma_wait3A_162 : memref<1x128xi32, #tpu.memory_space<vmem>> -> memref<128xi32, #tpu.memory_space<vmem>>
    %dma_wait3A_164 = arith.constant 0 : i32
    %dma_wait3A_165 = arith.constant 0 : i32
    %dma_wait3A_166 = tpu.memref_slice %arg2[%dma_wait3A_164, %dma_wait3A_165] : memref<100000x64xf32, #tpu.memory_space<hbm>> -> memref<100000x64xf32, #tpu.memory_space<hbm>>
    tpu.wait_indirect_dma semaphore(%arg16 : memref<!tpu.dma_semaphore, #tpu.memory_space<semaphore_mem>>) src(%dma_wait3A_166 : memref<100000x64xf32, #tpu.memory_space<hbm>>) dst(%arg8 : memref<128x64xf32, #tpu.memory_space<vmem>>)
    %scan3A_167 = arith.constant 0 : i32
    %scan3A_168 = arith.constant 128 : i32
    %scan3A_169 = arith.addi %scan3A_167, %scan3A_168 : i32
    %scan3A_170 = arith.constant 8 : i32
    scf.for %scan3A_324 = %scan3A_167 to %scan3A_169 step %scan3A_170  : i32 {
      %mul3A_325 = arith.constant 1 : i32
      %mul3A_326 = arith.muli %scan3A_324, %mul3A_325 : i32
      %add3A_327 = arith.constant 0 : i32
      %add3A_328 = arith.addi %add3A_327, %mul3A_326 : i32
      %broadcast_in_dim3A = vector.broadcast %add3A_328 : i32 to vector<16xi32>
      %get3A = arith.index_cast %add3A_328 : i32 to index
      %get3A_329 = arith.constant 0 : index
      %get3A_330 = tpu.vector_load %arg8[%get3A, %get3A_329] {strides = array<i32>} : memref<128x64xf32, #tpu.memory_space<vmem>>, vector<16xf32>,
      %get3A_331 = arith.index_cast %add3A_328 : i32 to index
      %get3A_332 = arith.constant 16 : index
      %get3A_333 = tpu.vector_load %arg8[%get3A_331, %get3A_332] {strides = array<i32>} : memref<128x64xf32, #tpu.memory_space<vmem>>, vector<16xf32>,
      %get3A_334 = arith.index_cast %add3A_328 : i32 to index
      %get3A_335 = arith.constant 32 : index
      %get3A_336 = tpu.vector_load %arg8[%get3A_334, %get3A_335] {strides = array<i32>} : memref<128x64xf32, #tpu.memory_space<vmem>>, vector<16xf32>,
      %get3A_337 = arith.index_cast %add3A_328 : i32 to index
      %get3A_338 = arith.constant 48 : index
      %get3A_339 = tpu.vector_load %arg8[%get3A_337, %get3A_338] {strides = array<i32>} : memref<128x64xf32, #tpu.memory_space<vmem>>, vector<16xf32>,
      tpu.vector_store_idx %arg12[%shift_right_arithmetic3A_7, %and3A_30, %broadcast_in_dim3A], %get3A_330 : memref<8x8x129xf32, #tpu.memory_space<vmem>>[vector<16xi32>, vector<16xi32>, vector<16xi32>], vector<16xf32>,
      tpu.vector_store_idx %arg12[%shift_right_arithmetic3A_13, %and3A_36, %broadcast_in_dim3A], %get3A_333 : memref<8x8x129xf32, #tpu.memory_space<vmem>>[vector<16xi32>, vector<16xi32>, vector<16xi32>], vector<16xf32>,
      tpu.vector_store_idx %arg12[%shift_right_arithmetic3A_19, %and3A_42, %broadcast_in_dim3A], %get3A_336 : memref<8x8x129xf32, #tpu.memory_space<vmem>>[vector<16xi32>, vector<16xi32>, vector<16xi32>], vector<16xf32>,
      tpu.vector_store_idx %arg12[%shift_right_arithmetic3A_25, %and3A_48, %broadcast_in_dim3A], %get3A_339 : memref<8x8x129xf32, #tpu.memory_space<vmem>>[vector<16xi32>, vector<16xi32>, vector<16xi32>], vector<16xf32>,
      %scan3A_340 = arith.constant 1 : i32
      %scan3A_341 = arith.addi %scan3A_324, %scan3A_340 : i32
      %mul3A_342 = arith.constant 1 : i32
      %mul3A_343 = arith.muli %scan3A_341, %mul3A_342 : i32
      %add3A_344 = arith.constant 0 : i32
      %add3A_345 = arith.addi %add3A_344, %mul3A_343 : i32
      %broadcast_in_dim3A_346 = vector.broadcast %add3A_345 : i32 to vector<16xi32>
      %get3A_347 = arith.index_cast %add3A_345 : i32 to index
      %get3A_348 = arith.constant 0 : index
      %get3A_349 = tpu.vector_load %arg8[%get3A_347, %get3A_348] {strides = array<i32>} : memref<128x64xf32, #tpu.memory_space<vmem>>, vector<16xf32>,
      %get3A_350 = arith.index_cast %add3A_345 : i32 to index
      %get3A_351 = arith.constant 16 : index
      %get3A_352 = tpu.vector_load %arg8[%get3A_350, %get3A_351] {strides = array<i32>} : memref<128x64xf32, #tpu.memory_space<vmem>>, vector<16xf32>,
      %get3A_353 = arith.index_cast %add3A_345 : i32 to index
      %get3A_354 = arith.constant 32 : index
      %get3A_355 = tpu.vector_load %arg8[%get3A_353, %get3A_354] {strides = array<i32>} : memref<128x64xf32, #tpu.memory_space<vmem>>, vector<16xf32>,
      %get3A_356 = arith.index_cast %add3A_345 : i32 to index
      %get3A_357 = arith.constant 48 : index
      %get3A_358 = tpu.vector_load %arg8[%get3A_356, %get3A_357] {strides = array<i32>} : memref<128x64xf32, #tpu.memory_space<vmem>>, vector<16xf32>,
      tpu.vector_store_idx %arg12[%shift_right_arithmetic3A_7, %and3A_30, %broadcast_in_dim3A_346], %get3A_349 : memref<8x8x129xf32, #tpu.memory_space<vmem>>[vector<16xi32>, vector<16xi32>, vector<16xi32>], vector<16xf32>,
      tpu.vector_store_idx %arg12[%shift_right_arithmetic3A_13, %and3A_36, %broadcast_in_dim3A_346], %get3A_352 : memref<8x8x129xf32, #tpu.memory_space<vmem>>[vector<16xi32>, vector<16xi32>, vector<16xi32>], vector<16xf32>,
      tpu.vector_store_idx %arg12[%shift_right_arithmetic3A_19, %and3A_42, %broadcast_in_dim3A_346], %get3A_355 : memref<8x8x129xf32, #tpu.memory_space<vmem>>[vector<16xi32>, vector<16xi32>, vector<16xi32>], vector<16xf32>,
      tpu.vector_store_idx %arg12[%shift_right_arithmetic3A_25, %and3A_48, %broadcast_in_dim3A_346], %get3A_358 : memref<8x8x129xf32, #tpu.memory_space<vmem>>[vector<16xi32>, vector<16xi32>, vector<16xi32>], vector<16xf32>,
      %scan3A_359 = arith.constant 2 : i32
      %scan3A_360 = arith.addi %scan3A_324, %scan3A_359 : i32
      %mul3A_361 = arith.constant 1 : i32
      %mul3A_362 = arith.muli %scan3A_360, %mul3A_361 : i32
      %add3A_363 = arith.constant 0 : i32
      %add3A_364 = arith.addi %add3A_363, %mul3A_362 : i32
      %broadcast_in_dim3A_365 = vector.broadcast %add3A_364 : i32 to vector<16xi32>
      %get3A_366 = arith.index_cast %add3A_364 : i32 to index
      %get3A_367 = arith.constant 0 : index
      %get3A_368 = tpu.vector_load %arg8[%get3A_366, %get3A_367] {strides = array<i32>} : memref<128x64xf32, #tpu.memory_space<vmem>>, vector<16xf32>,
      %get3A_369 = arith.index_cast %add3A_364 : i32 to index
      %get3A_370 = arith.constant 16 : index
      %get3A_371 = tpu.vector_load %arg8[%get3A_369, %get3A_370] {strides = array<i32>} : memref<128x64xf32, #tpu.memory_space<vmem>>, vector<16xf32>,
      %get3A_372 = arith.index_cast %add3A_364 : i32 to index
      %get3A_373 = arith.constant 32 : index
      %get3A_374 = tpu.vector_load %arg8[%get3A_372, %get3A_373] {strides = array<i32>} : memref<128x64xf32, #tpu.memory_space<vmem>>, vector<16xf32>,
      %get3A_375 = arith.index_cast %add3A_364 : i32 to index
      %get3A_376 = arith.constant 48 : index
      %get3A_377 = tpu.vector_load %arg8[%get3A_375, %get3A_376] {strides = array<i32>} : memref<128x64xf32, #tpu.memory_space<vmem>>, vector<16xf32>,
      tpu.vector_store_idx %arg12[%shift_right_arithmetic3A_7, %and3A_30, %broadcast_in_dim3A_365], %get3A_368 : memref<8x8x129xf32, #tpu.memory_space<vmem>>[vector<16xi32>, vector<16xi32>, vector<16xi32>], vector<16xf32>,
      tpu.vector_store_idx %arg12[%shift_right_arithmetic3A_13, %and3A_36, %broadcast_in_dim3A_365], %get3A_371 : memref<8x8x129xf32, #tpu.memory_space<vmem>>[vector<16xi32>, vector<16xi32>, vector<16xi32>], vector<16xf32>,
      tpu.vector_store_idx %arg12[%shift_right_arithmetic3A_19, %and3A_42, %broadcast_in_dim3A_365], %get3A_374 : memref<8x8x129xf32, #tpu.memory_space<vmem>>[vector<16xi32>, vector<16xi32>, vector<16xi32>], vector<16xf32>,
      tpu.vector_store_idx %arg12[%shift_right_arithmetic3A_25, %and3A_48, %broadcast_in_dim3A_365], %get3A_377 : memref<8x8x129xf32, #tpu.memory_space<vmem>>[vector<16xi32>, vector<16xi32>, vector<16xi32>], vector<16xf32>,
      %scan3A_378 = arith.constant 3 : i32
      %scan3A_379 = arith.addi %scan3A_324, %scan3A_378 : i32
      %mul3A_380 = arith.constant 1 : i32
      %mul3A_381 = arith.muli %scan3A_379, %mul3A_380 : i32
      %add3A_382 = arith.constant 0 : i32
      %add3A_383 = arith.addi %add3A_382, %mul3A_381 : i32
      %broadcast_in_dim3A_384 = vector.broadcast %add3A_383 : i32 to vector<16xi32>
      %get3A_385 = arith.index_cast %add3A_383 : i32 to index
      %get3A_386 = arith.constant 0 : index
      %get3A_387 = tpu.vector_load %arg8[%get3A_385, %get3A_386] {strides = array<i32>} : memref<128x64xf32, #tpu.memory_space<vmem>>, vector<16xf32>,
      %get3A_388 = arith.index_cast %add3A_383 : i32 to index
      %get3A_389 = arith.constant 16 : index
      %get3A_390 = tpu.vector_load %arg8[%get3A_388, %get3A_389] {strides = array<i32>} : memref<128x64xf32, #tpu.memory_space<vmem>>, vector<16xf32>,
      %get3A_391 = arith.index_cast %add3A_383 : i32 to index
      %get3A_392 = arith.constant 32 : index
      %get3A_393 = tpu.vector_load %arg8[%get3A_391, %get3A_392] {strides = array<i32>} : memref<128x64xf32, #tpu.memory_space<vmem>>, vector<16xf32>,
      %get3A_394 = arith.index_cast %add3A_383 : i32 to index
      %get3A_395 = arith.constant 48 : index
      %get3A_396 = tpu.vector_load %arg8[%get3A_394, %get3A_395] {strides = array<i32>} : memref<128x64xf32, #tpu.memory_space<vmem>>, vector<16xf32>,
      tpu.vector_store_idx %arg12[%shift_right_arithmetic3A_7, %and3A_30, %broadcast_in_dim3A_384], %get3A_387 : memref<8x8x129xf32, #tpu.memory_space<vmem>>[vector<16xi32>, vector<16xi32>, vector<16xi32>], vector<16xf32>,
      tpu.vector_store_idx %arg12[%shift_right_arithmetic3A_13, %and3A_36, %broadcast_in_dim3A_384], %get3A_390 : memref<8x8x129xf32, #tpu.memory_space<vmem>>[vector<16xi32>, vector<16xi32>, vector<16xi32>], vector<16xf32>,
      tpu.vector_store_idx %arg12[%shift_right_arithmetic3A_19, %and3A_42, %broadcast_in_dim3A_384], %get3A_393 : memref<8x8x129xf32, #tpu.memory_space<vmem>>[vector<16xi32>, vector<16xi32>, vector<16xi32>], vector<16xf32>,
      tpu.vector_store_idx %arg12[%shift_right_arithmetic3A_25, %and3A_48, %broadcast_in_dim3A_384], %get3A_396 : memref<8x8x129xf32, #tpu.memory_space<vmem>>[vector<16xi32>, vector<16xi32>, vector<16xi32>], vector<16xf32>,
      %scan3A_397 = arith.constant 4 : i32
      %scan3A_398 = arith.addi %scan3A_324, %scan3A_397 : i32
      %mul3A_399 = arith.constant 1 : i32
      %mul3A_400 = arith.muli %scan3A_398, %mul3A_399 : i32
      %add3A_401 = arith.constant 0 : i32
      %add3A_402 = arith.addi %add3A_401, %mul3A_400 : i32
      %broadcast_in_dim3A_403 = vector.broadcast %add3A_402 : i32 to vector<16xi32>
      %get3A_404 = arith.index_cast %add3A_402 : i32 to index
      %get3A_405 = arith.constant 0 : index
      %get3A_406 = tpu.vector_load %arg8[%get3A_404, %get3A_405] {strides = array<i32>} : memref<128x64xf32, #tpu.memory_space<vmem>>, vector<16xf32>,
      %get3A_407 = arith.index_cast %add3A_402 : i32 to index
      %get3A_408 = arith.constant 16 : index
      %get3A_409 = tpu.vector_load %arg8[%get3A_407, %get3A_408] {strides = array<i32>} : memref<128x64xf32, #tpu.memory_space<vmem>>, vector<16xf32>,
      %get3A_410 = arith.index_cast %add3A_402 : i32 to index
      %get3A_411 = arith.constant 32 : index
      %get3A_412 = tpu.vector_load %arg8[%get3A_410, %get3A_411] {strides = array<i32>} : memref<128x64xf32, #tpu.memory_space<vmem>>, vector<16xf32>,
      %get3A_413 = arith.index_cast %add3A_402 : i32 to index
      %get3A_414 = arith.constant 48 : index
      %get3A_415 = tpu.vector_load %arg8[%get3A_413, %get3A_414] {strides = array<i32>} : memref<128x64xf32, #tpu.memory_space<vmem>>, vector<16xf32>,
      tpu.vector_store_idx %arg12[%shift_right_arithmetic3A_7, %and3A_30, %broadcast_in_dim3A_403], %get3A_406 : memref<8x8x129xf32, #tpu.memory_space<vmem>>[vector<16xi32>, vector<16xi32>, vector<16xi32>], vector<16xf32>,
      tpu.vector_store_idx %arg12[%shift_right_arithmetic3A_13, %and3A_36, %broadcast_in_dim3A_403], %get3A_409 : memref<8x8x129xf32, #tpu.memory_space<vmem>>[vector<16xi32>, vector<16xi32>, vector<16xi32>], vector<16xf32>,
      tpu.vector_store_idx %arg12[%shift_right_arithmetic3A_19, %and3A_42, %broadcast_in_dim3A_403], %get3A_412 : memref<8x8x129xf32, #tpu.memory_space<vmem>>[vector<16xi32>, vector<16xi32>, vector<16xi32>], vector<16xf32>,
      tpu.vector_store_idx %arg12[%shift_right_arithmetic3A_25, %and3A_48, %broadcast_in_dim3A_403], %get3A_415 : memref<8x8x129xf32, #tpu.memory_space<vmem>>[vector<16xi32>, vector<16xi32>, vector<16xi32>], vector<16xf32>,
      %scan3A_416 = arith.constant 5 : i32
      %scan3A_417 = arith.addi %scan3A_324, %scan3A_416 : i32
      %mul3A_418 = arith.constant 1 : i32
      %mul3A_419 = arith.muli %scan3A_417, %mul3A_418 : i32
      %add3A_420 = arith.constant 0 : i32
      %add3A_421 = arith.addi %add3A_420, %mul3A_419 : i32
      %broadcast_in_dim3A_422 = vector.broadcast %add3A_421 : i32 to vector<16xi32>
      %get3A_423 = arith.index_cast %add3A_421 : i32 to index
      %get3A_424 = arith.constant 0 : index
      %get3A_425 = tpu.vector_load %arg8[%get3A_423, %get3A_424] {strides = array<i32>} : memref<128x64xf32, #tpu.memory_space<vmem>>, vector<16xf32>,
      %get3A_426 = arith.index_cast %add3A_421 : i32 to index
      %get3A_427 = arith.constant 16 : index
      %get3A_428 = tpu.vector_load %arg8[%get3A_426, %get3A_427] {strides = array<i32>} : memref<128x64xf32, #tpu.memory_space<vmem>>, vector<16xf32>,
      %get3A_429 = arith.index_cast %add3A_421 : i32 to index
      %get3A_430 = arith.constant 32 : index
      %get3A_431 = tpu.vector_load %arg8[%get3A_429, %get3A_430] {strides = array<i32>} : memref<128x64xf32, #tpu.memory_space<vmem>>, vector<16xf32>,
      %get3A_432 = arith.index_cast %add3A_421 : i32 to index
      %get3A_433 = arith.constant 48 : index
      %get3A_434 = tpu.vector_load %arg8[%get3A_432, %get3A_433] {strides = array<i32>} : memref<128x64xf32, #tpu.memory_space<vmem>>, vector<16xf32>,
      tpu.vector_store_idx %arg12[%shift_right_arithmetic3A_7, %and3A_30, %broadcast_in_dim3A_422], %get3A_425 : memref<8x8x129xf32, #tpu.memory_space<vmem>>[vector<16xi32>, vector<16xi32>, vector<16xi32>], vector<16xf32>,
      tpu.vector_store_idx %arg12[%shift_right_arithmetic3A_13, %and3A_36, %broadcast_in_dim3A_422], %get3A_428 : memref<8x8x129xf32, #tpu.memory_space<vmem>>[vector<16xi32>, vector<16xi32>, vector<16xi32>], vector<16xf32>,
      tpu.vector_store_idx %arg12[%shift_right_arithmetic3A_19, %and3A_42, %broadcast_in_dim3A_422], %get3A_431 : memref<8x8x129xf32, #tpu.memory_space<vmem>>[vector<16xi32>, vector<16xi32>, vector<16xi32>], vector<16xf32>,
      tpu.vector_store_idx %arg12[%shift_right_arithmetic3A_25, %and3A_48, %broadcast_in_dim3A_422], %get3A_434 : memref<8x8x129xf32, #tpu.memory_space<vmem>>[vector<16xi32>, vector<16xi32>, vector<16xi32>], vector<16xf32>,
      %scan3A_435 = arith.constant 6 : i32
      %scan3A_436 = arith.addi %scan3A_324, %scan3A_435 : i32
      %mul3A_437 = arith.constant 1 : i32
      %mul3A_438 = arith.muli %scan3A_436, %mul3A_437 : i32
      %add3A_439 = arith.constant 0 : i32
      %add3A_440 = arith.addi %add3A_439, %mul3A_438 : i32
      %broadcast_in_dim3A_441 = vector.broadcast %add3A_440 : i32 to vector<16xi32>
      %get3A_442 = arith.index_cast %add3A_440 : i32 to index
      %get3A_443 = arith.constant 0 : index
      %get3A_444 = tpu.vector_load %arg8[%get3A_442, %get3A_443] {strides = array<i32>} : memref<128x64xf32, #tpu.memory_space<vmem>>, vector<16xf32>,
      %get3A_445 = arith.index_cast %add3A_440 : i32 to index
      %get3A_446 = arith.constant 16 : index
      %get3A_447 = tpu.vector_load %arg8[%get3A_445, %get3A_446] {strides = array<i32>} : memref<128x64xf32, #tpu.memory_space<vmem>>, vector<16xf32>,
      %get3A_448 = arith.index_cast %add3A_440 : i32 to index
      %get3A_449 = arith.constant 32 : index
      %get3A_450 = tpu.vector_load %arg8[%get3A_448, %get3A_449] {strides = array<i32>} : memref<128x64xf32, #tpu.memory_space<vmem>>, vector<16xf32>,
      %get3A_451 = arith.index_cast %add3A_440 : i32 to index
      %get3A_452 = arith.constant 48 : index
      %get3A_453 = tpu.vector_load %arg8[%get3A_451, %get3A_452] {strides = array<i32>} : memref<128x64xf32, #tpu.memory_space<vmem>>, vector<16xf32>,
      tpu.vector_store_idx %arg12[%shift_right_arithmetic3A_7, %and3A_30, %broadcast_in_dim3A_441], %get3A_444 : memref<8x8x129xf32, #tpu.memory_space<vmem>>[vector<16xi32>, vector<16xi32>, vector<16xi32>], vector<16xf32>,
      tpu.vector_store_idx %arg12[%shift_right_arithmetic3A_13, %and3A_36, %broadcast_in_dim3A_441], %get3A_447 : memref<8x8x129xf32, #tpu.memory_space<vmem>>[vector<16xi32>, vector<16xi32>, vector<16xi32>], vector<16xf32>,
      tpu.vector_store_idx %arg12[%shift_right_arithmetic3A_19, %and3A_42, %broadcast_in_dim3A_441], %get3A_450 : memref<8x8x129xf32, #tpu.memory_space<vmem>>[vector<16xi32>, vector<16xi32>, vector<16xi32>], vector<16xf32>,
      tpu.vector_store_idx %arg12[%shift_right_arithmetic3A_25, %and3A_48, %broadcast_in_dim3A_441], %get3A_453 : memref<8x8x129xf32, #tpu.memory_space<vmem>>[vector<16xi32>, vector<16xi32>, vector<16xi32>], vector<16xf32>,
      %scan3A_454 = arith.constant 7 : i32
      %scan3A_455 = arith.addi %scan3A_324, %scan3A_454 : i32
      %mul3A_456 = arith.constant 1 : i32
      %mul3A_457 = arith.muli %scan3A_455, %mul3A_456 : i32
      %add3A_458 = arith.constant 0 : i32
      %add3A_459 = arith.addi %add3A_458, %mul3A_457 : i32
      %broadcast_in_dim3A_460 = vector.broadcast %add3A_459 : i32 to vector<16xi32>
      %get3A_461 = arith.index_cast %add3A_459 : i32 to index
      %get3A_462 = arith.constant 0 : index
      %get3A_463 = tpu.vector_load %arg8[%get3A_461, %get3A_462] {strides = array<i32>} : memref<128x64xf32, #tpu.memory_space<vmem>>, vector<16xf32>,
      %get3A_464 = arith.index_cast %add3A_459 : i32 to index
      %get3A_465 = arith.constant 16 : index
      %get3A_466 = tpu.vector_load %arg8[%get3A_464, %get3A_465] {strides = array<i32>} : memref<128x64xf32, #tpu.memory_space<vmem>>, vector<16xf32>,
      %get3A_467 = arith.index_cast %add3A_459 : i32 to index
      %get3A_468 = arith.constant 32 : index
      %get3A_469 = tpu.vector_load %arg8[%get3A_467, %get3A_468] {strides = array<i32>} : memref<128x64xf32, #tpu.memory_space<vmem>>, vector<16xf32>,
      %get3A_470 = arith.index_cast %add3A_459 : i32 to index
      %get3A_471 = arith.constant 48 : index
      %get3A_472 = tpu.vector_load %arg8[%get3A_470, %get3A_471] {strides = array<i32>} : memref<128x64xf32, #tpu.memory_space<vmem>>, vector<16xf32>,
      tpu.vector_store_idx %arg12[%shift_right_arithmetic3A_7, %and3A_30, %broadcast_in_dim3A_460], %get3A_463 : memref<8x8x129xf32, #tpu.memory_space<vmem>>[vector<16xi32>, vector<16xi32>, vector<16xi32>], vector<16xf32>,
      tpu.vector_store_idx %arg12[%shift_right_arithmetic3A_13, %and3A_36, %broadcast_in_dim3A_460], %get3A_466 : memref<8x8x129xf32, #tpu.memory_space<vmem>>[vector<16xi32>, vector<16xi32>, vector<16xi32>], vector<16xf32>,
      tpu.vector_store_idx %arg12[%shift_right_arithmetic3A_19, %and3A_42, %broadcast_in_dim3A_460], %get3A_469 : memref<8x8x129xf32, #tpu.memory_space<vmem>>[vector<16xi32>, vector<16xi32>, vector<16xi32>], vector<16xf32>,
      tpu.vector_store_idx %arg12[%shift_right_arithmetic3A_25, %and3A_48, %broadcast_in_dim3A_460], %get3A_472 : memref<8x8x129xf32, #tpu.memory_space<vmem>>[vector<16xi32>, vector<16xi32>, vector<16xi32>], vector<16xf32>,
    }
    %scan3A_171 = arith.constant 128 : i32
    %add3A_172 = arith.constant 2 : i32
    %add3A_173 = arith.addi %mul3A_2, %add3A_172 : i32
    %shift_right_arithmetic3A_174 = arith.constant 5 : i32
    %shift_right_arithmetic3A_175 = arith.shrsi %add3A_173, %shift_right_arithmetic3A_174 : i32
    %and3A_176 = arith.constant 31 : i32
    %and3A_177 = arith.andi %add3A_173, %and3A_176 : i32
    %dma_start3A_178 = arith.constant 0 : i32
    %dma_start3A_179 = arith.constant 0 : i32
    %dma_start3A_180 = arith.constant 0 : i32
    %dma_start3A_181 = tpu.memref_slice %arg12[%dma_start3A_178, %dma_start3A_179, %dma_start3A_180] : memref<8x8x129xf32, #tpu.memory_space<vmem>> -> memref<8x8x128xf32, #tpu.memory_space<vmem>>
    %dma_start3A_182 = arith.constant 0 : i32
    %dma_start3A_183 = arith.constant 0 : i32
    %dma_start3A_184 = arith.constant 0 : i32
    %dma_start3A_185 = tpu.memref_slice %arg4[%shift_right_arithmetic3A_175, %dma_start3A_182, %and3A_177, %dma_start3A_183, %dma_start3A_184] : memref<200x8x32x8x128xf32, #tpu.memory_space<hbm>> -> memref<1x8x1x8x128xf32, #tpu.memory_space<hbm>>
    %dma_start3A_186 = tpu.memref_squeeze %dma_start3A_185 : memref<1x8x1x8x128xf32, #tpu.memory_space<hbm>> -> memref<8x8x128xf32, #tpu.memory_space<hbm>>
    %dma_start3A_187 = arith.constant 0 : i32
    %dma_start3A_188 = arith.constant 0 : i32
    %dma_start3A_189 = arith.constant 0 : i32
    %dma_start3A_190 = tpu.memref_slice %arg4[%shift_right_arithmetic3A_175, %dma_start3A_187, %and3A_177, %dma_start3A_188, %dma_start3A_189] : memref<200x8x32x8x128xf32, #tpu.memory_space<hbm>> -> memref<1x8x1x8x128xf32, #tpu.memory_space<hbm>>
    %dma_start3A_191 = tpu.memref_squeeze %dma_start3A_190 : memref<1x8x1x8x128xf32, #tpu.memory_space<hbm>> -> memref<8x8x128xf32, #tpu.memory_space<hbm>>
    %dma_start3A_192 = arith.constant 0 : i32
    %dma_start3A_193 = arith.constant 0 : i32
    %dma_start3A_194 = arith.constant 0 : i32
    %dma_start3A_195 = tpu.memref_slice %arg12[%dma_start3A_192, %dma_start3A_193, %dma_start3A_194] : memref<8x8x129xf32, #tpu.memory_space<vmem>> -> memref<8x8x128xf32, #tpu.memory_space<vmem>>
    tpu.enqueue_dma source(%dma_start3A_195 : memref<8x8x128xf32, #tpu.memory_space<vmem>>) target(%dma_start3A_191 : memref<8x8x128xf32, #tpu.memory_space<hbm>>) target_semaphore(%arg20 : memref<!tpu.dma_semaphore, #tpu.memory_space<semaphore_mem>>)
    %dma_start3A_196 = arith.constant 6 : i32
    %dma_start3A_197 = arith.constant 0 : i32
    %dma_start3A_198 = tpu.memref_slice %arg5[%dma_start3A_196, %dma_start3A_197] : memref<200x128xi32, #tpu.memory_space<vmem>> -> memref<1x128xi32, #tpu.memory_space<vmem>>
    %dma_start3A_199 = tpu.memref_squeeze %dma_start3A_198 : memref<1x128xi32, #tpu.memory_space<vmem>> -> memref<128xi32, #tpu.memory_space<vmem>>
    %dma_start3A_200 = arith.constant 0 : i32
    %dma_start3A_201 = arith.constant 0 : i32
    %dma_start3A_202 = tpu.memref_slice %arg2[%dma_start3A_200, %dma_start3A_201] : memref<100000x64xf32, #tpu.memory_space<hbm>> -> memref<100000x64xf32, #tpu.memory_space<hbm>>
    tpu.enqueue_indirect_dma source(%dma_start3A_202 : memref<100000x64xf32, #tpu.memory_space<hbm>>) target(%arg8 : memref<128x64xf32, #tpu.memory_space<vmem>>) offsets(%dma_start3A_199 : memref<128xi32, #tpu.memory_space<vmem>>) semaphore(%arg16 : memref<!tpu.dma_semaphore, #tpu.memory_space<semaphore_mem>>)
    %dma_wait3A_203 = arith.constant 0 : i32
    %dma_wait3A_204 = arith.constant 0 : i32
    %dma_wait3A_205 = tpu.memref_slice %arg5[%dma_wait3A_203, %dma_wait3A_204] : memref<200x128xi32, #tpu.memory_space<vmem>> -> memref<1x128xi32, #tpu.memory_space<vmem>>
    %dma_wait3A_206 = tpu.memref_squeeze %dma_wait3A_205 : memref<1x128xi32, #tpu.memory_space<vmem>> -> memref<128xi32, #tpu.memory_space<vmem>>
    %dma_wait3A_207 = arith.constant 0 : i32
    %dma_wait3A_208 = arith.constant 0 : i32
    %dma_wait3A_209 = tpu.memref_slice %arg2[%dma_wait3A_207, %dma_wait3A_208] : memref<100000x64xf32, #tpu.memory_space<hbm>> -> memref<100000x64xf32, #tpu.memory_space<hbm>>
    tpu.wait_indirect_dma semaphore(%arg17 : memref<!tpu.dma_semaphore, #tpu.memory_space<semaphore_mem>>) src(%dma_wait3A_209 : memref<100000x64xf32, #tpu.memory_space<hbm>>) dst(%arg9 : memref<128x64xf32, #tpu.memory_space<vmem>>)
    %scan3A_210 = arith.constant 0 : i32
    %scan3A_211 = arith.constant 128 : i32
    %scan3A_212 = arith.addi %scan3A_210, %scan3A_211 : i32
    %scan3A_213 = arith.constant 8 : i32
    scf.for %scan3A_324 = %scan3A_210 to %scan3A_212 step %scan3A_213  : i32 {
      %mul3A_325 = arith.constant 1 : i32
      %mul3A_326 = arith.muli %scan3A_324, %mul3A_325 : i32
      %add3A_327 = arith.constant 0 : i32
      %add3A_328 = arith.addi %add3A_327, %mul3A_326 : i32
      %broadcast_in_dim3A = vector.broadcast %add3A_328 : i32 to vector<16xi32>
      %get3A = arith.index_cast %add3A_328 : i32 to index
      %get3A_329 = arith.constant 0 : index
      %get3A_330 = tpu.vector_load %arg9[%get3A, %get3A_329] {strides = array<i32>} : memref<128x64xf32, #tpu.memory_space<vmem>>, vector<16xf32>,
      %get3A_331 = arith.index_cast %add3A_328 : i32 to index
      %get3A_332 = arith.constant 16 : index
      %get3A_333 = tpu.vector_load %arg9[%get3A_331, %get3A_332] {strides = array<i32>} : memref<128x64xf32, #tpu.memory_space<vmem>>, vector<16xf32>,
      %get3A_334 = arith.index_cast %add3A_328 : i32 to index
      %get3A_335 = arith.constant 32 : index
      %get3A_336 = tpu.vector_load %arg9[%get3A_334, %get3A_335] {strides = array<i32>} : memref<128x64xf32, #tpu.memory_space<vmem>>, vector<16xf32>,
      %get3A_337 = arith.index_cast %add3A_328 : i32 to index
      %get3A_338 = arith.constant 48 : index
      %get3A_339 = tpu.vector_load %arg9[%get3A_337, %get3A_338] {strides = array<i32>} : memref<128x64xf32, #tpu.memory_space<vmem>>, vector<16xf32>,
      tpu.vector_store_idx %arg13[%shift_right_arithmetic3A_7, %and3A_30, %broadcast_in_dim3A], %get3A_330 : memref<8x8x129xf32, #tpu.memory_space<vmem>>[vector<16xi32>, vector<16xi32>, vector<16xi32>], vector<16xf32>,
      tpu.vector_store_idx %arg13[%shift_right_arithmetic3A_13, %and3A_36, %broadcast_in_dim3A], %get3A_333 : memref<8x8x129xf32, #tpu.memory_space<vmem>>[vector<16xi32>, vector<16xi32>, vector<16xi32>], vector<16xf32>,
      tpu.vector_store_idx %arg13[%shift_right_arithmetic3A_19, %and3A_42, %broadcast_in_dim3A], %get3A_336 : memref<8x8x129xf32, #tpu.memory_space<vmem>>[vector<16xi32>, vector<16xi32>, vector<16xi32>], vector<16xf32>,
      tpu.vector_store_idx %arg13[%shift_right_arithmetic3A_25, %and3A_48, %broadcast_in_dim3A], %get3A_339 : memref<8x8x129xf32, #tpu.memory_space<vmem>>[vector<16xi32>, vector<16xi32>, vector<16xi32>], vector<16xf32>,
      %scan3A_340 = arith.constant 1 : i32
      %scan3A_341 = arith.addi %scan3A_324, %scan3A_340 : i32
      %mul3A_342 = arith.constant 1 : i32
      %mul3A_343 = arith.muli %scan3A_341, %mul3A_342 : i32
      %add3A_344 = arith.constant 0 : i32
      %add3A_345 = arith.addi %add3A_344, %mul3A_343 : i32
      %broadcast_in_dim3A_346 = vector.broadcast %add3A_345 : i32 to vector<16xi32>
      %get3A_347 = arith.index_cast %add3A_345 : i32 to index
      %get3A_348 = arith.constant 0 : index
      %get3A_349 = tpu.vector_load %arg9[%get3A_347, %get3A_348] {strides = array<i32>} : memref<128x64xf32, #tpu.memory_space<vmem>>, vector<16xf32>,
      %get3A_350 = arith.index_cast %add3A_345 : i32 to index
      %get3A_351 = arith.constant 16 : index
      %get3A_352 = tpu.vector_load %arg9[%get3A_350, %get3A_351] {strides = array<i32>} : memref<128x64xf32, #tpu.memory_space<vmem>>, vector<16xf32>,
      %get3A_353 = arith.index_cast %add3A_345 : i32 to index
      %get3A_354 = arith.constant 32 : index
      %get3A_355 = tpu.vector_load %arg9[%get3A_353, %get3A_354] {strides = array<i32>} : memref<128x64xf32, #tpu.memory_space<vmem>>, vector<16xf32>,
      %get3A_356 = arith.index_cast %add3A_345 : i32 to index
      %get3A_357 = arith.constant 48 : index
      %get3A_358 = tpu.vector_load %arg9[%get3A_356, %get3A_357] {strides = array<i32>} : memref<128x64xf32, #tpu.memory_space<vmem>>, vector<16xf32>,
      tpu.vector_store_idx %arg13[%shift_right_arithmetic3A_7, %and3A_30, %broadcast_in_dim3A_346], %get3A_349 : memref<8x8x129xf32, #tpu.memory_space<vmem>>[vector<16xi32>, vector<16xi32>, vector<16xi32>], vector<16xf32>,
      tpu.vector_store_idx %arg13[%shift_right_arithmetic3A_13, %and3A_36, %broadcast_in_dim3A_346], %get3A_352 : memref<8x8x129xf32, #tpu.memory_space<vmem>>[vector<16xi32>, vector<16xi32>, vector<16xi32>], vector<16xf32>,
      tpu.vector_store_idx %arg13[%shift_right_arithmetic3A_19, %and3A_42, %broadcast_in_dim3A_346], %get3A_355 : memref<8x8x129xf32, #tpu.memory_space<vmem>>[vector<16xi32>, vector<16xi32>, vector<16xi32>], vector<16xf32>,
      tpu.vector_store_idx %arg13[%shift_right_arithmetic3A_25, %and3A_48, %broadcast_in_dim3A_346], %get3A_358 : memref<8x8x129xf32, #tpu.memory_space<vmem>>[vector<16xi32>, vector<16xi32>, vector<16xi32>], vector<16xf32>,
      %scan3A_359 = arith.constant 2 : i32
      %scan3A_360 = arith.addi %scan3A_324, %scan3A_359 : i32
      %mul3A_361 = arith.constant 1 : i32
      %mul3A_362 = arith.muli %scan3A_360, %mul3A_361 : i32
      %add3A_363 = arith.constant 0 : i32
      %add3A_364 = arith.addi %add3A_363, %mul3A_362 : i32
      %broadcast_in_dim3A_365 = vector.broadcast %add3A_364 : i32 to vector<16xi32>
      %get3A_366 = arith.index_cast %add3A_364 : i32 to index
      %get3A_367 = arith.constant 0 : index
      %get3A_368 = tpu.vector_load %arg9[%get3A_366, %get3A_367] {strides = array<i32>} : memref<128x64xf32, #tpu.memory_space<vmem>>, vector<16xf32>,
      %get3A_369 = arith.index_cast %add3A_364 : i32 to index
      %get3A_370 = arith.constant 16 : index
      %get3A_371 = tpu.vector_load %arg9[%get3A_369, %get3A_370] {strides = array<i32>} : memref<128x64xf32, #tpu.memory_space<vmem>>, vector<16xf32>,
      %get3A_372 = arith.index_cast %add3A_364 : i32 to index
      %get3A_373 = arith.constant 32 : index
      %get3A_374 = tpu.vector_load %arg9[%get3A_372, %get3A_373] {strides = array<i32>} : memref<128x64xf32, #tpu.memory_space<vmem>>, vector<16xf32>,
      %get3A_375 = arith.index_cast %add3A_364 : i32 to index
      %get3A_376 = arith.constant 48 : index
      %get3A_377 = tpu.vector_load %arg9[%get3A_375, %get3A_376] {strides = array<i32>} : memref<128x64xf32, #tpu.memory_space<vmem>>, vector<16xf32>,
      tpu.vector_store_idx %arg13[%shift_right_arithmetic3A_7, %and3A_30, %broadcast_in_dim3A_365], %get3A_368 : memref<8x8x129xf32, #tpu.memory_space<vmem>>[vector<16xi32>, vector<16xi32>, vector<16xi32>], vector<16xf32>,
      tpu.vector_store_idx %arg13[%shift_right_arithmetic3A_13, %and3A_36, %broadcast_in_dim3A_365], %get3A_371 : memref<8x8x129xf32, #tpu.memory_space<vmem>>[vector<16xi32>, vector<16xi32>, vector<16xi32>], vector<16xf32>,
      tpu.vector_store_idx %arg13[%shift_right_arithmetic3A_19, %and3A_42, %broadcast_in_dim3A_365], %get3A_374 : memref<8x8x129xf32, #tpu.memory_space<vmem>>[vector<16xi32>, vector<16xi32>, vector<16xi32>], vector<16xf32>,
      tpu.vector_store_idx %arg13[%shift_right_arithmetic3A_25, %and3A_48, %broadcast_in_dim3A_365], %get3A_377 : memref<8x8x129xf32, #tpu.memory_space<vmem>>[vector<16xi32>, vector<16xi32>, vector<16xi32>], vector<16xf32>,
      %scan3A_378 = arith.constant 3 : i32
      %scan3A_379 = arith.addi %scan3A_324, %scan3A_378 : i32
      %mul3A_380 = arith.constant 1 : i32
      %mul3A_381 = arith.muli %scan3A_379, %mul3A_380 : i32
      %add3A_382 = arith.constant 0 : i32
      %add3A_383 = arith.addi %add3A_382, %mul3A_381 : i32
      %broadcast_in_dim3A_384 = vector.broadcast %add3A_383 : i32 to vector<16xi32>
      %get3A_385 = arith.index_cast %add3A_383 : i32 to index
      %get3A_386 = arith.constant 0 : index
      %get3A_387 = tpu.vector_load %arg9[%get3A_385, %get3A_386] {strides = array<i32>} : memref<128x64xf32, #tpu.memory_space<vmem>>, vector<16xf32>,
      %get3A_388 = arith.index_cast %add3A_383 : i32 to index
      %get3A_389 = arith.constant 16 : index
      %get3A_390 = tpu.vector_load %arg9[%get3A_388, %get3A_389] {strides = array<i32>} : memref<128x64xf32, #tpu.memory_space<vmem>>, vector<16xf32>,
      %get3A_391 = arith.index_cast %add3A_383 : i32 to index
      %get3A_392 = arith.constant 32 : index
      %get3A_393 = tpu.vector_load %arg9[%get3A_391, %get3A_392] {strides = array<i32>} : memref<128x64xf32, #tpu.memory_space<vmem>>, vector<16xf32>,
      %get3A_394 = arith.index_cast %add3A_383 : i32 to index
      %get3A_395 = arith.constant 48 : index
      %get3A_396 = tpu.vector_load %arg9[%get3A_394, %get3A_395] {strides = array<i32>} : memref<128x64xf32, #tpu.memory_space<vmem>>, vector<16xf32>,
      tpu.vector_store_idx %arg13[%shift_right_arithmetic3A_7, %and3A_30, %broadcast_in_dim3A_384], %get3A_387 : memref<8x8x129xf32, #tpu.memory_space<vmem>>[vector<16xi32>, vector<16xi32>, vector<16xi32>], vector<16xf32>,
      tpu.vector_store_idx %arg13[%shift_right_arithmetic3A_13, %and3A_36, %broadcast_in_dim3A_384], %get3A_390 : memref<8x8x129xf32, #tpu.memory_space<vmem>>[vector<16xi32>, vector<16xi32>, vector<16xi32>], vector<16xf32>,
      tpu.vector_store_idx %arg13[%shift_right_arithmetic3A_19, %and3A_42, %broadcast_in_dim3A_384], %get3A_393 : memref<8x8x129xf32, #tpu.memory_space<vmem>>[vector<16xi32>, vector<16xi32>, vector<16xi32>], vector<16xf32>,
      tpu.vector_store_idx %arg13[%shift_right_arithmetic3A_25, %and3A_48, %broadcast_in_dim3A_384], %get3A_396 : memref<8x8x129xf32, #tpu.memory_space<vmem>>[vector<16xi32>, vector<16xi32>, vector<16xi32>], vector<16xf32>,
      %scan3A_397 = arith.constant 4 : i32
      %scan3A_398 = arith.addi %scan3A_324, %scan3A_397 : i32
      %mul3A_399 = arith.constant 1 : i32
      %mul3A_400 = arith.muli %scan3A_398, %mul3A_399 : i32
      %add3A_401 = arith.constant 0 : i32
      %add3A_402 = arith.addi %add3A_401, %mul3A_400 : i32
      %broadcast_in_dim3A_403 = vector.broadcast %add3A_402 : i32 to vector<16xi32>
      %get3A_404 = arith.index_cast %add3A_402 : i32 to index
      %get3A_405 = arith.constant 0 : index
      %get3A_406 = tpu.vector_load %arg9[%get3A_404, %get3A_405] {strides = array<i32>} : memref<128x64xf32, #tpu.memory_space<vmem>>, vector<16xf32>,
      %get3A_407 = arith.index_cast %add3A_402 : i32 to index
      %get3A_408 = arith.constant 16 : index
      %get3A_409 = tpu.vector_load %arg9[%get3A_407, %get3A_408] {strides = array<i32>} : memref<128x64xf32, #tpu.memory_space<vmem>>, vector<16xf32>,
      %get3A_410 = arith.index_cast %add3A_402 : i32 to index
      %get3A_411 = arith.constant 32 : index
      %get3A_412 = tpu.vector_load %arg9[%get3A_410, %get3A_411] {strides = array<i32>} : memref<128x64xf32, #tpu.memory_space<vmem>>, vector<16xf32>,
      %get3A_413 = arith.index_cast %add3A_402 : i32 to index
      %get3A_414 = arith.constant 48 : index
      %get3A_415 = tpu.vector_load %arg9[%get3A_413, %get3A_414] {strides = array<i32>} : memref<128x64xf32, #tpu.memory_space<vmem>>, vector<16xf32>,
      tpu.vector_store_idx %arg13[%shift_right_arithmetic3A_7, %and3A_30, %broadcast_in_dim3A_403], %get3A_406 : memref<8x8x129xf32, #tpu.memory_space<vmem>>[vector<16xi32>, vector<16xi32>, vector<16xi32>], vector<16xf32>,
      tpu.vector_store_idx %arg13[%shift_right_arithmetic3A_13, %and3A_36, %broadcast_in_dim3A_403], %get3A_409 : memref<8x8x129xf32, #tpu.memory_space<vmem>>[vector<16xi32>, vector<16xi32>, vector<16xi32>], vector<16xf32>,
      tpu.vector_store_idx %arg13[%shift_right_arithmetic3A_19, %and3A_42, %broadcast_in_dim3A_403], %get3A_412 : memref<8x8x129xf32, #tpu.memory_space<vmem>>[vector<16xi32>, vector<16xi32>, vector<16xi32>], vector<16xf32>,
      tpu.vector_store_idx %arg13[%shift_right_arithmetic3A_25, %and3A_48, %broadcast_in_dim3A_403], %get3A_415 : memref<8x8x129xf32, #tpu.memory_space<vmem>>[vector<16xi32>, vector<16xi32>, vector<16xi32>], vector<16xf32>,
      %scan3A_416 = arith.constant 5 : i32
      %scan3A_417 = arith.addi %scan3A_324, %scan3A_416 : i32
      %mul3A_418 = arith.constant 1 : i32
      %mul3A_419 = arith.muli %scan3A_417, %mul3A_418 : i32
      %add3A_420 = arith.constant 0 : i32
      %add3A_421 = arith.addi %add3A_420, %mul3A_419 : i32
      %broadcast_in_dim3A_422 = vector.broadcast %add3A_421 : i32 to vector<16xi32>
      %get3A_423 = arith.index_cast %add3A_421 : i32 to index
      %get3A_424 = arith.constant 0 : index
      %get3A_425 = tpu.vector_load %arg9[%get3A_423, %get3A_424] {strides = array<i32>} : memref<128x64xf32, #tpu.memory_space<vmem>>, vector<16xf32>,
      %get3A_426 = arith.index_cast %add3A_421 : i32 to index
      %get3A_427 = arith.constant 16 : index
      %get3A_428 = tpu.vector_load %arg9[%get3A_426, %get3A_427] {strides = array<i32>} : memref<128x64xf32, #tpu.memory_space<vmem>>, vector<16xf32>,
      %get3A_429 = arith.index_cast %add3A_421 : i32 to index
      %get3A_430 = arith.constant 32 : index
      %get3A_431 = tpu.vector_load %arg9[%get3A_429, %get3A_430] {strides = array<i32>} : memref<128x64xf32, #tpu.memory_space<vmem>>, vector<16xf32>,
      %get3A_432 = arith.index_cast %add3A_421 : i32 to index
      %get3A_433 = arith.constant 48 : index
      %get3A_434 = tpu.vector_load %arg9[%get3A_432, %get3A_433] {strides = array<i32>} : memref<128x64xf32, #tpu.memory_space<vmem>>, vector<16xf32>,
      tpu.vector_store_idx %arg13[%shift_right_arithmetic3A_7, %and3A_30, %broadcast_in_dim3A_422], %get3A_425 : memref<8x8x129xf32, #tpu.memory_space<vmem>>[vector<16xi32>, vector<16xi32>, vector<16xi32>], vector<16xf32>,
      tpu.vector_store_idx %arg13[%shift_right_arithmetic3A_13, %and3A_36, %broadcast_in_dim3A_422], %get3A_428 : memref<8x8x129xf32, #tpu.memory_space<vmem>>[vector<16xi32>, vector<16xi32>, vector<16xi32>], vector<16xf32>,
      tpu.vector_store_idx %arg13[%shift_right_arithmetic3A_19, %and3A_42, %broadcast_in_dim3A_422], %get3A_431 : memref<8x8x129xf32, #tpu.memory_space<vmem>>[vector<16xi32>, vector<16xi32>, vector<16xi32>], vector<16xf32>,
      tpu.vector_store_idx %arg13[%shift_right_arithmetic3A_25, %and3A_48, %broadcast_in_dim3A_422], %get3A_434 : memref<8x8x129xf32, #tpu.memory_space<vmem>>[vector<16xi32>, vector<16xi32>, vector<16xi32>], vector<16xf32>,
      %scan3A_435 = arith.constant 6 : i32
      %scan3A_436 = arith.addi %scan3A_324, %scan3A_435 : i32
      %mul3A_437 = arith.constant 1 : i32
      %mul3A_438 = arith.muli %scan3A_436, %mul3A_437 : i32
      %add3A_439 = arith.constant 0 : i32
      %add3A_440 = arith.addi %add3A_439, %mul3A_438 : i32
      %broadcast_in_dim3A_441 = vector.broadcast %add3A_440 : i32 to vector<16xi32>
      %get3A_442 = arith.index_cast %add3A_440 : i32 to index
      %get3A_443 = arith.constant 0 : index
      %get3A_444 = tpu.vector_load %arg9[%get3A_442, %get3A_443] {strides = array<i32>} : memref<128x64xf32, #tpu.memory_space<vmem>>, vector<16xf32>,
      %get3A_445 = arith.index_cast %add3A_440 : i32 to index
      %get3A_446 = arith.constant 16 : index
      %get3A_447 = tpu.vector_load %arg9[%get3A_445, %get3A_446] {strides = array<i32>} : memref<128x64xf32, #tpu.memory_space<vmem>>, vector<16xf32>,
      %get3A_448 = arith.index_cast %add3A_440 : i32 to index
      %get3A_449 = arith.constant 32 : index
      %get3A_450 = tpu.vector_load %arg9[%get3A_448, %get3A_449] {strides = array<i32>} : memref<128x64xf32, #tpu.memory_space<vmem>>, vector<16xf32>,
      %get3A_451 = arith.index_cast %add3A_440 : i32 to index
      %get3A_452 = arith.constant 48 : index
      %get3A_453 = tpu.vector_load %arg9[%get3A_451, %get3A_452] {strides = array<i32>} : memref<128x64xf32, #tpu.memory_space<vmem>>, vector<16xf32>,
      tpu.vector_store_idx %arg13[%shift_right_arithmetic3A_7, %and3A_30, %broadcast_in_dim3A_441], %get3A_444 : memref<8x8x129xf32, #tpu.memory_space<vmem>>[vector<16xi32>, vector<16xi32>, vector<16xi32>], vector<16xf32>,
      tpu.vector_store_idx %arg13[%shift_right_arithmetic3A_13, %and3A_36, %broadcast_in_dim3A_441], %get3A_447 : memref<8x8x129xf32, #tpu.memory_space<vmem>>[vector<16xi32>, vector<16xi32>, vector<16xi32>], vector<16xf32>,
      tpu.vector_store_idx %arg13[%shift_right_arithmetic3A_19, %and3A_42, %broadcast_in_dim3A_441], %get3A_450 : memref<8x8x129xf32, #tpu.memory_space<vmem>>[vector<16xi32>, vector<16xi32>, vector<16xi32>], vector<16xf32>,
      tpu.vector_store_idx %arg13[%shift_right_arithmetic3A_25, %and3A_48, %broadcast_in_dim3A_441], %get3A_453 : memref<8x8x129xf32, #tpu.memory_space<vmem>>[vector<16xi32>, vector<16xi32>, vector<16xi32>], vector<16xf32>,
      %scan3A_454 = arith.constant 7 : i32
      %scan3A_455 = arith.addi %scan3A_324, %scan3A_454 : i32
      %mul3A_456 = arith.constant 1 : i32
      %mul3A_457 = arith.muli %scan3A_455, %mul3A_456 : i32
      %add3A_458 = arith.constant 0 : i32
      %add3A_459 = arith.addi %add3A_458, %mul3A_457 : i32
      %broadcast_in_dim3A_460 = vector.broadcast %add3A_459 : i32 to vector<16xi32>
      %get3A_461 = arith.index_cast %add3A_459 : i32 to index
      %get3A_462 = arith.constant 0 : index
      %get3A_463 = tpu.vector_load %arg9[%get3A_461, %get3A_462] {strides = array<i32>} : memref<128x64xf32, #tpu.memory_space<vmem>>, vector<16xf32>,
      %get3A_464 = arith.index_cast %add3A_459 : i32 to index
      %get3A_465 = arith.constant 16 : index
      %get3A_466 = tpu.vector_load %arg9[%get3A_464, %get3A_465] {strides = array<i32>} : memref<128x64xf32, #tpu.memory_space<vmem>>, vector<16xf32>,
      %get3A_467 = arith.index_cast %add3A_459 : i32 to index
      %get3A_468 = arith.constant 32 : index
      %get3A_469 = tpu.vector_load %arg9[%get3A_467, %get3A_468] {strides = array<i32>} : memref<128x64xf32, #tpu.memory_space<vmem>>, vector<16xf32>,
      %get3A_470 = arith.index_cast %add3A_459 : i32 to index
      %get3A_471 = arith.constant 48 : index
      %get3A_472 = tpu.vector_load %arg9[%get3A_470, %get3A_471] {strides = array<i32>} : memref<128x64xf32, #tpu.memory_space<vmem>>, vector<16xf32>,
      tpu.vector_store_idx %arg13[%shift_right_arithmetic3A_7, %and3A_30, %broadcast_in_dim3A_460], %get3A_463 : memref<8x8x129xf32, #tpu.memory_space<vmem>>[vector<16xi32>, vector<16xi32>, vector<16xi32>], vector<16xf32>,
      tpu.vector_store_idx %arg13[%shift_right_arithmetic3A_13, %and3A_36, %broadcast_in_dim3A_460], %get3A_466 : memref<8x8x129xf32, #tpu.memory_space<vmem>>[vector<16xi32>, vector<16xi32>, vector<16xi32>], vector<16xf32>,
      tpu.vector_store_idx %arg13[%shift_right_arithmetic3A_19, %and3A_42, %broadcast_in_dim3A_460], %get3A_469 : memref<8x8x129xf32, #tpu.memory_space<vmem>>[vector<16xi32>, vector<16xi32>, vector<16xi32>], vector<16xf32>,
      tpu.vector_store_idx %arg13[%shift_right_arithmetic3A_25, %and3A_48, %broadcast_in_dim3A_460], %get3A_472 : memref<8x8x129xf32, #tpu.memory_space<vmem>>[vector<16xi32>, vector<16xi32>, vector<16xi32>], vector<16xf32>,
    }
    %scan3A_214 = arith.constant 128 : i32
    %add3A_215 = arith.constant 3 : i32
    %add3A_216 = arith.addi %mul3A_2, %add3A_215 : i32
    %shift_right_arithmetic3A_217 = arith.constant 5 : i32
    %shift_right_arithmetic3A_218 = arith.shrsi %add3A_216, %shift_right_arithmetic3A_217 : i32
    %and3A_219 = arith.constant 31 : i32
    %and3A_220 = arith.andi %add3A_216, %and3A_219 : i32
    %dma_start3A_221 = arith.constant 0 : i32
    %dma_start3A_222 = arith.constant 0 : i32
    %dma_start3A_223 = arith.constant 0 : i32
    %dma_start3A_224 = tpu.memref_slice %arg13[%dma_start3A_221, %dma_start3A_222, %dma_start3A_223] : memref<8x8x129xf32, #tpu.memory_space<vmem>> -> memref<8x8x128xf32, #tpu.memory_space<vmem>>
    %dma_start3A_225 = arith.constant 0 : i32
    %dma_start3A_226 = arith.constant 0 : i32
    %dma_start3A_227 = arith.constant 0 : i32
    %dma_start3A_228 = tpu.memref_slice %arg4[%shift_right_arithmetic3A_218, %dma_start3A_225, %and3A_220, %dma_start3A_226, %dma_start3A_227] : memref<200x8x32x8x128xf32, #tpu.memory_space<hbm>> -> memref<1x8x1x8x128xf32, #tpu.memory_space<hbm>>
    %dma_start3A_229 = tpu.memref_squeeze %dma_start3A_228 : memref<1x8x1x8x128xf32, #tpu.memory_space<hbm>> -> memref<8x8x128xf32, #tpu.memory_space<hbm>>
    %dma_start3A_230 = arith.constant 0 : i32
    %dma_start3A_231 = arith.constant 0 : i32
    %dma_start3A_232 = arith.constant 0 : i32
    %dma_start3A_233 = tpu.memref_slice %arg4[%shift_right_arithmetic3A_218, %dma_start3A_230, %and3A_220, %dma_start3A_231, %dma_start3A_232] : memref<200x8x32x8x128xf32, #tpu.memory_space<hbm>> -> memref<1x8x1x8x128xf32, #tpu.memory_space<hbm>>
    %dma_start3A_234 = tpu.memref_squeeze %dma_start3A_233 : memref<1x8x1x8x128xf32, #tpu.memory_space<hbm>> -> memref<8x8x128xf32, #tpu.memory_space<hbm>>
    %dma_start3A_235 = arith.constant 0 : i32
    %dma_start3A_236 = arith.constant 0 : i32
    %dma_start3A_237 = arith.constant 0 : i32
    %dma_start3A_238 = tpu.memref_slice %arg13[%dma_start3A_235, %dma_start3A_236, %dma_start3A_237] : memref<8x8x129xf32, #tpu.memory_space<vmem>> -> memref<8x8x128xf32, #tpu.memory_space<vmem>>
    tpu.enqueue_dma source(%dma_start3A_238 : memref<8x8x128xf32, #tpu.memory_space<vmem>>) target(%dma_start3A_234 : memref<8x8x128xf32, #tpu.memory_space<hbm>>) target_semaphore(%arg21 : memref<!tpu.dma_semaphore, #tpu.memory_space<semaphore_mem>>)
    %scan3A_239 = arith.constant 0 : i32
    %scan3A_240 = arith.constant 49 : i32
    %scan3A_241 = arith.addi %scan3A_239, %scan3A_240 : i32
    %scan3A_242 = arith.constant 1 : i32
    scf.for %scan3A_324 = %scan3A_239 to %scan3A_241 step %scan3A_242  : i32 {
      %mul3A_325 = arith.constant 1 : i32
      %mul3A_326 = arith.muli %scan3A_324, %mul3A_325 : i32
      %add3A_327 = arith.constant 1 : i32
      %add3A_328 = arith.addi %add3A_327, %mul3A_326 : i32
      %mul3A_329 = arith.constant 4 : i32
      %mul3A_330 = arith.muli %mul3A_329, %add3A_328 : i32
      %add3A_331 = arith.constant 0 : i32
      %add3A_332 = arith.addi %mul3A_330, %add3A_331 : i32
      %dma_wait3A_333 = arith.constant 0 : i32
      %dma_wait3A_334 = arith.constant 0 : i32
      %dma_wait3A_335 = arith.constant 0 : i32
      %dma_wait3A_336 = arith.constant 0 : i32
      %dma_wait3A_337 = arith.constant 0 : i32
      %dma_wait3A_338 = tpu.memref_slice %arg10[%dma_wait3A_335, %dma_wait3A_336, %dma_wait3A_337] : memref<8x8x129xf32, #tpu.memory_space<vmem>> -> memref<8x8x128xf32, #tpu.memory_space<vmem>>
      %dma_wait3A_339 = arith.constant 0 : i32
      %dma_wait3A_340 = arith.constant 0 : i32
      %dma_wait3A_341 = arith.constant 0 : i32
      %dma_wait3A_342 = tpu.memref_slice %arg4[%dma_wait3A_333, %dma_wait3A_339, %dma_wait3A_334, %dma_wait3A_340, %dma_wait3A_341] : memref<200x8x32x8x128xf32, #tpu.memory_space<hbm>> -> memref<1x8x1x8x128xf32, #tpu.memory_space<hbm>>
      %dma_wait3A_343 = tpu.memref_squeeze %dma_wait3A_342 : memref<1x8x1x8x128xf32, #tpu.memory_space<hbm>> -> memref<8x8x128xf32, #tpu.memory_space<hbm>>
      %dma_wait3A_344 = arith.constant 0 : i32
      %dma_wait3A_345 = arith.constant 0 : i32
      %dma_wait3A_346 = arith.constant 0 : i32
      %dma_wait3A_347 = tpu.memref_slice %arg4[%dma_wait3A_333, %dma_wait3A_344, %dma_wait3A_334, %dma_wait3A_345, %dma_wait3A_346] : memref<200x8x32x8x128xf32, #tpu.memory_space<hbm>> -> memref<1x8x1x8x128xf32, #tpu.memory_space<hbm>>
      %dma_wait3A_348 = tpu.memref_squeeze %dma_wait3A_347 : memref<1x8x1x8x128xf32, #tpu.memory_space<hbm>> -> memref<8x8x128xf32, #tpu.memory_space<hbm>>
      %dma_wait3A_349 = arith.constant 0 : i32
      %dma_wait3A_350 = arith.constant 0 : i32
      %dma_wait3A_351 = arith.constant 0 : i32
      %dma_wait3A_352 = tpu.memref_slice %arg10[%dma_wait3A_349, %dma_wait3A_350, %dma_wait3A_351] : memref<8x8x129xf32, #tpu.memory_space<vmem>> -> memref<8x8x128xf32, #tpu.memory_space<vmem>>
      tpu.wait_dma2 semaphore(%arg18 : memref<!tpu.dma_semaphore, #tpu.memory_space<semaphore_mem>>) src(%dma_wait3A_352 : memref<8x8x128xf32, #tpu.memory_space<vmem>>) dst(%dma_wait3A_348 : memref<8x8x128xf32, #tpu.memory_space<hbm>>)
      %add3A_353 = arith.constant 3 : i32
      %add3A_354 = arith.addi %add3A_332, %add3A_353 : i32
      %lt3A = arith.constant 200 : i32
      %lt3A_355 = arith.cmpi slt, %add3A_354, %lt3A : i32
      %convert_element_type3A = arith.extui %lt3A_355 : i1 to i32
      %cond3A = arith.constant 0 : i32
      %cond3A_356 = arith.cmpi ne, %convert_element_type3A, %cond3A : i32
      scf.if %cond3A_356 {
        %add3A_590 = arith.constant 3 : i32
        %add3A_591 = arith.addi %add3A_332, %add3A_590 : i32
        %dma_start3A_592 = arith.constant 0 : i32
        %dma_start3A_593 = tpu.memref_slice %arg5[%add3A_591, %dma_start3A_592] : memref<200x128xi32, #tpu.memory_space<vmem>> -> memref<1x128xi32, #tpu.memory_space<vmem>>
        %dma_start3A_594 = tpu.memref_squeeze %dma_start3A_593 : memref<1x128xi32, #tpu.memory_space<vmem>> -> memref<128xi32, #tpu.memory_space<vmem>>
        %dma_start3A_595 = arith.constant 0 : i32
        %dma_start3A_596 = arith.constant 0 : i32
        %dma_start3A_597 = tpu.memref_slice %arg2[%dma_start3A_595, %dma_start3A_596] : memref<100000x64xf32, #tpu.memory_space<hbm>> -> memref<100000x64xf32, #tpu.memory_space<hbm>>
        tpu.enqueue_indirect_dma source(%dma_start3A_597 : memref<100000x64xf32, #tpu.memory_space<hbm>>) target(%arg9 : memref<128x64xf32, #tpu.memory_space<vmem>>) offsets(%dma_start3A_594 : memref<128xi32, #tpu.memory_space<vmem>>) semaphore(%arg17 : memref<!tpu.dma_semaphore, #tpu.memory_space<semaphore_mem>>)
      } else {
      }
      %dma_wait3A_357 = arith.constant 0 : i32
      %dma_wait3A_358 = arith.constant 0 : i32
      %dma_wait3A_359 = tpu.memref_slice %arg5[%dma_wait3A_357, %dma_wait3A_358] : memref<200x128xi32, #tpu.memory_space<vmem>> -> memref<1x128xi32, #tpu.memory_space<vmem>>
      %dma_wait3A_360 = tpu.memref_squeeze %dma_wait3A_359 : memref<1x128xi32, #tpu.memory_space<vmem>> -> memref<128xi32, #tpu.memory_space<vmem>>
      %dma_wait3A_361 = arith.constant 0 : i32
      %dma_wait3A_362 = arith.constant 0 : i32
      %dma_wait3A_363 = tpu.memref_slice %arg2[%dma_wait3A_361, %dma_wait3A_362] : memref<100000x64xf32, #tpu.memory_space<hbm>> -> memref<100000x64xf32, #tpu.memory_space<hbm>>
      tpu.wait_indirect_dma semaphore(%arg14 : memref<!tpu.dma_semaphore, #tpu.memory_space<semaphore_mem>>) src(%dma_wait3A_363 : memref<100000x64xf32, #tpu.memory_space<hbm>>) dst(%arg6 : memref<128x64xf32, #tpu.memory_space<vmem>>)
      %scan3A_364 = arith.constant 0 : i32
      %scan3A_365 = arith.constant 128 : i32
      %scan3A_366 = arith.addi %scan3A_364, %scan3A_365 : i32
      %scan3A_367 = arith.constant 8 : i32
      scf.for %scan3A_590 = %scan3A_364 to %scan3A_366 step %scan3A_367  : i32 {
        %mul3A_591 = arith.constant 1 : i32
        %mul3A_592 = arith.muli %scan3A_590, %mul3A_591 : i32
        %add3A_593 = arith.constant 0 : i32
        %add3A_594 = arith.addi %add3A_593, %mul3A_592 : i32
        %broadcast_in_dim3A = vector.broadcast %add3A_594 : i32 to vector<16xi32>
        %get3A = arith.index_cast %add3A_594 : i32 to index
        %get3A_595 = arith.constant 0 : index
        %get3A_596 = tpu.vector_load %arg6[%get3A, %get3A_595] {strides = array<i32>} : memref<128x64xf32, #tpu.memory_space<vmem>>, vector<16xf32>,
        %get3A_597 = arith.index_cast %add3A_594 : i32 to index
        %get3A_598 = arith.constant 16 : index
        %get3A_599 = tpu.vector_load %arg6[%get3A_597, %get3A_598] {strides = array<i32>} : memref<128x64xf32, #tpu.memory_space<vmem>>, vector<16xf32>,
        %get3A_600 = arith.index_cast %add3A_594 : i32 to index
        %get3A_601 = arith.constant 32 : index
        %get3A_602 = tpu.vector_load %arg6[%get3A_600, %get3A_601] {strides = array<i32>} : memref<128x64xf32, #tpu.memory_space<vmem>>, vector<16xf32>,
        %get3A_603 = arith.index_cast %add3A_594 : i32 to index
        %get3A_604 = arith.constant 48 : index
        %get3A_605 = tpu.vector_load %arg6[%get3A_603, %get3A_604] {strides = array<i32>} : memref<128x64xf32, #tpu.memory_space<vmem>>, vector<16xf32>,
        tpu.vector_store_idx %arg10[%shift_right_arithmetic3A_7, %and3A_30, %broadcast_in_dim3A], %get3A_596 : memref<8x8x129xf32, #tpu.memory_space<vmem>>[vector<16xi32>, vector<16xi32>, vector<16xi32>], vector<16xf32>,
        tpu.vector_store_idx %arg10[%shift_right_arithmetic3A_13, %and3A_36, %broadcast_in_dim3A], %get3A_599 : memref<8x8x129xf32, #tpu.memory_space<vmem>>[vector<16xi32>, vector<16xi32>, vector<16xi32>], vector<16xf32>,
        tpu.vector_store_idx %arg10[%shift_right_arithmetic3A_19, %and3A_42, %broadcast_in_dim3A], %get3A_602 : memref<8x8x129xf32, #tpu.memory_space<vmem>>[vector<16xi32>, vector<16xi32>, vector<16xi32>], vector<16xf32>,
        tpu.vector_store_idx %arg10[%shift_right_arithmetic3A_25, %and3A_48, %broadcast_in_dim3A], %get3A_605 : memref<8x8x129xf32, #tpu.memory_space<vmem>>[vector<16xi32>, vector<16xi32>, vector<16xi32>], vector<16xf32>,
        %scan3A_606 = arith.constant 1 : i32
        %scan3A_607 = arith.addi %scan3A_590, %scan3A_606 : i32
        %mul3A_608 = arith.constant 1 : i32
        %mul3A_609 = arith.muli %scan3A_607, %mul3A_608 : i32
        %add3A_610 = arith.constant 0 : i32
        %add3A_611 = arith.addi %add3A_610, %mul3A_609 : i32
        %broadcast_in_dim3A_612 = vector.broadcast %add3A_611 : i32 to vector<16xi32>
        %get3A_613 = arith.index_cast %add3A_611 : i32 to index
        %get3A_614 = arith.constant 0 : index
        %get3A_615 = tpu.vector_load %arg6[%get3A_613, %get3A_614] {strides = array<i32>} : memref<128x64xf32, #tpu.memory_space<vmem>>, vector<16xf32>,
        %get3A_616 = arith.index_cast %add3A_611 : i32 to index
        %get3A_617 = arith.constant 16 : index
        %get3A_618 = tpu.vector_load %arg6[%get3A_616, %get3A_617] {strides = array<i32>} : memref<128x64xf32, #tpu.memory_space<vmem>>, vector<16xf32>,
        %get3A_619 = arith.index_cast %add3A_611 : i32 to index
        %get3A_620 = arith.constant 32 : index
        %get3A_621 = tpu.vector_load %arg6[%get3A_619, %get3A_620] {strides = array<i32>} : memref<128x64xf32, #tpu.memory_space<vmem>>, vector<16xf32>,
        %get3A_622 = arith.index_cast %add3A_611 : i32 to index
        %get3A_623 = arith.constant 48 : index
        %get3A_624 = tpu.vector_load %arg6[%get3A_622, %get3A_623] {strides = array<i32>} : memref<128x64xf32, #tpu.memory_space<vmem>>, vector<16xf32>,
        tpu.vector_store_idx %arg10[%shift_right_arithmetic3A_7, %and3A_30, %broadcast_in_dim3A_612], %get3A_615 : memref<8x8x129xf32, #tpu.memory_space<vmem>>[vector<16xi32>, vector<16xi32>, vector<16xi32>], vector<16xf32>,
        tpu.vector_store_idx %arg10[%shift_right_arithmetic3A_13, %and3A_36, %broadcast_in_dim3A_612], %get3A_618 : memref<8x8x129xf32, #tpu.memory_space<vmem>>[vector<16xi32>, vector<16xi32>, vector<16xi32>], vector<16xf32>,
        tpu.vector_store_idx %arg10[%shift_right_arithmetic3A_19, %and3A_42, %broadcast_in_dim3A_612], %get3A_621 : memref<8x8x129xf32, #tpu.memory_space<vmem>>[vector<16xi32>, vector<16xi32>, vector<16xi32>], vector<16xf32>,
        tpu.vector_store_idx %arg10[%shift_right_arithmetic3A_25, %and3A_48, %broadcast_in_dim3A_612], %get3A_624 : memref<8x8x129xf32, #tpu.memory_space<vmem>>[vector<16xi32>, vector<16xi32>, vector<16xi32>], vector<16xf32>,
        %scan3A_625 = arith.constant 2 : i32
        %scan3A_626 = arith.addi %scan3A_590, %scan3A_625 : i32
        %mul3A_627 = arith.constant 1 : i32
        %mul3A_628 = arith.muli %scan3A_626, %mul3A_627 : i32
        %add3A_629 = arith.constant 0 : i32
        %add3A_630 = arith.addi %add3A_629, %mul3A_628 : i32
        %broadcast_in_dim3A_631 = vector.broadcast %add3A_630 : i32 to vector<16xi32>
        %get3A_632 = arith.index_cast %add3A_630 : i32 to index
        %get3A_633 = arith.constant 0 : index
        %get3A_634 = tpu.vector_load %arg6[%get3A_632, %get3A_633] {strides = array<i32>} : memref<128x64xf32, #tpu.memory_space<vmem>>, vector<16xf32>,
        %get3A_635 = arith.index_cast %add3A_630 : i32 to index
        %get3A_636 = arith.constant 16 : index
        %get3A_637 = tpu.vector_load %arg6[%get3A_635, %get3A_636] {strides = array<i32>} : memref<128x64xf32, #tpu.memory_space<vmem>>, vector<16xf32>,
        %get3A_638 = arith.index_cast %add3A_630 : i32 to index
        %get3A_639 = arith.constant 32 : index
        %get3A_640 = tpu.vector_load %arg6[%get3A_638, %get3A_639] {strides = array<i32>} : memref<128x64xf32, #tpu.memory_space<vmem>>, vector<16xf32>,
        %get3A_641 = arith.index_cast %add3A_630 : i32 to index
        %get3A_642 = arith.constant 48 : index
        %get3A_643 = tpu.vector_load %arg6[%get3A_641, %get3A_642] {strides = array<i32>} : memref<128x64xf32, #tpu.memory_space<vmem>>, vector<16xf32>,
        tpu.vector_store_idx %arg10[%shift_right_arithmetic3A_7, %and3A_30, %broadcast_in_dim3A_631], %get3A_634 : memref<8x8x129xf32, #tpu.memory_space<vmem>>[vector<16xi32>, vector<16xi32>, vector<16xi32>], vector<16xf32>,
        tpu.vector_store_idx %arg10[%shift_right_arithmetic3A_13, %and3A_36, %broadcast_in_dim3A_631], %get3A_637 : memref<8x8x129xf32, #tpu.memory_space<vmem>>[vector<16xi32>, vector<16xi32>, vector<16xi32>], vector<16xf32>,
        tpu.vector_store_idx %arg10[%shift_right_arithmetic3A_19, %and3A_42, %broadcast_in_dim3A_631], %get3A_640 : memref<8x8x129xf32, #tpu.memory_space<vmem>>[vector<16xi32>, vector<16xi32>, vector<16xi32>], vector<16xf32>,
        tpu.vector_store_idx %arg10[%shift_right_arithmetic3A_25, %and3A_48, %broadcast_in_dim3A_631], %get3A_643 : memref<8x8x129xf32, #tpu.memory_space<vmem>>[vector<16xi32>, vector<16xi32>, vector<16xi32>], vector<16xf32>,
        %scan3A_644 = arith.constant 3 : i32
        %scan3A_645 = arith.addi %scan3A_590, %scan3A_644 : i32
        %mul3A_646 = arith.constant 1 : i32
        %mul3A_647 = arith.muli %scan3A_645, %mul3A_646 : i32
        %add3A_648 = arith.constant 0 : i32
        %add3A_649 = arith.addi %add3A_648, %mul3A_647 : i32
        %broadcast_in_dim3A_650 = vector.broadcast %add3A_649 : i32 to vector<16xi32>
        %get3A_651 = arith.index_cast %add3A_649 : i32 to index
        %get3A_652 = arith.constant 0 : index
        %get3A_653 = tpu.vector_load %arg6[%get3A_651, %get3A_652] {strides = array<i32>} : memref<128x64xf32, #tpu.memory_space<vmem>>, vector<16xf32>,
        %get3A_654 = arith.index_cast %add3A_649 : i32 to index
        %get3A_655 = arith.constant 16 : index
        %get3A_656 = tpu.vector_load %arg6[%get3A_654, %get3A_655] {strides = array<i32>} : memref<128x64xf32, #tpu.memory_space<vmem>>, vector<16xf32>,
        %get3A_657 = arith.index_cast %add3A_649 : i32 to index
        %get3A_658 = arith.constant 32 : index
        %get3A_659 = tpu.vector_load %arg6[%get3A_657, %get3A_658] {strides = array<i32>} : memref<128x64xf32, #tpu.memory_space<vmem>>, vector<16xf32>,
        %get3A_660 = arith.index_cast %add3A_649 : i32 to index
        %get3A_661 = arith.constant 48 : index
        %get3A_662 = tpu.vector_load %arg6[%get3A_660, %get3A_661] {strides = array<i32>} : memref<128x64xf32, #tpu.memory_space<vmem>>, vector<16xf32>,
        tpu.vector_store_idx %arg10[%shift_right_arithmetic3A_7, %and3A_30, %broadcast_in_dim3A_650], %get3A_653 : memref<8x8x129xf32, #tpu.memory_space<vmem>>[vector<16xi32>, vector<16xi32>, vector<16xi32>], vector<16xf32>,
        tpu.vector_store_idx %arg10[%shift_right_arithmetic3A_13, %and3A_36, %broadcast_in_dim3A_650], %get3A_656 : memref<8x8x129xf32, #tpu.memory_space<vmem>>[vector<16xi32>, vector<16xi32>, vector<16xi32>], vector<16xf32>,
        tpu.vector_store_idx %arg10[%shift_right_arithmetic3A_19, %and3A_42, %broadcast_in_dim3A_650], %get3A_659 : memref<8x8x129xf32, #tpu.memory_space<vmem>>[vector<16xi32>, vector<16xi32>, vector<16xi32>], vector<16xf32>,
        tpu.vector_store_idx %arg10[%shift_right_arithmetic3A_25, %and3A_48, %broadcast_in_dim3A_650], %get3A_662 : memref<8x8x129xf32, #tpu.memory_space<vmem>>[vector<16xi32>, vector<16xi32>, vector<16xi32>], vector<16xf32>,
        %scan3A_663 = arith.constant 4 : i32
        %scan3A_664 = arith.addi %scan3A_590, %scan3A_663 : i32
        %mul3A_665 = arith.constant 1 : i32
        %mul3A_666 = arith.muli %scan3A_664, %mul3A_665 : i32
        %add3A_667 = arith.constant 0 : i32
        %add3A_668 = arith.addi %add3A_667, %mul3A_666 : i32
        %broadcast_in_dim3A_669 = vector.broadcast %add3A_668 : i32 to vector<16xi32>
        %get3A_670 = arith.index_cast %add3A_668 : i32 to index
        %get3A_671 = arith.constant 0 : index
        %get3A_672 = tpu.vector_load %arg6[%get3A_670, %get3A_671] {strides = array<i32>} : memref<128x64xf32, #tpu.memory_space<vmem>>, vector<16xf32>,
        %get3A_673 = arith.index_cast %add3A_668 : i32 to index
        %get3A_674 = arith.constant 16 : index
        %get3A_675 = tpu.vector_load %arg6[%get3A_673, %get3A_674] {strides = array<i32>} : memref<128x64xf32, #tpu.memory_space<vmem>>, vector<16xf32>,
        %get3A_676 = arith.index_cast %add3A_668 : i32 to index
        %get3A_677 = arith.constant 32 : index
        %get3A_678 = tpu.vector_load %arg6[%get3A_676, %get3A_677] {strides = array<i32>} : memref<128x64xf32, #tpu.memory_space<vmem>>, vector<16xf32>,
        %get3A_679 = arith.index_cast %add3A_668 : i32 to index
        %get3A_680 = arith.constant 48 : index
        %get3A_681 = tpu.vector_load %arg6[%get3A_679, %get3A_680] {strides = array<i32>} : memref<128x64xf32, #tpu.memory_space<vmem>>, vector<16xf32>,
        tpu.vector_store_idx %arg10[%shift_right_arithmetic3A_7, %and3A_30, %broadcast_in_dim3A_669], %get3A_672 : memref<8x8x129xf32, #tpu.memory_space<vmem>>[vector<16xi32>, vector<16xi32>, vector<16xi32>], vector<16xf32>,
        tpu.vector_store_idx %arg10[%shift_right_arithmetic3A_13, %and3A_36, %broadcast_in_dim3A_669], %get3A_675 : memref<8x8x129xf32, #tpu.memory_space<vmem>>[vector<16xi32>, vector<16xi32>, vector<16xi32>], vector<16xf32>,
        tpu.vector_store_idx %arg10[%shift_right_arithmetic3A_19, %and3A_42, %broadcast_in_dim3A_669], %get3A_678 : memref<8x8x129xf32, #tpu.memory_space<vmem>>[vector<16xi32>, vector<16xi32>, vector<16xi32>], vector<16xf32>,
        tpu.vector_store_idx %arg10[%shift_right_arithmetic3A_25, %and3A_48, %broadcast_in_dim3A_669], %get3A_681 : memref<8x8x129xf32, #tpu.memory_space<vmem>>[vector<16xi32>, vector<16xi32>, vector<16xi32>], vector<16xf32>,
        %scan3A_682 = arith.constant 5 : i32
        %scan3A_683 = arith.addi %scan3A_590, %scan3A_682 : i32
        %mul3A_684 = arith.constant 1 : i32
        %mul3A_685 = arith.muli %scan3A_683, %mul3A_684 : i32
        %add3A_686 = arith.constant 0 : i32
        %add3A_687 = arith.addi %add3A_686, %mul3A_685 : i32
        %broadcast_in_dim3A_688 = vector.broadcast %add3A_687 : i32 to vector<16xi32>
        %get3A_689 = arith.index_cast %add3A_687 : i32 to index
        %get3A_690 = arith.constant 0 : index
        %get3A_691 = tpu.vector_load %arg6[%get3A_689, %get3A_690] {strides = array<i32>} : memref<128x64xf32, #tpu.memory_space<vmem>>, vector<16xf32>,
        %get3A_692 = arith.index_cast %add3A_687 : i32 to index
        %get3A_693 = arith.constant 16 : index
        %get3A_694 = tpu.vector_load %arg6[%get3A_692, %get3A_693] {strides = array<i32>} : memref<128x64xf32, #tpu.memory_space<vmem>>, vector<16xf32>,
        %get3A_695 = arith.index_cast %add3A_687 : i32 to index
        %get3A_696 = arith.constant 32 : index
        %get3A_697 = tpu.vector_load %arg6[%get3A_695, %get3A_696] {strides = array<i32>} : memref<128x64xf32, #tpu.memory_space<vmem>>, vector<16xf32>,
        %get3A_698 = arith.index_cast %add3A_687 : i32 to index
        %get3A_699 = arith.constant 48 : index
        %get3A_700 = tpu.vector_load %arg6[%get3A_698, %get3A_699] {strides = array<i32>} : memref<128x64xf32, #tpu.memory_space<vmem>>, vector<16xf32>,
        tpu.vector_store_idx %arg10[%shift_right_arithmetic3A_7, %and3A_30, %broadcast_in_dim3A_688], %get3A_691 : memref<8x8x129xf32, #tpu.memory_space<vmem>>[vector<16xi32>, vector<16xi32>, vector<16xi32>], vector<16xf32>,
        tpu.vector_store_idx %arg10[%shift_right_arithmetic3A_13, %and3A_36, %broadcast_in_dim3A_688], %get3A_694 : memref<8x8x129xf32, #tpu.memory_space<vmem>>[vector<16xi32>, vector<16xi32>, vector<16xi32>], vector<16xf32>,
        tpu.vector_store_idx %arg10[%shift_right_arithmetic3A_19, %and3A_42, %broadcast_in_dim3A_688], %get3A_697 : memref<8x8x129xf32, #tpu.memory_space<vmem>>[vector<16xi32>, vector<16xi32>, vector<16xi32>], vector<16xf32>,
        tpu.vector_store_idx %arg10[%shift_right_arithmetic3A_25, %and3A_48, %broadcast_in_dim3A_688], %get3A_700 : memref<8x8x129xf32, #tpu.memory_space<vmem>>[vector<16xi32>, vector<16xi32>, vector<16xi32>], vector<16xf32>,
        %scan3A_701 = arith.constant 6 : i32
        %scan3A_702 = arith.addi %scan3A_590, %scan3A_701 : i32
        %mul3A_703 = arith.constant 1 : i32
        %mul3A_704 = arith.muli %scan3A_702, %mul3A_703 : i32
        %add3A_705 = arith.constant 0 : i32
        %add3A_706 = arith.addi %add3A_705, %mul3A_704 : i32
        %broadcast_in_dim3A_707 = vector.broadcast %add3A_706 : i32 to vector<16xi32>
        %get3A_708 = arith.index_cast %add3A_706 : i32 to index
        %get3A_709 = arith.constant 0 : index
        %get3A_710 = tpu.vector_load %arg6[%get3A_708, %get3A_709] {strides = array<i32>} : memref<128x64xf32, #tpu.memory_space<vmem>>, vector<16xf32>,
        %get3A_711 = arith.index_cast %add3A_706 : i32 to index
        %get3A_712 = arith.constant 16 : index
        %get3A_713 = tpu.vector_load %arg6[%get3A_711, %get3A_712] {strides = array<i32>} : memref<128x64xf32, #tpu.memory_space<vmem>>, vector<16xf32>,
        %get3A_714 = arith.index_cast %add3A_706 : i32 to index
        %get3A_715 = arith.constant 32 : index
        %get3A_716 = tpu.vector_load %arg6[%get3A_714, %get3A_715] {strides = array<i32>} : memref<128x64xf32, #tpu.memory_space<vmem>>, vector<16xf32>,
        %get3A_717 = arith.index_cast %add3A_706 : i32 to index
        %get3A_718 = arith.constant 48 : index
        %get3A_719 = tpu.vector_load %arg6[%get3A_717, %get3A_718] {strides = array<i32>} : memref<128x64xf32, #tpu.memory_space<vmem>>, vector<16xf32>,
        tpu.vector_store_idx %arg10[%shift_right_arithmetic3A_7, %and3A_30, %broadcast_in_dim3A_707], %get3A_710 : memref<8x8x129xf32, #tpu.memory_space<vmem>>[vector<16xi32>, vector<16xi32>, vector<16xi32>], vector<16xf32>,
        tpu.vector_store_idx %arg10[%shift_right_arithmetic3A_13, %and3A_36, %broadcast_in_dim3A_707], %get3A_713 : memref<8x8x129xf32, #tpu.memory_space<vmem>>[vector<16xi32>, vector<16xi32>, vector<16xi32>], vector<16xf32>,
        tpu.vector_store_idx %arg10[%shift_right_arithmetic3A_19, %and3A_42, %broadcast_in_dim3A_707], %get3A_716 : memref<8x8x129xf32, #tpu.memory_space<vmem>>[vector<16xi32>, vector<16xi32>, vector<16xi32>], vector<16xf32>,
        tpu.vector_store_idx %arg10[%shift_right_arithmetic3A_25, %and3A_48, %broadcast_in_dim3A_707], %get3A_719 : memref<8x8x129xf32, #tpu.memory_space<vmem>>[vector<16xi32>, vector<16xi32>, vector<16xi32>], vector<16xf32>,
        %scan3A_720 = arith.constant 7 : i32
        %scan3A_721 = arith.addi %scan3A_590, %scan3A_720 : i32
        %mul3A_722 = arith.constant 1 : i32
        %mul3A_723 = arith.muli %scan3A_721, %mul3A_722 : i32
        %add3A_724 = arith.constant 0 : i32
        %add3A_725 = arith.addi %add3A_724, %mul3A_723 : i32
        %broadcast_in_dim3A_726 = vector.broadcast %add3A_725 : i32 to vector<16xi32>
        %get3A_727 = arith.index_cast %add3A_725 : i32 to index
        %get3A_728 = arith.constant 0 : index
        %get3A_729 = tpu.vector_load %arg6[%get3A_727, %get3A_728] {strides = array<i32>} : memref<128x64xf32, #tpu.memory_space<vmem>>, vector<16xf32>,
        %get3A_730 = arith.index_cast %add3A_725 : i32 to index
        %get3A_731 = arith.constant 16 : index
        %get3A_732 = tpu.vector_load %arg6[%get3A_730, %get3A_731] {strides = array<i32>} : memref<128x64xf32, #tpu.memory_space<vmem>>, vector<16xf32>,
        %get3A_733 = arith.index_cast %add3A_725 : i32 to index
        %get3A_734 = arith.constant 32 : index
        %get3A_735 = tpu.vector_load %arg6[%get3A_733, %get3A_734] {strides = array<i32>} : memref<128x64xf32, #tpu.memory_space<vmem>>, vector<16xf32>,
        %get3A_736 = arith.index_cast %add3A_725 : i32 to index
        %get3A_737 = arith.constant 48 : index
        %get3A_738 = tpu.vector_load %arg6[%get3A_736, %get3A_737] {strides = array<i32>} : memref<128x64xf32, #tpu.memory_space<vmem>>, vector<16xf32>,
        tpu.vector_store_idx %arg10[%shift_right_arithmetic3A_7, %and3A_30, %broadcast_in_dim3A_726], %get3A_729 : memref<8x8x129xf32, #tpu.memory_space<vmem>>[vector<16xi32>, vector<16xi32>, vector<16xi32>], vector<16xf32>,
        tpu.vector_store_idx %arg10[%shift_right_arithmetic3A_13, %and3A_36, %broadcast_in_dim3A_726], %get3A_732 : memref<8x8x129xf32, #tpu.memory_space<vmem>>[vector<16xi32>, vector<16xi32>, vector<16xi32>], vector<16xf32>,
        tpu.vector_store_idx %arg10[%shift_right_arithmetic3A_19, %and3A_42, %broadcast_in_dim3A_726], %get3A_735 : memref<8x8x129xf32, #tpu.memory_space<vmem>>[vector<16xi32>, vector<16xi32>, vector<16xi32>], vector<16xf32>,
        tpu.vector_store_idx %arg10[%shift_right_arithmetic3A_25, %and3A_48, %broadcast_in_dim3A_726], %get3A_738 : memref<8x8x129xf32, #tpu.memory_space<vmem>>[vector<16xi32>, vector<16xi32>, vector<16xi32>], vector<16xf32>,
      }
      %scan3A_368 = arith.constant 128 : i32
      %add3A_369 = arith.addi %mul3A_2, %add3A_332 : i32
      %shift_right_arithmetic3A_370 = arith.constant 5 : i32
      %shift_right_arithmetic3A_371 = arith.shrsi %add3A_369, %shift_right_arithmetic3A_370 : i32
      %and3A_372 = arith.constant 31 : i32
      %and3A_373 = arith.andi %add3A_369, %and3A_372 : i32
      %dma_start3A_374 = arith.constant 0 : i32
      %dma_start3A_375 = arith.constant 0 : i32
      %dma_start3A_376 = arith.constant 0 : i32
      %dma_start3A_377 = tpu.memref_slice %arg10[%dma_start3A_374, %dma_start3A_375, %dma_start3A_376] : memref<8x8x129xf32, #tpu.memory_space<vmem>> -> memref<8x8x128xf32, #tpu.memory_space<vmem>>
      %dma_start3A_378 = arith.constant 0 : i32
      %dma_start3A_379 = arith.constant 0 : i32
      %dma_start3A_380 = arith.constant 0 : i32
      %dma_start3A_381 = tpu.memref_slice %arg4[%shift_right_arithmetic3A_371, %dma_start3A_378, %and3A_373, %dma_start3A_379, %dma_start3A_380] : memref<200x8x32x8x128xf32, #tpu.memory_space<hbm>> -> memref<1x8x1x8x128xf32, #tpu.memory_space<hbm>>
      %dma_start3A_382 = tpu.memref_squeeze %dma_start3A_381 : memref<1x8x1x8x128xf32, #tpu.memory_space<hbm>> -> memref<8x8x128xf32, #tpu.memory_space<hbm>>
      %dma_start3A_383 = arith.constant 0 : i32
      %dma_start3A_384 = arith.constant 0 : i32
      %dma_start3A_385 = arith.constant 0 : i32
      %dma_start3A_386 = tpu.memref_slice %arg4[%shift_right_arithmetic3A_371, %dma_start3A_383, %and3A_373, %dma_start3A_384, %dma_start3A_385] : memref<200x8x32x8x128xf32, #tpu.memory_space<hbm>> -> memref<1x8x1x8x128xf32, #tpu.memory_space<hbm>>
      %dma_start3A_387 = tpu.memref_squeeze %dma_start3A_386 : memref<1x8x1x8x128xf32, #tpu.memory_space<hbm>> -> memref<8x8x128xf32, #tpu.memory_space<hbm>>
      %dma_start3A_388 = arith.constant 0 : i32
      %dma_start3A_389 = arith.constant 0 : i32
      %dma_start3A_390 = arith.constant 0 : i32
      %dma_start3A_391 = tpu.memref_slice %arg10[%dma_start3A_388, %dma_start3A_389, %dma_start3A_390] : memref<8x8x129xf32, #tpu.memory_space<vmem>> -> memref<8x8x128xf32, #tpu.memory_space<vmem>>
      tpu.enqueue_dma source(%dma_start3A_391 : memref<8x8x128xf32, #tpu.memory_space<vmem>>) target(%dma_start3A_387 : memref<8x8x128xf32, #tpu.memory_space<hbm>>) target_semaphore(%arg18 : memref<!tpu.dma_semaphore, #tpu.memory_space<semaphore_mem>>)
      %mul3A_392 = arith.constant 4 : i32
      %mul3A_393 = arith.muli %mul3A_392, %add3A_328 : i32
      %add3A_394 = arith.constant 1 : i32
      %add3A_395 = arith.addi %mul3A_393, %add3A_394 : i32
      %dma_wait3A_396 = arith.constant 0 : i32
      %dma_wait3A_397 = arith.constant 0 : i32
      %dma_wait3A_398 = arith.constant 0 : i32
      %dma_wait3A_399 = arith.constant 0 : i32
      %dma_wait3A_400 = arith.constant 0 : i32
      %dma_wait3A_401 = tpu.memref_slice %arg11[%dma_wait3A_398, %dma_wait3A_399, %dma_wait3A_400] : memref<8x8x129xf32, #tpu.memory_space<vmem>> -> memref<8x8x128xf32, #tpu.memory_space<vmem>>
      %dma_wait3A_402 = arith.constant 0 : i32
      %dma_wait3A_403 = arith.constant 0 : i32
      %dma_wait3A_404 = arith.constant 0 : i32
      %dma_wait3A_405 = tpu.memref_slice %arg4[%dma_wait3A_396, %dma_wait3A_402, %dma_wait3A_397, %dma_wait3A_403, %dma_wait3A_404] : memref<200x8x32x8x128xf32, #tpu.memory_space<hbm>> -> memref<1x8x1x8x128xf32, #tpu.memory_space<hbm>>
      %dma_wait3A_406 = tpu.memref_squeeze %dma_wait3A_405 : memref<1x8x1x8x128xf32, #tpu.memory_space<hbm>> -> memref<8x8x128xf32, #tpu.memory_space<hbm>>
      %dma_wait3A_407 = arith.constant 0 : i32
      %dma_wait3A_408 = arith.constant 0 : i32
      %dma_wait3A_409 = arith.constant 0 : i32
      %dma_wait3A_410 = tpu.memref_slice %arg4[%dma_wait3A_396, %dma_wait3A_407, %dma_wait3A_397, %dma_wait3A_408, %dma_wait3A_409] : memref<200x8x32x8x128xf32, #tpu.memory_space<hbm>> -> memref<1x8x1x8x128xf32, #tpu.memory_space<hbm>>
      %dma_wait3A_411 = tpu.memref_squeeze %dma_wait3A_410 : memref<1x8x1x8x128xf32, #tpu.memory_space<hbm>> -> memref<8x8x128xf32, #tpu.memory_space<hbm>>
      %dma_wait3A_412 = arith.constant 0 : i32
      %dma_wait3A_413 = arith.constant 0 : i32
      %dma_wait3A_414 = arith.constant 0 : i32
      %dma_wait3A_415 = tpu.memref_slice %arg11[%dma_wait3A_412, %dma_wait3A_413, %dma_wait3A_414] : memref<8x8x129xf32, #tpu.memory_space<vmem>> -> memref<8x8x128xf32, #tpu.memory_space<vmem>>
      tpu.wait_dma2 semaphore(%arg19 : memref<!tpu.dma_semaphore, #tpu.memory_space<semaphore_mem>>) src(%dma_wait3A_415 : memref<8x8x128xf32, #tpu.memory_space<vmem>>) dst(%dma_wait3A_411 : memref<8x8x128xf32, #tpu.memory_space<hbm>>)
      %add3A_416 = arith.constant 3 : i32
      %add3A_417 = arith.addi %add3A_395, %add3A_416 : i32
      %lt3A_418 = arith.constant 200 : i32
      %lt3A_419 = arith.cmpi slt, %add3A_417, %lt3A_418 : i32
      %convert_element_type3A_420 = arith.extui %lt3A_419 : i1 to i32
      %cond3A_421 = arith.constant 0 : i32
      %cond3A_422 = arith.cmpi ne, %convert_element_type3A_420, %cond3A_421 : i32
      scf.if %cond3A_422 {
        %add3A_590 = arith.constant 3 : i32
        %add3A_591 = arith.addi %add3A_395, %add3A_590 : i32
        %dma_start3A_592 = arith.constant 0 : i32
        %dma_start3A_593 = tpu.memref_slice %arg5[%add3A_591, %dma_start3A_592] : memref<200x128xi32, #tpu.memory_space<vmem>> -> memref<1x128xi32, #tpu.memory_space<vmem>>
        %dma_start3A_594 = tpu.memref_squeeze %dma_start3A_593 : memref<1x128xi32, #tpu.memory_space<vmem>> -> memref<128xi32, #tpu.memory_space<vmem>>
        %dma_start3A_595 = arith.constant 0 : i32
        %dma_start3A_596 = arith.constant 0 : i32
        %dma_start3A_597 = tpu.memref_slice %arg2[%dma_start3A_595, %dma_start3A_596] : memref<100000x64xf32, #tpu.memory_space<hbm>> -> memref<100000x64xf32, #tpu.memory_space<hbm>>
        tpu.enqueue_indirect_dma source(%dma_start3A_597 : memref<100000x64xf32, #tpu.memory_space<hbm>>) target(%arg6 : memref<128x64xf32, #tpu.memory_space<vmem>>) offsets(%dma_start3A_594 : memref<128xi32, #tpu.memory_space<vmem>>) semaphore(%arg14 : memref<!tpu.dma_semaphore, #tpu.memory_space<semaphore_mem>>)
      } else {
      }
      %dma_wait3A_423 = arith.constant 0 : i32
      %dma_wait3A_424 = arith.constant 0 : i32
      %dma_wait3A_425 = tpu.memref_slice %arg5[%dma_wait3A_423, %dma_wait3A_424] : memref<200x128xi32, #tpu.memory_space<vmem>> -> memref<1x128xi32, #tpu.memory_space<vmem>>
      %dma_wait3A_426 = tpu.memref_squeeze %dma_wait3A_425 : memref<1x128xi32, #tpu.memory_space<vmem>> -> memref<128xi32, #tpu.memory_space<vmem>>
      %dma_wait3A_427 = arith.constant 0 : i32
      %dma_wait3A_428 = arith.constant 0 : i32
      %dma_wait3A_429 = tpu.memref_slice %arg2[%dma_wait3A_427, %dma_wait3A_428] : memref<100000x64xf32, #tpu.memory_space<hbm>> -> memref<100000x64xf32, #tpu.memory_space<hbm>>
      tpu.wait_indirect_dma semaphore(%arg15 : memref<!tpu.dma_semaphore, #tpu.memory_space<semaphore_mem>>) src(%dma_wait3A_429 : memref<100000x64xf32, #tpu.memory_space<hbm>>) dst(%arg7 : memref<128x64xf32, #tpu.memory_space<vmem>>)
      %scan3A_430 = arith.constant 0 : i32
      %scan3A_431 = arith.constant 128 : i32
      %scan3A_432 = arith.addi %scan3A_430, %scan3A_431 : i32
      %scan3A_433 = arith.constant 8 : i32
      scf.for %scan3A_590 = %scan3A_430 to %scan3A_432 step %scan3A_433  : i32 {
        %mul3A_591 = arith.constant 1 : i32
        %mul3A_592 = arith.muli %scan3A_590, %mul3A_591 : i32
        %add3A_593 = arith.constant 0 : i32
        %add3A_594 = arith.addi %add3A_593, %mul3A_592 : i32
        %broadcast_in_dim3A = vector.broadcast %add3A_594 : i32 to vector<16xi32>
        %get3A = arith.index_cast %add3A_594 : i32 to index
        %get3A_595 = arith.constant 0 : index
        %get3A_596 = tpu.vector_load %arg7[%get3A, %get3A_595] {strides = array<i32>} : memref<128x64xf32, #tpu.memory_space<vmem>>, vector<16xf32>,
        %get3A_597 = arith.index_cast %add3A_594 : i32 to index
        %get3A_598 = arith.constant 16 : index
        %get3A_599 = tpu.vector_load %arg7[%get3A_597, %get3A_598] {strides = array<i32>} : memref<128x64xf32, #tpu.memory_space<vmem>>, vector<16xf32>,
        %get3A_600 = arith.index_cast %add3A_594 : i32 to index
        %get3A_601 = arith.constant 32 : index
        %get3A_602 = tpu.vector_load %arg7[%get3A_600, %get3A_601] {strides = array<i32>} : memref<128x64xf32, #tpu.memory_space<vmem>>, vector<16xf32>,
        %get3A_603 = arith.index_cast %add3A_594 : i32 to index
        %get3A_604 = arith.constant 48 : index
        %get3A_605 = tpu.vector_load %arg7[%get3A_603, %get3A_604] {strides = array<i32>} : memref<128x64xf32, #tpu.memory_space<vmem>>, vector<16xf32>,
        tpu.vector_store_idx %arg11[%shift_right_arithmetic3A_7, %and3A_30, %broadcast_in_dim3A], %get3A_596 : memref<8x8x129xf32, #tpu.memory_space<vmem>>[vector<16xi32>, vector<16xi32>, vector<16xi32>], vector<16xf32>,
        tpu.vector_store_idx %arg11[%shift_right_arithmetic3A_13, %and3A_36, %broadcast_in_dim3A], %get3A_599 : memref<8x8x129xf32, #tpu.memory_space<vmem>>[vector<16xi32>, vector<16xi32>, vector<16xi32>], vector<16xf32>,
        tpu.vector_store_idx %arg11[%shift_right_arithmetic3A_19, %and3A_42, %broadcast_in_dim3A], %get3A_602 : memref<8x8x129xf32, #tpu.memory_space<vmem>>[vector<16xi32>, vector<16xi32>, vector<16xi32>], vector<16xf32>,
        tpu.vector_store_idx %arg11[%shift_right_arithmetic3A_25, %and3A_48, %broadcast_in_dim3A], %get3A_605 : memref<8x8x129xf32, #tpu.memory_space<vmem>>[vector<16xi32>, vector<16xi32>, vector<16xi32>], vector<16xf32>,
        %scan3A_606 = arith.constant 1 : i32
        %scan3A_607 = arith.addi %scan3A_590, %scan3A_606 : i32
        %mul3A_608 = arith.constant 1 : i32
        %mul3A_609 = arith.muli %scan3A_607, %mul3A_608 : i32
        %add3A_610 = arith.constant 0 : i32
        %add3A_611 = arith.addi %add3A_610, %mul3A_609 : i32
        %broadcast_in_dim3A_612 = vector.broadcast %add3A_611 : i32 to vector<16xi32>
        %get3A_613 = arith.index_cast %add3A_611 : i32 to index
        %get3A_614 = arith.constant 0 : index
        %get3A_615 = tpu.vector_load %arg7[%get3A_613, %get3A_614] {strides = array<i32>} : memref<128x64xf32, #tpu.memory_space<vmem>>, vector<16xf32>,
        %get3A_616 = arith.index_cast %add3A_611 : i32 to index
        %get3A_617 = arith.constant 16 : index
        %get3A_618 = tpu.vector_load %arg7[%get3A_616, %get3A_617] {strides = array<i32>} : memref<128x64xf32, #tpu.memory_space<vmem>>, vector<16xf32>,
        %get3A_619 = arith.index_cast %add3A_611 : i32 to index
        %get3A_620 = arith.constant 32 : index
        %get3A_621 = tpu.vector_load %arg7[%get3A_619, %get3A_620] {strides = array<i32>} : memref<128x64xf32, #tpu.memory_space<vmem>>, vector<16xf32>,
        %get3A_622 = arith.index_cast %add3A_611 : i32 to index
        %get3A_623 = arith.constant 48 : index
        %get3A_624 = tpu.vector_load %arg7[%get3A_622, %get3A_623] {strides = array<i32>} : memref<128x64xf32, #tpu.memory_space<vmem>>, vector<16xf32>,
        tpu.vector_store_idx %arg11[%shift_right_arithmetic3A_7, %and3A_30, %broadcast_in_dim3A_612], %get3A_615 : memref<8x8x129xf32, #tpu.memory_space<vmem>>[vector<16xi32>, vector<16xi32>, vector<16xi32>], vector<16xf32>,
        tpu.vector_store_idx %arg11[%shift_right_arithmetic3A_13, %and3A_36, %broadcast_in_dim3A_612], %get3A_618 : memref<8x8x129xf32, #tpu.memory_space<vmem>>[vector<16xi32>, vector<16xi32>, vector<16xi32>], vector<16xf32>,
        tpu.vector_store_idx %arg11[%shift_right_arithmetic3A_19, %and3A_42, %broadcast_in_dim3A_612], %get3A_621 : memref<8x8x129xf32, #tpu.memory_space<vmem>>[vector<16xi32>, vector<16xi32>, vector<16xi32>], vector<16xf32>,
        tpu.vector_store_idx %arg11[%shift_right_arithmetic3A_25, %and3A_48, %broadcast_in_dim3A_612], %get3A_624 : memref<8x8x129xf32, #tpu.memory_space<vmem>>[vector<16xi32>, vector<16xi32>, vector<16xi32>], vector<16xf32>,
        %scan3A_625 = arith.constant 2 : i32
        %scan3A_626 = arith.addi %scan3A_590, %scan3A_625 : i32
        %mul3A_627 = arith.constant 1 : i32
        %mul3A_628 = arith.muli %scan3A_626, %mul3A_627 : i32
        %add3A_629 = arith.constant 0 : i32
        %add3A_630 = arith.addi %add3A_629, %mul3A_628 : i32
        %broadcast_in_dim3A_631 = vector.broadcast %add3A_630 : i32 to vector<16xi32>
        %get3A_632 = arith.index_cast %add3A_630 : i32 to index
        %get3A_633 = arith.constant 0 : index
        %get3A_634 = tpu.vector_load %arg7[%get3A_632, %get3A_633] {strides = array<i32>} : memref<128x64xf32, #tpu.memory_space<vmem>>, vector<16xf32>,
        %get3A_635 = arith.index_cast %add3A_630 : i32 to index
        %get3A_636 = arith.constant 16 : index
        %get3A_637 = tpu.vector_load %arg7[%get3A_635, %get3A_636] {strides = array<i32>} : memref<128x64xf32, #tpu.memory_space<vmem>>, vector<16xf32>,
        %get3A_638 = arith.index_cast %add3A_630 : i32 to index
        %get3A_639 = arith.constant 32 : index
        %get3A_640 = tpu.vector_load %arg7[%get3A_638, %get3A_639] {strides = array<i32>} : memref<128x64xf32, #tpu.memory_space<vmem>>, vector<16xf32>,
        %get3A_641 = arith.index_cast %add3A_630 : i32 to index
        %get3A_642 = arith.constant 48 : index
        %get3A_643 = tpu.vector_load %arg7[%get3A_641, %get3A_642] {strides = array<i32>} : memref<128x64xf32, #tpu.memory_space<vmem>>, vector<16xf32>,
        tpu.vector_store_idx %arg11[%shift_right_arithmetic3A_7, %and3A_30, %broadcast_in_dim3A_631], %get3A_634 : memref<8x8x129xf32, #tpu.memory_space<vmem>>[vector<16xi32>, vector<16xi32>, vector<16xi32>], vector<16xf32>,
        tpu.vector_store_idx %arg11[%shift_right_arithmetic3A_13, %and3A_36, %broadcast_in_dim3A_631], %get3A_637 : memref<8x8x129xf32, #tpu.memory_space<vmem>>[vector<16xi32>, vector<16xi32>, vector<16xi32>], vector<16xf32>,
        tpu.vector_store_idx %arg11[%shift_right_arithmetic3A_19, %and3A_42, %broadcast_in_dim3A_631], %get3A_640 : memref<8x8x129xf32, #tpu.memory_space<vmem>>[vector<16xi32>, vector<16xi32>, vector<16xi32>], vector<16xf32>,
        tpu.vector_store_idx %arg11[%shift_right_arithmetic3A_25, %and3A_48, %broadcast_in_dim3A_631], %get3A_643 : memref<8x8x129xf32, #tpu.memory_space<vmem>>[vector<16xi32>, vector<16xi32>, vector<16xi32>], vector<16xf32>,
        %scan3A_644 = arith.constant 3 : i32
        %scan3A_645 = arith.addi %scan3A_590, %scan3A_644 : i32
        %mul3A_646 = arith.constant 1 : i32
        %mul3A_647 = arith.muli %scan3A_645, %mul3A_646 : i32
        %add3A_648 = arith.constant 0 : i32
        %add3A_649 = arith.addi %add3A_648, %mul3A_647 : i32
        %broadcast_in_dim3A_650 = vector.broadcast %add3A_649 : i32 to vector<16xi32>
        %get3A_651 = arith.index_cast %add3A_649 : i32 to index
        %get3A_652 = arith.constant 0 : index
        %get3A_653 = tpu.vector_load %arg7[%get3A_651, %get3A_652] {strides = array<i32>} : memref<128x64xf32, #tpu.memory_space<vmem>>, vector<16xf32>,
        %get3A_654 = arith.index_cast %add3A_649 : i32 to index
        %get3A_655 = arith.constant 16 : index
        %get3A_656 = tpu.vector_load %arg7[%get3A_654, %get3A_655] {strides = array<i32>} : memref<128x64xf32, #tpu.memory_space<vmem>>, vector<16xf32>,
        %get3A_657 = arith.index_cast %add3A_649 : i32 to index
        %get3A_658 = arith.constant 32 : index
        %get3A_659 = tpu.vector_load %arg7[%get3A_657, %get3A_658] {strides = array<i32>} : memref<128x64xf32, #tpu.memory_space<vmem>>, vector<16xf32>,
        %get3A_660 = arith.index_cast %add3A_649 : i32 to index
        %get3A_661 = arith.constant 48 : index
        %get3A_662 = tpu.vector_load %arg7[%get3A_660, %get3A_661] {strides = array<i32>} : memref<128x64xf32, #tpu.memory_space<vmem>>, vector<16xf32>,
        tpu.vector_store_idx %arg11[%shift_right_arithmetic3A_7, %and3A_30, %broadcast_in_dim3A_650], %get3A_653 : memref<8x8x129xf32, #tpu.memory_space<vmem>>[vector<16xi32>, vector<16xi32>, vector<16xi32>], vector<16xf32>,
        tpu.vector_store_idx %arg11[%shift_right_arithmetic3A_13, %and3A_36, %broadcast_in_dim3A_650], %get3A_656 : memref<8x8x129xf32, #tpu.memory_space<vmem>>[vector<16xi32>, vector<16xi32>, vector<16xi32>], vector<16xf32>,
        tpu.vector_store_idx %arg11[%shift_right_arithmetic3A_19, %and3A_42, %broadcast_in_dim3A_650], %get3A_659 : memref<8x8x129xf32, #tpu.memory_space<vmem>>[vector<16xi32>, vector<16xi32>, vector<16xi32>], vector<16xf32>,
        tpu.vector_store_idx %arg11[%shift_right_arithmetic3A_25, %and3A_48, %broadcast_in_dim3A_650], %get3A_662 : memref<8x8x129xf32, #tpu.memory_space<vmem>>[vector<16xi32>, vector<16xi32>, vector<16xi32>], vector<16xf32>,
        %scan3A_663 = arith.constant 4 : i32
        %scan3A_664 = arith.addi %scan3A_590, %scan3A_663 : i32
        %mul3A_665 = arith.constant 1 : i32
        %mul3A_666 = arith.muli %scan3A_664, %mul3A_665 : i32
        %add3A_667 = arith.constant 0 : i32
        %add3A_668 = arith.addi %add3A_667, %mul3A_666 : i32
        %broadcast_in_dim3A_669 = vector.broadcast %add3A_668 : i32 to vector<16xi32>
        %get3A_670 = arith.index_cast %add3A_668 : i32 to index
        %get3A_671 = arith.constant 0 : index
        %get3A_672 = tpu.vector_load %arg7[%get3A_670, %get3A_671] {strides = array<i32>} : memref<128x64xf32, #tpu.memory_space<vmem>>, vector<16xf32>,
        %get3A_673 = arith.index_cast %add3A_668 : i32 to index
        %get3A_674 = arith.constant 16 : index
        %get3A_675 = tpu.vector_load %arg7[%get3A_673, %get3A_674] {strides = array<i32>} : memref<128x64xf32, #tpu.memory_space<vmem>>, vector<16xf32>,
        %get3A_676 = arith.index_cast %add3A_668 : i32 to index
        %get3A_677 = arith.constant 32 : index
        %get3A_678 = tpu.vector_load %arg7[%get3A_676, %get3A_677] {strides = array<i32>} : memref<128x64xf32, #tpu.memory_space<vmem>>, vector<16xf32>,
        %get3A_679 = arith.index_cast %add3A_668 : i32 to index
        %get3A_680 = arith.constant 48 : index
        %get3A_681 = tpu.vector_load %arg7[%get3A_679, %get3A_680] {strides = array<i32>} : memref<128x64xf32, #tpu.memory_space<vmem>>, vector<16xf32>,
        tpu.vector_store_idx %arg11[%shift_right_arithmetic3A_7, %and3A_30, %broadcast_in_dim3A_669], %get3A_672 : memref<8x8x129xf32, #tpu.memory_space<vmem>>[vector<16xi32>, vector<16xi32>, vector<16xi32>], vector<16xf32>,
        tpu.vector_store_idx %arg11[%shift_right_arithmetic3A_13, %and3A_36, %broadcast_in_dim3A_669], %get3A_675 : memref<8x8x129xf32, #tpu.memory_space<vmem>>[vector<16xi32>, vector<16xi32>, vector<16xi32>], vector<16xf32>,
        tpu.vector_store_idx %arg11[%shift_right_arithmetic3A_19, %and3A_42, %broadcast_in_dim3A_669], %get3A_678 : memref<8x8x129xf32, #tpu.memory_space<vmem>>[vector<16xi32>, vector<16xi32>, vector<16xi32>], vector<16xf32>,
        tpu.vector_store_idx %arg11[%shift_right_arithmetic3A_25, %and3A_48, %broadcast_in_dim3A_669], %get3A_681 : memref<8x8x129xf32, #tpu.memory_space<vmem>>[vector<16xi32>, vector<16xi32>, vector<16xi32>], vector<16xf32>,
        %scan3A_682 = arith.constant 5 : i32
        %scan3A_683 = arith.addi %scan3A_590, %scan3A_682 : i32
        %mul3A_684 = arith.constant 1 : i32
        %mul3A_685 = arith.muli %scan3A_683, %mul3A_684 : i32
        %add3A_686 = arith.constant 0 : i32
        %add3A_687 = arith.addi %add3A_686, %mul3A_685 : i32
        %broadcast_in_dim3A_688 = vector.broadcast %add3A_687 : i32 to vector<16xi32>
        %get3A_689 = arith.index_cast %add3A_687 : i32 to index
        %get3A_690 = arith.constant 0 : index
        %get3A_691 = tpu.vector_load %arg7[%get3A_689, %get3A_690] {strides = array<i32>} : memref<128x64xf32, #tpu.memory_space<vmem>>, vector<16xf32>,
        %get3A_692 = arith.index_cast %add3A_687 : i32 to index
        %get3A_693 = arith.constant 16 : index
        %get3A_694 = tpu.vector_load %arg7[%get3A_692, %get3A_693] {strides = array<i32>} : memref<128x64xf32, #tpu.memory_space<vmem>>, vector<16xf32>,
        %get3A_695 = arith.index_cast %add3A_687 : i32 to index
        %get3A_696 = arith.constant 32 : index
        %get3A_697 = tpu.vector_load %arg7[%get3A_695, %get3A_696] {strides = array<i32>} : memref<128x64xf32, #tpu.memory_space<vmem>>, vector<16xf32>,
        %get3A_698 = arith.index_cast %add3A_687 : i32 to index
        %get3A_699 = arith.constant 48 : index
        %get3A_700 = tpu.vector_load %arg7[%get3A_698, %get3A_699] {strides = array<i32>} : memref<128x64xf32, #tpu.memory_space<vmem>>, vector<16xf32>,
        tpu.vector_store_idx %arg11[%shift_right_arithmetic3A_7, %and3A_30, %broadcast_in_dim3A_688], %get3A_691 : memref<8x8x129xf32, #tpu.memory_space<vmem>>[vector<16xi32>, vector<16xi32>, vector<16xi32>], vector<16xf32>,
        tpu.vector_store_idx %arg11[%shift_right_arithmetic3A_13, %and3A_36, %broadcast_in_dim3A_688], %get3A_694 : memref<8x8x129xf32, #tpu.memory_space<vmem>>[vector<16xi32>, vector<16xi32>, vector<16xi32>], vector<16xf32>,
        tpu.vector_store_idx %arg11[%shift_right_arithmetic3A_19, %and3A_42, %broadcast_in_dim3A_688], %get3A_697 : memref<8x8x129xf32, #tpu.memory_space<vmem>>[vector<16xi32>, vector<16xi32>, vector<16xi32>], vector<16xf32>,
        tpu.vector_store_idx %arg11[%shift_right_arithmetic3A_25, %and3A_48, %broadcast_in_dim3A_688], %get3A_700 : memref<8x8x129xf32, #tpu.memory_space<vmem>>[vector<16xi32>, vector<16xi32>, vector<16xi32>], vector<16xf32>,
        %scan3A_701 = arith.constant 6 : i32
        %scan3A_702 = arith.addi %scan3A_590, %scan3A_701 : i32
        %mul3A_703 = arith.constant 1 : i32
        %mul3A_704 = arith.muli %scan3A_702, %mul3A_703 : i32
        %add3A_705 = arith.constant 0 : i32
        %add3A_706 = arith.addi %add3A_705, %mul3A_704 : i32
        %broadcast_in_dim3A_707 = vector.broadcast %add3A_706 : i32 to vector<16xi32>
        %get3A_708 = arith.index_cast %add3A_706 : i32 to index
        %get3A_709 = arith.constant 0 : index
        %get3A_710 = tpu.vector_load %arg7[%get3A_708, %get3A_709] {strides = array<i32>} : memref<128x64xf32, #tpu.memory_space<vmem>>, vector<16xf32>,
        %get3A_711 = arith.index_cast %add3A_706 : i32 to index
        %get3A_712 = arith.constant 16 : index
        %get3A_713 = tpu.vector_load %arg7[%get3A_711, %get3A_712] {strides = array<i32>} : memref<128x64xf32, #tpu.memory_space<vmem>>, vector<16xf32>,
        %get3A_714 = arith.index_cast %add3A_706 : i32 to index
        %get3A_715 = arith.constant 32 : index
        %get3A_716 = tpu.vector_load %arg7[%get3A_714, %get3A_715] {strides = array<i32>} : memref<128x64xf32, #tpu.memory_space<vmem>>, vector<16xf32>,
        %get3A_717 = arith.index_cast %add3A_706 : i32 to index
        %get3A_718 = arith.constant 48 : index
        %get3A_719 = tpu.vector_load %arg7[%get3A_717, %get3A_718] {strides = array<i32>} : memref<128x64xf32, #tpu.memory_space<vmem>>, vector<16xf32>,
        tpu.vector_store_idx %arg11[%shift_right_arithmetic3A_7, %and3A_30, %broadcast_in_dim3A_707], %get3A_710 : memref<8x8x129xf32, #tpu.memory_space<vmem>>[vector<16xi32>, vector<16xi32>, vector<16xi32>], vector<16xf32>,
        tpu.vector_store_idx %arg11[%shift_right_arithmetic3A_13, %and3A_36, %broadcast_in_dim3A_707], %get3A_713 : memref<8x8x129xf32, #tpu.memory_space<vmem>>[vector<16xi32>, vector<16xi32>, vector<16xi32>], vector<16xf32>,
        tpu.vector_store_idx %arg11[%shift_right_arithmetic3A_19, %and3A_42, %broadcast_in_dim3A_707], %get3A_716 : memref<8x8x129xf32, #tpu.memory_space<vmem>>[vector<16xi32>, vector<16xi32>, vector<16xi32>], vector<16xf32>,
        tpu.vector_store_idx %arg11[%shift_right_arithmetic3A_25, %and3A_48, %broadcast_in_dim3A_707], %get3A_719 : memref<8x8x129xf32, #tpu.memory_space<vmem>>[vector<16xi32>, vector<16xi32>, vector<16xi32>], vector<16xf32>,
        %scan3A_720 = arith.constant 7 : i32
        %scan3A_721 = arith.addi %scan3A_590, %scan3A_720 : i32
        %mul3A_722 = arith.constant 1 : i32
        %mul3A_723 = arith.muli %scan3A_721, %mul3A_722 : i32
        %add3A_724 = arith.constant 0 : i32
        %add3A_725 = arith.addi %add3A_724, %mul3A_723 : i32
        %broadcast_in_dim3A_726 = vector.broadcast %add3A_725 : i32 to vector<16xi32>
        %get3A_727 = arith.index_cast %add3A_725 : i32 to index
        %get3A_728 = arith.constant 0 : index
        %get3A_729 = tpu.vector_load %arg7[%get3A_727, %get3A_728] {strides = array<i32>} : memref<128x64xf32, #tpu.memory_space<vmem>>, vector<16xf32>,
        %get3A_730 = arith.index_cast %add3A_725 : i32 to index
        %get3A_731 = arith.constant 16 : index
        %get3A_732 = tpu.vector_load %arg7[%get3A_730, %get3A_731] {strides = array<i32>} : memref<128x64xf32, #tpu.memory_space<vmem>>, vector<16xf32>,
        %get3A_733 = arith.index_cast %add3A_725 : i32 to index
        %get3A_734 = arith.constant 32 : index
        %get3A_735 = tpu.vector_load %arg7[%get3A_733, %get3A_734] {strides = array<i32>} : memref<128x64xf32, #tpu.memory_space<vmem>>, vector<16xf32>,
        %get3A_736 = arith.index_cast %add3A_725 : i32 to index
        %get3A_737 = arith.constant 48 : index
        %get3A_738 = tpu.vector_load %arg7[%get3A_736, %get3A_737] {strides = array<i32>} : memref<128x64xf32, #tpu.memory_space<vmem>>, vector<16xf32>,
        tpu.vector_store_idx %arg11[%shift_right_arithmetic3A_7, %and3A_30, %broadcast_in_dim3A_726], %get3A_729 : memref<8x8x129xf32, #tpu.memory_space<vmem>>[vector<16xi32>, vector<16xi32>, vector<16xi32>], vector<16xf32>,
        tpu.vector_store_idx %arg11[%shift_right_arithmetic3A_13, %and3A_36, %broadcast_in_dim3A_726], %get3A_732 : memref<8x8x129xf32, #tpu.memory_space<vmem>>[vector<16xi32>, vector<16xi32>, vector<16xi32>], vector<16xf32>,
        tpu.vector_store_idx %arg11[%shift_right_arithmetic3A_19, %and3A_42, %broadcast_in_dim3A_726], %get3A_735 : memref<8x8x129xf32, #tpu.memory_space<vmem>>[vector<16xi32>, vector<16xi32>, vector<16xi32>], vector<16xf32>,
        tpu.vector_store_idx %arg11[%shift_right_arithmetic3A_25, %and3A_48, %broadcast_in_dim3A_726], %get3A_738 : memref<8x8x129xf32, #tpu.memory_space<vmem>>[vector<16xi32>, vector<16xi32>, vector<16xi32>], vector<16xf32>,
      }
      %scan3A_434 = arith.constant 128 : i32
      %add3A_435 = arith.addi %mul3A_2, %add3A_395 : i32
      %shift_right_arithmetic3A_436 = arith.constant 5 : i32
      %shift_right_arithmetic3A_437 = arith.shrsi %add3A_435, %shift_right_arithmetic3A_436 : i32
      %and3A_438 = arith.constant 31 : i32
      %and3A_439 = arith.andi %add3A_435, %and3A_438 : i32
      %dma_start3A_440 = arith.constant 0 : i32
      %dma_start3A_441 = arith.constant 0 : i32
      %dma_start3A_442 = arith.constant 0 : i32
      %dma_start3A_443 = tpu.memref_slice %arg11[%dma_start3A_440, %dma_start3A_441, %dma_start3A_442] : memref<8x8x129xf32, #tpu.memory_space<vmem>> -> memref<8x8x128xf32, #tpu.memory_space<vmem>>
      %dma_start3A_444 = arith.constant 0 : i32
      %dma_start3A_445 = arith.constant 0 : i32
      %dma_start3A_446 = arith.constant 0 : i32
      %dma_start3A_447 = tpu.memref_slice %arg4[%shift_right_arithmetic3A_437, %dma_start3A_444, %and3A_439, %dma_start3A_445, %dma_start3A_446] : memref<200x8x32x8x128xf32, #tpu.memory_space<hbm>> -> memref<1x8x1x8x128xf32, #tpu.memory_space<hbm>>
      %dma_start3A_448 = tpu.memref_squeeze %dma_start3A_447 : memref<1x8x1x8x128xf32, #tpu.memory_space<hbm>> -> memref<8x8x128xf32, #tpu.memory_space<hbm>>
      %dma_start3A_449 = arith.constant 0 : i32
      %dma_start3A_450 = arith.constant 0 : i32
      %dma_start3A_451 = arith.constant 0 : i32
      %dma_start3A_452 = tpu.memref_slice %arg4[%shift_right_arithmetic3A_437, %dma_start3A_449, %and3A_439, %dma_start3A_450, %dma_start3A_451] : memref<200x8x32x8x128xf32, #tpu.memory_space<hbm>> -> memref<1x8x1x8x128xf32, #tpu.memory_space<hbm>>
      %dma_start3A_453 = tpu.memref_squeeze %dma_start3A_452 : memref<1x8x1x8x128xf32, #tpu.memory_space<hbm>> -> memref<8x8x128xf32, #tpu.memory_space<hbm>>
      %dma_start3A_454 = arith.constant 0 : i32
      %dma_start3A_455 = arith.constant 0 : i32
      %dma_start3A_456 = arith.constant 0 : i32
      %dma_start3A_457 = tpu.memref_slice %arg11[%dma_start3A_454, %dma_start3A_455, %dma_start3A_456] : memref<8x8x129xf32, #tpu.memory_space<vmem>> -> memref<8x8x128xf32, #tpu.memory_space<vmem>>
      tpu.enqueue_dma source(%dma_start3A_457 : memref<8x8x128xf32, #tpu.memory_space<vmem>>) target(%dma_start3A_453 : memref<8x8x128xf32, #tpu.memory_space<hbm>>) target_semaphore(%arg19 : memref<!tpu.dma_semaphore, #tpu.memory_space<semaphore_mem>>)
      %mul3A_458 = arith.constant 4 : i32
      %mul3A_459 = arith.muli %mul3A_458, %add3A_328 : i32
      %add3A_460 = arith.constant 2 : i32
      %add3A_461 = arith.addi %mul3A_459, %add3A_460 : i32
      %dma_wait3A_462 = arith.constant 0 : i32
      %dma_wait3A_463 = arith.constant 0 : i32
      %dma_wait3A_464 = arith.constant 0 : i32
      %dma_wait3A_465 = arith.constant 0 : i32
      %dma_wait3A_466 = arith.constant 0 : i32
      %dma_wait3A_467 = tpu.memref_slice %arg12[%dma_wait3A_464, %dma_wait3A_465, %dma_wait3A_466] : memref<8x8x129xf32, #tpu.memory_space<vmem>> -> memref<8x8x128xf32, #tpu.memory_space<vmem>>
      %dma_wait3A_468 = arith.constant 0 : i32
      %dma_wait3A_469 = arith.constant 0 : i32
      %dma_wait3A_470 = arith.constant 0 : i32
      %dma_wait3A_471 = tpu.memref_slice %arg4[%dma_wait3A_462, %dma_wait3A_468, %dma_wait3A_463, %dma_wait3A_469, %dma_wait3A_470] : memref<200x8x32x8x128xf32, #tpu.memory_space<hbm>> -> memref<1x8x1x8x128xf32, #tpu.memory_space<hbm>>
      %dma_wait3A_472 = tpu.memref_squeeze %dma_wait3A_471 : memref<1x8x1x8x128xf32, #tpu.memory_space<hbm>> -> memref<8x8x128xf32, #tpu.memory_space<hbm>>
      %dma_wait3A_473 = arith.constant 0 : i32
      %dma_wait3A_474 = arith.constant 0 : i32
      %dma_wait3A_475 = arith.constant 0 : i32
      %dma_wait3A_476 = tpu.memref_slice %arg4[%dma_wait3A_462, %dma_wait3A_473, %dma_wait3A_463, %dma_wait3A_474, %dma_wait3A_475] : memref<200x8x32x8x128xf32, #tpu.memory_space<hbm>> -> memref<1x8x1x8x128xf32, #tpu.memory_space<hbm>>
      %dma_wait3A_477 = tpu.memref_squeeze %dma_wait3A_476 : memref<1x8x1x8x128xf32, #tpu.memory_space<hbm>> -> memref<8x8x128xf32, #tpu.memory_space<hbm>>
      %dma_wait3A_478 = arith.constant 0 : i32
      %dma_wait3A_479 = arith.constant 0 : i32
      %dma_wait3A_480 = arith.constant 0 : i32
      %dma_wait3A_481 = tpu.memref_slice %arg12[%dma_wait3A_478, %dma_wait3A_479, %dma_wait3A_480] : memref<8x8x129xf32, #tpu.memory_space<vmem>> -> memref<8x8x128xf32, #tpu.memory_space<vmem>>
      tpu.wait_dma2 semaphore(%arg20 : memref<!tpu.dma_semaphore, #tpu.memory_space<semaphore_mem>>) src(%dma_wait3A_481 : memref<8x8x128xf32, #tpu.memory_space<vmem>>) dst(%dma_wait3A_477 : memref<8x8x128xf32, #tpu.memory_space<hbm>>)
      %add3A_482 = arith.constant 3 : i32
      %add3A_483 = arith.addi %add3A_461, %add3A_482 : i32
      %lt3A_484 = arith.constant 200 : i32
      %lt3A_485 = arith.cmpi slt, %add3A_483, %lt3A_484 : i32
      %convert_element_type3A_486 = arith.extui %lt3A_485 : i1 to i32
      %cond3A_487 = arith.constant 0 : i32
      %cond3A_488 = arith.cmpi ne, %convert_element_type3A_486, %cond3A_487 : i32
      scf.if %cond3A_488 {
        %add3A_590 = arith.constant 3 : i32
        %add3A_591 = arith.addi %add3A_461, %add3A_590 : i32
        %dma_start3A_592 = arith.constant 0 : i32
        %dma_start3A_593 = tpu.memref_slice %arg5[%add3A_591, %dma_start3A_592] : memref<200x128xi32, #tpu.memory_space<vmem>> -> memref<1x128xi32, #tpu.memory_space<vmem>>
        %dma_start3A_594 = tpu.memref_squeeze %dma_start3A_593 : memref<1x128xi32, #tpu.memory_space<vmem>> -> memref<128xi32, #tpu.memory_space<vmem>>
        %dma_start3A_595 = arith.constant 0 : i32
        %dma_start3A_596 = arith.constant 0 : i32
        %dma_start3A_597 = tpu.memref_slice %arg2[%dma_start3A_595, %dma_start3A_596] : memref<100000x64xf32, #tpu.memory_space<hbm>> -> memref<100000x64xf32, #tpu.memory_space<hbm>>
        tpu.enqueue_indirect_dma source(%dma_start3A_597 : memref<100000x64xf32, #tpu.memory_space<hbm>>) target(%arg7 : memref<128x64xf32, #tpu.memory_space<vmem>>) offsets(%dma_start3A_594 : memref<128xi32, #tpu.memory_space<vmem>>) semaphore(%arg15 : memref<!tpu.dma_semaphore, #tpu.memory_space<semaphore_mem>>)
      } else {
      }
      %dma_wait3A_489 = arith.constant 0 : i32
      %dma_wait3A_490 = arith.constant 0 : i32
      %dma_wait3A_491 = tpu.memref_slice %arg5[%dma_wait3A_489, %dma_wait3A_490] : memref<200x128xi32, #tpu.memory_space<vmem>> -> memref<1x128xi32, #tpu.memory_space<vmem>>
      %dma_wait3A_492 = tpu.memref_squeeze %dma_wait3A_491 : memref<1x128xi32, #tpu.memory_space<vmem>> -> memref<128xi32, #tpu.memory_space<vmem>>
      %dma_wait3A_493 = arith.constant 0 : i32
      %dma_wait3A_494 = arith.constant 0 : i32
      %dma_wait3A_495 = tpu.memref_slice %arg2[%dma_wait3A_493, %dma_wait3A_494] : memref<100000x64xf32, #tpu.memory_space<hbm>> -> memref<100000x64xf32, #tpu.memory_space<hbm>>
      tpu.wait_indirect_dma semaphore(%arg16 : memref<!tpu.dma_semaphore, #tpu.memory_space<semaphore_mem>>) src(%dma_wait3A_495 : memref<100000x64xf32, #tpu.memory_space<hbm>>) dst(%arg8 : memref<128x64xf32, #tpu.memory_space<vmem>>)
      %scan3A_496 = arith.constant 0 : i32
      %scan3A_497 = arith.constant 128 : i32
      %scan3A_498 = arith.addi %scan3A_496, %scan3A_497 : i32
      %scan3A_499 = arith.constant 8 : i32
      scf.for %scan3A_590 = %scan3A_496 to %scan3A_498 step %scan3A_499  : i32 {
        %mul3A_591 = arith.constant 1 : i32
        %mul3A_592 = arith.muli %scan3A_590, %mul3A_591 : i32
        %add3A_593 = arith.constant 0 : i32
        %add3A_594 = arith.addi %add3A_593, %mul3A_592 : i32
        %broadcast_in_dim3A = vector.broadcast %add3A_594 : i32 to vector<16xi32>
        %get3A = arith.index_cast %add3A_594 : i32 to index
        %get3A_595 = arith.constant 0 : index
        %get3A_596 = tpu.vector_load %arg8[%get3A, %get3A_595] {strides = array<i32>} : memref<128x64xf32, #tpu.memory_space<vmem>>, vector<16xf32>,
        %get3A_597 = arith.index_cast %add3A_594 : i32 to index
        %get3A_598 = arith.constant 16 : index
        %get3A_599 = tpu.vector_load %arg8[%get3A_597, %get3A_598] {strides = array<i32>} : memref<128x64xf32, #tpu.memory_space<vmem>>, vector<16xf32>,
        %get3A_600 = arith.index_cast %add3A_594 : i32 to index
        %get3A_601 = arith.constant 32 : index
        %get3A_602 = tpu.vector_load %arg8[%get3A_600, %get3A_601] {strides = array<i32>} : memref<128x64xf32, #tpu.memory_space<vmem>>, vector<16xf32>,
        %get3A_603 = arith.index_cast %add3A_594 : i32 to index
        %get3A_604 = arith.constant 48 : index
        %get3A_605 = tpu.vector_load %arg8[%get3A_603, %get3A_604] {strides = array<i32>} : memref<128x64xf32, #tpu.memory_space<vmem>>, vector<16xf32>,
        tpu.vector_store_idx %arg12[%shift_right_arithmetic3A_7, %and3A_30, %broadcast_in_dim3A], %get3A_596 : memref<8x8x129xf32, #tpu.memory_space<vmem>>[vector<16xi32>, vector<16xi32>, vector<16xi32>], vector<16xf32>,
        tpu.vector_store_idx %arg12[%shift_right_arithmetic3A_13, %and3A_36, %broadcast_in_dim3A], %get3A_599 : memref<8x8x129xf32, #tpu.memory_space<vmem>>[vector<16xi32>, vector<16xi32>, vector<16xi32>], vector<16xf32>,
        tpu.vector_store_idx %arg12[%shift_right_arithmetic3A_19, %and3A_42, %broadcast_in_dim3A], %get3A_602 : memref<8x8x129xf32, #tpu.memory_space<vmem>>[vector<16xi32>, vector<16xi32>, vector<16xi32>], vector<16xf32>,
        tpu.vector_store_idx %arg12[%shift_right_arithmetic3A_25, %and3A_48, %broadcast_in_dim3A], %get3A_605 : memref<8x8x129xf32, #tpu.memory_space<vmem>>[vector<16xi32>, vector<16xi32>, vector<16xi32>], vector<16xf32>,
        %scan3A_606 = arith.constant 1 : i32
        %scan3A_607 = arith.addi %scan3A_590, %scan3A_606 : i32
        %mul3A_608 = arith.constant 1 : i32
        %mul3A_609 = arith.muli %scan3A_607, %mul3A_608 : i32
        %add3A_610 = arith.constant 0 : i32
        %add3A_611 = arith.addi %add3A_610, %mul3A_609 : i32
        %broadcast_in_dim3A_612 = vector.broadcast %add3A_611 : i32 to vector<16xi32>
        %get3A_613 = arith.index_cast %add3A_611 : i32 to index
        %get3A_614 = arith.constant 0 : index
        %get3A_615 = tpu.vector_load %arg8[%get3A_613, %get3A_614] {strides = array<i32>} : memref<128x64xf32, #tpu.memory_space<vmem>>, vector<16xf32>,
        %get3A_616 = arith.index_cast %add3A_611 : i32 to index
        %get3A_617 = arith.constant 16 : index
        %get3A_618 = tpu.vector_load %arg8[%get3A_616, %get3A_617] {strides = array<i32>} : memref<128x64xf32, #tpu.memory_space<vmem>>, vector<16xf32>,
        %get3A_619 = arith.index_cast %add3A_611 : i32 to index
        %get3A_620 = arith.constant 32 : index
        %get3A_621 = tpu.vector_load %arg8[%get3A_619, %get3A_620] {strides = array<i32>} : memref<128x64xf32, #tpu.memory_space<vmem>>, vector<16xf32>,
        %get3A_622 = arith.index_cast %add3A_611 : i32 to index
        %get3A_623 = arith.constant 48 : index
        %get3A_624 = tpu.vector_load %arg8[%get3A_622, %get3A_623] {strides = array<i32>} : memref<128x64xf32, #tpu.memory_space<vmem>>, vector<16xf32>,
        tpu.vector_store_idx %arg12[%shift_right_arithmetic3A_7, %and3A_30, %broadcast_in_dim3A_612], %get3A_615 : memref<8x8x129xf32, #tpu.memory_space<vmem>>[vector<16xi32>, vector<16xi32>, vector<16xi32>], vector<16xf32>,
        tpu.vector_store_idx %arg12[%shift_right_arithmetic3A_13, %and3A_36, %broadcast_in_dim3A_612], %get3A_618 : memref<8x8x129xf32, #tpu.memory_space<vmem>>[vector<16xi32>, vector<16xi32>, vector<16xi32>], vector<16xf32>,
        tpu.vector_store_idx %arg12[%shift_right_arithmetic3A_19, %and3A_42, %broadcast_in_dim3A_612], %get3A_621 : memref<8x8x129xf32, #tpu.memory_space<vmem>>[vector<16xi32>, vector<16xi32>, vector<16xi32>], vector<16xf32>,
        tpu.vector_store_idx %arg12[%shift_right_arithmetic3A_25, %and3A_48, %broadcast_in_dim3A_612], %get3A_624 : memref<8x8x129xf32, #tpu.memory_space<vmem>>[vector<16xi32>, vector<16xi32>, vector<16xi32>], vector<16xf32>,
        %scan3A_625 = arith.constant 2 : i32
        %scan3A_626 = arith.addi %scan3A_590, %scan3A_625 : i32
        %mul3A_627 = arith.constant 1 : i32
        %mul3A_628 = arith.muli %scan3A_626, %mul3A_627 : i32
        %add3A_629 = arith.constant 0 : i32
        %add3A_630 = arith.addi %add3A_629, %mul3A_628 : i32
        %broadcast_in_dim3A_631 = vector.broadcast %add3A_630 : i32 to vector<16xi32>
        %get3A_632 = arith.index_cast %add3A_630 : i32 to index
        %get3A_633 = arith.constant 0 : index
        %get3A_634 = tpu.vector_load %arg8[%get3A_632, %get3A_633] {strides = array<i32>} : memref<128x64xf32, #tpu.memory_space<vmem>>, vector<16xf32>,
        %get3A_635 = arith.index_cast %add3A_630 : i32 to index
        %get3A_636 = arith.constant 16 : index
        %get3A_637 = tpu.vector_load %arg8[%get3A_635, %get3A_636] {strides = array<i32>} : memref<128x64xf32, #tpu.memory_space<vmem>>, vector<16xf32>,
        %get3A_638 = arith.index_cast %add3A_630 : i32 to index
        %get3A_639 = arith.constant 32 : index
        %get3A_640 = tpu.vector_load %arg8[%get3A_638, %get3A_639] {strides = array<i32>} : memref<128x64xf32, #tpu.memory_space<vmem>>, vector<16xf32>,
        %get3A_641 = arith.index_cast %add3A_630 : i32 to index
        %get3A_642 = arith.constant 48 : index
        %get3A_643 = tpu.vector_load %arg8[%get3A_641, %get3A_642] {strides = array<i32>} : memref<128x64xf32, #tpu.memory_space<vmem>>, vector<16xf32>,
        tpu.vector_store_idx %arg12[%shift_right_arithmetic3A_7, %and3A_30, %broadcast_in_dim3A_631], %get3A_634 : memref<8x8x129xf32, #tpu.memory_space<vmem>>[vector<16xi32>, vector<16xi32>, vector<16xi32>], vector<16xf32>,
        tpu.vector_store_idx %arg12[%shift_right_arithmetic3A_13, %and3A_36, %broadcast_in_dim3A_631], %get3A_637 : memref<8x8x129xf32, #tpu.memory_space<vmem>>[vector<16xi32>, vector<16xi32>, vector<16xi32>], vector<16xf32>,
        tpu.vector_store_idx %arg12[%shift_right_arithmetic3A_19, %and3A_42, %broadcast_in_dim3A_631], %get3A_640 : memref<8x8x129xf32, #tpu.memory_space<vmem>>[vector<16xi32>, vector<16xi32>, vector<16xi32>], vector<16xf32>,
        tpu.vector_store_idx %arg12[%shift_right_arithmetic3A_25, %and3A_48, %broadcast_in_dim3A_631], %get3A_643 : memref<8x8x129xf32, #tpu.memory_space<vmem>>[vector<16xi32>, vector<16xi32>, vector<16xi32>], vector<16xf32>,
        %scan3A_644 = arith.constant 3 : i32
        %scan3A_645 = arith.addi %scan3A_590, %scan3A_644 : i32
        %mul3A_646 = arith.constant 1 : i32
        %mul3A_647 = arith.muli %scan3A_645, %mul3A_646 : i32
        %add3A_648 = arith.constant 0 : i32
        %add3A_649 = arith.addi %add3A_648, %mul3A_647 : i32
        %broadcast_in_dim3A_650 = vector.broadcast %add3A_649 : i32 to vector<16xi32>
        %get3A_651 = arith.index_cast %add3A_649 : i32 to index
        %get3A_652 = arith.constant 0 : index
        %get3A_653 = tpu.vector_load %arg8[%get3A_651, %get3A_652] {strides = array<i32>} : memref<128x64xf32, #tpu.memory_space<vmem>>, vector<16xf32>,
        %get3A_654 = arith.index_cast %add3A_649 : i32 to index
        %get3A_655 = arith.constant 16 : index
        %get3A_656 = tpu.vector_load %arg8[%get3A_654, %get3A_655] {strides = array<i32>} : memref<128x64xf32, #tpu.memory_space<vmem>>, vector<16xf32>,
        %get3A_657 = arith.index_cast %add3A_649 : i32 to index
        %get3A_658 = arith.constant 32 : index
        %get3A_659 = tpu.vector_load %arg8[%get3A_657, %get3A_658] {strides = array<i32>} : memref<128x64xf32, #tpu.memory_space<vmem>>, vector<16xf32>,
        %get3A_660 = arith.index_cast %add3A_649 : i32 to index
        %get3A_661 = arith.constant 48 : index
        %get3A_662 = tpu.vector_load %arg8[%get3A_660, %get3A_661] {strides = array<i32>} : memref<128x64xf32, #tpu.memory_space<vmem>>, vector<16xf32>,
        tpu.vector_store_idx %arg12[%shift_right_arithmetic3A_7, %and3A_30, %broadcast_in_dim3A_650], %get3A_653 : memref<8x8x129xf32, #tpu.memory_space<vmem>>[vector<16xi32>, vector<16xi32>, vector<16xi32>], vector<16xf32>,
        tpu.vector_store_idx %arg12[%shift_right_arithmetic3A_13, %and3A_36, %broadcast_in_dim3A_650], %get3A_656 : memref<8x8x129xf32, #tpu.memory_space<vmem>>[vector<16xi32>, vector<16xi32>, vector<16xi32>], vector<16xf32>,
        tpu.vector_store_idx %arg12[%shift_right_arithmetic3A_19, %and3A_42, %broadcast_in_dim3A_650], %get3A_659 : memref<8x8x129xf32, #tpu.memory_space<vmem>>[vector<16xi32>, vector<16xi32>, vector<16xi32>], vector<16xf32>,
        tpu.vector_store_idx %arg12[%shift_right_arithmetic3A_25, %and3A_48, %broadcast_in_dim3A_650], %get3A_662 : memref<8x8x129xf32, #tpu.memory_space<vmem>>[vector<16xi32>, vector<16xi32>, vector<16xi32>], vector<16xf32>,
        %scan3A_663 = arith.constant 4 : i32
        %scan3A_664 = arith.addi %scan3A_590, %scan3A_663 : i32
        %mul3A_665 = arith.constant 1 : i32
        %mul3A_666 = arith.muli %scan3A_664, %mul3A_665 : i32
        %add3A_667 = arith.constant 0 : i32
        %add3A_668 = arith.addi %add3A_667, %mul3A_666 : i32
        %broadcast_in_dim3A_669 = vector.broadcast %add3A_668 : i32 to vector<16xi32>
        %get3A_670 = arith.index_cast %add3A_668 : i32 to index
        %get3A_671 = arith.constant 0 : index
        %get3A_672 = tpu.vector_load %arg8[%get3A_670, %get3A_671] {strides = array<i32>} : memref<128x64xf32, #tpu.memory_space<vmem>>, vector<16xf32>,
        %get3A_673 = arith.index_cast %add3A_668 : i32 to index
        %get3A_674 = arith.constant 16 : index
        %get3A_675 = tpu.vector_load %arg8[%get3A_673, %get3A_674] {strides = array<i32>} : memref<128x64xf32, #tpu.memory_space<vmem>>, vector<16xf32>,
        %get3A_676 = arith.index_cast %add3A_668 : i32 to index
        %get3A_677 = arith.constant 32 : index
        %get3A_678 = tpu.vector_load %arg8[%get3A_676, %get3A_677] {strides = array<i32>} : memref<128x64xf32, #tpu.memory_space<vmem>>, vector<16xf32>,
        %get3A_679 = arith.index_cast %add3A_668 : i32 to index
        %get3A_680 = arith.constant 48 : index
        %get3A_681 = tpu.vector_load %arg8[%get3A_679, %get3A_680] {strides = array<i32>} : memref<128x64xf32, #tpu.memory_space<vmem>>, vector<16xf32>,
        tpu.vector_store_idx %arg12[%shift_right_arithmetic3A_7, %and3A_30, %broadcast_in_dim3A_669], %get3A_672 : memref<8x8x129xf32, #tpu.memory_space<vmem>>[vector<16xi32>, vector<16xi32>, vector<16xi32>], vector<16xf32>,
        tpu.vector_store_idx %arg12[%shift_right_arithmetic3A_13, %and3A_36, %broadcast_in_dim3A_669], %get3A_675 : memref<8x8x129xf32, #tpu.memory_space<vmem>>[vector<16xi32>, vector<16xi32>, vector<16xi32>], vector<16xf32>,
        tpu.vector_store_idx %arg12[%shift_right_arithmetic3A_19, %and3A_42, %broadcast_in_dim3A_669], %get3A_678 : memref<8x8x129xf32, #tpu.memory_space<vmem>>[vector<16xi32>, vector<16xi32>, vector<16xi32>], vector<16xf32>,
        tpu.vector_store_idx %arg12[%shift_right_arithmetic3A_25, %and3A_48, %broadcast_in_dim3A_669], %get3A_681 : memref<8x8x129xf32, #tpu.memory_space<vmem>>[vector<16xi32>, vector<16xi32>, vector<16xi32>], vector<16xf32>,
        %scan3A_682 = arith.constant 5 : i32
        %scan3A_683 = arith.addi %scan3A_590, %scan3A_682 : i32
        %mul3A_684 = arith.constant 1 : i32
        %mul3A_685 = arith.muli %scan3A_683, %mul3A_684 : i32
        %add3A_686 = arith.constant 0 : i32
        %add3A_687 = arith.addi %add3A_686, %mul3A_685 : i32
        %broadcast_in_dim3A_688 = vector.broadcast %add3A_687 : i32 to vector<16xi32>
        %get3A_689 = arith.index_cast %add3A_687 : i32 to index
        %get3A_690 = arith.constant 0 : index
        %get3A_691 = tpu.vector_load %arg8[%get3A_689, %get3A_690] {strides = array<i32>} : memref<128x64xf32, #tpu.memory_space<vmem>>, vector<16xf32>,
        %get3A_692 = arith.index_cast %add3A_687 : i32 to index
        %get3A_693 = arith.constant 16 : index
        %get3A_694 = tpu.vector_load %arg8[%get3A_692, %get3A_693] {strides = array<i32>} : memref<128x64xf32, #tpu.memory_space<vmem>>, vector<16xf32>,
        %get3A_695 = arith.index_cast %add3A_687 : i32 to index
        %get3A_696 = arith.constant 32 : index
        %get3A_697 = tpu.vector_load %arg8[%get3A_695, %get3A_696] {strides = array<i32>} : memref<128x64xf32, #tpu.memory_space<vmem>>, vector<16xf32>,
        %get3A_698 = arith.index_cast %add3A_687 : i32 to index
        %get3A_699 = arith.constant 48 : index
        %get3A_700 = tpu.vector_load %arg8[%get3A_698, %get3A_699] {strides = array<i32>} : memref<128x64xf32, #tpu.memory_space<vmem>>, vector<16xf32>,
        tpu.vector_store_idx %arg12[%shift_right_arithmetic3A_7, %and3A_30, %broadcast_in_dim3A_688], %get3A_691 : memref<8x8x129xf32, #tpu.memory_space<vmem>>[vector<16xi32>, vector<16xi32>, vector<16xi32>], vector<16xf32>,
        tpu.vector_store_idx %arg12[%shift_right_arithmetic3A_13, %and3A_36, %broadcast_in_dim3A_688], %get3A_694 : memref<8x8x129xf32, #tpu.memory_space<vmem>>[vector<16xi32>, vector<16xi32>, vector<16xi32>], vector<16xf32>,
        tpu.vector_store_idx %arg12[%shift_right_arithmetic3A_19, %and3A_42, %broadcast_in_dim3A_688], %get3A_697 : memref<8x8x129xf32, #tpu.memory_space<vmem>>[vector<16xi32>, vector<16xi32>, vector<16xi32>], vector<16xf32>,
        tpu.vector_store_idx %arg12[%shift_right_arithmetic3A_25, %and3A_48, %broadcast_in_dim3A_688], %get3A_700 : memref<8x8x129xf32, #tpu.memory_space<vmem>>[vector<16xi32>, vector<16xi32>, vector<16xi32>], vector<16xf32>,
        %scan3A_701 = arith.constant 6 : i32
        %scan3A_702 = arith.addi %scan3A_590, %scan3A_701 : i32
        %mul3A_703 = arith.constant 1 : i32
        %mul3A_704 = arith.muli %scan3A_702, %mul3A_703 : i32
        %add3A_705 = arith.constant 0 : i32
        %add3A_706 = arith.addi %add3A_705, %mul3A_704 : i32
        %broadcast_in_dim3A_707 = vector.broadcast %add3A_706 : i32 to vector<16xi32>
        %get3A_708 = arith.index_cast %add3A_706 : i32 to index
        %get3A_709 = arith.constant 0 : index
        %get3A_710 = tpu.vector_load %arg8[%get3A_708, %get3A_709] {strides = array<i32>} : memref<128x64xf32, #tpu.memory_space<vmem>>, vector<16xf32>,
        %get3A_711 = arith.index_cast %add3A_706 : i32 to index
        %get3A_712 = arith.constant 16 : index
        %get3A_713 = tpu.vector_load %arg8[%get3A_711, %get3A_712] {strides = array<i32>} : memref<128x64xf32, #tpu.memory_space<vmem>>, vector<16xf32>,
        %get3A_714 = arith.index_cast %add3A_706 : i32 to index
        %get3A_715 = arith.constant 32 : index
        %get3A_716 = tpu.vector_load %arg8[%get3A_714, %get3A_715] {strides = array<i32>} : memref<128x64xf32, #tpu.memory_space<vmem>>, vector<16xf32>,
        %get3A_717 = arith.index_cast %add3A_706 : i32 to index
        %get3A_718 = arith.constant 48 : index
        %get3A_719 = tpu.vector_load %arg8[%get3A_717, %get3A_718] {strides = array<i32>} : memref<128x64xf32, #tpu.memory_space<vmem>>, vector<16xf32>,
        tpu.vector_store_idx %arg12[%shift_right_arithmetic3A_7, %and3A_30, %broadcast_in_dim3A_707], %get3A_710 : memref<8x8x129xf32, #tpu.memory_space<vmem>>[vector<16xi32>, vector<16xi32>, vector<16xi32>], vector<16xf32>,
        tpu.vector_store_idx %arg12[%shift_right_arithmetic3A_13, %and3A_36, %broadcast_in_dim3A_707], %get3A_713 : memref<8x8x129xf32, #tpu.memory_space<vmem>>[vector<16xi32>, vector<16xi32>, vector<16xi32>], vector<16xf32>,
        tpu.vector_store_idx %arg12[%shift_right_arithmetic3A_19, %and3A_42, %broadcast_in_dim3A_707], %get3A_716 : memref<8x8x129xf32, #tpu.memory_space<vmem>>[vector<16xi32>, vector<16xi32>, vector<16xi32>], vector<16xf32>,
        tpu.vector_store_idx %arg12[%shift_right_arithmetic3A_25, %and3A_48, %broadcast_in_dim3A_707], %get3A_719 : memref<8x8x129xf32, #tpu.memory_space<vmem>>[vector<16xi32>, vector<16xi32>, vector<16xi32>], vector<16xf32>,
        %scan3A_720 = arith.constant 7 : i32
        %scan3A_721 = arith.addi %scan3A_590, %scan3A_720 : i32
        %mul3A_722 = arith.constant 1 : i32
        %mul3A_723 = arith.muli %scan3A_721, %mul3A_722 : i32
        %add3A_724 = arith.constant 0 : i32
        %add3A_725 = arith.addi %add3A_724, %mul3A_723 : i32
        %broadcast_in_dim3A_726 = vector.broadcast %add3A_725 : i32 to vector<16xi32>
        %get3A_727 = arith.index_cast %add3A_725 : i32 to index
        %get3A_728 = arith.constant 0 : index
        %get3A_729 = tpu.vector_load %arg8[%get3A_727, %get3A_728] {strides = array<i32>} : memref<128x64xf32, #tpu.memory_space<vmem>>, vector<16xf32>,
        %get3A_730 = arith.index_cast %add3A_725 : i32 to index
        %get3A_731 = arith.constant 16 : index
        %get3A_732 = tpu.vector_load %arg8[%get3A_730, %get3A_731] {strides = array<i32>} : memref<128x64xf32, #tpu.memory_space<vmem>>, vector<16xf32>,
        %get3A_733 = arith.index_cast %add3A_725 : i32 to index
        %get3A_734 = arith.constant 32 : index
        %get3A_735 = tpu.vector_load %arg8[%get3A_733, %get3A_734] {strides = array<i32>} : memref<128x64xf32, #tpu.memory_space<vmem>>, vector<16xf32>,
        %get3A_736 = arith.index_cast %add3A_725 : i32 to index
        %get3A_737 = arith.constant 48 : index
        %get3A_738 = tpu.vector_load %arg8[%get3A_736, %get3A_737] {strides = array<i32>} : memref<128x64xf32, #tpu.memory_space<vmem>>, vector<16xf32>,
        tpu.vector_store_idx %arg12[%shift_right_arithmetic3A_7, %and3A_30, %broadcast_in_dim3A_726], %get3A_729 : memref<8x8x129xf32, #tpu.memory_space<vmem>>[vector<16xi32>, vector<16xi32>, vector<16xi32>], vector<16xf32>,
        tpu.vector_store_idx %arg12[%shift_right_arithmetic3A_13, %and3A_36, %broadcast_in_dim3A_726], %get3A_732 : memref<8x8x129xf32, #tpu.memory_space<vmem>>[vector<16xi32>, vector<16xi32>, vector<16xi32>], vector<16xf32>,
        tpu.vector_store_idx %arg12[%shift_right_arithmetic3A_19, %and3A_42, %broadcast_in_dim3A_726], %get3A_735 : memref<8x8x129xf32, #tpu.memory_space<vmem>>[vector<16xi32>, vector<16xi32>, vector<16xi32>], vector<16xf32>,
        tpu.vector_store_idx %arg12[%shift_right_arithmetic3A_25, %and3A_48, %broadcast_in_dim3A_726], %get3A_738 : memref<8x8x129xf32, #tpu.memory_space<vmem>>[vector<16xi32>, vector<16xi32>, vector<16xi32>], vector<16xf32>,
      }
      %scan3A_500 = arith.constant 128 : i32
      %add3A_501 = arith.addi %mul3A_2, %add3A_461 : i32
      %shift_right_arithmetic3A_502 = arith.constant 5 : i32
      %shift_right_arithmetic3A_503 = arith.shrsi %add3A_501, %shift_right_arithmetic3A_502 : i32
      %and3A_504 = arith.constant 31 : i32
      %and3A_505 = arith.andi %add3A_501, %and3A_504 : i32
      %dma_start3A_506 = arith.constant 0 : i32
      %dma_start3A_507 = arith.constant 0 : i32
      %dma_start3A_508 = arith.constant 0 : i32
      %dma_start3A_509 = tpu.memref_slice %arg12[%dma_start3A_506, %dma_start3A_507, %dma_start3A_508] : memref<8x8x129xf32, #tpu.memory_space<vmem>> -> memref<8x8x128xf32, #tpu.memory_space<vmem>>
      %dma_start3A_510 = arith.constant 0 : i32
      %dma_start3A_511 = arith.constant 0 : i32
      %dma_start3A_512 = arith.constant 0 : i32
      %dma_start3A_513 = tpu.memref_slice %arg4[%shift_right_arithmetic3A_503, %dma_start3A_510, %and3A_505, %dma_start3A_511, %dma_start3A_512] : memref<200x8x32x8x128xf32, #tpu.memory_space<hbm>> -> memref<1x8x1x8x128xf32, #tpu.memory_space<hbm>>
      %dma_start3A_514 = tpu.memref_squeeze %dma_start3A_513 : memref<1x8x1x8x128xf32, #tpu.memory_space<hbm>> -> memref<8x8x128xf32, #tpu.memory_space<hbm>>
      %dma_start3A_515 = arith.constant 0 : i32
      %dma_start3A_516 = arith.constant 0 : i32
      %dma_start3A_517 = arith.constant 0 : i32
      %dma_start3A_518 = tpu.memref_slice %arg4[%shift_right_arithmetic3A_503, %dma_start3A_515, %and3A_505, %dma_start3A_516, %dma_start3A_517] : memref<200x8x32x8x128xf32, #tpu.memory_space<hbm>> -> memref<1x8x1x8x128xf32, #tpu.memory_space<hbm>>
      %dma_start3A_519 = tpu.memref_squeeze %dma_start3A_518 : memref<1x8x1x8x128xf32, #tpu.memory_space<hbm>> -> memref<8x8x128xf32, #tpu.memory_space<hbm>>
      %dma_start3A_520 = arith.constant 0 : i32
      %dma_start3A_521 = arith.constant 0 : i32
      %dma_start3A_522 = arith.constant 0 : i32
      %dma_start3A_523 = tpu.memref_slice %arg12[%dma_start3A_520, %dma_start3A_521, %dma_start3A_522] : memref<8x8x129xf32, #tpu.memory_space<vmem>> -> memref<8x8x128xf32, #tpu.memory_space<vmem>>
      tpu.enqueue_dma source(%dma_start3A_523 : memref<8x8x128xf32, #tpu.memory_space<vmem>>) target(%dma_start3A_519 : memref<8x8x128xf32, #tpu.memory_space<hbm>>) target_semaphore(%arg20 : memref<!tpu.dma_semaphore, #tpu.memory_space<semaphore_mem>>)
      %mul3A_524 = arith.constant 4 : i32
      %mul3A_525 = arith.muli %mul3A_524, %add3A_328 : i32
      %add3A_526 = arith.constant 3 : i32
      %add3A_527 = arith.addi %mul3A_525, %add3A_526 : i32
      %dma_wait3A_528 = arith.constant 0 : i32
      %dma_wait3A_529 = arith.constant 0 : i32
      %dma_wait3A_530 = arith.constant 0 : i32
      %dma_wait3A_531 = arith.constant 0 : i32
      %dma_wait3A_532 = arith.constant 0 : i32
      %dma_wait3A_533 = tpu.memref_slice %arg13[%dma_wait3A_530, %dma_wait3A_531, %dma_wait3A_532] : memref<8x8x129xf32, #tpu.memory_space<vmem>> -> memref<8x8x128xf32, #tpu.memory_space<vmem>>
      %dma_wait3A_534 = arith.constant 0 : i32
      %dma_wait3A_535 = arith.constant 0 : i32
      %dma_wait3A_536 = arith.constant 0 : i32
      %dma_wait3A_537 = tpu.memref_slice %arg4[%dma_wait3A_528, %dma_wait3A_534, %dma_wait3A_529, %dma_wait3A_535, %dma_wait3A_536] : memref<200x8x32x8x128xf32, #tpu.memory_space<hbm>> -> memref<1x8x1x8x128xf32, #tpu.memory_space<hbm>>
      %dma_wait3A_538 = tpu.memref_squeeze %dma_wait3A_537 : memref<1x8x1x8x128xf32, #tpu.memory_space<hbm>> -> memref<8x8x128xf32, #tpu.memory_space<hbm>>
      %dma_wait3A_539 = arith.constant 0 : i32
      %dma_wait3A_540 = arith.constant 0 : i32
      %dma_wait3A_541 = arith.constant 0 : i32
      %dma_wait3A_542 = tpu.memref_slice %arg4[%dma_wait3A_528, %dma_wait3A_539, %dma_wait3A_529, %dma_wait3A_540, %dma_wait3A_541] : memref<200x8x32x8x128xf32, #tpu.memory_space<hbm>> -> memref<1x8x1x8x128xf32, #tpu.memory_space<hbm>>
      %dma_wait3A_543 = tpu.memref_squeeze %dma_wait3A_542 : memref<1x8x1x8x128xf32, #tpu.memory_space<hbm>> -> memref<8x8x128xf32, #tpu.memory_space<hbm>>
      %dma_wait3A_544 = arith.constant 0 : i32
      %dma_wait3A_545 = arith.constant 0 : i32
      %dma_wait3A_546 = arith.constant 0 : i32
      %dma_wait3A_547 = tpu.memref_slice %arg13[%dma_wait3A_544, %dma_wait3A_545, %dma_wait3A_546] : memref<8x8x129xf32, #tpu.memory_space<vmem>> -> memref<8x8x128xf32, #tpu.memory_space<vmem>>
      tpu.wait_dma2 semaphore(%arg21 : memref<!tpu.dma_semaphore, #tpu.memory_space<semaphore_mem>>) src(%dma_wait3A_547 : memref<8x8x128xf32, #tpu.memory_space<vmem>>) dst(%dma_wait3A_543 : memref<8x8x128xf32, #tpu.memory_space<hbm>>)
      %add3A_548 = arith.constant 3 : i32
      %add3A_549 = arith.addi %add3A_527, %add3A_548 : i32
      %lt3A_550 = arith.constant 200 : i32
      %lt3A_551 = arith.cmpi slt, %add3A_549, %lt3A_550 : i32
      %convert_element_type3A_552 = arith.extui %lt3A_551 : i1 to i32
      %cond3A_553 = arith.constant 0 : i32
      %cond3A_554 = arith.cmpi ne, %convert_element_type3A_552, %cond3A_553 : i32
      scf.if %cond3A_554 {
        %add3A_590 = arith.constant 3 : i32
        %add3A_591 = arith.addi %add3A_527, %add3A_590 : i32
        %dma_start3A_592 = arith.constant 0 : i32
        %dma_start3A_593 = tpu.memref_slice %arg5[%add3A_591, %dma_start3A_592] : memref<200x128xi32, #tpu.memory_space<vmem>> -> memref<1x128xi32, #tpu.memory_space<vmem>>
        %dma_start3A_594 = tpu.memref_squeeze %dma_start3A_593 : memref<1x128xi32, #tpu.memory_space<vmem>> -> memref<128xi32, #tpu.memory_space<vmem>>
        %dma_start3A_595 = arith.constant 0 : i32
        %dma_start3A_596 = arith.constant 0 : i32
        %dma_start3A_597 = tpu.memref_slice %arg2[%dma_start3A_595, %dma_start3A_596] : memref<100000x64xf32, #tpu.memory_space<hbm>> -> memref<100000x64xf32, #tpu.memory_space<hbm>>
        tpu.enqueue_indirect_dma source(%dma_start3A_597 : memref<100000x64xf32, #tpu.memory_space<hbm>>) target(%arg8 : memref<128x64xf32, #tpu.memory_space<vmem>>) offsets(%dma_start3A_594 : memref<128xi32, #tpu.memory_space<vmem>>) semaphore(%arg16 : memref<!tpu.dma_semaphore, #tpu.memory_space<semaphore_mem>>)
      } else {
      }
      %dma_wait3A_555 = arith.constant 0 : i32
      %dma_wait3A_556 = arith.constant 0 : i32
      %dma_wait3A_557 = tpu.memref_slice %arg5[%dma_wait3A_555, %dma_wait3A_556] : memref<200x128xi32, #tpu.memory_space<vmem>> -> memref<1x128xi32, #tpu.memory_space<vmem>>
      %dma_wait3A_558 = tpu.memref_squeeze %dma_wait3A_557 : memref<1x128xi32, #tpu.memory_space<vmem>> -> memref<128xi32, #tpu.memory_space<vmem>>
      %dma_wait3A_559 = arith.constant 0 : i32
      %dma_wait3A_560 = arith.constant 0 : i32
      %dma_wait3A_561 = tpu.memref_slice %arg2[%dma_wait3A_559, %dma_wait3A_560] : memref<100000x64xf32, #tpu.memory_space<hbm>> -> memref<100000x64xf32, #tpu.memory_space<hbm>>
      tpu.wait_indirect_dma semaphore(%arg17 : memref<!tpu.dma_semaphore, #tpu.memory_space<semaphore_mem>>) src(%dma_wait3A_561 : memref<100000x64xf32, #tpu.memory_space<hbm>>) dst(%arg9 : memref<128x64xf32, #tpu.memory_space<vmem>>)
      %scan3A_562 = arith.constant 0 : i32
      %scan3A_563 = arith.constant 128 : i32
      %scan3A_564 = arith.addi %scan3A_562, %scan3A_563 : i32
      %scan3A_565 = arith.constant 8 : i32
      scf.for %scan3A_590 = %scan3A_562 to %scan3A_564 step %scan3A_565  : i32 {
        %mul3A_591 = arith.constant 1 : i32
        %mul3A_592 = arith.muli %scan3A_590, %mul3A_591 : i32
        %add3A_593 = arith.constant 0 : i32
        %add3A_594 = arith.addi %add3A_593, %mul3A_592 : i32
        %broadcast_in_dim3A = vector.broadcast %add3A_594 : i32 to vector<16xi32>
        %get3A = arith.index_cast %add3A_594 : i32 to index
        %get3A_595 = arith.constant 0 : index
        %get3A_596 = tpu.vector_load %arg9[%get3A, %get3A_595] {strides = array<i32>} : memref<128x64xf32, #tpu.memory_space<vmem>>, vector<16xf32>,
        %get3A_597 = arith.index_cast %add3A_594 : i32 to index
        %get3A_598 = arith.constant 16 : index
        %get3A_599 = tpu.vector_load %arg9[%get3A_597, %get3A_598] {strides = array<i32>} : memref<128x64xf32, #tpu.memory_space<vmem>>, vector<16xf32>,
        %get3A_600 = arith.index_cast %add3A_594 : i32 to index
        %get3A_601 = arith.constant 32 : index
        %get3A_602 = tpu.vector_load %arg9[%get3A_600, %get3A_601] {strides = array<i32>} : memref<128x64xf32, #tpu.memory_space<vmem>>, vector<16xf32>,
        %get3A_603 = arith.index_cast %add3A_594 : i32 to index
        %get3A_604 = arith.constant 48 : index
        %get3A_605 = tpu.vector_load %arg9[%get3A_603, %get3A_604] {strides = array<i32>} : memref<128x64xf32, #tpu.memory_space<vmem>>, vector<16xf32>,
        tpu.vector_store_idx %arg13[%shift_right_arithmetic3A_7, %and3A_30, %broadcast_in_dim3A], %get3A_596 : memref<8x8x129xf32, #tpu.memory_space<vmem>>[vector<16xi32>, vector<16xi32>, vector<16xi32>], vector<16xf32>,
        tpu.vector_store_idx %arg13[%shift_right_arithmetic3A_13, %and3A_36, %broadcast_in_dim3A], %get3A_599 : memref<8x8x129xf32, #tpu.memory_space<vmem>>[vector<16xi32>, vector<16xi32>, vector<16xi32>], vector<16xf32>,
        tpu.vector_store_idx %arg13[%shift_right_arithmetic3A_19, %and3A_42, %broadcast_in_dim3A], %get3A_602 : memref<8x8x129xf32, #tpu.memory_space<vmem>>[vector<16xi32>, vector<16xi32>, vector<16xi32>], vector<16xf32>,
        tpu.vector_store_idx %arg13[%shift_right_arithmetic3A_25, %and3A_48, %broadcast_in_dim3A], %get3A_605 : memref<8x8x129xf32, #tpu.memory_space<vmem>>[vector<16xi32>, vector<16xi32>, vector<16xi32>], vector<16xf32>,
        %scan3A_606 = arith.constant 1 : i32
        %scan3A_607 = arith.addi %scan3A_590, %scan3A_606 : i32
        %mul3A_608 = arith.constant 1 : i32
        %mul3A_609 = arith.muli %scan3A_607, %mul3A_608 : i32
        %add3A_610 = arith.constant 0 : i32
        %add3A_611 = arith.addi %add3A_610, %mul3A_609 : i32
        %broadcast_in_dim3A_612 = vector.broadcast %add3A_611 : i32 to vector<16xi32>
        %get3A_613 = arith.index_cast %add3A_611 : i32 to index
        %get3A_614 = arith.constant 0 : index
        %get3A_615 = tpu.vector_load %arg9[%get3A_613, %get3A_614] {strides = array<i32>} : memref<128x64xf32, #tpu.memory_space<vmem>>, vector<16xf32>,
        %get3A_616 = arith.index_cast %add3A_611 : i32 to index
        %get3A_617 = arith.constant 16 : index
        %get3A_618 = tpu.vector_load %arg9[%get3A_616, %get3A_617] {strides = array<i32>} : memref<128x64xf32, #tpu.memory_space<vmem>>, vector<16xf32>,
        %get3A_619 = arith.index_cast %add3A_611 : i32 to index
        %get3A_620 = arith.constant 32 : index
        %get3A_621 = tpu.vector_load %arg9[%get3A_619, %get3A_620] {strides = array<i32>} : memref<128x64xf32, #tpu.memory_space<vmem>>, vector<16xf32>,
        %get3A_622 = arith.index_cast %add3A_611 : i32 to index
        %get3A_623 = arith.constant 48 : index
        %get3A_624 = tpu.vector_load %arg9[%get3A_622, %get3A_623] {strides = array<i32>} : memref<128x64xf32, #tpu.memory_space<vmem>>, vector<16xf32>,
        tpu.vector_store_idx %arg13[%shift_right_arithmetic3A_7, %and3A_30, %broadcast_in_dim3A_612], %get3A_615 : memref<8x8x129xf32, #tpu.memory_space<vmem>>[vector<16xi32>, vector<16xi32>, vector<16xi32>], vector<16xf32>,
        tpu.vector_store_idx %arg13[%shift_right_arithmetic3A_13, %and3A_36, %broadcast_in_dim3A_612], %get3A_618 : memref<8x8x129xf32, #tpu.memory_space<vmem>>[vector<16xi32>, vector<16xi32>, vector<16xi32>], vector<16xf32>,
        tpu.vector_store_idx %arg13[%shift_right_arithmetic3A_19, %and3A_42, %broadcast_in_dim3A_612], %get3A_621 : memref<8x8x129xf32, #tpu.memory_space<vmem>>[vector<16xi32>, vector<16xi32>, vector<16xi32>], vector<16xf32>,
        tpu.vector_store_idx %arg13[%shift_right_arithmetic3A_25, %and3A_48, %broadcast_in_dim3A_612], %get3A_624 : memref<8x8x129xf32, #tpu.memory_space<vmem>>[vector<16xi32>, vector<16xi32>, vector<16xi32>], vector<16xf32>,
        %scan3A_625 = arith.constant 2 : i32
        %scan3A_626 = arith.addi %scan3A_590, %scan3A_625 : i32
        %mul3A_627 = arith.constant 1 : i32
        %mul3A_628 = arith.muli %scan3A_626, %mul3A_627 : i32
        %add3A_629 = arith.constant 0 : i32
        %add3A_630 = arith.addi %add3A_629, %mul3A_628 : i32
        %broadcast_in_dim3A_631 = vector.broadcast %add3A_630 : i32 to vector<16xi32>
        %get3A_632 = arith.index_cast %add3A_630 : i32 to index
        %get3A_633 = arith.constant 0 : index
        %get3A_634 = tpu.vector_load %arg9[%get3A_632, %get3A_633] {strides = array<i32>} : memref<128x64xf32, #tpu.memory_space<vmem>>, vector<16xf32>,
        %get3A_635 = arith.index_cast %add3A_630 : i32 to index
        %get3A_636 = arith.constant 16 : index
        %get3A_637 = tpu.vector_load %arg9[%get3A_635, %get3A_636] {strides = array<i32>} : memref<128x64xf32, #tpu.memory_space<vmem>>, vector<16xf32>,
        %get3A_638 = arith.index_cast %add3A_630 : i32 to index
        %get3A_639 = arith.constant 32 : index
        %get3A_640 = tpu.vector_load %arg9[%get3A_638, %get3A_639] {strides = array<i32>} : memref<128x64xf32, #tpu.memory_space<vmem>>, vector<16xf32>,
        %get3A_641 = arith.index_cast %add3A_630 : i32 to index
        %get3A_642 = arith.constant 48 : index
        %get3A_643 = tpu.vector_load %arg9[%get3A_641, %get3A_642] {strides = array<i32>} : memref<128x64xf32, #tpu.memory_space<vmem>>, vector<16xf32>,
        tpu.vector_store_idx %arg13[%shift_right_arithmetic3A_7, %and3A_30, %broadcast_in_dim3A_631], %get3A_634 : memref<8x8x129xf32, #tpu.memory_space<vmem>>[vector<16xi32>, vector<16xi32>, vector<16xi32>], vector<16xf32>,
        tpu.vector_store_idx %arg13[%shift_right_arithmetic3A_13, %and3A_36, %broadcast_in_dim3A_631], %get3A_637 : memref<8x8x129xf32, #tpu.memory_space<vmem>>[vector<16xi32>, vector<16xi32>, vector<16xi32>], vector<16xf32>,
        tpu.vector_store_idx %arg13[%shift_right_arithmetic3A_19, %and3A_42, %broadcast_in_dim3A_631], %get3A_640 : memref<8x8x129xf32, #tpu.memory_space<vmem>>[vector<16xi32>, vector<16xi32>, vector<16xi32>], vector<16xf32>,
        tpu.vector_store_idx %arg13[%shift_right_arithmetic3A_25, %and3A_48, %broadcast_in_dim3A_631], %get3A_643 : memref<8x8x129xf32, #tpu.memory_space<vmem>>[vector<16xi32>, vector<16xi32>, vector<16xi32>], vector<16xf32>,
        %scan3A_644 = arith.constant 3 : i32
        %scan3A_645 = arith.addi %scan3A_590, %scan3A_644 : i32
        %mul3A_646 = arith.constant 1 : i32
        %mul3A_647 = arith.muli %scan3A_645, %mul3A_646 : i32
        %add3A_648 = arith.constant 0 : i32
        %add3A_649 = arith.addi %add3A_648, %mul3A_647 : i32
        %broadcast_in_dim3A_650 = vector.broadcast %add3A_649 : i32 to vector<16xi32>
        %get3A_651 = arith.index_cast %add3A_649 : i32 to index
        %get3A_652 = arith.constant 0 : index
        %get3A_653 = tpu.vector_load %arg9[%get3A_651, %get3A_652] {strides = array<i32>} : memref<128x64xf32, #tpu.memory_space<vmem>>, vector<16xf32>,
        %get3A_654 = arith.index_cast %add3A_649 : i32 to index
        %get3A_655 = arith.constant 16 : index
        %get3A_656 = tpu.vector_load %arg9[%get3A_654, %get3A_655] {strides = array<i32>} : memref<128x64xf32, #tpu.memory_space<vmem>>, vector<16xf32>,
        %get3A_657 = arith.index_cast %add3A_649 : i32 to index
        %get3A_658 = arith.constant 32 : index
        %get3A_659 = tpu.vector_load %arg9[%get3A_657, %get3A_658] {strides = array<i32>} : memref<128x64xf32, #tpu.memory_space<vmem>>, vector<16xf32>,
        %get3A_660 = arith.index_cast %add3A_649 : i32 to index
        %get3A_661 = arith.constant 48 : index
        %get3A_662 = tpu.vector_load %arg9[%get3A_660, %get3A_661] {strides = array<i32>} : memref<128x64xf32, #tpu.memory_space<vmem>>, vector<16xf32>,
        tpu.vector_store_idx %arg13[%shift_right_arithmetic3A_7, %and3A_30, %broadcast_in_dim3A_650], %get3A_653 : memref<8x8x129xf32, #tpu.memory_space<vmem>>[vector<16xi32>, vector<16xi32>, vector<16xi32>], vector<16xf32>,
        tpu.vector_store_idx %arg13[%shift_right_arithmetic3A_13, %and3A_36, %broadcast_in_dim3A_650], %get3A_656 : memref<8x8x129xf32, #tpu.memory_space<vmem>>[vector<16xi32>, vector<16xi32>, vector<16xi32>], vector<16xf32>,
        tpu.vector_store_idx %arg13[%shift_right_arithmetic3A_19, %and3A_42, %broadcast_in_dim3A_650], %get3A_659 : memref<8x8x129xf32, #tpu.memory_space<vmem>>[vector<16xi32>, vector<16xi32>, vector<16xi32>], vector<16xf32>,
        tpu.vector_store_idx %arg13[%shift_right_arithmetic3A_25, %and3A_48, %broadcast_in_dim3A_650], %get3A_662 : memref<8x8x129xf32, #tpu.memory_space<vmem>>[vector<16xi32>, vector<16xi32>, vector<16xi32>], vector<16xf32>,
        %scan3A_663 = arith.constant 4 : i32
        %scan3A_664 = arith.addi %scan3A_590, %scan3A_663 : i32
        %mul3A_665 = arith.constant 1 : i32
        %mul3A_666 = arith.muli %scan3A_664, %mul3A_665 : i32
        %add3A_667 = arith.constant 0 : i32
        %add3A_668 = arith.addi %add3A_667, %mul3A_666 : i32
        %broadcast_in_dim3A_669 = vector.broadcast %add3A_668 : i32 to vector<16xi32>
        %get3A_670 = arith.index_cast %add3A_668 : i32 to index
        %get3A_671 = arith.constant 0 : index
        %get3A_672 = tpu.vector_load %arg9[%get3A_670, %get3A_671] {strides = array<i32>} : memref<128x64xf32, #tpu.memory_space<vmem>>, vector<16xf32>,
        %get3A_673 = arith.index_cast %add3A_668 : i32 to index
        %get3A_674 = arith.constant 16 : index
        %get3A_675 = tpu.vector_load %arg9[%get3A_673, %get3A_674] {strides = array<i32>} : memref<128x64xf32, #tpu.memory_space<vmem>>, vector<16xf32>,
        %get3A_676 = arith.index_cast %add3A_668 : i32 to index
        %get3A_677 = arith.constant 32 : index
        %get3A_678 = tpu.vector_load %arg9[%get3A_676, %get3A_677] {strides = array<i32>} : memref<128x64xf32, #tpu.memory_space<vmem>>, vector<16xf32>,
        %get3A_679 = arith.index_cast %add3A_668 : i32 to index
        %get3A_680 = arith.constant 48 : index
        %get3A_681 = tpu.vector_load %arg9[%get3A_679, %get3A_680] {strides = array<i32>} : memref<128x64xf32, #tpu.memory_space<vmem>>, vector<16xf32>,
        tpu.vector_store_idx %arg13[%shift_right_arithmetic3A_7, %and3A_30, %broadcast_in_dim3A_669], %get3A_672 : memref<8x8x129xf32, #tpu.memory_space<vmem>>[vector<16xi32>, vector<16xi32>, vector<16xi32>], vector<16xf32>,
        tpu.vector_store_idx %arg13[%shift_right_arithmetic3A_13, %and3A_36, %broadcast_in_dim3A_669], %get3A_675 : memref<8x8x129xf32, #tpu.memory_space<vmem>>[vector<16xi32>, vector<16xi32>, vector<16xi32>], vector<16xf32>,
        tpu.vector_store_idx %arg13[%shift_right_arithmetic3A_19, %and3A_42, %broadcast_in_dim3A_669], %get3A_678 : memref<8x8x129xf32, #tpu.memory_space<vmem>>[vector<16xi32>, vector<16xi32>, vector<16xi32>], vector<16xf32>,
        tpu.vector_store_idx %arg13[%shift_right_arithmetic3A_25, %and3A_48, %broadcast_in_dim3A_669], %get3A_681 : memref<8x8x129xf32, #tpu.memory_space<vmem>>[vector<16xi32>, vector<16xi32>, vector<16xi32>], vector<16xf32>,
        %scan3A_682 = arith.constant 5 : i32
        %scan3A_683 = arith.addi %scan3A_590, %scan3A_682 : i32
        %mul3A_684 = arith.constant 1 : i32
        %mul3A_685 = arith.muli %scan3A_683, %mul3A_684 : i32
        %add3A_686 = arith.constant 0 : i32
        %add3A_687 = arith.addi %add3A_686, %mul3A_685 : i32
        %broadcast_in_dim3A_688 = vector.broadcast %add3A_687 : i32 to vector<16xi32>
        %get3A_689 = arith.index_cast %add3A_687 : i32 to index
        %get3A_690 = arith.constant 0 : index
        %get3A_691 = tpu.vector_load %arg9[%get3A_689, %get3A_690] {strides = array<i32>} : memref<128x64xf32, #tpu.memory_space<vmem>>, vector<16xf32>,
        %get3A_692 = arith.index_cast %add3A_687 : i32 to index
        %get3A_693 = arith.constant 16 : index
        %get3A_694 = tpu.vector_load %arg9[%get3A_692, %get3A_693] {strides = array<i32>} : memref<128x64xf32, #tpu.memory_space<vmem>>, vector<16xf32>,
        %get3A_695 = arith.index_cast %add3A_687 : i32 to index
        %get3A_696 = arith.constant 32 : index
        %get3A_697 = tpu.vector_load %arg9[%get3A_695, %get3A_696] {strides = array<i32>} : memref<128x64xf32, #tpu.memory_space<vmem>>, vector<16xf32>,
        %get3A_698 = arith.index_cast %add3A_687 : i32 to index
        %get3A_699 = arith.constant 48 : index
        %get3A_700 = tpu.vector_load %arg9[%get3A_698, %get3A_699] {strides = array<i32>} : memref<128x64xf32, #tpu.memory_space<vmem>>, vector<16xf32>,
        tpu.vector_store_idx %arg13[%shift_right_arithmetic3A_7, %and3A_30, %broadcast_in_dim3A_688], %get3A_691 : memref<8x8x129xf32, #tpu.memory_space<vmem>>[vector<16xi32>, vector<16xi32>, vector<16xi32>], vector<16xf32>,
        tpu.vector_store_idx %arg13[%shift_right_arithmetic3A_13, %and3A_36, %broadcast_in_dim3A_688], %get3A_694 : memref<8x8x129xf32, #tpu.memory_space<vmem>>[vector<16xi32>, vector<16xi32>, vector<16xi32>], vector<16xf32>,
        tpu.vector_store_idx %arg13[%shift_right_arithmetic3A_19, %and3A_42, %broadcast_in_dim3A_688], %get3A_697 : memref<8x8x129xf32, #tpu.memory_space<vmem>>[vector<16xi32>, vector<16xi32>, vector<16xi32>], vector<16xf32>,
        tpu.vector_store_idx %arg13[%shift_right_arithmetic3A_25, %and3A_48, %broadcast_in_dim3A_688], %get3A_700 : memref<8x8x129xf32, #tpu.memory_space<vmem>>[vector<16xi32>, vector<16xi32>, vector<16xi32>], vector<16xf32>,
        %scan3A_701 = arith.constant 6 : i32
        %scan3A_702 = arith.addi %scan3A_590, %scan3A_701 : i32
        %mul3A_703 = arith.constant 1 : i32
        %mul3A_704 = arith.muli %scan3A_702, %mul3A_703 : i32
        %add3A_705 = arith.constant 0 : i32
        %add3A_706 = arith.addi %add3A_705, %mul3A_704 : i32
        %broadcast_in_dim3A_707 = vector.broadcast %add3A_706 : i32 to vector<16xi32>
        %get3A_708 = arith.index_cast %add3A_706 : i32 to index
        %get3A_709 = arith.constant 0 : index
        %get3A_710 = tpu.vector_load %arg9[%get3A_708, %get3A_709] {strides = array<i32>} : memref<128x64xf32, #tpu.memory_space<vmem>>, vector<16xf32>,
        %get3A_711 = arith.index_cast %add3A_706 : i32 to index
        %get3A_712 = arith.constant 16 : index
        %get3A_713 = tpu.vector_load %arg9[%get3A_711, %get3A_712] {strides = array<i32>} : memref<128x64xf32, #tpu.memory_space<vmem>>, vector<16xf32>,
        %get3A_714 = arith.index_cast %add3A_706 : i32 to index
        %get3A_715 = arith.constant 32 : index
        %get3A_716 = tpu.vector_load %arg9[%get3A_714, %get3A_715] {strides = array<i32>} : memref<128x64xf32, #tpu.memory_space<vmem>>, vector<16xf32>,
        %get3A_717 = arith.index_cast %add3A_706 : i32 to index
        %get3A_718 = arith.constant 48 : index
        %get3A_719 = tpu.vector_load %arg9[%get3A_717, %get3A_718] {strides = array<i32>} : memref<128x64xf32, #tpu.memory_space<vmem>>, vector<16xf32>,
        tpu.vector_store_idx %arg13[%shift_right_arithmetic3A_7, %and3A_30, %broadcast_in_dim3A_707], %get3A_710 : memref<8x8x129xf32, #tpu.memory_space<vmem>>[vector<16xi32>, vector<16xi32>, vector<16xi32>], vector<16xf32>,
        tpu.vector_store_idx %arg13[%shift_right_arithmetic3A_13, %and3A_36, %broadcast_in_dim3A_707], %get3A_713 : memref<8x8x129xf32, #tpu.memory_space<vmem>>[vector<16xi32>, vector<16xi32>, vector<16xi32>], vector<16xf32>,
        tpu.vector_store_idx %arg13[%shift_right_arithmetic3A_19, %and3A_42, %broadcast_in_dim3A_707], %get3A_716 : memref<8x8x129xf32, #tpu.memory_space<vmem>>[vector<16xi32>, vector<16xi32>, vector<16xi32>], vector<16xf32>,
        tpu.vector_store_idx %arg13[%shift_right_arithmetic3A_25, %and3A_48, %broadcast_in_dim3A_707], %get3A_719 : memref<8x8x129xf32, #tpu.memory_space<vmem>>[vector<16xi32>, vector<16xi32>, vector<16xi32>], vector<16xf32>,
        %scan3A_720 = arith.constant 7 : i32
        %scan3A_721 = arith.addi %scan3A_590, %scan3A_720 : i32
        %mul3A_722 = arith.constant 1 : i32
        %mul3A_723 = arith.muli %scan3A_721, %mul3A_722 : i32
        %add3A_724 = arith.constant 0 : i32
        %add3A_725 = arith.addi %add3A_724, %mul3A_723 : i32
        %broadcast_in_dim3A_726 = vector.broadcast %add3A_725 : i32 to vector<16xi32>
        %get3A_727 = arith.index_cast %add3A_725 : i32 to index
        %get3A_728 = arith.constant 0 : index
        %get3A_729 = tpu.vector_load %arg9[%get3A_727, %get3A_728] {strides = array<i32>} : memref<128x64xf32, #tpu.memory_space<vmem>>, vector<16xf32>,
        %get3A_730 = arith.index_cast %add3A_725 : i32 to index
        %get3A_731 = arith.constant 16 : index
        %get3A_732 = tpu.vector_load %arg9[%get3A_730, %get3A_731] {strides = array<i32>} : memref<128x64xf32, #tpu.memory_space<vmem>>, vector<16xf32>,
        %get3A_733 = arith.index_cast %add3A_725 : i32 to index
        %get3A_734 = arith.constant 32 : index
        %get3A_735 = tpu.vector_load %arg9[%get3A_733, %get3A_734] {strides = array<i32>} : memref<128x64xf32, #tpu.memory_space<vmem>>, vector<16xf32>,
        %get3A_736 = arith.index_cast %add3A_725 : i32 to index
        %get3A_737 = arith.constant 48 : index
        %get3A_738 = tpu.vector_load %arg9[%get3A_736, %get3A_737] {strides = array<i32>} : memref<128x64xf32, #tpu.memory_space<vmem>>, vector<16xf32>,
        tpu.vector_store_idx %arg13[%shift_right_arithmetic3A_7, %and3A_30, %broadcast_in_dim3A_726], %get3A_729 : memref<8x8x129xf32, #tpu.memory_space<vmem>>[vector<16xi32>, vector<16xi32>, vector<16xi32>], vector<16xf32>,
        tpu.vector_store_idx %arg13[%shift_right_arithmetic3A_13, %and3A_36, %broadcast_in_dim3A_726], %get3A_732 : memref<8x8x129xf32, #tpu.memory_space<vmem>>[vector<16xi32>, vector<16xi32>, vector<16xi32>], vector<16xf32>,
        tpu.vector_store_idx %arg13[%shift_right_arithmetic3A_19, %and3A_42, %broadcast_in_dim3A_726], %get3A_735 : memref<8x8x129xf32, #tpu.memory_space<vmem>>[vector<16xi32>, vector<16xi32>, vector<16xi32>], vector<16xf32>,
        tpu.vector_store_idx %arg13[%shift_right_arithmetic3A_25, %and3A_48, %broadcast_in_dim3A_726], %get3A_738 : memref<8x8x129xf32, #tpu.memory_space<vmem>>[vector<16xi32>, vector<16xi32>, vector<16xi32>], vector<16xf32>,
      }
      %scan3A_566 = arith.constant 128 : i32
      %add3A_567 = arith.addi %mul3A_2, %add3A_527 : i32
      %shift_right_arithmetic3A_568 = arith.constant 5 : i32
      %shift_right_arithmetic3A_569 = arith.shrsi %add3A_567, %shift_right_arithmetic3A_568 : i32
      %and3A_570 = arith.constant 31 : i32
      %and3A_571 = arith.andi %add3A_567, %and3A_570 : i32
      %dma_start3A_572 = arith.constant 0 : i32
      %dma_start3A_573 = arith.constant 0 : i32
      %dma_start3A_574 = arith.constant 0 : i32
      %dma_start3A_575 = tpu.memref_slice %arg13[%dma_start3A_572, %dma_start3A_573, %dma_start3A_574] : memref<8x8x129xf32, #tpu.memory_space<vmem>> -> memref<8x8x128xf32, #tpu.memory_space<vmem>>
      %dma_start3A_576 = arith.constant 0 : i32
      %dma_start3A_577 = arith.constant 0 : i32
      %dma_start3A_578 = arith.constant 0 : i32
      %dma_start3A_579 = tpu.memref_slice %arg4[%shift_right_arithmetic3A_569, %dma_start3A_576, %and3A_571, %dma_start3A_577, %dma_start3A_578] : memref<200x8x32x8x128xf32, #tpu.memory_space<hbm>> -> memref<1x8x1x8x128xf32, #tpu.memory_space<hbm>>
      %dma_start3A_580 = tpu.memref_squeeze %dma_start3A_579 : memref<1x8x1x8x128xf32, #tpu.memory_space<hbm>> -> memref<8x8x128xf32, #tpu.memory_space<hbm>>
      %dma_start3A_581 = arith.constant 0 : i32
      %dma_start3A_582 = arith.constant 0 : i32
      %dma_start3A_583 = arith.constant 0 : i32
      %dma_start3A_584 = tpu.memref_slice %arg4[%shift_right_arithmetic3A_569, %dma_start3A_581, %and3A_571, %dma_start3A_582, %dma_start3A_583] : memref<200x8x32x8x128xf32, #tpu.memory_space<hbm>> -> memref<1x8x1x8x128xf32, #tpu.memory_space<hbm>>
      %dma_start3A_585 = tpu.memref_squeeze %dma_start3A_584 : memref<1x8x1x8x128xf32, #tpu.memory_space<hbm>> -> memref<8x8x128xf32, #tpu.memory_space<hbm>>
      %dma_start3A_586 = arith.constant 0 : i32
      %dma_start3A_587 = arith.constant 0 : i32
      %dma_start3A_588 = arith.constant 0 : i32
      %dma_start3A_589 = tpu.memref_slice %arg13[%dma_start3A_586, %dma_start3A_587, %dma_start3A_588] : memref<8x8x129xf32, #tpu.memory_space<vmem>> -> memref<8x8x128xf32, #tpu.memory_space<vmem>>
      tpu.enqueue_dma source(%dma_start3A_589 : memref<8x8x128xf32, #tpu.memory_space<vmem>>) target(%dma_start3A_585 : memref<8x8x128xf32, #tpu.memory_space<hbm>>) target_semaphore(%arg21 : memref<!tpu.dma_semaphore, #tpu.memory_space<semaphore_mem>>)
    }
    %scan3A_243 = arith.constant 49 : i32
    %dma_wait3A_244 = arith.constant 0 : i32
    %dma_wait3A_245 = arith.constant 0 : i32
    %dma_wait3A_246 = arith.constant 0 : i32
    %dma_wait3A_247 = arith.constant 0 : i32
    %dma_wait3A_248 = arith.constant 0 : i32
    %dma_wait3A_249 = tpu.memref_slice %arg10[%dma_wait3A_246, %dma_wait3A_247, %dma_wait3A_248] : memref<8x8x129xf32, #tpu.memory_space<vmem>> -> memref<8x8x128xf32, #tpu.memory_space<vmem>>
    %dma_wait3A_250 = arith.constant 0 : i32
    %dma_wait3A_251 = arith.constant 0 : i32
    %dma_wait3A_252 = arith.constant 0 : i32
    %dma_wait3A_253 = tpu.memref_slice %arg4[%dma_wait3A_244, %dma_wait3A_250, %dma_wait3A_245, %dma_wait3A_251, %dma_wait3A_252] : memref<200x8x32x8x128xf32, #tpu.memory_space<hbm>> -> memref<1x8x1x8x128xf32, #tpu.memory_space<hbm>>
    %dma_wait3A_254 = tpu.memref_squeeze %dma_wait3A_253 : memref<1x8x1x8x128xf32, #tpu.memory_space<hbm>> -> memref<8x8x128xf32, #tpu.memory_space<hbm>>
    %dma_wait3A_255 = arith.constant 0 : i32
    %dma_wait3A_256 = arith.constant 0 : i32
    %dma_wait3A_257 = arith.constant 0 : i32
    %dma_wait3A_258 = tpu.memref_slice %arg4[%dma_wait3A_244, %dma_wait3A_255, %dma_wait3A_245, %dma_wait3A_256, %dma_wait3A_257] : memref<200x8x32x8x128xf32, #tpu.memory_space<hbm>> -> memref<1x8x1x8x128xf32, #tpu.memory_space<hbm>>
    %dma_wait3A_259 = tpu.memref_squeeze %dma_wait3A_258 : memref<1x8x1x8x128xf32, #tpu.memory_space<hbm>> -> memref<8x8x128xf32, #tpu.memory_space<hbm>>
    %dma_wait3A_260 = arith.constant 0 : i32
    %dma_wait3A_261 = arith.constant 0 : i32
    %dma_wait3A_262 = arith.constant 0 : i32
    %dma_wait3A_263 = tpu.memref_slice %arg10[%dma_wait3A_260, %dma_wait3A_261, %dma_wait3A_262] : memref<8x8x129xf32, #tpu.memory_space<vmem>> -> memref<8x8x128xf32, #tpu.memory_space<vmem>>
    tpu.wait_dma2 semaphore(%arg18 : memref<!tpu.dma_semaphore, #tpu.memory_space<semaphore_mem>>) src(%dma_wait3A_263 : memref<8x8x128xf32, #tpu.memory_space<vmem>>) dst(%dma_wait3A_259 : memref<8x8x128xf32, #tpu.memory_space<hbm>>)
    %dma_wait3A_264 = arith.constant 0 : i32
    %dma_wait3A_265 = arith.constant 0 : i32
    %dma_wait3A_266 = arith.constant 0 : i32
    %dma_wait3A_267 = arith.constant 0 : i32
    %dma_wait3A_268 = arith.constant 0 : i32
    %dma_wait3A_269 = tpu.memref_slice %arg11[%dma_wait3A_266, %dma_wait3A_267, %dma_wait3A_268] : memref<8x8x129xf32, #tpu.memory_space<vmem>> -> memref<8x8x128xf32, #tpu.memory_space<vmem>>
    %dma_wait3A_270 = arith.constant 0 : i32
    %dma_wait3A_271 = arith.constant 0 : i32
    %dma_wait3A_272 = arith.constant 0 : i32
    %dma_wait3A_273 = tpu.memref_slice %arg4[%dma_wait3A_264, %dma_wait3A_270, %dma_wait3A_265, %dma_wait3A_271, %dma_wait3A_272] : memref<200x8x32x8x128xf32, #tpu.memory_space<hbm>> -> memref<1x8x1x8x128xf32, #tpu.memory_space<hbm>>
    %dma_wait3A_274 = tpu.memref_squeeze %dma_wait3A_273 : memref<1x8x1x8x128xf32, #tpu.memory_space<hbm>> -> memref<8x8x128xf32, #tpu.memory_space<hbm>>
    %dma_wait3A_275 = arith.constant 0 : i32
    %dma_wait3A_276 = arith.constant 0 : i32
    %dma_wait3A_277 = arith.constant 0 : i32
    %dma_wait3A_278 = tpu.memref_slice %arg4[%dma_wait3A_264, %dma_wait3A_275, %dma_wait3A_265, %dma_wait3A_276, %dma_wait3A_277] : memref<200x8x32x8x128xf32, #tpu.memory_space<hbm>> -> memref<1x8x1x8x128xf32, #tpu.memory_space<hbm>>
    %dma_wait3A_279 = tpu.memref_squeeze %dma_wait3A_278 : memref<1x8x1x8x128xf32, #tpu.memory_space<hbm>> -> memref<8x8x128xf32, #tpu.memory_space<hbm>>
    %dma_wait3A_280 = arith.constant 0 : i32
    %dma_wait3A_281 = arith.constant 0 : i32
    %dma_wait3A_282 = arith.constant 0 : i32
    %dma_wait3A_283 = tpu.memref_slice %arg11[%dma_wait3A_280, %dma_wait3A_281, %dma_wait3A_282] : memref<8x8x129xf32, #tpu.memory_space<vmem>> -> memref<8x8x128xf32, #tpu.memory_space<vmem>>
    tpu.wait_dma2 semaphore(%arg19 : memref<!tpu.dma_semaphore, #tpu.memory_space<semaphore_mem>>) src(%dma_wait3A_283 : memref<8x8x128xf32, #tpu.memory_space<vmem>>) dst(%dma_wait3A_279 : memref<8x8x128xf32, #tpu.memory_space<hbm>>)
    %dma_wait3A_284 = arith.constant 0 : i32
    %dma_wait3A_285 = arith.constant 0 : i32
    %dma_wait3A_286 = arith.constant 0 : i32
    %dma_wait3A_287 = arith.constant 0 : i32
    %dma_wait3A_288 = arith.constant 0 : i32
    %dma_wait3A_289 = tpu.memref_slice %arg12[%dma_wait3A_286, %dma_wait3A_287, %dma_wait3A_288] : memref<8x8x129xf32, #tpu.memory_space<vmem>> -> memref<8x8x128xf32, #tpu.memory_space<vmem>>
    %dma_wait3A_290 = arith.constant 0 : i32
    %dma_wait3A_291 = arith.constant 0 : i32
    %dma_wait3A_292 = arith.constant 0 : i32
    %dma_wait3A_293 = tpu.memref_slice %arg4[%dma_wait3A_284, %dma_wait3A_290, %dma_wait3A_285, %dma_wait3A_291, %dma_wait3A_292] : memref<200x8x32x8x128xf32, #tpu.memory_space<hbm>> -> memref<1x8x1x8x128xf32, #tpu.memory_space<hbm>>
    %dma_wait3A_294 = tpu.memref_squeeze %dma_wait3A_293 : memref<1x8x1x8x128xf32, #tpu.memory_space<hbm>> -> memref<8x8x128xf32, #tpu.memory_space<hbm>>
    %dma_wait3A_295 = arith.constant 0 : i32
    %dma_wait3A_296 = arith.constant 0 : i32
    %dma_wait3A_297 = arith.constant 0 : i32
    %dma_wait3A_298 = tpu.memref_slice %arg4[%dma_wait3A_284, %dma_wait3A_295, %dma_wait3A_285, %dma_wait3A_296, %dma_wait3A_297] : memref<200x8x32x8x128xf32, #tpu.memory_space<hbm>> -> memref<1x8x1x8x128xf32, #tpu.memory_space<hbm>>
    %dma_wait3A_299 = tpu.memref_squeeze %dma_wait3A_298 : memref<1x8x1x8x128xf32, #tpu.memory_space<hbm>> -> memref<8x8x128xf32, #tpu.memory_space<hbm>>
    %dma_wait3A_300 = arith.constant 0 : i32
    %dma_wait3A_301 = arith.constant 0 : i32
    %dma_wait3A_302 = arith.constant 0 : i32
    %dma_wait3A_303 = tpu.memref_slice %arg12[%dma_wait3A_300, %dma_wait3A_301, %dma_wait3A_302] : memref<8x8x129xf32, #tpu.memory_space<vmem>> -> memref<8x8x128xf32, #tpu.memory_space<vmem>>
    tpu.wait_dma2 semaphore(%arg20 : memref<!tpu.dma_semaphore, #tpu.memory_space<semaphore_mem>>) src(%dma_wait3A_303 : memref<8x8x128xf32, #tpu.memory_space<vmem>>) dst(%dma_wait3A_299 : memref<8x8x128xf32, #tpu.memory_space<hbm>>)
    %dma_wait3A_304 = arith.constant 0 : i32
    %dma_wait3A_305 = arith.constant 0 : i32
    %dma_wait3A_306 = arith.constant 0 : i32
    %dma_wait3A_307 = arith.constant 0 : i32
    %dma_wait3A_308 = arith.constant 0 : i32
    %dma_wait3A_309 = tpu.memref_slice %arg13[%dma_wait3A_306, %dma_wait3A_307, %dma_wait3A_308] : memref<8x8x129xf32, #tpu.memory_space<vmem>> -> memref<8x8x128xf32, #tpu.memory_space<vmem>>
    %dma_wait3A_310 = arith.constant 0 : i32
    %dma_wait3A_311 = arith.constant 0 : i32
    %dma_wait3A_312 = arith.constant 0 : i32
    %dma_wait3A_313 = tpu.memref_slice %arg4[%dma_wait3A_304, %dma_wait3A_310, %dma_wait3A_305, %dma_wait3A_311, %dma_wait3A_312] : memref<200x8x32x8x128xf32, #tpu.memory_space<hbm>> -> memref<1x8x1x8x128xf32, #tpu.memory_space<hbm>>
    %dma_wait3A_314 = tpu.memref_squeeze %dma_wait3A_313 : memref<1x8x1x8x128xf32, #tpu.memory_space<hbm>> -> memref<8x8x128xf32, #tpu.memory_space<hbm>>
    %dma_wait3A_315 = arith.constant 0 : i32
    %dma_wait3A_316 = arith.constant 0 : i32
    %dma_wait3A_317 = arith.constant 0 : i32
    %dma_wait3A_318 = tpu.memref_slice %arg4[%dma_wait3A_304, %dma_wait3A_315, %dma_wait3A_305, %dma_wait3A_316, %dma_wait3A_317] : memref<200x8x32x8x128xf32, #tpu.memory_space<hbm>> -> memref<1x8x1x8x128xf32, #tpu.memory_space<hbm>>
    %dma_wait3A_319 = tpu.memref_squeeze %dma_wait3A_318 : memref<1x8x1x8x128xf32, #tpu.memory_space<hbm>> -> memref<8x8x128xf32, #tpu.memory_space<hbm>>
    %dma_wait3A_320 = arith.constant 0 : i32
    %dma_wait3A_321 = arith.constant 0 : i32
    %dma_wait3A_322 = arith.constant 0 : i32
    %dma_wait3A_323 = tpu.memref_slice %arg13[%dma_wait3A_320, %dma_wait3A_321, %dma_wait3A_322] : memref<8x8x129xf32, #tpu.memory_space<vmem>> -> memref<8x8x128xf32, #tpu.memory_space<vmem>>
    tpu.wait_dma2 semaphore(%arg21 : memref<!tpu.dma_semaphore, #tpu.memory_space<semaphore_mem>>) src(%dma_wait3A_323 : memref<8x8x128xf32, #tpu.memory_space<vmem>>) dst(%dma_wait3A_319 : memref<8x8x128xf32, #tpu.memory_space<hbm>>)
    return
  }
}

</mosaic_0001>

<sc_bundles>
// kernel: kernel.3.cloned.1.call-start
scs
__scs_entry_jumppad:
0x0: {  	(pc) =	sbr.rel $0x88, $3  }
0x1: {  	(tag) =	ssettag $0x0;
	lr =	simm.s32 $0x1  }
0x2: {  	[smem:$0x3F9F] =	sst lr;
	_ =	strace $0xD0000000  }
0x3: {  	_ = 	snop  }
0x4: {  	_ = 	snop  }
0x5: {  	_ = 	snop  }
0x6: {  	_ = 	snop  }
0x7: {  	_ = 	snop  }
__scs_overlays_trampoline_lowered:
0x8: {  	[smem:$0x3FAE] =	sst s0  }
0x9: {  	[smem:$0x3FAF] =	sst s1  }
0xa: {  	[smem:$0x3FB0] =	sst s2  }
0xb: {  	[smem:$0x3FB1] =	sst s3  }
0xc: {  	[smem:$0x3FB2] =	sst s4  }
0xd: {  	[smem:$0x3FB3] =	sst s5  }
0xe: {  	[smem:$0x3FB4] =	sst s6  }
0xf: {  	[smem:$0x3FB5] =	sst s7  }
0x10: {  	[smem:$0x3FB6] =	sst s8  }
0x11: {  	[smem:$0x3FB7] =	sst s9;
	s0 =	simm.s32 @!p0 $0x0  }
0x12: {  	s1 =	sld [smem:$0x3F9D];
	s0 =	simm.s32 @p0 $0x1  }
0x13: {  	[smem:$0x3FB8] =	sst s0;
	s0 =	simm.s32 @!p1 $0x0  }
0x14: {  	s2 =	sld [smem:$0x3F9C];
	s0 =	simm.s32 @p1 $0x1  }
0x15: {  	[smem:$0x3FB9] =	sst s0;
	s0 =	simm.s32 @!p2 $0x0  }
0x16: {  	s3 =	sld [smem:$0x3FDB];
	s0 =	simm.s32 @p2 $0x1  }
0x17: {  	s4 =	simm.s32 $0x1BF5;
	[smem:$0x3FBB] =	sst s0  }
0x18: {  	s0 =	sld [smem:$0x3F9E];
	_ =	swait.ge [sflag:s4], $0x0  }
0x19: {  	s7 =	sld [smem:$0x3F9F]  }
0x1a: {  	s8 =	sadd.s32 $0xFFFFE003, lr  }
0x1b: {  	s9 =	sadd.s32 $0xFFFFFEF7, lr;
	s5 =	simm.s32 $0xFFFFFFFF;
	p2 =	slt.u32 s8, $0xFFFFF086  }
0x1c: {  	p1 =	slt.u32 s9, $0xF7A;
	s5 =	simm.s32 @!p2 $0x0  }
0x1d: {  	s5 =	simm.s32 @p1 $0x1;
	p0 =	seq.s32 s7, s2  }
0x1e: {  	s7 =	smul.u32 @!p0 $0xF7A, s2;
	p2 =	seq.s32 @!p0 s5, $0x0  }
0x1f: {  	s9 =	smul.u32 $0xF7A, s1;
	s8 =	simm.s32 @!p0 $0x1BF5;
	p2 =	por !p2, p0  }
0x20: {  	[sflag:s8] =	ssyncset.s32 @!p0 $0xFFFFF086;
	s6 =	sadd.s32 @!p0 s3, s7;
	s7 =	simm.s32 @!p0 $0x108  }
0x21: {  	s3 =	sadd.s32 s3, s9;
	s6 =	sadd.s32 @!p0 $0x88, s6;
	s7 =	simm.s32 @p2 $0x1082  }
0x22: {  	[simem:s7], [sflag:s8] =	dma.local @!p0 [hbm:s6], $0xF7A  }
0x23: {  	s9 =	sor.u32 $0xD0000000, s2;
	s6 =	simm.s32 $0x108;
	_ =	swait.ge @!p0 [sflag:s8], $0x0  }
0x24: {  	s3 =	sadd.s32 $0x88, s3;
	s6 =	simm.s32 @!p1 $0x1082;
	[sflag:s4] =	ssyncset.s32 $0xFFFFF086  }
0x25: {  	[simem:s6], [sflag:s4] =	dma.local [hbm:s3], $0xF7A  }
0x26: {  	[smem:$0x3F9F] =	sst s1;
	(tag) =	ssettag s2;
	_ =	strace s9  }
0x27: {  	s1 =	sld [smem:$0x3FAF]  }
0x28: {  	s2 =	sld [smem:$0x3FB0]  }
0x29: {  	s4 =	sld [smem:$0x3FB2]  }
0x2a: {  	p0 =	seq.s32 s5, $0x0;
	s5 =	sld [smem:$0x3FB3]  }
0x2b: {  	s6 =	sld [smem:$0x3FB4]  }
0x2c: {  	s7 =	sld [smem:$0x3FB5]  }
0x2d: {  	s3 =	simm.s32 $0x108;
	s8 =	sld [smem:$0x3FB6]  }
0x2e: {  	s3 =	simm.s32 @!p0 $0x1082;
	s9 =	sld [smem:$0x3FB7]  }
0x2f: {  	lr =	sadd.s32 s0, s3;
	s0 =	sld [smem:$0x3FAE]  }
0x30: {  	s3 =	sld [smem:$0x3FB1]  }
0x31: {  	[smem:$0x3FBA] =	sst s10  }
0x32: {  	s10 =	sld [smem:$0x3FB8];
	_ =	sdelay $0x3  }
0x33: {  	p0 =	seq.s32 s10, $0x1;
	s10 =	sld [smem:$0x3FBA];
	_ =	sdelay $0x3  }
0x34: {  	[smem:$0x3FBA] =	sst s10  }
0x35: {  	s10 =	sld [smem:$0x3FB9];
	_ =	sdelay $0x3  }
0x36: {  	p1 =	seq.s32 s10, $0x1;
	s10 =	sld [smem:$0x3FBA];
	_ =	sdelay $0x3  }
0x37: {  	[smem:$0x3FBA] =	sst s10  }
0x38: {  	s10 =	sld [smem:$0x3FBB]  }
0x39: {  	_ = 	snop;
	(pc) =	sbr.ind lr, $3  }
0x3a: {  	_ = 	snop  }
0x3b: {  	_ = 	snop  }
0x3c: {  	p2 =	seq.s32 s10, $0x1;
	s10 =	sld [smem:$0x3FBA]  }
0x3d: {  	_ =	shalt  }
0x3e: {  	_ =	shalt  }
0x3f: {  	_ =	shalt  }
0x40: {  	_ =	shalt  }
0x41: {  	_ =	shalt  }
0x42: {  	_ =	shalt  }
0x43: {  	_ =	shalt  }
0x44: {  	_ =	shalt  }
0x45: {  	_ =	shalt  }
0x46: {  	_ =	shalt  }
0x47: {  	_ =	shalt  }
0x48: {  	_ =	shalt  }
0x49: {  	_ =	shalt  }
0x4a: {  	_ =	shalt  }
0x4b: {  	_ =	shalt  }
0x4c: {  	_ =	shalt  }
0x4d: {  	_ =	shalt  }
0x4e: {  	_ =	shalt  }
0x4f: {  	_ =	shalt  }
0x50: {  	_ =	shalt  }
0x51: {  	_ =	shalt  }
0x52: {  	_ =	shalt  }
0x53: {  	_ =	shalt  }
0x54: {  	_ =	shalt  }
0x55: {  	_ =	shalt  }
0x56: {  	_ =	shalt  }
0x57: {  	_ =	shalt  }
0x58: {  	_ =	shalt  }
0x59: {  	_ =	shalt  }
0x5a: {  	_ =	shalt  }
0x5b: {  	_ =	shalt  }
0x5c: {  	_ =	shalt  }
0x5d: {  	_ =	shalt  }
0x5e: {  	_ =	shalt  }
0x5f: {  	_ =	shalt  }
0x60: {  	_ =	shalt  }
0x61: {  	_ =	shalt  }
0x62: {  	_ =	shalt  }
0x63: {  	_ =	shalt  }
0x64: {  	_ =	shalt  }
0x65: {  	_ =	shalt  }
0x66: {  	_ =	shalt  }
0x67: {  	_ =	shalt  }
0x68: {  	_ =	shalt  }
0x69: {  	_ =	shalt  }
0x6a: {  	_ =	shalt  }
0x6b: {  	_ =	shalt  }
0x6c: {  	_ =	shalt  }
0x6d: {  	_ =	shalt  }
0x6e: {  	_ =	shalt  }
0x6f: {  	_ =	shalt  }
0x70: {  	_ =	shalt  }
0x71: {  	_ =	shalt  }
0x72: {  	_ =	shalt  }
0x73: {  	_ =	shalt  }
0x74: {  	_ =	shalt  }
0x75: {  	_ =	shalt  }
0x76: {  	_ =	shalt  }
0x77: {  	_ =	shalt  }
0x78: {  	_ =	shalt  }
0x79: {  	_ =	shalt  }
0x7a: {  	_ =	shalt  }
0x7b: {  	_ =	shalt  }
0x7c: {  	_ =	shalt  }
0x7d: {  	_ =	shalt  }
0x7e: {  	_ =	shalt  }
0x7f: {  	_ =	shalt  }
0x80: {  	_ =	shalt  }
0x81: {  	_ =	shalt  }
0x82: {  	_ =	shalt  }
0x83: {  	_ =	shalt  }
0x84: {  	_ =	shalt  }
0x85: {  	_ =	shalt  }
0x86: {  	_ =	shalt  }
0x87: {  	_ =	shalt  }
.Lfunc_end0:
.L_simem_size_0:
called_computation_lowered:
.L_overlay_start_0:
0x88: {  	s2 =	sld [smem:$0x3FD9]  }
0x89: {  	s3 =	sld [smem:$0x3FFE];
	_ =	sdelay $0x1  }
0x8a: {  	s1 =	srdreg.scid  }
0x8b: {  	s0 =	sand.u32 $0x1, s1  }
0x8c: {  	s17 =	sshll.u32 s0, $0xA;
	s2 =	sadd.s32 s3, s2  }
0x8d: {  	s2 =	sadd.s32 s2, s17  }
0x8e: {  	[smem:$0x3FC6] =	sst s2  }
0x8f: {  	_ = 	snop  }
0x90: {  	s2 =	sld [smem:$0x3FD0];
	(tm) =	ssettm $0x1  }
0x91: {  	s18 =	sld [smem:$0x3FFB];
	_ =	sdelay $0x3  }
0x92: {  	_ =	strace s18  }
0x93: {  	s3 =	sld [smem:$0x3FFC];
	_ =	sdelay $0x3  }
0x94: {  	_ =	strace s3  }
0x95: {  	s3 =	sld [smem:$0x3FFD];
	_ =	sdelay $0x3  }
0x96: {  	_ =	strace s3  }
0x97: {  	_ =	strace $0x8FFFFFFF  }
0x98: {  	s19 =	sld [smem:$0x3FDB];
	_ =	sdelay $0x1  }
0x99: {  	s4 =	simm.s32 $_scs_section_size  }
0x9a: {  	s5 =	simm.s32 $_size__tile_overlayer_lowered;
	s6 =	simm.s32 $_tile_overlayer_lowered  }
0x9b: {  	s22 =	simm.s32 $0x1BFF;
	s21 =	sshll.u32 s6, $0x1;
	s3 =	sadd.s32 s4, s19  }
0x9c: {  	s7 =	simm.s32 $0x0;
	s20 =	sshll.u32 s5, $0x1;
	s5 =	sadd.s32 s21, s3  }
0x9d: {  	[timem:s7], [sflag:s22] =	dma.local [hbm:s5], s20  }
0x9e: {  	_ =	swait.ge [sflag:s22], s20  }
0x9f: {  	s4 =	ssub.s32 $0x0, s20;
	[sflag:s22] =	ssyncset.done $0x0  }
0xa0: {  	[sflag:s22] =	ssyncadd.s32 s4;
	_ =	sdelay $0x1  }
0xa1: {  	s23 =	simm.s32 $0x1B8B  }
0xa2: {  	_ =	swait.ge [sflag:s23], $0x1  }
0xa3: {  	[sflag:s23] =	ssyncset.done $0x0  }
0xa4: {  	s25 =	simm.s32 $0x1B8E;
	s24 =	sld [smem:$0x3FFE];
	[sflag:s23] =	ssyncadd.s32 $0xFFFFFFFF  }
0xa5: {  	s26 =	simm.s32 $execute0_lowered;
	[smem:$0x3FD2] =	sst s25  }
0xa6: {  	s5 =	sshll.u32 s26, $0x1;
	_ =	strace $0x80000046;
	[dreg:$0x1] =	wrdreg $0xFFFFFFFF  }
0xa7: {  	s28 =	simm.s32 $_size_execute0_lowered;
	s3 =	sadd.s32 s3, s5;
	[dreg:$0x0] =	wrdreg $0x0  }
0xa8: {  	s5 =	sshll.u32 s28, $0x1;
	[dreg:$0x2] =	wrdreg s3  }
0xa9: {  	[dreg:$0x3] =	wrdreg s5  }
0xaa: {  	[dreg:$0x4] =	wrdreg $0xC0  }
0xab: {  	_ =	task [dreg:s7], $0x5FFFF  }
0xac: {  	[dreg:$0x1] =	wrdreg $0xFFFFFFFF  }
0xad: {  	[dreg:$0x0] =	wrdreg $0x60  }
0xae: {  	[dreg:$0x2] =	wrdreg s24  }
0xaf: {  	[dreg:$0x3] =	wrdreg s2  }
0xb0: {  	[dreg:$0x4] =	wrdreg $0x9  }
0xb1: {  	_ =	task.clear_ibuf [dreg:s7], $0x5FFFF;
	_ =	strace $0x90000046  }
0xb2: {  	s29 =	simm.s32 $0x9;
	_ =	strace $0x80000048  }
0xb3: {  	_ =	swait.ge [sflag:s29], $0x1  }
0xb4: {  	[sflag:s29] =	ssyncadd.s32 $0xFFFFFFFF  }
0xb5: {  	_ =	strace $0x90000048  }
0xb6: {  	_ =	sfence  }
0xb7: {  	s30 =	sld [smem:$0x0];
	_ =	sdelay $0x2  }
0xb8: {  	s31 =	sshll.u32 s1, $0xD;
	s1 =	sshrl.u32 s1, $0x2  }
0xb9: {  	s3 =	sand.u32 $0x4000, s31;
	s1 =	sadd.s32 s1, s30  }
0xba: {  	s0 =	sor.u32 s3, s0;
	s1 =	sshll.u32 s1, $0x11  }
0xbb: {  	s0 =	sor.u32 s1, s0  }
0xbc: {  	s0 =	sadd.s32 $0x8F2B, s0  }
0xbd: {  	[sflag:s0] =	ssyncadd.remote.s32 $0x1  }
0xbe: {  	_ =	sfence.sel $0xFFFF  }
0xbf: {  	[dreg:$0x0] =	wrdreg $0xFFFFFFFF;
	(pc) =	sbr.abs _section_cstart, $3  }
0xc0: {  	[dreg:$0x1] =	wrdreg $0xFFFFFFFF  }
0xc1: {  	_ =	task.clear_ibuf [dreg:s7], $0x2FFFF;
	_ =	strace $0x9FFFFFFF  }
0xc2: {  	(tm) =	ssettm $0x7FFFFFFF  }
0xc3: {  	_ =	shalt  }
tec
execute0_lowered:
.L_overlay_start_1:
0x0: {  	(tag) =	ssettag $0x1  }
0x1: {  	s0 =	srdreg.scid;
	s2 =	stileid.u32  }
0x2: {  	s1 =	rddreg [dreg:$0x0];
	s13 =	simm.s32 $0x80;
	s9 =	simm.s32 $0x8400  }
0x3: {  	s22 =	simm.s32 $0xA400;
	s19 =	simm.s32 $0xC400;
	s20 =	simm.s32 $0x1  }
0x4: {  	v0 =	vlaneseq.u32;
	s21 =	simm.s32 $0xE400;
	s23 =	simm.s32 $0x2;
	s24 =	simm.s32 $0x10600  }
0x5: {  	s28 =	simm.s32 $0x12800;
	s30 =	simm.s32 $0x4;
	s31 =	simm.s32 $0x14A00;
	v0 =	vmul.u32 $0x88, v0  }
0x6: {  	v1 =	vimm.s32 $0x0;
	vm0 =	vcmask $0x300;
	s16 =	simm.s32 $0x7;
	s0 =	sand.u32 $0x1, s0;
	s3 =	sshll.u32 s2, $0x1  }
0x7: {  	s18 =	simm.s32 $0x8;
	s11 =	simm.s32 $0x0;
	v1 =	vsel vm0, $0x3, v1;
	s6 =	sor.u32 s0, s3;
	v2 =	vadd.s32 $0x880, v0  }
0x8: {  	s2 =	rddreg [dreg:$0x1];
	s3 =	simm.s32 $0x0;
	s4 =	smul.u32 $0x190000, s6;
	v3 =	vadd.s32 $0x1100, v0;
	v4 =	vadd.s32 $0x1980, v0;
	v5 =	vor.u32 $0x1, v0  }
0x9: {  	s0 =	ssub.s32 $0x2, s0;
	[smem:$0x7FF] =	sst s3;
	s25 =	smul.u32 $0xC80, s6;
	v6 =	vadd.s32 $0x881, v0;
	v7 =	vadd.s32 $0x1101, v0;
	v8 =	vadd.s32 $0x1981, v0  }
0xa: {  	s5 =	sshll.u32 s6, $0xD;
	s8 =	sshrl.u32 s0, $0x1;
	s6 =	smul.u32 $0xC8, s6;
	v9 =	vor.u32 $0x2, v0;
	v10 =	vadd.s32 $0x882, v0;
	v11 =	vadd.s32 $0x1102, v0  }
0xb: {  	v12 =	vadd.s32 $0x1982, v0;
	v13 =	vor.u32 $0x3, v0;
	v14 =	vadd.s32 $0x883, v0;
	_ =	strace $0x80000047;
	s0 =	ssub.s32 s0, s8;
	s4 =	sor.u32 s5, s4  }
0xc: {  	v15 =	vadd.s32 $0x1103, v0;
	v16 =	vadd.s32 $0x1983, v0;
	v17 =	vor.u32 $0x4, v0;
	s8 =	simm.s32 $0x6400;
	s0 =	smax.u32 s0, $0x1;
	s7 =	sand.u32 $0x3FC6000, s4  }
0xd: {  	v18 =	vadd.s32 $0x884, v0;
	v19 =	vadd.s32 $0x1104, v0;
	v20 =	vadd.s32 $0x1984, v0;
	s4 =	sadd.s32 $0x19400, s1;
	s1 =	sadd.s32 s25, s1;
	s7 =	sshrl.u32 s7, $0x3  }
0xe: {  	v21 =	vor.u32 $0x5, v0;
	v22 =	vadd.s32 $0x885, v0;
	v23 =	vadd.s32 $0x1105, v0;
	[dreg:$0x6] =	wrdreg s0;
	s1 =	sadd.s32 $0x400, s1;
	s5 =	sadd.s32 s2, s7  }
0xf: {  	v24 =	vadd.s32 $0x1985, v0;
	v25 =	vor.u32 $0x6, v0;
	v26 =	vadd.s32 $0x886, v0;
	s0 =	simm.s32 $0x6;
	[dreg:$0x3] =	wrdreg s1;
	s26 =	sadd.s32 $0x80, s5  }
0x10: {  	v27 =	vadd.s32 $0x1106, v0;
	v28 =	vadd.s32 $0x1986, v0;
	v29 =	vor.u32 $0x7, v0;
	s1 =	simm.s32 $0x5;
	s29 =	sadd.s32 $0x100, s5;
	[dreg:$0x4] =	wrdreg s26  }
0x11: {  	v30 =	vadd.s32 $0x887, v0;
	v31 =	vadd.s32 $0x1107, v0;
	v32 =	vadd.s32 $0x1987, v0;
	s10 =	sadd.s32 $0x180, s5;
	[dreg:$0x5] =	wrdreg s29;
	s26 =	simm.s32 $0x3  }
.LBB2_1:
0x12: {  	[dreg:$0x7] =	wrdreg s11  }
0x13: {  	s7 =	rddreg [dreg:$0x3];
	s15 =	simm.s32 $0x9  }
0x14: {  	[tilespmem:s3], [sflag:$0x9] =	stream.linear.gather [hbm4b:s7+s3], $0x6400, $0x38;
	[tilespmem:$0x16C00] =	vst v63  }
0x15: {  	_ =	swait.ge [sflag:s15], $0x6400  }
0x16: {  	[sflag:s15] =	ssyncset.done $0x0  }
0x17: {  	[sflag:s15] =	ssyncadd.s32 $0xFFFF9C00  }
0x18: {  	[tilespmem:s8], [sflag:$0x1] =	stream.indirect.gather [hbm4b:s4+s13], $0x40, s3, s13, $0xb8;
	[tilespmem:$0x16C00] =	vst v63  }
0x19: {  	_ = 	snop  }
0x1a: {  	[tilespmem:s9], [sflag:$0x2] =	stream.indirect.gather [hbm4b:s4+s13], $0x40, s13, s13, $0xb8;
	[tilespmem:$0x16C00] =	vst v63  }
0x1b: {  	s17 =	simm.s32 $0x100  }
0x1c: {  	[tilespmem:s22], [sflag:$0x3] =	stream.indirect.gather [hbm4b:s4+s13], $0x40, s17, s13, $0xb8;
	[tilespmem:$0x16C00] =	vst v63  }
0x1d: {  	v33 =	vmov s3;
	s25 =	simm.s32 $0x180  }
0x1e: {  	v33 =	vshrl.u32 v33, $0x3;
	[tilespmem:s19], [sflag:$0x4] =	stream.indirect.gather [hbm4b:s4+s13], $0x40, s25, s13, $0xb8;
	[tilespmem:$0x16C00] =	vst v63  }
0x1f: {  	v33 =	vshll.u32 v33, v1;
	_ =	swait.ge [sflag:s20], $0x2000  }
0x20: {  	v33 =	vbroadcast v33, $0x0;
	[sflag:s20] =	ssyncset.done $0x0  }
0x21: {  	s14 =	simm.s32 $0x6500;
	[sflag:s20] =	ssyncadd.s32 $0xFFFFE000  }
0x22: {  	v35 =	vadd.s32 v0, v33;
	v34 =	vld [tilespmem:s14+$0xFFFFFF00]  }
0x23: {  	v37 =	vadd.s32 v2, v33;
	v36 =	vld [tilespmem:s14+$0xFFFFFF10]  }
0x24: {  	v39 =	vadd.s32 v3, v33;
	v38 =	vld [tilespmem:s14+$0xFFFFFF20]  }
0x25: {  	s29 =	simm.s32 $0x1;
	v33 =	vadd.s32 v4, v33;
	v40 =	vld [tilespmem:s14+$0xFFFFFF30]  }
0x26: {  	v41 =	vmov s29  }
0x27: {  	v47 =	vshrl.u32 v41, $0x3;
	[tilespmem:v35+s21+$0x0] =	vst.idx.msk $0xffff, v34  }
0x28: {  	v34 =	vshll.u32 v47, v1;
	[tilespmem:v37+s21+$0x0] =	vst.idx.msk $0xffff, v36  }
0x29: {  	v34 =	vbroadcast v34, $0x0;
	[tilespmem:v39+s21+$0x0] =	vst.idx.msk $0xffff, v38  }
0x2a: {  	[tilespmem:v33+s21+$0x0] =	vst.idx.msk $0xffff, v40  }
0x2b: {  	v48 =	vadd.s32 v5, v34;
	v33 =	vld [tilespmem:s14+$0xFFFFFF40]  }
0x2c: {  	v49 =	vadd.s32 v6, v34;
	v36 =	vld [tilespmem:s14+$0xFFFFFF50]  }
0x2d: {  	v50 =	vadd.s32 v7, v34;
	v38 =	vld [tilespmem:s14+$0xFFFFFF60]  }
0x2e: {  	s11 =	simm.s32 $0x2;
	v34 =	vadd.s32 v8, v34;
	v40 =	vld [tilespmem:s14+$0xFFFFFF70]  }
0x2f: {  	v51 =	vmov s11  }
0x30: {  	v52 =	vshrl.u32 v51, $0x3;
	[tilespmem:v48+s21+$0x0] =	vst.idx.msk $0xffff, v33  }
0x31: {  	v33 =	vshll.u32 v52, v1;
	[tilespmem:v49+s21+$0x0] =	vst.idx.msk $0xffff, v36  }
0x32: {  	v33 =	vbroadcast v33, $0x0;
	[tilespmem:v50+s21+$0x0] =	vst.idx.msk $0xffff, v38  }
0x33: {  	[tilespmem:v34+s21+$0x0] =	vst.idx.msk $0xffff, v40  }
0x34: {  	v53 =	vadd.s32 v9, v33;
	v34 =	vld [tilespmem:s14+$0xFFFFFF80]  }
0x35: {  	v54 =	vadd.s32 v10, v33;
	v36 =	vld [tilespmem:s14+$0xFFFFFF90]  }
0x36: {  	v55 =	vadd.s32 v11, v33;
	v38 =	vld [tilespmem:s14+$0xFFFFFFA0]  }
0x37: {  	s12 =	simm.s32 $0x3;
	v33 =	vadd.s32 v12, v33;
	v40 =	vld [tilespmem:s14+$0xFFFFFFB0]  }
0x38: {  	v56 =	vmov s12  }
0x39: {  	v57 =	vshrl.u32 v56, $0x3;
	[tilespmem:v53+s21+$0x0] =	vst.idx.msk $0xffff, v34  }
0x3a: {  	v34 =	vshll.u32 v57, v1;
	[tilespmem:v54+s21+$0x0] =	vst.idx.msk $0xffff, v36  }
0x3b: {  	v34 =	vbroadcast v34, $0x0;
	[tilespmem:v55+s21+$0x0] =	vst.idx.msk $0xffff, v38  }
0x3c: {  	[tilespmem:v33+s21+$0x0] =	vst.idx.msk $0xffff, v40  }
0x3d: {  	v58 =	vadd.s32 v13, v34;
	v33 =	vld [tilespmem:s14+$0xFFFFFFC0]  }
0x3e: {  	v59 =	vadd.s32 v14, v34;
	v36 =	vld [tilespmem:s14+$0xFFFFFFD0]  }
0x3f: {  	v60 =	vadd.s32 v15, v34;
	v38 =	vld [tilespmem:s14+$0xFFFFFFE0]  }
0x40: {  	s15 =	simm.s32 $0x4;
	v34 =	vadd.s32 v16, v34;
	v40 =	vld [tilespmem:s14+$0xFFFFFFF0]  }
0x41: {  	v61 =	vmov s15  }
0x42: {  	v62 =	vshrl.u32 v61, $0x3;
	[tilespmem:v58+s21+$0x0] =	vst.idx.msk $0xffff, v33  }
0x43: {  	v33 =	vshll.u32 v62, v1;
	[tilespmem:v59+s21+$0x0] =	vst.idx.msk $0xffff, v36  }
0x44: {  	v33 =	vbroadcast v33, $0x0;
	[tilespmem:v60+s21+$0x0] =	vst.idx.msk $0xffff, v38  }
0x45: {  	[tilespmem:v34+s21+$0x0] =	vst.idx.msk $0xffff, v40  }
0x46: {  	v63 =	vadd.s32 v17, v33;
	v34 =	vld [tilespmem:s14+$0x0]  }
0x47: {  	v44 =	vadd.s32 v18, v33;
	v36 =	vld [tilespmem:s14+$0x10]  }
0x48: {  	v45 =	vadd.s32 v19, v33;
	v38 =	vld [tilespmem:s14+$0x20]  }
0x49: {  	s17 =	simm.s32 $0x5;
	v33 =	vadd.s32 v20, v33;
	v40 =	vld [tilespmem:s14+$0x30]  }
0x4a: {  	v46 =	vmov s17  }
0x4b: {  	v47 =	vshrl.u32 v46, $0x3;
	[tilespmem:v63+s21+$0x0] =	vst.idx.msk $0xffff, v34  }
0x4c: {  	v34 =	vshll.u32 v47, v1;
	[tilespmem:v44+s21+$0x0] =	vst.idx.msk $0xffff, v36  }
0x4d: {  	v34 =	vbroadcast v34, $0x0;
	[tilespmem:v45+s21+$0x0] =	vst.idx.msk $0xffff, v38  }
0x4e: {  	[tilespmem:v33+s21+$0x0] =	vst.idx.msk $0xffff, v40  }
0x4f: {  	v48 =	vadd.s32 v21, v34;
	v33 =	vld [tilespmem:s14+$0x40]  }
0x50: {  	v49 =	vadd.s32 v22, v34;
	v36 =	vld [tilespmem:s14+$0x50]  }
0x51: {  	v50 =	vadd.s32 v23, v34;
	v38 =	vld [tilespmem:s14+$0x60]  }
0x52: {  	s25 =	simm.s32 $0x6;
	v34 =	vadd.s32 v24, v34;
	v40 =	vld [tilespmem:s14+$0x70]  }
0x53: {  	v51 =	vmov s25  }
0x54: {  	v52 =	vshrl.u32 v51, $0x3;
	[tilespmem:v48+s21+$0x0] =	vst.idx.msk $0xffff, v33  }
0x55: {  	v33 =	vshll.u32 v52, v1;
	[tilespmem:v49+s21+$0x0] =	vst.idx.msk $0xffff, v36  }
0x56: {  	v33 =	vbroadcast v33, $0x0;
	[tilespmem:v50+s21+$0x0] =	vst.idx.msk $0xffff, v38  }
0x57: {  	[tilespmem:v34+s21+$0x0] =	vst.idx.msk $0xffff, v40  }
0x58: {  	v53 =	vadd.s32 v25, v33;
	v34 =	vld [tilespmem:s14+$0x80]  }
0x59: {  	v54 =	vadd.s32 v26, v33;
	v36 =	vld [tilespmem:s14+$0x90]  }
0x5a: {  	v55 =	vadd.s32 v27, v33;
	v38 =	vld [tilespmem:s14+$0xA0]  }
0x5b: {  	s29 =	simm.s32 $0x7;
	v33 =	vadd.s32 v28, v33;
	v40 =	vld [tilespmem:s14+$0xB0]  }
0x5c: {  	v56 =	vmov s29  }
0x5d: {  	v57 =	vshrl.u32 v56, $0x3;
	[tilespmem:v53+s21+$0x0] =	vst.idx.msk $0xffff, v34  }
0x5e: {  	v34 =	vshll.u32 v57, v1;
	[tilespmem:v54+s21+$0x0] =	vst.idx.msk $0xffff, v36  }
0x5f: {  	v58 =	vbroadcast v34, $0x0;
	[tilespmem:v55+s21+$0x0] =	vst.idx.msk $0xffff, v38  }
0x60: {  	[tilespmem:v33+s21+$0x0] =	vst.idx.msk $0xffff, v40  }
0x61: {  	v59 =	vadd.s32 v29, v58;
	v33 =	vld [tilespmem:s14+$0xC0]  }
0x62: {  	v60 =	vadd.s32 v30, v58;
	v37 =	vld [tilespmem:s14+$0xD0]  }
0x63: {  	v61 =	vadd.s32 v31, v58;
	v39 =	vld [tilespmem:s14+$0xE0]  }
0x64: {  	s7 =	simm.s32 $0x8  }
0x65: {  	v62 =	vmov s7;
	v35 =	vadd.s32 v32, v58;
	v34 =	vld [tilespmem:s14+$0xF0]  }
0x66: {  	v41 =	vshrl.u32 v62, $0x3;
	[tilespmem:v59+s21+$0x0] =	vst.idx.msk $0xffff, v33  }
0x67: {  	v63 =	vshll.u32 v41, v1;
	[tilespmem:v60+s21+$0x0] =	vst.idx.msk $0xffff, v37  }
0x68: {  	s11 =	simm.s32 $0x10;
	v33 =	vbroadcast v63, $0x0;
	[tilespmem:v61+s21+$0x0] =	vst.idx.msk $0xffff, v39  }
.LBB2_2:
0x69: {  	p0 =	slt.u32 s11, $0x78  }
0x6a: {  	[tilespmem:v35+s21+$0x0] =	vst.idx.msk $0xffff, v34;
	s14 =	sadd.s32 $0x200, s14;
	s12 =	smov.u32 s11;
	s11 =	sadd.s32 $0x8, s11  }
0x6b: {  	v34 =	vld [tilespmem:s14+$0xFFFFFF00];
	v35 =	vadd.s32 v0, v33  }
0x6c: {  	v37 =	vadd.s32 v2, v33;
	v36 =	vld [tilespmem:s14+$0xFFFFFF10]  }
0x6d: {  	v39 =	vadd.s32 v3, v33;
	v38 =	vld [tilespmem:s14+$0xFFFFFF20]  }
0x6e: {  	s15 =	sadd.s32 $0x1, s7;
	v33 =	vadd.s32 v4, v33;
	v40 =	vld [tilespmem:s14+$0xFFFFFF30]  }
0x6f: {  	v41 =	vmov s15  }
0x70: {  	[tilespmem:v35+s21+$0x0] =	vst.idx.msk $0xffff, v34;
	v34 =	vshrl.u32 v41, $0x3  }
0x71: {  	[tilespmem:v37+s21+$0x0] =	vst.idx.msk $0xffff, v36;
	v34 =	vshll.u32 v34, v1  }
0x72: {  	[tilespmem:v39+s21+$0x0] =	vst.idx.msk $0xffff, v38;
	v34 =	vbroadcast v34, $0x0  }
0x73: {  	[tilespmem:v33+s21+$0x0] =	vst.idx.msk $0xffff, v40  }
0x74: {  	v33 =	vld [tilespmem:s14+$0xFFFFFF40];
	v35 =	vadd.s32 v5, v34  }
0x75: {  	v37 =	vadd.s32 v6, v34;
	v36 =	vld [tilespmem:s14+$0xFFFFFF50]  }
0x76: {  	v39 =	vadd.s32 v7, v34;
	v38 =	vld [tilespmem:s14+$0xFFFFFF60]  }
0x77: {  	s15 =	sadd.s32 $0x2, s7;
	v34 =	vadd.s32 v8, v34;
	v40 =	vld [tilespmem:s14+$0xFFFFFF70]  }
0x78: {  	v41 =	vmov s15  }
0x79: {  	[tilespmem:v35+s21+$0x0] =	vst.idx.msk $0xffff, v33;
	v33 =	vshrl.u32 v41, $0x3  }
0x7a: {  	[tilespmem:v37+s21+$0x0] =	vst.idx.msk $0xffff, v36;
	v33 =	vshll.u32 v33, v1  }
0x7b: {  	[tilespmem:v39+s21+$0x0] =	vst.idx.msk $0xffff, v38;
	v33 =	vbroadcast v33, $0x0  }
0x7c: {  	[tilespmem:v34+s21+$0x0] =	vst.idx.msk $0xffff, v40  }
0x7d: {  	v34 =	vld [tilespmem:s14+$0xFFFFFF80];
	v35 =	vadd.s32 v9, v33  }
0x7e: {  	v37 =	vadd.s32 v10, v33;
	v36 =	vld [tilespmem:s14+$0xFFFFFF90]  }
0x7f: {  	v39 =	vadd.s32 v11, v33;
	v38 =	vld [tilespmem:s14+$0xFFFFFFA0]  }
0x80: {  	s15 =	sadd.s32 $0x3, s7;
	v33 =	vadd.s32 v12, v33;
	v40 =	vld [tilespmem:s14+$0xFFFFFFB0]  }
0x81: {  	v41 =	vmov s15  }
0x82: {  	[tilespmem:v35+s21+$0x0] =	vst.idx.msk $0xffff, v34;
	v34 =	vshrl.u32 v41, $0x3  }
0x83: {  	[tilespmem:v37+s21+$0x0] =	vst.idx.msk $0xffff, v36;
	v34 =	vshll.u32 v34, v1  }
0x84: {  	[tilespmem:v39+s21+$0x0] =	vst.idx.msk $0xffff, v38;
	v34 =	vbroadcast v34, $0x0  }
0x85: {  	[tilespmem:v33+s21+$0x0] =	vst.idx.msk $0xffff, v40  }
0x86: {  	v33 =	vld [tilespmem:s14+$0xFFFFFFC0];
	v35 =	vadd.s32 v13, v34  }
0x87: {  	v37 =	vadd.s32 v14, v34;
	v36 =	vld [tilespmem:s14+$0xFFFFFFD0]  }
0x88: {  	v39 =	vadd.s32 v15, v34;
	v38 =	vld [tilespmem:s14+$0xFFFFFFE0]  }
0x89: {  	s15 =	sadd.s32 $0x4, s7;
	v34 =	vadd.s32 v16, v34;
	v40 =	vld [tilespmem:s14+$0xFFFFFFF0]  }
0x8a: {  	v41 =	vmov s15  }
0x8b: {  	[tilespmem:v35+s21+$0x0] =	vst.idx.msk $0xffff, v33;
	v33 =	vshrl.u32 v41, $0x3  }
0x8c: {  	[tilespmem:v37+s21+$0x0] =	vst.idx.msk $0xffff, v36;
	v33 =	vshll.u32 v33, v1  }
0x8d: {  	[tilespmem:v39+s21+$0x0] =	vst.idx.msk $0xffff, v38;
	v33 =	vbroadcast v33, $0x0  }
0x8e: {  	[tilespmem:v34+s21+$0x0] =	vst.idx.msk $0xffff, v40  }
0x8f: {  	v34 =	vld [tilespmem:s14+$0x0];
	v35 =	vadd.s32 v17, v33  }
0x90: {  	v37 =	vadd.s32 v18, v33;
	v36 =	vld [tilespmem:s14+$0x10]  }
0x91: {  	v39 =	vadd.s32 v19, v33;
	v38 =	vld [tilespmem:s14+$0x20]  }
0x92: {  	s15 =	sadd.s32 $0x5, s7;
	v33 =	vadd.s32 v20, v33;
	v40 =	vld [tilespmem:s14+$0x30]  }
0x93: {  	v41 =	vmov s15  }
0x94: {  	[tilespmem:v35+s21+$0x0] =	vst.idx.msk $0xffff, v34;
	v34 =	vshrl.u32 v41, $0x3  }
0x95: {  	[tilespmem:v37+s21+$0x0] =	vst.idx.msk $0xffff, v36;
	v34 =	vshll.u32 v34, v1  }
0x96: {  	[tilespmem:v39+s21+$0x0] =	vst.idx.msk $0xffff, v38;
	v34 =	vbroadcast v34, $0x0  }
0x97: {  	[tilespmem:v33+s21+$0x0] =	vst.idx.msk $0xffff, v40  }
0x98: {  	v33 =	vld [tilespmem:s14+$0x40];
	v35 =	vadd.s32 v21, v34  }
0x99: {  	v37 =	vadd.s32 v22, v34;
	v36 =	vld [tilespmem:s14+$0x50]  }
0x9a: {  	v39 =	vadd.s32 v23, v34;
	v38 =	vld [tilespmem:s14+$0x60]  }
0x9b: {  	s15 =	sadd.s32 $0x6, s7;
	v34 =	vadd.s32 v24, v34;
	v40 =	vld [tilespmem:s14+$0x70]  }
0x9c: {  	v41 =	vmov s15  }
0x9d: {  	[tilespmem:v35+s21+$0x0] =	vst.idx.msk $0xffff, v33;
	v33 =	vshrl.u32 v41, $0x3  }
0x9e: {  	[tilespmem:v37+s21+$0x0] =	vst.idx.msk $0xffff, v36;
	v33 =	vshll.u32 v33, v1  }
0x9f: {  	[tilespmem:v39+s21+$0x0] =	vst.idx.msk $0xffff, v38;
	v33 =	vbroadcast v33, $0x0  }
0xa0: {  	[tilespmem:v34+s21+$0x0] =	vst.idx.msk $0xffff, v40  }
0xa1: {  	v34 =	vld [tilespmem:s14+$0x80];
	v35 =	vadd.s32 v25, v33  }
0xa2: {  	v37 =	vadd.s32 v26, v33;
	v36 =	vld [tilespmem:s14+$0x90]  }
0xa3: {  	v39 =	vadd.s32 v27, v33;
	v38 =	vld [tilespmem:s14+$0xA0]  }
0xa4: {  	s15 =	sadd.s32 $0x7, s7;
	s7 =	smov.u32 s12;
	v33 =	vadd.s32 v28, v33;
	v40 =	vld [tilespmem:s14+$0xB0]  }
0xa5: {  	v41 =	vmov s15  }
0xa6: {  	[tilespmem:v35+s21+$0x0] =	vst.idx.msk $0xffff, v34;
	v34 =	vshrl.u32 v41, $0x3  }
0xa7: {  	[tilespmem:v37+s21+$0x0] =	vst.idx.msk $0xffff, v36;
	v34 =	vshll.u32 v34, v1  }
0xa8: {  	[tilespmem:v39+s21+$0x0] =	vst.idx.msk $0xffff, v38;
	v35 =	vbroadcast v34, $0x0  }
0xa9: {  	[tilespmem:v33+s21+$0x0] =	vst.idx.msk $0xffff, v40  }
0xaa: {  	v33 =	vld [tilespmem:s14+$0xC0];
	v36 =	vadd.s32 v29, v35  }
0xab: {  	v38 =	vadd.s32 v30, v35;
	v37 =	vld [tilespmem:s14+$0xD0]  }
0xac: {  	v40 =	vadd.s32 v31, v35;
	v39 =	vld [tilespmem:s14+$0xE0]  }
.Ltmp0:
0xad: {  	v35 =	vadd.s32 v32, v35;
	v34 =	vld [tilespmem:s14+$0xF0];
	(pc) =	sbr.rel @p0 .LBB2_2-.Ltmp0, $4  }
0xae: {  	v41 =	vmov s7  }
0xaf: {  	v41 =	vshrl.u32 v41, $0x3;
	[tilespmem:v36+s21+$0x0] =	vst.idx.msk $0xffff, v33  }
0xb0: {  	v33 =	vshll.u32 v41, v1;
	[tilespmem:v38+s21+$0x0] =	vst.idx.msk $0xffff, v37  }
0xb1: {  	v33 =	vbroadcast v33, $0x0;
	[tilespmem:v40+s21+$0x0] =	vst.idx.msk $0xffff, v39  }
0xb2: {  	_ =	sdelay $0x3  }
0xb3: {  	[tilespmem:v35+s21+$0x0] =	vst.idx.msk $0xffff, v34;
	s11 =	sadd.s32 $0x200, s14  }
0xb4: {  	v34 =	vld [tilespmem:s11+$0xFFFFFF00];
	v48 =	vadd.s32 v0, v33  }
0xb5: {  	v36 =	vld [tilespmem:s11+$0xFFFFFF10];
	v37 =	vadd.s32 v2, v33  }
0xb6: {  	v38 =	vld [tilespmem:s11+$0xFFFFFF20];
	v39 =	vadd.s32 v3, v33  }
0xb7: {  	s12 =	sadd.s32 $0x1, s7;
	v40 =	vld [tilespmem:s11+$0xFFFFFF30];
	v49 =	vadd.s32 v4, v33  }
0xb8: {  	v41 =	vmov s12  }
0xb9: {  	v50 =	vshrl.u32 v41, $0x3;
	[tilespmem:v48+s21+$0x0] =	vst.idx.msk $0xffff, v34  }
0xba: {  	v34 =	vshll.u32 v50, v1;
	[tilespmem:v37+s21+$0x0] =	vst.idx.msk $0xffff, v36  }
0xbb: {  	v34 =	vbroadcast v34, $0x0;
	[tilespmem:v39+s21+$0x0] =	vst.idx.msk $0xffff, v38  }
0xbc: {  	[tilespmem:v49+s21+$0x0] =	vst.idx.msk $0xffff, v40  }
0xbd: {  	v51 =	vadd.s32 v5, v34;
	v33 =	vld [tilespmem:s11+$0xFFFFFF40]  }
0xbe: {  	v52 =	vadd.s32 v6, v34;
	v36 =	vld [tilespmem:s11+$0xFFFFFF50]  }
0xbf: {  	v53 =	vadd.s32 v7, v34;
	v38 =	vld [tilespmem:s11+$0xFFFFFF60]  }
0xc0: {  	s29 =	sadd.s32 $0x2, s7;
	v34 =	vadd.s32 v8, v34;
	v40 =	vld [tilespmem:s11+$0xFFFFFF70]  }
0xc1: {  	v54 =	vmov s29  }
0xc2: {  	v55 =	vshrl.u32 v54, $0x3;
	[tilespmem:v51+s21+$0x0] =	vst.idx.msk $0xffff, v33  }
0xc3: {  	v33 =	vshll.u32 v55, v1;
	[tilespmem:v52+s21+$0x0] =	vst.idx.msk $0xffff, v36  }
0xc4: {  	v33 =	vbroadcast v33, $0x0;
	[tilespmem:v53+s21+$0x0] =	vst.idx.msk $0xffff, v38  }
0xc5: {  	[tilespmem:v34+s21+$0x0] =	vst.idx.msk $0xffff, v40  }
0xc6: {  	v56 =	vadd.s32 v9, v33;
	v34 =	vld [tilespmem:s11+$0xFFFFFF80]  }
0xc7: {  	v57 =	vadd.s32 v10, v33;
	v36 =	vld [tilespmem:s11+$0xFFFFFF90]  }
0xc8: {  	v58 =	vadd.s32 v11, v33;
	v38 =	vld [tilespmem:s11+$0xFFFFFFA0]  }
0xc9: {  	s14 =	sadd.s32 $0x3, s7;
	v33 =	vadd.s32 v12, v33;
	v40 =	vld [tilespmem:s11+$0xFFFFFFB0]  }
0xca: {  	v59 =	vmov s14  }
0xcb: {  	v60 =	vshrl.u32 v59, $0x3;
	[tilespmem:v56+s21+$0x0] =	vst.idx.msk $0xffff, v34  }
0xcc: {  	v34 =	vshll.u32 v60, v1;
	[tilespmem:v57+s21+$0x0] =	vst.idx.msk $0xffff, v36  }
0xcd: {  	v34 =	vbroadcast v34, $0x0;
	[tilespmem:v58+s21+$0x0] =	vst.idx.msk $0xffff, v38  }
0xce: {  	[tilespmem:v33+s21+$0x0] =	vst.idx.msk $0xffff, v40  }
0xcf: {  	v61 =	vadd.s32 v13, v34;
	v33 =	vld [tilespmem:s11+$0xFFFFFFC0]  }
0xd0: {  	v62 =	vadd.s32 v14, v34;
	v36 =	vld [tilespmem:s11+$0xFFFFFFD0]  }
0xd1: {  	v63 =	vadd.s32 v15, v34;
	v38 =	vld [tilespmem:s11+$0xFFFFFFE0]  }
0xd2: {  	s15 =	sadd.s32 $0x4, s7;
	v34 =	vadd.s32 v16, v34;
	v40 =	vld [tilespmem:s11+$0xFFFFFFF0]  }
0xd3: {  	v44 =	vmov s15  }
0xd4: {  	v45 =	vshrl.u32 v44, $0x3;
	[tilespmem:v61+s21+$0x0] =	vst.idx.msk $0xffff, v33  }
0xd5: {  	v33 =	vshll.u32 v45, v1;
	[tilespmem:v62+s21+$0x0] =	vst.idx.msk $0xffff, v36  }
0xd6: {  	v33 =	vbroadcast v33, $0x0;
	[tilespmem:v63+s21+$0x0] =	vst.idx.msk $0xffff, v38  }
0xd7: {  	[tilespmem:v34+s21+$0x0] =	vst.idx.msk $0xffff, v40  }
0xd8: {  	v46 =	vadd.s32 v17, v33;
	v34 =	vld [tilespmem:s11+$0x0]  }
0xd9: {  	v47 =	vadd.s32 v18, v33;
	v36 =	vld [tilespmem:s11+$0x10]  }
0xda: {  	v48 =	vadd.s32 v19, v33;
	v38 =	vld [tilespmem:s11+$0x20]  }
0xdb: {  	s17 =	sadd.s32 $0x5, s7;
	v33 =	vadd.s32 v20, v33;
	v40 =	vld [tilespmem:s11+$0x30]  }
0xdc: {  	v49 =	vmov s17  }
0xdd: {  	v50 =	vshrl.u32 v49, $0x3;
	[tilespmem:v46+s21+$0x0] =	vst.idx.msk $0xffff, v34  }
0xde: {  	v34 =	vshll.u32 v50, v1;
	[tilespmem:v47+s21+$0x0] =	vst.idx.msk $0xffff, v36  }
0xdf: {  	v34 =	vbroadcast v34, $0x0;
	[tilespmem:v48+s21+$0x0] =	vst.idx.msk $0xffff, v38  }
0xe0: {  	[tilespmem:v33+s21+$0x0] =	vst.idx.msk $0xffff, v40  }
0xe1: {  	v51 =	vadd.s32 v21, v34;
	v33 =	vld [tilespmem:s11+$0x40]  }
0xe2: {  	v52 =	vadd.s32 v22, v34;
	v36 =	vld [tilespmem:s11+$0x50]  }
0xe3: {  	v53 =	vadd.s32 v23, v34;
	v38 =	vld [tilespmem:s11+$0x60]  }
0xe4: {  	s25 =	sadd.s32 $0x6, s7;
	v34 =	vadd.s32 v24, v34;
	v40 =	vld [tilespmem:s11+$0x70]  }
0xe5: {  	v54 =	vmov s25  }
0xe6: {  	v55 =	vshrl.u32 v54, $0x3;
	[tilespmem:v51+s21+$0x0] =	vst.idx.msk $0xffff, v33  }
0xe7: {  	v33 =	vshll.u32 v55, v1;
	[tilespmem:v52+s21+$0x0] =	vst.idx.msk $0xffff, v36  }
0xe8: {  	v33 =	vbroadcast v33, $0x0;
	[tilespmem:v53+s21+$0x0] =	vst.idx.msk $0xffff, v38  }
0xe9: {  	[tilespmem:v34+s21+$0x0] =	vst.idx.msk $0xffff, v40  }
0xea: {  	v56 =	vadd.s32 v25, v33;
	v34 =	vld [tilespmem:s11+$0x80]  }
0xeb: {  	v57 =	vadd.s32 v26, v33;
	v36 =	vld [tilespmem:s11+$0x90]  }
0xec: {  	v58 =	vadd.s32 v27, v33;
	v38 =	vld [tilespmem:s11+$0xA0]  }
0xed: {  	s29 =	sadd.s32 $0x7, s7;
	v33 =	vadd.s32 v28, v33;
	v40 =	vld [tilespmem:s11+$0xB0]  }
0xee: {  	v59 =	vmov s29  }
0xef: {  	v60 =	vshrl.u32 v59, $0x3;
	[tilespmem:v56+s21+$0x0] =	vst.idx.msk $0xffff, v34  }
0xf0: {  	v34 =	vshll.u32 v60, v1;
	[tilespmem:v57+s21+$0x0] =	vst.idx.msk $0xffff, v36  }
0xf1: {  	v34 =	vbroadcast v34, $0x0;
	[tilespmem:v58+s21+$0x0] =	vst.idx.msk $0xffff, v38  }
0xf2: {  	[tilespmem:v33+s21+$0x0] =	vst.idx.msk $0xffff, v40  }
0xf3: {  	v61 =	vadd.s32 v29, v34;
	v33 =	vld [tilespmem:s11+$0xC0]  }
0xf4: {  	v62 =	vadd.s32 v30, v34;
	v36 =	vld [tilespmem:s11+$0xD0]  }
0xf5: {  	v63 =	vadd.s32 v31, v34;
	v38 =	vld [tilespmem:s11+$0xE0]  }
0xf6: {  	v34 =	vadd.s32 v32, v34;
	v40 =	vld [tilespmem:s11+$0xF0];
	_ =	sdelay $0x1  }
0xf7: {  	[tilespmem:v61+s21+$0x0] =	vst.idx.msk $0xffff, v33  }
0xf8: {  	[tilespmem:v62+s21+$0x0] =	vst.idx.msk $0xffff, v36  }
0xf9: {  	[tilespmem:v63+s21+$0x0] =	vst.idx.msk $0xffff, v38  }
0xfa: {  	s11 =	simm.s32 $0xE400;
	[tilespmem:v34+s21+$0x0] =	vst.idx.msk $0xffff, v40  }
0xfb: {  	[hbm4b:s5+s3] =	stream.linear.scatter [tilespmem:s11], [sflag:$0x5], $0x80, $0x38;
	[tilespmem:$0x16C00] =	vst v63  }
0xfc: {  	s12 =	simm.s32 $0xE488;
	s14 =	sadd.s32 $0x10, s5  }
0xfd: {  	[hbm4b:s14+s3] =	stream.linear.scatter [tilespmem:s12], [sflag:$0x5], $0x80, $0x38;
	[tilespmem:$0x16C00] =	vst v63  }
0xfe: {  	s15 =	simm.s32 $0xE510;
	s7 =	simm.s32 $0x440;
	s17 =	sadd.s32 $0x20, s5  }
0xff: {  	[hbm4b:s17+s3] =	stream.linear.scatter [tilespmem:s15], [sflag:$0x5], $0x80, $0x38;
	[tilespmem:$0x16C00] =	vst v63  }
0x100: {  	s25 =	simm.s32 $0xE598;
	s29 =	sadd.s32 $0x30, s5;
	s11 =	sadd.s32 $0x1000, s5  }
0x101: {  	[hbm4b:s29+s3] =	stream.linear.scatter [tilespmem:s25], [sflag:$0x5], $0x80, $0x38;
	[tilespmem:$0x16C00] =	vst v63  }
0x102: {  	s12 =	simm.s32 $0xE620;
	s14 =	sadd.s32 $0x40, s5;
	s15 =	simm.s32 $0xE6A8  }
0x103: {  	[hbm4b:s14+s3] =	stream.linear.scatter [tilespmem:s12], [sflag:$0x5], $0x80, $0x38;
	[tilespmem:$0x16C00] =	vst v63  }
0x104: {  	s17 =	sadd.s32 $0x50, s5;
	s25 =	simm.s32 $0xE730;
	s29 =	sadd.s32 $0x60, s5  }
0x105: {  	[hbm4b:s17+s3] =	stream.linear.scatter [tilespmem:s15], [sflag:$0x5], $0x80, $0x38;
	[tilespmem:$0x16C00] =	vst v63  }
0x106: {  	s12 =	simm.s32 $0x2200;
	s14 =	simm.s32 $0xE7B8;
	s15 =	sadd.s32 $0x70, s5  }
0x107: {  	[hbm4b:s29+s3] =	stream.linear.scatter [tilespmem:s25], [sflag:$0x5], $0x80, $0x38;
	[tilespmem:$0x16C00] =	vst v63  }
.LBB2_4:
0x108: {  	[hbm4b:s15+s3] =	stream.linear.scatter [tilespmem:s14], [sflag:$0x5], $0x80, $0x38;
	[tilespmem:$0x16C00] =	vst v63  }
0x109: {  	s14 =	smov.u32 s7;
	s7 =	smov.u32 s12  }
0x10a: {  	s17 =	sadd.s32 $0x1100, s12;
	s7 =	sshra.s32 s7, $0x2;
	s15 =	sadd.s32 $0xE400, s14  }
0x10b: {  	[hbm4b:s11+s3] =	stream.linear.scatter [tilespmem:s15], [sflag:$0x5], $0x80, $0x38;
	[tilespmem:$0x16C00] =	vst v63  }
0x10c: {  	p0 =	sne.s32 s12, $0x7700;
	s12 =	sadd.s32 $0xE488, s14;
	s15 =	sadd.s32 $0x10, s11  }
0x10d: {  	[hbm4b:s15+s3] =	stream.linear.scatter [tilespmem:s12], [sflag:$0x5], $0x80, $0x38;
	[tilespmem:$0x16C00] =	vst v63  }
0x10e: {  	s12 =	sadd.s32 $0xE510, s14;
	s15 =	sadd.s32 $0x20, s11  }
0x10f: {  	[hbm4b:s15+s3] =	stream.linear.scatter [tilespmem:s12], [sflag:$0x5], $0x80, $0x38;
	[tilespmem:$0x16C00] =	vst v63  }
0x110: {  	s12 =	sadd.s32 $0xE598, s14;
	s15 =	sadd.s32 $0x30, s11  }
0x111: {  	[hbm4b:s15+s3] =	stream.linear.scatter [tilespmem:s12], [sflag:$0x5], $0x80, $0x38;
	[tilespmem:$0x16C00] =	vst v63  }
0x112: {  	s12 =	sadd.s32 $0xE620, s14;
	s15 =	sadd.s32 $0x40, s11  }
0x113: {  	[hbm4b:s15+s3] =	stream.linear.scatter [tilespmem:s12], [sflag:$0x5], $0x80, $0x38;
	[tilespmem:$0x16C00] =	vst v63  }
.Ltmp1:
0x114: {  	s12 =	sadd.s32 $0xE6A8, s14;
	s15 =	sadd.s32 $0x50, s11;
	(pc) =	sbr.rel @p0 .LBB2_4-.Ltmp1, $4  }
0x115: {  	[hbm4b:s15+s3] =	stream.linear.scatter [tilespmem:s12], [sflag:$0x5], $0x80, $0x38;
	[tilespmem:$0x16C00] =	vst v63  }
0x116: {  	s12 =	sadd.s32 $0xE730, s14;
	s15 =	sadd.s32 $0x60, s11;
	s14 =	sadd.s32 $0xE7B8, s14  }
0x117: {  	[hbm4b:s15+s3] =	stream.linear.scatter [tilespmem:s12], [sflag:$0x5], $0x80, $0x38;
	[tilespmem:$0x16C00] =	vst v63  }
0x118: {  	s15 =	sadd.s32 $0x70, s11;
	s11 =	sadd.s32 $0x1000, s11;
	s12 =	smov.u32 s17  }
0x119: {  	[hbm4b:s15+s3] =	stream.linear.scatter [tilespmem:s14], [sflag:$0x5], $0x80, $0x38;
	[tilespmem:$0x16C00] =	vst v63  }
0x11a: {  	s12 =	sadd.s32 $0xE400, s7  }
0x11b: {  	[hbm4b:s11+s3] =	stream.linear.scatter [tilespmem:s12], [sflag:$0x5], $0x80, $0x38;
	[tilespmem:$0x16C00] =	vst v63  }
0x11c: {  	s15 =	sadd.s32 $0xE488, s7;
	s17 =	sadd.s32 $0x10, s11  }
0x11d: {  	[hbm4b:s17+s3] =	stream.linear.scatter [tilespmem:s15], [sflag:$0x5], $0x80, $0x38;
	[tilespmem:$0x16C00] =	vst v63  }
0x11e: {  	s25 =	sadd.s32 $0xE510, s7;
	s29 =	sadd.s32 $0x20, s11  }
0x11f: {  	[hbm4b:s29+s3] =	stream.linear.scatter [tilespmem:s25], [sflag:$0x5], $0x80, $0x38;
	[tilespmem:$0x16C00] =	vst v63  }
0x120: {  	s15 =	sadd.s32 $0xE598, s7;
	s17 =	sadd.s32 $0x30, s11  }
0x121: {  	[hbm4b:s17+s3] =	stream.linear.scatter [tilespmem:s15], [sflag:$0x5], $0x80, $0x38;
	[tilespmem:$0x16C00] =	vst v63  }
0x122: {  	s25 =	sadd.s32 $0xE620, s7;
	s29 =	sadd.s32 $0x40, s11  }
0x123: {  	[hbm4b:s29+s3] =	stream.linear.scatter [tilespmem:s25], [sflag:$0x5], $0x80, $0x38;
	[tilespmem:$0x16C00] =	vst v63  }
0x124: {  	s15 =	sadd.s32 $0xE6A8, s7;
	s17 =	sadd.s32 $0x50, s11  }
0x125: {  	[hbm4b:s17+s3] =	stream.linear.scatter [tilespmem:s15], [sflag:$0x5], $0x80, $0x38;
	[tilespmem:$0x16C00] =	vst v63  }
0x126: {  	s25 =	sadd.s32 $0xE730, s7;
	s29 =	sadd.s32 $0x60, s11  }
0x127: {  	[hbm4b:s29+s3] =	stream.linear.scatter [tilespmem:s25], [sflag:$0x5], $0x80, $0x38;
	[tilespmem:$0x16C00] =	vst v63  }
0x128: {  	s15 =	sadd.s32 $0xE7B8, s7;
	s17 =	sadd.s32 $0x70, s11;
	s25 =	simm.s32 $0x0  }
0x129: {  	[hbm4b:s17+s3] =	stream.linear.scatter [tilespmem:s15], [sflag:$0x5], $0x80, $0x38;
	[tilespmem:$0x16C00] =	vst v63  }
0x12a: {  	s29 =	simm.s32 $0x200;
	v33 =	vmov s25  }
0x12b: {  	v33 =	vshrl.u32 v33, $0x3;
	[tilespmem:s8], [sflag:$0x1] =	stream.indirect.gather [hbm4b:s4+s13], $0x40, s29, s13, $0xb8;
	[tilespmem:$0x16C00] =	vst v63  }
0x12c: {  	v33 =	vshll.u32 v33, v1;
	_ =	swait.ge [sflag:s23], $0x2000  }
0x12d: {  	v33 =	vbroadcast v33, $0x0;
	[sflag:s23] =	ssyncset.done $0x0  }
0x12e: {  	s14 =	simm.s32 $0x8500;
	[sflag:s23] =	ssyncadd.s32 $0xFFFFE000  }
0x12f: {  	v35 =	vadd.s32 v0, v33;
	v34 =	vld [tilespmem:s14+$0xFFFFFF00]  }
0x130: {  	v37 =	vadd.s32 v2, v33;
	v36 =	vld [tilespmem:s14+$0xFFFFFF10]  }
0x131: {  	v39 =	vadd.s32 v3, v33;
	v38 =	vld [tilespmem:s14+$0xFFFFFF20]  }
0x132: {  	s8 =	simm.s32 $0x1;
	v33 =	vadd.s32 v4, v33;
	v40 =	vld [tilespmem:s14+$0xFFFFFF30]  }
0x133: {  	v41 =	vmov s8  }
0x134: {  	v47 =	vshrl.u32 v41, $0x3;
	[tilespmem:v35+s24+$0x0] =	vst.idx.msk $0xffff, v34  }
0x135: {  	v34 =	vshll.u32 v47, v1;
	[tilespmem:v37+s24+$0x0] =	vst.idx.msk $0xffff, v36  }
0x136: {  	v34 =	vbroadcast v34, $0x0;
	[tilespmem:v39+s24+$0x0] =	vst.idx.msk $0xffff, v38  }
0x137: {  	[tilespmem:v33+s24+$0x0] =	vst.idx.msk $0xffff, v40  }
0x138: {  	v48 =	vadd.s32 v5, v34;
	v33 =	vld [tilespmem:s14+$0xFFFFFF40]  }
0x139: {  	v49 =	vadd.s32 v6, v34;
	v36 =	vld [tilespmem:s14+$0xFFFFFF50]  }
0x13a: {  	v50 =	vadd.s32 v7, v34;
	v38 =	vld [tilespmem:s14+$0xFFFFFF60]  }
0x13b: {  	s11 =	simm.s32 $0x2;
	v34 =	vadd.s32 v8, v34;
	v40 =	vld [tilespmem:s14+$0xFFFFFF70]  }
0x13c: {  	v51 =	vmov s11  }
0x13d: {  	v52 =	vshrl.u32 v51, $0x3;
	[tilespmem:v48+s24+$0x0] =	vst.idx.msk $0xffff, v33  }
0x13e: {  	v33 =	vshll.u32 v52, v1;
	[tilespmem:v49+s24+$0x0] =	vst.idx.msk $0xffff, v36  }
0x13f: {  	v33 =	vbroadcast v33, $0x0;
	[tilespmem:v50+s24+$0x0] =	vst.idx.msk $0xffff, v38  }
0x140: {  	[tilespmem:v34+s24+$0x0] =	vst.idx.msk $0xffff, v40  }
0x141: {  	v53 =	vadd.s32 v9, v33;
	v34 =	vld [tilespmem:s14+$0xFFFFFF80]  }
0x142: {  	v54 =	vadd.s32 v10, v33;
	v36 =	vld [tilespmem:s14+$0xFFFFFF90]  }
0x143: {  	v55 =	vadd.s32 v11, v33;
	v38 =	vld [tilespmem:s14+$0xFFFFFFA0]  }
0x144: {  	s12 =	simm.s32 $0x3;
	v33 =	vadd.s32 v12, v33;
	v40 =	vld [tilespmem:s14+$0xFFFFFFB0]  }
0x145: {  	v56 =	vmov s12  }
0x146: {  	v57 =	vshrl.u32 v56, $0x3;
	[tilespmem:v53+s24+$0x0] =	vst.idx.msk $0xffff, v34  }
0x147: {  	v34 =	vshll.u32 v57, v1;
	[tilespmem:v54+s24+$0x0] =	vst.idx.msk $0xffff, v36  }
0x148: {  	v34 =	vbroadcast v34, $0x0;
	[tilespmem:v55+s24+$0x0] =	vst.idx.msk $0xffff, v38  }
0x149: {  	[tilespmem:v33+s24+$0x0] =	vst.idx.msk $0xffff, v40  }
0x14a: {  	v58 =	vadd.s32 v13, v34;
	v33 =	vld [tilespmem:s14+$0xFFFFFFC0]  }
0x14b: {  	v59 =	vadd.s32 v14, v34;
	v36 =	vld [tilespmem:s14+$0xFFFFFFD0]  }
0x14c: {  	v60 =	vadd.s32 v15, v34;
	v38 =	vld [tilespmem:s14+$0xFFFFFFE0]  }
0x14d: {  	s15 =	simm.s32 $0x4;
	v34 =	vadd.s32 v16, v34;
	v40 =	vld [tilespmem:s14+$0xFFFFFFF0]  }
0x14e: {  	v61 =	vmov s15  }
0x14f: {  	v62 =	vshrl.u32 v61, $0x3;
	[tilespmem:v58+s24+$0x0] =	vst.idx.msk $0xffff, v33  }
0x150: {  	v33 =	vshll.u32 v62, v1;
	[tilespmem:v59+s24+$0x0] =	vst.idx.msk $0xffff, v36  }
0x151: {  	v33 =	vbroadcast v33, $0x0;
	[tilespmem:v60+s24+$0x0] =	vst.idx.msk $0xffff, v38  }
0x152: {  	[tilespmem:v34+s24+$0x0] =	vst.idx.msk $0xffff, v40  }
0x153: {  	v63 =	vadd.s32 v17, v33;
	v34 =	vld [tilespmem:s14+$0x0]  }
0x154: {  	v44 =	vadd.s32 v18, v33;
	v36 =	vld [tilespmem:s14+$0x10]  }
0x155: {  	v45 =	vadd.s32 v19, v33;
	v38 =	vld [tilespmem:s14+$0x20]  }
0x156: {  	s17 =	simm.s32 $0x5;
	v33 =	vadd.s32 v20, v33;
	v40 =	vld [tilespmem:s14+$0x30]  }
0x157: {  	v46 =	vmov s17  }
0x158: {  	v47 =	vshrl.u32 v46, $0x3;
	[tilespmem:v63+s24+$0x0] =	vst.idx.msk $0xffff, v34  }
0x159: {  	v34 =	vshll.u32 v47, v1;
	[tilespmem:v44+s24+$0x0] =	vst.idx.msk $0xffff, v36  }
0x15a: {  	v34 =	vbroadcast v34, $0x0;
	[tilespmem:v45+s24+$0x0] =	vst.idx.msk $0xffff, v38  }
0x15b: {  	[tilespmem:v33+s24+$0x0] =	vst.idx.msk $0xffff, v40  }
0x15c: {  	v48 =	vadd.s32 v21, v34;
	v33 =	vld [tilespmem:s14+$0x40]  }
0x15d: {  	v49 =	vadd.s32 v22, v34;
	v36 =	vld [tilespmem:s14+$0x50]  }
0x15e: {  	v50 =	vadd.s32 v23, v34;
	v38 =	vld [tilespmem:s14+$0x60]  }
0x15f: {  	s25 =	simm.s32 $0x6;
	v34 =	vadd.s32 v24, v34;
	v40 =	vld [tilespmem:s14+$0x70]  }
0x160: {  	v51 =	vmov s25  }
0x161: {  	v52 =	vshrl.u32 v51, $0x3;
	[tilespmem:v48+s24+$0x0] =	vst.idx.msk $0xffff, v33  }
0x162: {  	v33 =	vshll.u32 v52, v1;
	[tilespmem:v49+s24+$0x0] =	vst.idx.msk $0xffff, v36  }
0x163: {  	v33 =	vbroadcast v33, $0x0;
	[tilespmem:v50+s24+$0x0] =	vst.idx.msk $0xffff, v38  }
0x164: {  	[tilespmem:v34+s24+$0x0] =	vst.idx.msk $0xffff, v40  }
0x165: {  	v53 =	vadd.s32 v25, v33;
	v34 =	vld [tilespmem:s14+$0x80]  }
0x166: {  	v54 =	vadd.s32 v26, v33;
	v36 =	vld [tilespmem:s14+$0x90]  }
0x167: {  	v55 =	vadd.s32 v27, v33;
	v38 =	vld [tilespmem:s14+$0xA0]  }
0x168: {  	s29 =	simm.s32 $0x7;
	v33 =	vadd.s32 v28, v33;
	v40 =	vld [tilespmem:s14+$0xB0]  }
0x169: {  	v56 =	vmov s29  }
0x16a: {  	v57 =	vshrl.u32 v56, $0x3;
	[tilespmem:v53+s24+$0x0] =	vst.idx.msk $0xffff, v34  }
0x16b: {  	v34 =	vshll.u32 v57, v1;
	[tilespmem:v54+s24+$0x0] =	vst.idx.msk $0xffff, v36  }
0x16c: {  	v58 =	vbroadcast v34, $0x0;
	[tilespmem:v55+s24+$0x0] =	vst.idx.msk $0xffff, v38  }
0x16d: {  	[tilespmem:v33+s24+$0x0] =	vst.idx.msk $0xffff, v40  }
0x16e: {  	v59 =	vadd.s32 v29, v58;
	v33 =	vld [tilespmem:s14+$0xC0]  }
0x16f: {  	v60 =	vadd.s32 v30, v58;
	v37 =	vld [tilespmem:s14+$0xD0]  }
0x170: {  	v61 =	vadd.s32 v31, v58;
	v39 =	vld [tilespmem:s14+$0xE0]  }
0x171: {  	s7 =	simm.s32 $0x8  }
0x172: {  	v62 =	vmov s7;
	v35 =	vadd.s32 v32, v58;
	v34 =	vld [tilespmem:s14+$0xF0]  }
0x173: {  	v41 =	vshrl.u32 v62, $0x3;
	[tilespmem:v59+s24+$0x0] =	vst.idx.msk $0xffff, v33  }
0x174: {  	v63 =	vshll.u32 v41, v1;
	[tilespmem:v60+s24+$0x0] =	vst.idx.msk $0xffff, v37  }
0x175: {  	s11 =	simm.s32 $0x10;
	v33 =	vbroadcast v63, $0x0;
	[tilespmem:v61+s24+$0x0] =	vst.idx.msk $0xffff, v39  }
.LBB2_6:
0x176: {  	p0 =	slt.u32 s11, $0x78  }
0x177: {  	[tilespmem:v35+s24+$0x0] =	vst.idx.msk $0xffff, v34;
	s14 =	sadd.s32 $0x200, s14;
	s12 =	smov.u32 s11;
	s11 =	sadd.s32 $0x8, s11  }
0x178: {  	v34 =	vld [tilespmem:s14+$0xFFFFFF00];
	v35 =	vadd.s32 v0, v33  }
0x179: {  	v37 =	vadd.s32 v2, v33;
	v36 =	vld [tilespmem:s14+$0xFFFFFF10]  }
0x17a: {  	v39 =	vadd.s32 v3, v33;
	v38 =	vld [tilespmem:s14+$0xFFFFFF20]  }
0x17b: {  	s15 =	sadd.s32 $0x1, s7;
	v33 =	vadd.s32 v4, v33;
	v40 =	vld [tilespmem:s14+$0xFFFFFF30]  }
0x17c: {  	v41 =	vmov s15  }
0x17d: {  	[tilespmem:v35+s24+$0x0] =	vst.idx.msk $0xffff, v34;
	v34 =	vshrl.u32 v41, $0x3  }
0x17e: {  	[tilespmem:v37+s24+$0x0] =	vst.idx.msk $0xffff, v36;
	v34 =	vshll.u32 v34, v1  }
0x17f: {  	[tilespmem:v39+s24+$0x0] =	vst.idx.msk $0xffff, v38;
	v34 =	vbroadcast v34, $0x0  }
0x180: {  	[tilespmem:v33+s24+$0x0] =	vst.idx.msk $0xffff, v40  }
0x181: {  	v33 =	vld [tilespmem:s14+$0xFFFFFF40];
	v35 =	vadd.s32 v5, v34  }
0x182: {  	v37 =	vadd.s32 v6, v34;
	v36 =	vld [tilespmem:s14+$0xFFFFFF50]  }
0x183: {  	v39 =	vadd.s32 v7, v34;
	v38 =	vld [tilespmem:s14+$0xFFFFFF60]  }
0x184: {  	s15 =	sadd.s32 $0x2, s7;
	v34 =	vadd.s32 v8, v34;
	v40 =	vld [tilespmem:s14+$0xFFFFFF70]  }
0x185: {  	v41 =	vmov s15  }
0x186: {  	[tilespmem:v35+s24+$0x0] =	vst.idx.msk $0xffff, v33;
	v33 =	vshrl.u32 v41, $0x3  }
0x187: {  	[tilespmem:v37+s24+$0x0] =	vst.idx.msk $0xffff, v36;
	v33 =	vshll.u32 v33, v1  }
0x188: {  	[tilespmem:v39+s24+$0x0] =	vst.idx.msk $0xffff, v38;
	v33 =	vbroadcast v33, $0x0  }
0x189: {  	[tilespmem:v34+s24+$0x0] =	vst.idx.msk $0xffff, v40  }
0x18a: {  	v34 =	vld [tilespmem:s14+$0xFFFFFF80];
	v35 =	vadd.s32 v9, v33  }
0x18b: {  	v37 =	vadd.s32 v10, v33;
	v36 =	vld [tilespmem:s14+$0xFFFFFF90]  }
0x18c: {  	v39 =	vadd.s32 v11, v33;
	v38 =	vld [tilespmem:s14+$0xFFFFFFA0]  }
0x18d: {  	s15 =	sadd.s32 $0x3, s7;
	v33 =	vadd.s32 v12, v33;
	v40 =	vld [tilespmem:s14+$0xFFFFFFB0]  }
0x18e: {  	v41 =	vmov s15  }
0x18f: {  	[tilespmem:v35+s24+$0x0] =	vst.idx.msk $0xffff, v34;
	v34 =	vshrl.u32 v41, $0x3  }
0x190: {  	[tilespmem:v37+s24+$0x0] =	vst.idx.msk $0xffff, v36;
	v34 =	vshll.u32 v34, v1  }
0x191: {  	[tilespmem:v39+s24+$0x0] =	vst.idx.msk $0xffff, v38;
	v34 =	vbroadcast v34, $0x0  }
0x192: {  	[tilespmem:v33+s24+$0x0] =	vst.idx.msk $0xffff, v40  }
0x193: {  	v33 =	vld [tilespmem:s14+$0xFFFFFFC0];
	v35 =	vadd.s32 v13, v34  }
0x194: {  	v37 =	vadd.s32 v14, v34;
	v36 =	vld [tilespmem:s14+$0xFFFFFFD0]  }
0x195: {  	v39 =	vadd.s32 v15, v34;
	v38 =	vld [tilespmem:s14+$0xFFFFFFE0]  }
0x196: {  	s15 =	sadd.s32 $0x4, s7;
	v34 =	vadd.s32 v16, v34;
	v40 =	vld [tilespmem:s14+$0xFFFFFFF0]  }
0x197: {  	v41 =	vmov s15  }
0x198: {  	[tilespmem:v35+s24+$0x0] =	vst.idx.msk $0xffff, v33;
	v33 =	vshrl.u32 v41, $0x3  }
0x199: {  	[tilespmem:v37+s24+$0x0] =	vst.idx.msk $0xffff, v36;
	v33 =	vshll.u32 v33, v1  }
0x19a: {  	[tilespmem:v39+s24+$0x0] =	vst.idx.msk $0xffff, v38;
	v33 =	vbroadcast v33, $0x0  }
0x19b: {  	[tilespmem:v34+s24+$0x0] =	vst.idx.msk $0xffff, v40  }
0x19c: {  	v34 =	vld [tilespmem:s14+$0x0];
	v35 =	vadd.s32 v17, v33  }
0x19d: {  	v37 =	vadd.s32 v18, v33;
	v36 =	vld [tilespmem:s14+$0x10]  }
0x19e: {  	v39 =	vadd.s32 v19, v33;
	v38 =	vld [tilespmem:s14+$0x20]  }
0x19f: {  	s15 =	sadd.s32 $0x5, s7;
	v33 =	vadd.s32 v20, v33;
	v40 =	vld [tilespmem:s14+$0x30]  }
0x1a0: {  	v41 =	vmov s15  }
0x1a1: {  	[tilespmem:v35+s24+$0x0] =	vst.idx.msk $0xffff, v34;
	v34 =	vshrl.u32 v41, $0x3  }
0x1a2: {  	[tilespmem:v37+s24+$0x0] =	vst.idx.msk $0xffff, v36;
	v34 =	vshll.u32 v34, v1  }
0x1a3: {  	[tilespmem:v39+s24+$0x0] =	vst.idx.msk $0xffff, v38;
	v34 =	vbroadcast v34, $0x0  }
0x1a4: {  	[tilespmem:v33+s24+$0x0] =	vst.idx.msk $0xffff, v40  }
0x1a5: {  	v33 =	vld [tilespmem:s14+$0x40];
	v35 =	vadd.s32 v21, v34  }
0x1a6: {  	v37 =	vadd.s32 v22, v34;
	v36 =	vld [tilespmem:s14+$0x50]  }
0x1a7: {  	v39 =	vadd.s32 v23, v34;
	v38 =	vld [tilespmem:s14+$0x60]  }
0x1a8: {  	s15 =	sadd.s32 $0x6, s7;
	v34 =	vadd.s32 v24, v34;
	v40 =	vld [tilespmem:s14+$0x70]  }
0x1a9: {  	v41 =	vmov s15  }
0x1aa: {  	[tilespmem:v35+s24+$0x0] =	vst.idx.msk $0xffff, v33;
	v33 =	vshrl.u32 v41, $0x3  }
0x1ab: {  	[tilespmem:v37+s24+$0x0] =	vst.idx.msk $0xffff, v36;
	v33 =	vshll.u32 v33, v1  }
0x1ac: {  	[tilespmem:v39+s24+$0x0] =	vst.idx.msk $0xffff, v38;
	v33 =	vbroadcast v33, $0x0  }
0x1ad: {  	[tilespmem:v34+s24+$0x0] =	vst.idx.msk $0xffff, v40  }
0x1ae: {  	v34 =	vld [tilespmem:s14+$0x80];
	v35 =	vadd.s32 v25, v33  }
0x1af: {  	v37 =	vadd.s32 v26, v33;
	v36 =	vld [tilespmem:s14+$0x90]  }
0x1b0: {  	v39 =	vadd.s32 v27, v33;
	v38 =	vld [tilespmem:s14+$0xA0]  }
0x1b1: {  	s15 =	sadd.s32 $0x7, s7;
	s7 =	smov.u32 s12;
	v33 =	vadd.s32 v28, v33;
	v40 =	vld [tilespmem:s14+$0xB0]  }
0x1b2: {  	v41 =	vmov s15  }
0x1b3: {  	[tilespmem:v35+s24+$0x0] =	vst.idx.msk $0xffff, v34;
	v34 =	vshrl.u32 v41, $0x3  }
0x1b4: {  	[tilespmem:v37+s24+$0x0] =	vst.idx.msk $0xffff, v36;
	v34 =	vshll.u32 v34, v1  }
0x1b5: {  	[tilespmem:v39+s24+$0x0] =	vst.idx.msk $0xffff, v38;
	v35 =	vbroadcast v34, $0x0  }
0x1b6: {  	[tilespmem:v33+s24+$0x0] =	vst.idx.msk $0xffff, v40  }
0x1b7: {  	v33 =	vld [tilespmem:s14+$0xC0];
	v36 =	vadd.s32 v29, v35  }
0x1b8: {  	v38 =	vadd.s32 v30, v35;
	v37 =	vld [tilespmem:s14+$0xD0]  }
0x1b9: {  	v40 =	vadd.s32 v31, v35;
	v39 =	vld [tilespmem:s14+$0xE0]  }
.Ltmp2:
0x1ba: {  	v35 =	vadd.s32 v32, v35;
	v34 =	vld [tilespmem:s14+$0xF0];
	(pc) =	sbr.rel @p0 .LBB2_6-.Ltmp2, $4  }
0x1bb: {  	v41 =	vmov s7  }
0x1bc: {  	v41 =	vshrl.u32 v41, $0x3;
	[tilespmem:v36+s24+$0x0] =	vst.idx.msk $0xffff, v33  }
0x1bd: {  	v33 =	vshll.u32 v41, v1;
	[tilespmem:v38+s24+$0x0] =	vst.idx.msk $0xffff, v37  }
0x1be: {  	v33 =	vbroadcast v33, $0x0;
	[tilespmem:v40+s24+$0x0] =	vst.idx.msk $0xffff, v39  }
0x1bf: {  	_ =	sdelay $0x3  }
0x1c0: {  	[tilespmem:v35+s24+$0x0] =	vst.idx.msk $0xffff, v34;
	s11 =	sadd.s32 $0x200, s14  }
0x1c1: {  	v34 =	vld [tilespmem:s11+$0xFFFFFF00];
	v48 =	vadd.s32 v0, v33  }
0x1c2: {  	v36 =	vld [tilespmem:s11+$0xFFFFFF10];
	v37 =	vadd.s32 v2, v33  }
0x1c3: {  	v38 =	vld [tilespmem:s11+$0xFFFFFF20];
	v39 =	vadd.s32 v3, v33  }
0x1c4: {  	s12 =	sadd.s32 $0x1, s7;
	v40 =	vld [tilespmem:s11+$0xFFFFFF30];
	v49 =	vadd.s32 v4, v33  }
0x1c5: {  	v41 =	vmov s12  }
0x1c6: {  	v50 =	vshrl.u32 v41, $0x3;
	[tilespmem:v48+s24+$0x0] =	vst.idx.msk $0xffff, v34  }
0x1c7: {  	v34 =	vshll.u32 v50, v1;
	[tilespmem:v37+s24+$0x0] =	vst.idx.msk $0xffff, v36  }
0x1c8: {  	v34 =	vbroadcast v34, $0x0;
	[tilespmem:v39+s24+$0x0] =	vst.idx.msk $0xffff, v38  }
0x1c9: {  	[tilespmem:v49+s24+$0x0] =	vst.idx.msk $0xffff, v40  }
0x1ca: {  	v51 =	vadd.s32 v5, v34;
	v33 =	vld [tilespmem:s11+$0xFFFFFF40]  }
0x1cb: {  	v52 =	vadd.s32 v6, v34;
	v36 =	vld [tilespmem:s11+$0xFFFFFF50]  }
0x1cc: {  	v53 =	vadd.s32 v7, v34;
	v38 =	vld [tilespmem:s11+$0xFFFFFF60]  }
0x1cd: {  	s14 =	sadd.s32 $0x2, s7;
	v34 =	vadd.s32 v8, v34;
	v40 =	vld [tilespmem:s11+$0xFFFFFF70]  }
0x1ce: {  	v54 =	vmov s14  }
0x1cf: {  	v55 =	vshrl.u32 v54, $0x3;
	[tilespmem:v51+s24+$0x0] =	vst.idx.msk $0xffff, v33  }
0x1d0: {  	v33 =	vshll.u32 v55, v1;
	[tilespmem:v52+s24+$0x0] =	vst.idx.msk $0xffff, v36  }
0x1d1: {  	v33 =	vbroadcast v33, $0x0;
	[tilespmem:v53+s24+$0x0] =	vst.idx.msk $0xffff, v38  }
0x1d2: {  	[tilespmem:v34+s24+$0x0] =	vst.idx.msk $0xffff, v40  }
0x1d3: {  	v56 =	vadd.s32 v9, v33;
	v34 =	vld [tilespmem:s11+$0xFFFFFF80]  }
0x1d4: {  	v57 =	vadd.s32 v10, v33;
	v36 =	vld [tilespmem:s11+$0xFFFFFF90]  }
0x1d5: {  	v58 =	vadd.s32 v11, v33;
	v38 =	vld [tilespmem:s11+$0xFFFFFFA0]  }
0x1d6: {  	s15 =	sadd.s32 $0x3, s7;
	v33 =	vadd.s32 v12, v33;
	v40 =	vld [tilespmem:s11+$0xFFFFFFB0]  }
0x1d7: {  	v59 =	vmov s15  }
0x1d8: {  	v60 =	vshrl.u32 v59, $0x3;
	[tilespmem:v56+s24+$0x0] =	vst.idx.msk $0xffff, v34  }
0x1d9: {  	v34 =	vshll.u32 v60, v1;
	[tilespmem:v57+s24+$0x0] =	vst.idx.msk $0xffff, v36  }
0x1da: {  	v34 =	vbroadcast v34, $0x0;
	[tilespmem:v58+s24+$0x0] =	vst.idx.msk $0xffff, v38  }
0x1db: {  	[tilespmem:v33+s24+$0x0] =	vst.idx.msk $0xffff, v40  }
0x1dc: {  	v61 =	vadd.s32 v13, v34;
	v33 =	vld [tilespmem:s11+$0xFFFFFFC0]  }
0x1dd: {  	v62 =	vadd.s32 v14, v34;
	v36 =	vld [tilespmem:s11+$0xFFFFFFD0]  }
0x1de: {  	v63 =	vadd.s32 v15, v34;
	v38 =	vld [tilespmem:s11+$0xFFFFFFE0]  }
0x1df: {  	s17 =	sadd.s32 $0x4, s7;
	v34 =	vadd.s32 v16, v34;
	v40 =	vld [tilespmem:s11+$0xFFFFFFF0]  }
0x1e0: {  	v44 =	vmov s17  }
0x1e1: {  	v45 =	vshrl.u32 v44, $0x3;
	[tilespmem:v61+s24+$0x0] =	vst.idx.msk $0xffff, v33  }
0x1e2: {  	v33 =	vshll.u32 v45, v1;
	[tilespmem:v62+s24+$0x0] =	vst.idx.msk $0xffff, v36  }
0x1e3: {  	v33 =	vbroadcast v33, $0x0;
	[tilespmem:v63+s24+$0x0] =	vst.idx.msk $0xffff, v38  }
0x1e4: {  	[tilespmem:v34+s24+$0x0] =	vst.idx.msk $0xffff, v40  }
0x1e5: {  	v46 =	vadd.s32 v17, v33;
	v34 =	vld [tilespmem:s11+$0x0]  }
0x1e6: {  	v47 =	vadd.s32 v18, v33;
	v36 =	vld [tilespmem:s11+$0x10]  }
0x1e7: {  	v48 =	vadd.s32 v19, v33;
	v38 =	vld [tilespmem:s11+$0x20]  }
0x1e8: {  	s25 =	sadd.s32 $0x5, s7;
	v33 =	vadd.s32 v20, v33;
	v40 =	vld [tilespmem:s11+$0x30]  }
0x1e9: {  	v49 =	vmov s25  }
0x1ea: {  	v50 =	vshrl.u32 v49, $0x3;
	[tilespmem:v46+s24+$0x0] =	vst.idx.msk $0xffff, v34  }
0x1eb: {  	v34 =	vshll.u32 v50, v1;
	[tilespmem:v47+s24+$0x0] =	vst.idx.msk $0xffff, v36  }
0x1ec: {  	v34 =	vbroadcast v34, $0x0;
	[tilespmem:v48+s24+$0x0] =	vst.idx.msk $0xffff, v38  }
0x1ed: {  	[tilespmem:v33+s24+$0x0] =	vst.idx.msk $0xffff, v40  }
0x1ee: {  	v51 =	vadd.s32 v21, v34;
	v33 =	vld [tilespmem:s11+$0x40]  }
0x1ef: {  	v52 =	vadd.s32 v22, v34;
	v36 =	vld [tilespmem:s11+$0x50]  }
0x1f0: {  	v53 =	vadd.s32 v23, v34;
	v38 =	vld [tilespmem:s11+$0x60]  }
0x1f1: {  	s29 =	sadd.s32 $0x6, s7;
	v34 =	vadd.s32 v24, v34;
	v40 =	vld [tilespmem:s11+$0x70]  }
0x1f2: {  	v54 =	vmov s29  }
0x1f3: {  	v55 =	vshrl.u32 v54, $0x3;
	[tilespmem:v51+s24+$0x0] =	vst.idx.msk $0xffff, v33  }
0x1f4: {  	v33 =	vshll.u32 v55, v1;
	[tilespmem:v52+s24+$0x0] =	vst.idx.msk $0xffff, v36  }
0x1f5: {  	v33 =	vbroadcast v33, $0x0;
	[tilespmem:v53+s24+$0x0] =	vst.idx.msk $0xffff, v38  }
0x1f6: {  	[tilespmem:v34+s24+$0x0] =	vst.idx.msk $0xffff, v40  }
0x1f7: {  	v56 =	vadd.s32 v25, v33;
	v34 =	vld [tilespmem:s11+$0x80]  }
0x1f8: {  	v57 =	vadd.s32 v26, v33;
	v36 =	vld [tilespmem:s11+$0x90]  }
0x1f9: {  	v58 =	vadd.s32 v27, v33;
	v38 =	vld [tilespmem:s11+$0xA0]  }
0x1fa: {  	s8 =	sadd.s32 $0x7, s7;
	v33 =	vadd.s32 v28, v33;
	v40 =	vld [tilespmem:s11+$0xB0]  }
0x1fb: {  	v59 =	vmov s8  }
0x1fc: {  	v60 =	vshrl.u32 v59, $0x3;
	[tilespmem:v56+s24+$0x0] =	vst.idx.msk $0xffff, v34  }
0x1fd: {  	v34 =	vshll.u32 v60, v1;
	[tilespmem:v57+s24+$0x0] =	vst.idx.msk $0xffff, v36  }
0x1fe: {  	v34 =	vbroadcast v34, $0x0;
	[tilespmem:v58+s24+$0x0] =	vst.idx.msk $0xffff, v38  }
0x1ff: {  	[tilespmem:v33+s24+$0x0] =	vst.idx.msk $0xffff, v40  }
0x200: {  	v61 =	vadd.s32 v29, v34;
	v33 =	vld [tilespmem:s11+$0xC0]  }
0x201: {  	v62 =	vadd.s32 v30, v34;
	v36 =	vld [tilespmem:s11+$0xD0]  }
0x202: {  	v63 =	vadd.s32 v31, v34;
	v38 =	vld [tilespmem:s11+$0xE0]  }
0x203: {  	v34 =	vadd.s32 v32, v34;
	v40 =	vld [tilespmem:s11+$0xF0];
	_ =	sdelay $0x1  }
0x204: {  	[tilespmem:v61+s24+$0x0] =	vst.idx.msk $0xffff, v33  }
0x205: {  	[tilespmem:v62+s24+$0x0] =	vst.idx.msk $0xffff, v36  }
0x206: {  	[tilespmem:v63+s24+$0x0] =	vst.idx.msk $0xffff, v38  }
0x207: {  	s8 =	rddreg [dreg:$0x4];
	s11 =	simm.s32 $0x10600;
	[tilespmem:v34+s24+$0x0] =	vst.idx.msk $0xffff, v40  }
0x208: {  	[hbm4b:s8+s3] =	stream.linear.scatter [tilespmem:s11], [sflag:$0x6], $0x80, $0x38;
	[tilespmem:$0x16C00] =	vst v63  }
0x209: {  	s12 =	simm.s32 $0x10688;
	s14 =	sadd.s32 $0x10, s8  }
0x20a: {  	[hbm4b:s14+s3] =	stream.linear.scatter [tilespmem:s12], [sflag:$0x6], $0x80, $0x38;
	[tilespmem:$0x16C00] =	vst v63  }
0x20b: {  	s7 =	simm.s32 $0x440;
	s15 =	simm.s32 $0x10710;
	s17 =	sadd.s32 $0x20, s8  }
0x20c: {  	[hbm4b:s17+s3] =	stream.linear.scatter [tilespmem:s15], [sflag:$0x6], $0x80, $0x38;
	[tilespmem:$0x16C00] =	vst v63  }
0x20d: {  	s29 =	sadd.s32 $0x30, s8;
	s25 =	simm.s32 $0x10798;
	s11 =	sadd.s32 $0x1000, s8  }
0x20e: {  	[hbm4b:s29+s3] =	stream.linear.scatter [tilespmem:s25], [sflag:$0x6], $0x80, $0x38;
	[tilespmem:$0x16C00] =	vst v63  }
0x20f: {  	s12 =	simm.s32 $0x10820;
	s14 =	sadd.s32 $0x40, s8;
	s15 =	simm.s32 $0x108A8  }
0x210: {  	[hbm4b:s14+s3] =	stream.linear.scatter [tilespmem:s12], [sflag:$0x6], $0x80, $0x38;
	[tilespmem:$0x16C00] =	vst v63  }
0x211: {  	s17 =	sadd.s32 $0x50, s8;
	s25 =	simm.s32 $0x10930;
	s29 =	sadd.s32 $0x60, s8  }
0x212: {  	[hbm4b:s17+s3] =	stream.linear.scatter [tilespmem:s15], [sflag:$0x6], $0x80, $0x38;
	[tilespmem:$0x16C00] =	vst v63  }
0x213: {  	s12 =	simm.s32 $0x2200;
	s14 =	simm.s32 $0x109B8;
	s15 =	sadd.s32 $0x70, s8  }
0x214: {  	[hbm4b:s29+s3] =	stream.linear.scatter [tilespmem:s25], [sflag:$0x6], $0x80, $0x38;
	[tilespmem:$0x16C00] =	vst v63  }
.LBB2_8:
0x215: {  	[hbm4b:s15+s3] =	stream.linear.scatter [tilespmem:s14], [sflag:$0x6], $0x80, $0x38;
	[tilespmem:$0x16C00] =	vst v63  }
0x216: {  	s14 =	smov.u32 s7;
	s7 =	smov.u32 s12  }
0x217: {  	s17 =	sadd.s32 $0x1100, s12;
	s7 =	sshra.s32 s7, $0x2;
	s15 =	sadd.s32 $0x10600, s14  }
0x218: {  	[hbm4b:s11+s3] =	stream.linear.scatter [tilespmem:s15], [sflag:$0x6], $0x80, $0x38;
	[tilespmem:$0x16C00] =	vst v63  }
0x219: {  	p0 =	sne.s32 s12, $0x7700;
	s12 =	sadd.s32 $0x10688, s14;
	s15 =	sadd.s32 $0x10, s11  }
0x21a: {  	[hbm4b:s15+s3] =	stream.linear.scatter [tilespmem:s12], [sflag:$0x6], $0x80, $0x38;
	[tilespmem:$0x16C00] =	vst v63  }
0x21b: {  	s12 =	sadd.s32 $0x10710, s14;
	s15 =	sadd.s32 $0x20, s11  }
0x21c: {  	[hbm4b:s15+s3] =	stream.linear.scatter [tilespmem:s12], [sflag:$0x6], $0x80, $0x38;
	[tilespmem:$0x16C00] =	vst v63  }
0x21d: {  	s12 =	sadd.s32 $0x10798, s14;
	s15 =	sadd.s32 $0x30, s11  }
0x21e: {  	[hbm4b:s15+s3] =	stream.linear.scatter [tilespmem:s12], [sflag:$0x6], $0x80, $0x38;
	[tilespmem:$0x16C00] =	vst v63  }
0x21f: {  	s12 =	sadd.s32 $0x10820, s14;
	s15 =	sadd.s32 $0x40, s11  }
0x220: {  	[hbm4b:s15+s3] =	stream.linear.scatter [tilespmem:s12], [sflag:$0x6], $0x80, $0x38;
	[tilespmem:$0x16C00] =	vst v63  }
.Ltmp3:
0x221: {  	s12 =	sadd.s32 $0x108A8, s14;
	s15 =	sadd.s32 $0x50, s11;
	(pc) =	sbr.rel @p0 .LBB2_8-.Ltmp3, $4  }
0x222: {  	[hbm4b:s15+s3] =	stream.linear.scatter [tilespmem:s12], [sflag:$0x6], $0x80, $0x38;
	[tilespmem:$0x16C00] =	vst v63  }
0x223: {  	s12 =	sadd.s32 $0x10930, s14;
	s15 =	sadd.s32 $0x60, s11;
	s14 =	sadd.s32 $0x109B8, s14  }
0x224: {  	[hbm4b:s15+s3] =	stream.linear.scatter [tilespmem:s12], [sflag:$0x6], $0x80, $0x38;
	[tilespmem:$0x16C00] =	vst v63  }
0x225: {  	s15 =	sadd.s32 $0x70, s11;
	s11 =	sadd.s32 $0x1000, s11;
	s12 =	smov.u32 s17  }
0x226: {  	[hbm4b:s15+s3] =	stream.linear.scatter [tilespmem:s14], [sflag:$0x6], $0x80, $0x38;
	[tilespmem:$0x16C00] =	vst v63  }
0x227: {  	s12 =	sadd.s32 $0x10600, s7  }
0x228: {  	[hbm4b:s11+s3] =	stream.linear.scatter [tilespmem:s12], [sflag:$0x6], $0x80, $0x38;
	[tilespmem:$0x16C00] =	vst v63  }
0x229: {  	s17 =	sadd.s32 $0x10688, s7;
	s25 =	sadd.s32 $0x10, s11  }
0x22a: {  	[hbm4b:s25+s3] =	stream.linear.scatter [tilespmem:s17], [sflag:$0x6], $0x80, $0x38;
	[tilespmem:$0x16C00] =	vst v63  }
0x22b: {  	s29 =	sadd.s32 $0x10710, s7;
	s8 =	sadd.s32 $0x20, s11  }
0x22c: {  	[hbm4b:s8+s3] =	stream.linear.scatter [tilespmem:s29], [sflag:$0x6], $0x80, $0x38;
	[tilespmem:$0x16C00] =	vst v63  }
0x22d: {  	s14 =	sadd.s32 $0x10798, s7;
	s15 =	sadd.s32 $0x30, s11  }
0x22e: {  	[hbm4b:s15+s3] =	stream.linear.scatter [tilespmem:s14], [sflag:$0x6], $0x80, $0x38;
	[tilespmem:$0x16C00] =	vst v63  }
0x22f: {  	s17 =	sadd.s32 $0x10820, s7;
	s25 =	sadd.s32 $0x40, s11  }
0x230: {  	[hbm4b:s25+s3] =	stream.linear.scatter [tilespmem:s17], [sflag:$0x6], $0x80, $0x38;
	[tilespmem:$0x16C00] =	vst v63  }
0x231: {  	s29 =	sadd.s32 $0x108A8, s7;
	s8 =	sadd.s32 $0x50, s11  }
0x232: {  	[hbm4b:s8+s3] =	stream.linear.scatter [tilespmem:s29], [sflag:$0x6], $0x80, $0x38;
	[tilespmem:$0x16C00] =	vst v63  }
0x233: {  	s14 =	sadd.s32 $0x10930, s7;
	s15 =	sadd.s32 $0x60, s11  }
0x234: {  	[hbm4b:s15+s3] =	stream.linear.scatter [tilespmem:s14], [sflag:$0x6], $0x80, $0x38;
	[tilespmem:$0x16C00] =	vst v63  }
0x235: {  	s17 =	sadd.s32 $0x109B8, s7;
	s25 =	sadd.s32 $0x70, s11;
	s29 =	simm.s32 $0x0  }
0x236: {  	[hbm4b:s25+s3] =	stream.linear.scatter [tilespmem:s17], [sflag:$0x6], $0x80, $0x38;
	[tilespmem:$0x16C00] =	vst v63  }
0x237: {  	s8 =	simm.s32 $0x280;
	v33 =	vmov s29  }
0x238: {  	v33 =	vshrl.u32 v33, $0x3;
	[tilespmem:s9], [sflag:$0x2] =	stream.indirect.gather [hbm4b:s4+s13], $0x40, s8, s13, $0xb8;
	[tilespmem:$0x16C00] =	vst v63  }
0x239: {  	v33 =	vshll.u32 v33, v1;
	_ =	swait.ge [sflag:s26], $0x2000  }
0x23a: {  	v33 =	vbroadcast v33, $0x0;
	[sflag:s26] =	ssyncset.done $0x0  }
0x23b: {  	s14 =	simm.s32 $0xA500;
	[sflag:s26] =	ssyncadd.s32 $0xFFFFE000  }
0x23c: {  	v35 =	vadd.s32 v0, v33;
	v34 =	vld [tilespmem:s14+$0xFFFFFF00]  }
0x23d: {  	v37 =	vadd.s32 v2, v33;
	v36 =	vld [tilespmem:s14+$0xFFFFFF10]  }
0x23e: {  	v39 =	vadd.s32 v3, v33;
	v38 =	vld [tilespmem:s14+$0xFFFFFF20]  }
0x23f: {  	v33 =	vadd.s32 v4, v33;
	s9 =	simm.s32 $0x1;
	v40 =	vld [tilespmem:s14+$0xFFFFFF30]  }
0x240: {  	v41 =	vmov s9  }
0x241: {  	v47 =	vshrl.u32 v41, $0x3;
	[tilespmem:v35+s28+$0x0] =	vst.idx.msk $0xffff, v34  }
0x242: {  	v34 =	vshll.u32 v47, v1;
	[tilespmem:v37+s28+$0x0] =	vst.idx.msk $0xffff, v36  }
0x243: {  	v34 =	vbroadcast v34, $0x0;
	[tilespmem:v39+s28+$0x0] =	vst.idx.msk $0xffff, v38  }
0x244: {  	[tilespmem:v33+s28+$0x0] =	vst.idx.msk $0xffff, v40  }
0x245: {  	v48 =	vadd.s32 v5, v34;
	v33 =	vld [tilespmem:s14+$0xFFFFFF40]  }
0x246: {  	v49 =	vadd.s32 v6, v34;
	v36 =	vld [tilespmem:s14+$0xFFFFFF50]  }
0x247: {  	v50 =	vadd.s32 v7, v34;
	v38 =	vld [tilespmem:s14+$0xFFFFFF60]  }
0x248: {  	s11 =	simm.s32 $0x2;
	v34 =	vadd.s32 v8, v34;
	v40 =	vld [tilespmem:s14+$0xFFFFFF70]  }
0x249: {  	v51 =	vmov s11  }
0x24a: {  	v52 =	vshrl.u32 v51, $0x3;
	[tilespmem:v48+s28+$0x0] =	vst.idx.msk $0xffff, v33  }
0x24b: {  	v33 =	vshll.u32 v52, v1;
	[tilespmem:v49+s28+$0x0] =	vst.idx.msk $0xffff, v36  }
0x24c: {  	v33 =	vbroadcast v33, $0x0;
	[tilespmem:v50+s28+$0x0] =	vst.idx.msk $0xffff, v38  }
0x24d: {  	[tilespmem:v34+s28+$0x0] =	vst.idx.msk $0xffff, v40  }
0x24e: {  	v53 =	vadd.s32 v9, v33;
	v34 =	vld [tilespmem:s14+$0xFFFFFF80]  }
0x24f: {  	v54 =	vadd.s32 v10, v33;
	v36 =	vld [tilespmem:s14+$0xFFFFFF90]  }
0x250: {  	v55 =	vadd.s32 v11, v33;
	v38 =	vld [tilespmem:s14+$0xFFFFFFA0]  }
0x251: {  	s12 =	simm.s32 $0x3;
	v33 =	vadd.s32 v12, v33;
	v40 =	vld [tilespmem:s14+$0xFFFFFFB0]  }
0x252: {  	v56 =	vmov s12  }
0x253: {  	v57 =	vshrl.u32 v56, $0x3;
	[tilespmem:v53+s28+$0x0] =	vst.idx.msk $0xffff, v34  }
0x254: {  	v34 =	vshll.u32 v57, v1;
	[tilespmem:v54+s28+$0x0] =	vst.idx.msk $0xffff, v36  }
0x255: {  	v34 =	vbroadcast v34, $0x0;
	[tilespmem:v55+s28+$0x0] =	vst.idx.msk $0xffff, v38  }
0x256: {  	[tilespmem:v33+s28+$0x0] =	vst.idx.msk $0xffff, v40  }
0x257: {  	v58 =	vadd.s32 v13, v34;
	v33 =	vld [tilespmem:s14+$0xFFFFFFC0]  }
0x258: {  	v59 =	vadd.s32 v14, v34;
	v36 =	vld [tilespmem:s14+$0xFFFFFFD0]  }
0x259: {  	v60 =	vadd.s32 v15, v34;
	v38 =	vld [tilespmem:s14+$0xFFFFFFE0]  }
0x25a: {  	s15 =	simm.s32 $0x4;
	v34 =	vadd.s32 v16, v34;
	v40 =	vld [tilespmem:s14+$0xFFFFFFF0]  }
0x25b: {  	v61 =	vmov s15  }
0x25c: {  	v62 =	vshrl.u32 v61, $0x3;
	[tilespmem:v58+s28+$0x0] =	vst.idx.msk $0xffff, v33  }
0x25d: {  	v33 =	vshll.u32 v62, v1;
	[tilespmem:v59+s28+$0x0] =	vst.idx.msk $0xffff, v36  }
0x25e: {  	v33 =	vbroadcast v33, $0x0;
	[tilespmem:v60+s28+$0x0] =	vst.idx.msk $0xffff, v38  }
0x25f: {  	[tilespmem:v34+s28+$0x0] =	vst.idx.msk $0xffff, v40  }
0x260: {  	v63 =	vadd.s32 v17, v33;
	v34 =	vld [tilespmem:s14+$0x0]  }
0x261: {  	v44 =	vadd.s32 v18, v33;
	v36 =	vld [tilespmem:s14+$0x10]  }
0x262: {  	v45 =	vadd.s32 v19, v33;
	v38 =	vld [tilespmem:s14+$0x20]  }
0x263: {  	s17 =	simm.s32 $0x5;
	v33 =	vadd.s32 v20, v33;
	v40 =	vld [tilespmem:s14+$0x30]  }
0x264: {  	v46 =	vmov s17  }
0x265: {  	v47 =	vshrl.u32 v46, $0x3;
	[tilespmem:v63+s28+$0x0] =	vst.idx.msk $0xffff, v34  }
0x266: {  	v34 =	vshll.u32 v47, v1;
	[tilespmem:v44+s28+$0x0] =	vst.idx.msk $0xffff, v36  }
0x267: {  	v34 =	vbroadcast v34, $0x0;
	[tilespmem:v45+s28+$0x0] =	vst.idx.msk $0xffff, v38  }
0x268: {  	[tilespmem:v33+s28+$0x0] =	vst.idx.msk $0xffff, v40  }
0x269: {  	v48 =	vadd.s32 v21, v34;
	v33 =	vld [tilespmem:s14+$0x40]  }
0x26a: {  	v49 =	vadd.s32 v22, v34;
	v36 =	vld [tilespmem:s14+$0x50]  }
0x26b: {  	v50 =	vadd.s32 v23, v34;
	v38 =	vld [tilespmem:s14+$0x60]  }
0x26c: {  	s25 =	simm.s32 $0x6;
	v34 =	vadd.s32 v24, v34;
	v40 =	vld [tilespmem:s14+$0x70]  }
0x26d: {  	v51 =	vmov s25  }
0x26e: {  	v52 =	vshrl.u32 v51, $0x3;
	[tilespmem:v48+s28+$0x0] =	vst.idx.msk $0xffff, v33  }
0x26f: {  	v33 =	vshll.u32 v52, v1;
	[tilespmem:v49+s28+$0x0] =	vst.idx.msk $0xffff, v36  }
0x270: {  	v33 =	vbroadcast v33, $0x0;
	[tilespmem:v50+s28+$0x0] =	vst.idx.msk $0xffff, v38  }
0x271: {  	[tilespmem:v34+s28+$0x0] =	vst.idx.msk $0xffff, v40  }
0x272: {  	v53 =	vadd.s32 v25, v33;
	v34 =	vld [tilespmem:s14+$0x80]  }
0x273: {  	v54 =	vadd.s32 v26, v33;
	v36 =	vld [tilespmem:s14+$0x90]  }
0x274: {  	v55 =	vadd.s32 v27, v33;
	v38 =	vld [tilespmem:s14+$0xA0]  }
0x275: {  	s29 =	simm.s32 $0x7;
	v33 =	vadd.s32 v28, v33;
	v40 =	vld [tilespmem:s14+$0xB0]  }
0x276: {  	v56 =	vmov s29  }
0x277: {  	v57 =	vshrl.u32 v56, $0x3;
	[tilespmem:v53+s28+$0x0] =	vst.idx.msk $0xffff, v34  }
0x278: {  	v34 =	vshll.u32 v57, v1;
	[tilespmem:v54+s28+$0x0] =	vst.idx.msk $0xffff, v36  }
0x279: {  	v58 =	vbroadcast v34, $0x0;
	[tilespmem:v55+s28+$0x0] =	vst.idx.msk $0xffff, v38  }
0x27a: {  	[tilespmem:v33+s28+$0x0] =	vst.idx.msk $0xffff, v40  }
0x27b: {  	v59 =	vadd.s32 v29, v58;
	v33 =	vld [tilespmem:s14+$0xC0]  }
0x27c: {  	v60 =	vadd.s32 v30, v58;
	v37 =	vld [tilespmem:s14+$0xD0]  }
0x27d: {  	v61 =	vadd.s32 v31, v58;
	v39 =	vld [tilespmem:s14+$0xE0]  }
0x27e: {  	s7 =	simm.s32 $0x8  }
0x27f: {  	v62 =	vmov s7;
	v35 =	vadd.s32 v32, v58;
	v34 =	vld [tilespmem:s14+$0xF0]  }
0x280: {  	v41 =	vshrl.u32 v62, $0x3;
	[tilespmem:v59+s28+$0x0] =	vst.idx.msk $0xffff, v33  }
0x281: {  	v63 =	vshll.u32 v41, v1;
	[tilespmem:v60+s28+$0x0] =	vst.idx.msk $0xffff, v37  }
0x282: {  	s11 =	simm.s32 $0x10;
	v33 =	vbroadcast v63, $0x0;
	[tilespmem:v61+s28+$0x0] =	vst.idx.msk $0xffff, v39  }
.LBB2_10:
0x283: {  	p0 =	slt.u32 s11, $0x78  }
0x284: {  	[tilespmem:v35+s28+$0x0] =	vst.idx.msk $0xffff, v34;
	s14 =	sadd.s32 $0x200, s14;
	s12 =	smov.u32 s11;
	s11 =	sadd.s32 $0x8, s11  }
0x285: {  	v34 =	vld [tilespmem:s14+$0xFFFFFF00];
	v35 =	vadd.s32 v0, v33  }
0x286: {  	v37 =	vadd.s32 v2, v33;
	v36 =	vld [tilespmem:s14+$0xFFFFFF10]  }
0x287: {  	v39 =	vadd.s32 v3, v33;
	v38 =	vld [tilespmem:s14+$0xFFFFFF20]  }
0x288: {  	s15 =	sadd.s32 $0x1, s7;
	v33 =	vadd.s32 v4, v33;
	v40 =	vld [tilespmem:s14+$0xFFFFFF30]  }
0x289: {  	v41 =	vmov s15  }
0x28a: {  	[tilespmem:v35+s28+$0x0] =	vst.idx.msk $0xffff, v34;
	v34 =	vshrl.u32 v41, $0x3  }
0x28b: {  	[tilespmem:v37+s28+$0x0] =	vst.idx.msk $0xffff, v36;
	v34 =	vshll.u32 v34, v1  }
0x28c: {  	[tilespmem:v39+s28+$0x0] =	vst.idx.msk $0xffff, v38;
	v34 =	vbroadcast v34, $0x0  }
0x28d: {  	[tilespmem:v33+s28+$0x0] =	vst.idx.msk $0xffff, v40  }
0x28e: {  	v33 =	vld [tilespmem:s14+$0xFFFFFF40];
	v35 =	vadd.s32 v5, v34  }
0x28f: {  	v37 =	vadd.s32 v6, v34;
	v36 =	vld [tilespmem:s14+$0xFFFFFF50]  }
0x290: {  	v39 =	vadd.s32 v7, v34;
	v38 =	vld [tilespmem:s14+$0xFFFFFF60]  }
0x291: {  	s15 =	sadd.s32 $0x2, s7;
	v34 =	vadd.s32 v8, v34;
	v40 =	vld [tilespmem:s14+$0xFFFFFF70]  }
0x292: {  	v41 =	vmov s15  }
0x293: {  	[tilespmem:v35+s28+$0x0] =	vst.idx.msk $0xffff, v33;
	v33 =	vshrl.u32 v41, $0x3  }
0x294: {  	[tilespmem:v37+s28+$0x0] =	vst.idx.msk $0xffff, v36;
	v33 =	vshll.u32 v33, v1  }
0x295: {  	[tilespmem:v39+s28+$0x0] =	vst.idx.msk $0xffff, v38;
	v33 =	vbroadcast v33, $0x0  }
0x296: {  	[tilespmem:v34+s28+$0x0] =	vst.idx.msk $0xffff, v40  }
0x297: {  	v34 =	vld [tilespmem:s14+$0xFFFFFF80];
	v35 =	vadd.s32 v9, v33  }
0x298: {  	v37 =	vadd.s32 v10, v33;
	v36 =	vld [tilespmem:s14+$0xFFFFFF90]  }
0x299: {  	v39 =	vadd.s32 v11, v33;
	v38 =	vld [tilespmem:s14+$0xFFFFFFA0]  }
0x29a: {  	s15 =	sadd.s32 $0x3, s7;
	v33 =	vadd.s32 v12, v33;
	v40 =	vld [tilespmem:s14+$0xFFFFFFB0]  }
0x29b: {  	v41 =	vmov s15  }
0x29c: {  	[tilespmem:v35+s28+$0x0] =	vst.idx.msk $0xffff, v34;
	v34 =	vshrl.u32 v41, $0x3  }
0x29d: {  	[tilespmem:v37+s28+$0x0] =	vst.idx.msk $0xffff, v36;
	v34 =	vshll.u32 v34, v1  }
0x29e: {  	[tilespmem:v39+s28+$0x0] =	vst.idx.msk $0xffff, v38;
	v34 =	vbroadcast v34, $0x0  }
0x29f: {  	[tilespmem:v33+s28+$0x0] =	vst.idx.msk $0xffff, v40  }
0x2a0: {  	v33 =	vld [tilespmem:s14+$0xFFFFFFC0];
	v35 =	vadd.s32 v13, v34  }
0x2a1: {  	v37 =	vadd.s32 v14, v34;
	v36 =	vld [tilespmem:s14+$0xFFFFFFD0]  }
0x2a2: {  	v39 =	vadd.s32 v15, v34;
	v38 =	vld [tilespmem:s14+$0xFFFFFFE0]  }
0x2a3: {  	s15 =	sadd.s32 $0x4, s7;
	v34 =	vadd.s32 v16, v34;
	v40 =	vld [tilespmem:s14+$0xFFFFFFF0]  }
0x2a4: {  	v41 =	vmov s15  }
0x2a5: {  	[tilespmem:v35+s28+$0x0] =	vst.idx.msk $0xffff, v33;
	v33 =	vshrl.u32 v41, $0x3  }
0x2a6: {  	[tilespmem:v37+s28+$0x0] =	vst.idx.msk $0xffff, v36;
	v33 =	vshll.u32 v33, v1  }
0x2a7: {  	[tilespmem:v39+s28+$0x0] =	vst.idx.msk $0xffff, v38;
	v33 =	vbroadcast v33, $0x0  }
0x2a8: {  	[tilespmem:v34+s28+$0x0] =	vst.idx.msk $0xffff, v40  }
0x2a9: {  	v34 =	vld [tilespmem:s14+$0x0];
	v35 =	vadd.s32 v17, v33  }
0x2aa: {  	v37 =	vadd.s32 v18, v33;
	v36 =	vld [tilespmem:s14+$0x10]  }
0x2ab: {  	v39 =	vadd.s32 v19, v33;
	v38 =	vld [tilespmem:s14+$0x20]  }
0x2ac: {  	s15 =	sadd.s32 $0x5, s7;
	v33 =	vadd.s32 v20, v33;
	v40 =	vld [tilespmem:s14+$0x30]  }
0x2ad: {  	v41 =	vmov s15  }
0x2ae: {  	[tilespmem:v35+s28+$0x0] =	vst.idx.msk $0xffff, v34;
	v34 =	vshrl.u32 v41, $0x3  }
0x2af: {  	[tilespmem:v37+s28+$0x0] =	vst.idx.msk $0xffff, v36;
	v34 =	vshll.u32 v34, v1  }
0x2b0: {  	[tilespmem:v39+s28+$0x0] =	vst.idx.msk $0xffff, v38;
	v34 =	vbroadcast v34, $0x0  }
0x2b1: {  	[tilespmem:v33+s28+$0x0] =	vst.idx.msk $0xffff, v40  }
0x2b2: {  	v33 =	vld [tilespmem:s14+$0x40];
	v35 =	vadd.s32 v21, v34  }
0x2b3: {  	v37 =	vadd.s32 v22, v34;
	v36 =	vld [tilespmem:s14+$0x50]  }
0x2b4: {  	v39 =	vadd.s32 v23, v34;
	v38 =	vld [tilespmem:s14+$0x60]  }
0x2b5: {  	s15 =	sadd.s32 $0x6, s7;
	v34 =	vadd.s32 v24, v34;
	v40 =	vld [tilespmem:s14+$0x70]  }
0x2b6: {  	v41 =	vmov s15  }
0x2b7: {  	[tilespmem:v35+s28+$0x0] =	vst.idx.msk $0xffff, v33;
	v33 =	vshrl.u32 v41, $0x3  }
0x2b8: {  	[tilespmem:v37+s28+$0x0] =	vst.idx.msk $0xffff, v36;
	v33 =	vshll.u32 v33, v1  }
0x2b9: {  	[tilespmem:v39+s28+$0x0] =	vst.idx.msk $0xffff, v38;
	v33 =	vbroadcast v33, $0x0  }
0x2ba: {  	[tilespmem:v34+s28+$0x0] =	vst.idx.msk $0xffff, v40  }
0x2bb: {  	v34 =	vld [tilespmem:s14+$0x80];
	v35 =	vadd.s32 v25, v33  }
0x2bc: {  	v37 =	vadd.s32 v26, v33;
	v36 =	vld [tilespmem:s14+$0x90]  }
0x2bd: {  	v39 =	vadd.s32 v27, v33;
	v38 =	vld [tilespmem:s14+$0xA0]  }
0x2be: {  	s15 =	sadd.s32 $0x7, s7;
	s7 =	smov.u32 s12;
	v33 =	vadd.s32 v28, v33;
	v40 =	vld [tilespmem:s14+$0xB0]  }
0x2bf: {  	v41 =	vmov s15  }
0x2c0: {  	[tilespmem:v35+s28+$0x0] =	vst.idx.msk $0xffff, v34;
	v34 =	vshrl.u32 v41, $0x3  }
0x2c1: {  	[tilespmem:v37+s28+$0x0] =	vst.idx.msk $0xffff, v36;
	v34 =	vshll.u32 v34, v1  }
0x2c2: {  	[tilespmem:v39+s28+$0x0] =	vst.idx.msk $0xffff, v38;
	v35 =	vbroadcast v34, $0x0  }
0x2c3: {  	[tilespmem:v33+s28+$0x0] =	vst.idx.msk $0xffff, v40  }
0x2c4: {  	v33 =	vld [tilespmem:s14+$0xC0];
	v36 =	vadd.s32 v29, v35  }
0x2c5: {  	v38 =	vadd.s32 v30, v35;
	v37 =	vld [tilespmem:s14+$0xD0]  }
0x2c6: {  	v40 =	vadd.s32 v31, v35;
	v39 =	vld [tilespmem:s14+$0xE0]  }
.Ltmp4:
0x2c7: {  	v35 =	vadd.s32 v32, v35;
	v34 =	vld [tilespmem:s14+$0xF0];
	(pc) =	sbr.rel @p0 .LBB2_10-.Ltmp4, $4  }
0x2c8: {  	v41 =	vmov s7  }
0x2c9: {  	v41 =	vshrl.u32 v41, $0x3;
	[tilespmem:v36+s28+$0x0] =	vst.idx.msk $0xffff, v33  }
0x2ca: {  	v33 =	vshll.u32 v41, v1;
	[tilespmem:v38+s28+$0x0] =	vst.idx.msk $0xffff, v37  }
0x2cb: {  	v33 =	vbroadcast v33, $0x0;
	[tilespmem:v40+s28+$0x0] =	vst.idx.msk $0xffff, v39  }
0x2cc: {  	_ =	sdelay $0x3  }
0x2cd: {  	[tilespmem:v35+s28+$0x0] =	vst.idx.msk $0xffff, v34;
	s11 =	sadd.s32 $0x200, s14  }
0x2ce: {  	v34 =	vld [tilespmem:s11+$0xFFFFFF00];
	v48 =	vadd.s32 v0, v33  }
0x2cf: {  	v36 =	vld [tilespmem:s11+$0xFFFFFF10];
	v37 =	vadd.s32 v2, v33  }
0x2d0: {  	v38 =	vld [tilespmem:s11+$0xFFFFFF20];
	v39 =	vadd.s32 v3, v33  }
0x2d1: {  	s12 =	sadd.s32 $0x1, s7;
	v40 =	vld [tilespmem:s11+$0xFFFFFF30];
	v49 =	vadd.s32 v4, v33  }
0x2d2: {  	v41 =	vmov s12  }
0x2d3: {  	v50 =	vshrl.u32 v41, $0x3;
	[tilespmem:v48+s28+$0x0] =	vst.idx.msk $0xffff, v34  }
0x2d4: {  	v34 =	vshll.u32 v50, v1;
	[tilespmem:v37+s28+$0x0] =	vst.idx.msk $0xffff, v36  }
0x2d5: {  	v34 =	vbroadcast v34, $0x0;
	[tilespmem:v39+s28+$0x0] =	vst.idx.msk $0xffff, v38  }
0x2d6: {  	[tilespmem:v49+s28+$0x0] =	vst.idx.msk $0xffff, v40  }
0x2d7: {  	v51 =	vadd.s32 v5, v34;
	v33 =	vld [tilespmem:s11+$0xFFFFFF40]  }
0x2d8: {  	v52 =	vadd.s32 v6, v34;
	v36 =	vld [tilespmem:s11+$0xFFFFFF50]  }
0x2d9: {  	v53 =	vadd.s32 v7, v34;
	v38 =	vld [tilespmem:s11+$0xFFFFFF60]  }
0x2da: {  	s15 =	sadd.s32 $0x2, s7;
	v34 =	vadd.s32 v8, v34;
	v40 =	vld [tilespmem:s11+$0xFFFFFF70]  }
0x2db: {  	v54 =	vmov s15  }
0x2dc: {  	v55 =	vshrl.u32 v54, $0x3;
	[tilespmem:v51+s28+$0x0] =	vst.idx.msk $0xffff, v33  }
0x2dd: {  	v33 =	vshll.u32 v55, v1;
	[tilespmem:v52+s28+$0x0] =	vst.idx.msk $0xffff, v36  }
0x2de: {  	v33 =	vbroadcast v33, $0x0;
	[tilespmem:v53+s28+$0x0] =	vst.idx.msk $0xffff, v38  }
0x2df: {  	[tilespmem:v34+s28+$0x0] =	vst.idx.msk $0xffff, v40  }
0x2e0: {  	v56 =	vadd.s32 v9, v33;
	v34 =	vld [tilespmem:s11+$0xFFFFFF80]  }
0x2e1: {  	v57 =	vadd.s32 v10, v33;
	v36 =	vld [tilespmem:s11+$0xFFFFFF90]  }
0x2e2: {  	v58 =	vadd.s32 v11, v33;
	v38 =	vld [tilespmem:s11+$0xFFFFFFA0]  }
0x2e3: {  	s17 =	sadd.s32 $0x3, s7;
	v33 =	vadd.s32 v12, v33;
	v40 =	vld [tilespmem:s11+$0xFFFFFFB0]  }
0x2e4: {  	v59 =	vmov s17  }
0x2e5: {  	v60 =	vshrl.u32 v59, $0x3;
	[tilespmem:v56+s28+$0x0] =	vst.idx.msk $0xffff, v34  }
0x2e6: {  	v34 =	vshll.u32 v60, v1;
	[tilespmem:v57+s28+$0x0] =	vst.idx.msk $0xffff, v36  }
0x2e7: {  	v34 =	vbroadcast v34, $0x0;
	[tilespmem:v58+s28+$0x0] =	vst.idx.msk $0xffff, v38  }
0x2e8: {  	[tilespmem:v33+s28+$0x0] =	vst.idx.msk $0xffff, v40  }
0x2e9: {  	v61 =	vadd.s32 v13, v34;
	v33 =	vld [tilespmem:s11+$0xFFFFFFC0]  }
0x2ea: {  	v62 =	vadd.s32 v14, v34;
	v36 =	vld [tilespmem:s11+$0xFFFFFFD0]  }
0x2eb: {  	v63 =	vadd.s32 v15, v34;
	v38 =	vld [tilespmem:s11+$0xFFFFFFE0]  }
0x2ec: {  	s25 =	sadd.s32 $0x4, s7;
	v34 =	vadd.s32 v16, v34;
	v40 =	vld [tilespmem:s11+$0xFFFFFFF0]  }
0x2ed: {  	v44 =	vmov s25  }
0x2ee: {  	v45 =	vshrl.u32 v44, $0x3;
	[tilespmem:v61+s28+$0x0] =	vst.idx.msk $0xffff, v33  }
0x2ef: {  	v33 =	vshll.u32 v45, v1;
	[tilespmem:v62+s28+$0x0] =	vst.idx.msk $0xffff, v36  }
0x2f0: {  	v33 =	vbroadcast v33, $0x0;
	[tilespmem:v63+s28+$0x0] =	vst.idx.msk $0xffff, v38  }
0x2f1: {  	[tilespmem:v34+s28+$0x0] =	vst.idx.msk $0xffff, v40  }
0x2f2: {  	v46 =	vadd.s32 v17, v33;
	v34 =	vld [tilespmem:s11+$0x0]  }
0x2f3: {  	v47 =	vadd.s32 v18, v33;
	v36 =	vld [tilespmem:s11+$0x10]  }
0x2f4: {  	v48 =	vadd.s32 v19, v33;
	v38 =	vld [tilespmem:s11+$0x20]  }
0x2f5: {  	s29 =	sadd.s32 $0x5, s7;
	v33 =	vadd.s32 v20, v33;
	v40 =	vld [tilespmem:s11+$0x30]  }
0x2f6: {  	v49 =	vmov s29  }
0x2f7: {  	v50 =	vshrl.u32 v49, $0x3;
	[tilespmem:v46+s28+$0x0] =	vst.idx.msk $0xffff, v34  }
0x2f8: {  	v34 =	vshll.u32 v50, v1;
	[tilespmem:v47+s28+$0x0] =	vst.idx.msk $0xffff, v36  }
0x2f9: {  	v34 =	vbroadcast v34, $0x0;
	[tilespmem:v48+s28+$0x0] =	vst.idx.msk $0xffff, v38  }
0x2fa: {  	[tilespmem:v33+s28+$0x0] =	vst.idx.msk $0xffff, v40  }
0x2fb: {  	v51 =	vadd.s32 v21, v34;
	v33 =	vld [tilespmem:s11+$0x40]  }
0x2fc: {  	v52 =	vadd.s32 v22, v34;
	v36 =	vld [tilespmem:s11+$0x50]  }
0x2fd: {  	v53 =	vadd.s32 v23, v34;
	v38 =	vld [tilespmem:s11+$0x60]  }
0x2fe: {  	s8 =	sadd.s32 $0x6, s7;
	v34 =	vadd.s32 v24, v34;
	v40 =	vld [tilespmem:s11+$0x70]  }
0x2ff: {  	v54 =	vmov s8  }
0x300: {  	v55 =	vshrl.u32 v54, $0x3;
	[tilespmem:v51+s28+$0x0] =	vst.idx.msk $0xffff, v33  }
0x301: {  	v33 =	vshll.u32 v55, v1;
	[tilespmem:v52+s28+$0x0] =	vst.idx.msk $0xffff, v36  }
0x302: {  	v33 =	vbroadcast v33, $0x0;
	[tilespmem:v53+s28+$0x0] =	vst.idx.msk $0xffff, v38  }
0x303: {  	[tilespmem:v34+s28+$0x0] =	vst.idx.msk $0xffff, v40  }
0x304: {  	v56 =	vadd.s32 v25, v33;
	v34 =	vld [tilespmem:s11+$0x80]  }
0x305: {  	v57 =	vadd.s32 v26, v33;
	v36 =	vld [tilespmem:s11+$0x90]  }
0x306: {  	v58 =	vadd.s32 v27, v33;
	v38 =	vld [tilespmem:s11+$0xA0]  }
0x307: {  	s9 =	sadd.s32 $0x7, s7;
	v33 =	vadd.s32 v28, v33;
	v40 =	vld [tilespmem:s11+$0xB0]  }
0x308: {  	v59 =	vmov s9  }
0x309: {  	v60 =	vshrl.u32 v59, $0x3;
	[tilespmem:v56+s28+$0x0] =	vst.idx.msk $0xffff, v34  }
0x30a: {  	v34 =	vshll.u32 v60, v1;
	[tilespmem:v57+s28+$0x0] =	vst.idx.msk $0xffff, v36  }
0x30b: {  	v34 =	vbroadcast v34, $0x0;
	[tilespmem:v58+s28+$0x0] =	vst.idx.msk $0xffff, v38  }
0x30c: {  	[tilespmem:v33+s28+$0x0] =	vst.idx.msk $0xffff, v40  }
0x30d: {  	v61 =	vadd.s32 v29, v34;
	v33 =	vld [tilespmem:s11+$0xC0]  }
0x30e: {  	v62 =	vadd.s32 v30, v34;
	v36 =	vld [tilespmem:s11+$0xD0]  }
0x30f: {  	v63 =	vadd.s32 v31, v34;
	v38 =	vld [tilespmem:s11+$0xE0]  }
0x310: {  	v34 =	vadd.s32 v32, v34;
	v40 =	vld [tilespmem:s11+$0xF0];
	_ =	sdelay $0x1  }
0x311: {  	[tilespmem:v61+s28+$0x0] =	vst.idx.msk $0xffff, v33  }
0x312: {  	[tilespmem:v62+s28+$0x0] =	vst.idx.msk $0xffff, v36  }
0x313: {  	[tilespmem:v63+s28+$0x0] =	vst.idx.msk $0xffff, v38  }
0x314: {  	s12 =	simm.s32 $0x12800;
	s8 =	rddreg [dreg:$0x5];
	[tilespmem:v34+s28+$0x0] =	vst.idx.msk $0xffff, v40  }
0x315: {  	[hbm4b:s8+s3] =	stream.linear.scatter [tilespmem:s12], [sflag:$0x7], $0x80, $0x38;
	[tilespmem:$0x16C00] =	vst v63  }
0x316: {  	s14 =	simm.s32 $0x12888;
	s15 =	sadd.s32 $0x10, s8  }
0x317: {  	[hbm4b:s15+s3] =	stream.linear.scatter [tilespmem:s14], [sflag:$0x7], $0x80, $0x38;
	[tilespmem:$0x16C00] =	vst v63  }
0x318: {  	s7 =	simm.s32 $0x440;
	s17 =	simm.s32 $0x12910;
	s25 =	sadd.s32 $0x20, s8  }
0x319: {  	[hbm4b:s25+s3] =	stream.linear.scatter [tilespmem:s17], [sflag:$0x7], $0x80, $0x38;
	[tilespmem:$0x16C00] =	vst v63  }
0x31a: {  	s9 =	sadd.s32 $0x30, s8;
	s29 =	simm.s32 $0x12998;
	s11 =	sadd.s32 $0x1000, s8  }
0x31b: {  	[hbm4b:s9+s3] =	stream.linear.scatter [tilespmem:s29], [sflag:$0x7], $0x80, $0x38;
	[tilespmem:$0x16C00] =	vst v63  }
0x31c: {  	s12 =	simm.s32 $0x12A20;
	s14 =	sadd.s32 $0x40, s8;
	s15 =	simm.s32 $0x12AA8  }
0x31d: {  	[hbm4b:s14+s3] =	stream.linear.scatter [tilespmem:s12], [sflag:$0x7], $0x80, $0x38;
	[tilespmem:$0x16C00] =	vst v63  }
0x31e: {  	s17 =	sadd.s32 $0x50, s8;
	s25 =	simm.s32 $0x12B30;
	s29 =	sadd.s32 $0x60, s8  }
0x31f: {  	[hbm4b:s17+s3] =	stream.linear.scatter [tilespmem:s15], [sflag:$0x7], $0x80, $0x38;
	[tilespmem:$0x16C00] =	vst v63  }
0x320: {  	s12 =	simm.s32 $0x2200;
	s14 =	simm.s32 $0x12BB8;
	s15 =	sadd.s32 $0x70, s8  }
0x321: {  	[hbm4b:s29+s3] =	stream.linear.scatter [tilespmem:s25], [sflag:$0x7], $0x80, $0x38;
	[tilespmem:$0x16C00] =	vst v63  }
.LBB2_12:
0x322: {  	[hbm4b:s15+s3] =	stream.linear.scatter [tilespmem:s14], [sflag:$0x7], $0x80, $0x38;
	[tilespmem:$0x16C00] =	vst v63  }
0x323: {  	s14 =	smov.u32 s7;
	s7 =	smov.u32 s12  }
0x324: {  	s17 =	sadd.s32 $0x1100, s12;
	s7 =	sshra.s32 s7, $0x2;
	s15 =	sadd.s32 $0x12800, s14  }
0x325: {  	[hbm4b:s11+s3] =	stream.linear.scatter [tilespmem:s15], [sflag:$0x7], $0x80, $0x38;
	[tilespmem:$0x16C00] =	vst v63  }
0x326: {  	p0 =	sne.s32 s12, $0x7700;
	s12 =	sadd.s32 $0x12888, s14;
	s15 =	sadd.s32 $0x10, s11  }
0x327: {  	[hbm4b:s15+s3] =	stream.linear.scatter [tilespmem:s12], [sflag:$0x7], $0x80, $0x38;
	[tilespmem:$0x16C00] =	vst v63  }
0x328: {  	s12 =	sadd.s32 $0x12910, s14;
	s15 =	sadd.s32 $0x20, s11  }
0x329: {  	[hbm4b:s15+s3] =	stream.linear.scatter [tilespmem:s12], [sflag:$0x7], $0x80, $0x38;
	[tilespmem:$0x16C00] =	vst v63  }
0x32a: {  	s12 =	sadd.s32 $0x12998, s14;
	s15 =	sadd.s32 $0x30, s11  }
0x32b: {  	[hbm4b:s15+s3] =	stream.linear.scatter [tilespmem:s12], [sflag:$0x7], $0x80, $0x38;
	[tilespmem:$0x16C00] =	vst v63  }
0x32c: {  	s12 =	sadd.s32 $0x12A20, s14;
	s15 =	sadd.s32 $0x40, s11  }
0x32d: {  	[hbm4b:s15+s3] =	stream.linear.scatter [tilespmem:s12], [sflag:$0x7], $0x80, $0x38;
	[tilespmem:$0x16C00] =	vst v63  }
.Ltmp5:
0x32e: {  	s12 =	sadd.s32 $0x12AA8, s14;
	s15 =	sadd.s32 $0x50, s11;
	(pc) =	sbr.rel @p0 .LBB2_12-.Ltmp5, $4  }
0x32f: {  	[hbm4b:s15+s3] =	stream.linear.scatter [tilespmem:s12], [sflag:$0x7], $0x80, $0x38;
	[tilespmem:$0x16C00] =	vst v63  }
0x330: {  	s12 =	sadd.s32 $0x12B30, s14;
	s15 =	sadd.s32 $0x60, s11;
	s14 =	sadd.s32 $0x12BB8, s14  }
0x331: {  	[hbm4b:s15+s3] =	stream.linear.scatter [tilespmem:s12], [sflag:$0x7], $0x80, $0x38;
	[tilespmem:$0x16C00] =	vst v63  }
0x332: {  	s15 =	sadd.s32 $0x70, s11;
	s11 =	sadd.s32 $0x1000, s11;
	s12 =	smov.u32 s17  }
0x333: {  	[hbm4b:s15+s3] =	stream.linear.scatter [tilespmem:s14], [sflag:$0x7], $0x80, $0x38;
	[tilespmem:$0x16C00] =	vst v63  }
0x334: {  	s12 =	sadd.s32 $0x12800, s7  }
0x335: {  	[hbm4b:s11+s3] =	stream.linear.scatter [tilespmem:s12], [sflag:$0x7], $0x80, $0x38;
	[tilespmem:$0x16C00] =	vst v63  }
0x336: {  	s25 =	sadd.s32 $0x12888, s7;
	s29 =	sadd.s32 $0x10, s11  }
0x337: {  	[hbm4b:s29+s3] =	stream.linear.scatter [tilespmem:s25], [sflag:$0x7], $0x80, $0x38;
	[tilespmem:$0x16C00] =	vst v63  }
0x338: {  	s8 =	sadd.s32 $0x12910, s7;
	s9 =	sadd.s32 $0x20, s11  }
0x339: {  	[hbm4b:s9+s3] =	stream.linear.scatter [tilespmem:s8], [sflag:$0x7], $0x80, $0x38;
	[tilespmem:$0x16C00] =	vst v63  }
0x33a: {  	s15 =	sadd.s32 $0x12998, s7;
	s17 =	sadd.s32 $0x30, s11  }
0x33b: {  	[hbm4b:s17+s3] =	stream.linear.scatter [tilespmem:s15], [sflag:$0x7], $0x80, $0x38;
	[tilespmem:$0x16C00] =	vst v63  }
0x33c: {  	s25 =	sadd.s32 $0x12A20, s7;
	s29 =	sadd.s32 $0x40, s11  }
0x33d: {  	[hbm4b:s29+s3] =	stream.linear.scatter [tilespmem:s25], [sflag:$0x7], $0x80, $0x38;
	[tilespmem:$0x16C00] =	vst v63  }
0x33e: {  	s8 =	sadd.s32 $0x12AA8, s7;
	s9 =	sadd.s32 $0x50, s11  }
0x33f: {  	[hbm4b:s9+s3] =	stream.linear.scatter [tilespmem:s8], [sflag:$0x7], $0x80, $0x38;
	[tilespmem:$0x16C00] =	vst v63  }
0x340: {  	s15 =	sadd.s32 $0x12B30, s7;
	s17 =	sadd.s32 $0x60, s11  }
0x341: {  	[hbm4b:s17+s3] =	stream.linear.scatter [tilespmem:s15], [sflag:$0x7], $0x80, $0x38;
	[tilespmem:$0x16C00] =	vst v63  }
0x342: {  	s25 =	sadd.s32 $0x12BB8, s7;
	s29 =	sadd.s32 $0x70, s11;
	s8 =	simm.s32 $0x0  }
0x343: {  	[hbm4b:s29+s3] =	stream.linear.scatter [tilespmem:s25], [sflag:$0x7], $0x80, $0x38;
	[tilespmem:$0x16C00] =	vst v63  }
0x344: {  	s9 =	simm.s32 $0x300;
	v33 =	vmov s8  }
0x345: {  	v33 =	vshrl.u32 v33, $0x3;
	[tilespmem:s22], [sflag:$0x3] =	stream.indirect.gather [hbm4b:s4+s13], $0x40, s9, s13, $0xb8;
	[tilespmem:$0x16C00] =	vst v63  }
0x346: {  	v33 =	vshll.u32 v33, v1;
	_ =	swait.ge [sflag:s30], $0x2000  }
0x347: {  	v33 =	vbroadcast v33, $0x0;
	[sflag:s30] =	ssyncset.done $0x0  }
0x348: {  	s14 =	simm.s32 $0xC500;
	[sflag:s30] =	ssyncadd.s32 $0xFFFFE000  }
0x349: {  	v35 =	vadd.s32 v0, v33;
	v34 =	vld [tilespmem:s14+$0xFFFFFF00]  }
0x34a: {  	v37 =	vadd.s32 v2, v33;
	v36 =	vld [tilespmem:s14+$0xFFFFFF10]  }
0x34b: {  	v39 =	vadd.s32 v3, v33;
	v38 =	vld [tilespmem:s14+$0xFFFFFF20]  }
0x34c: {  	s11 =	simm.s32 $0x1;
	v33 =	vadd.s32 v4, v33;
	v40 =	vld [tilespmem:s14+$0xFFFFFF30]  }
0x34d: {  	v41 =	vmov s11  }
0x34e: {  	v47 =	vshrl.u32 v41, $0x3;
	[tilespmem:v35+s31+$0x0] =	vst.idx.msk $0xffff, v34  }
0x34f: {  	v34 =	vshll.u32 v47, v1;
	[tilespmem:v37+s31+$0x0] =	vst.idx.msk $0xffff, v36  }
0x350: {  	v34 =	vbroadcast v34, $0x0;
	[tilespmem:v39+s31+$0x0] =	vst.idx.msk $0xffff, v38  }
0x351: {  	[tilespmem:v33+s31+$0x0] =	vst.idx.msk $0xffff, v40  }
0x352: {  	v48 =	vadd.s32 v5, v34;
	v33 =	vld [tilespmem:s14+$0xFFFFFF40]  }
0x353: {  	v49 =	vadd.s32 v6, v34;
	v36 =	vld [tilespmem:s14+$0xFFFFFF50]  }
0x354: {  	v50 =	vadd.s32 v7, v34;
	v38 =	vld [tilespmem:s14+$0xFFFFFF60]  }
0x355: {  	s12 =	simm.s32 $0x2;
	v34 =	vadd.s32 v8, v34;
	v40 =	vld [tilespmem:s14+$0xFFFFFF70]  }
0x356: {  	v51 =	vmov s12  }
0x357: {  	v52 =	vshrl.u32 v51, $0x3;
	[tilespmem:v48+s31+$0x0] =	vst.idx.msk $0xffff, v33  }
0x358: {  	v33 =	vshll.u32 v52, v1;
	[tilespmem:v49+s31+$0x0] =	vst.idx.msk $0xffff, v36  }
0x359: {  	v33 =	vbroadcast v33, $0x0;
	[tilespmem:v50+s31+$0x0] =	vst.idx.msk $0xffff, v38  }
0x35a: {  	[tilespmem:v34+s31+$0x0] =	vst.idx.msk $0xffff, v40  }
0x35b: {  	v53 =	vadd.s32 v9, v33;
	v34 =	vld [tilespmem:s14+$0xFFFFFF80]  }
0x35c: {  	v54 =	vadd.s32 v10, v33;
	v36 =	vld [tilespmem:s14+$0xFFFFFF90]  }
0x35d: {  	v55 =	vadd.s32 v11, v33;
	v38 =	vld [tilespmem:s14+$0xFFFFFFA0]  }
0x35e: {  	s15 =	simm.s32 $0x3;
	v33 =	vadd.s32 v12, v33;
	v40 =	vld [tilespmem:s14+$0xFFFFFFB0]  }
0x35f: {  	v56 =	vmov s15  }
0x360: {  	v57 =	vshrl.u32 v56, $0x3;
	[tilespmem:v53+s31+$0x0] =	vst.idx.msk $0xffff, v34  }
0x361: {  	v34 =	vshll.u32 v57, v1;
	[tilespmem:v54+s31+$0x0] =	vst.idx.msk $0xffff, v36  }
0x362: {  	v34 =	vbroadcast v34, $0x0;
	[tilespmem:v55+s31+$0x0] =	vst.idx.msk $0xffff, v38  }
0x363: {  	[tilespmem:v33+s31+$0x0] =	vst.idx.msk $0xffff, v40  }
0x364: {  	v58 =	vadd.s32 v13, v34;
	v33 =	vld [tilespmem:s14+$0xFFFFFFC0]  }
0x365: {  	v59 =	vadd.s32 v14, v34;
	v36 =	vld [tilespmem:s14+$0xFFFFFFD0]  }
0x366: {  	v60 =	vadd.s32 v15, v34;
	v38 =	vld [tilespmem:s14+$0xFFFFFFE0]  }
0x367: {  	s17 =	simm.s32 $0x4;
	v34 =	vadd.s32 v16, v34;
	v40 =	vld [tilespmem:s14+$0xFFFFFFF0]  }
0x368: {  	v61 =	vmov s17  }
0x369: {  	v62 =	vshrl.u32 v61, $0x3;
	[tilespmem:v58+s31+$0x0] =	vst.idx.msk $0xffff, v33  }
0x36a: {  	v33 =	vshll.u32 v62, v1;
	[tilespmem:v59+s31+$0x0] =	vst.idx.msk $0xffff, v36  }
0x36b: {  	v33 =	vbroadcast v33, $0x0;
	[tilespmem:v60+s31+$0x0] =	vst.idx.msk $0xffff, v38  }
0x36c: {  	[tilespmem:v34+s31+$0x0] =	vst.idx.msk $0xffff, v40  }
0x36d: {  	v63 =	vadd.s32 v17, v33;
	v34 =	vld [tilespmem:s14+$0x0]  }
0x36e: {  	v44 =	vadd.s32 v18, v33;
	v36 =	vld [tilespmem:s14+$0x10]  }
0x36f: {  	v45 =	vadd.s32 v19, v33;
	v38 =	vld [tilespmem:s14+$0x20]  }
0x370: {  	s22 =	simm.s32 $0x5;
	v33 =	vadd.s32 v20, v33;
	v40 =	vld [tilespmem:s14+$0x30]  }
0x371: {  	v46 =	vmov s22  }
0x372: {  	v47 =	vshrl.u32 v46, $0x3;
	[tilespmem:v63+s31+$0x0] =	vst.idx.msk $0xffff, v34  }
0x373: {  	v34 =	vshll.u32 v47, v1;
	[tilespmem:v44+s31+$0x0] =	vst.idx.msk $0xffff, v36  }
0x374: {  	v34 =	vbroadcast v34, $0x0;
	[tilespmem:v45+s31+$0x0] =	vst.idx.msk $0xffff, v38  }
0x375: {  	[tilespmem:v33+s31+$0x0] =	vst.idx.msk $0xffff, v40  }
0x376: {  	v48 =	vadd.s32 v21, v34;
	v33 =	vld [tilespmem:s14+$0x40]  }
0x377: {  	v49 =	vadd.s32 v22, v34;
	v36 =	vld [tilespmem:s14+$0x50]  }
0x378: {  	v50 =	vadd.s32 v23, v34;
	v38 =	vld [tilespmem:s14+$0x60]  }
0x379: {  	s25 =	simm.s32 $0x6;
	v34 =	vadd.s32 v24, v34;
	v40 =	vld [tilespmem:s14+$0x70]  }
0x37a: {  	v51 =	vmov s25  }
0x37b: {  	v52 =	vshrl.u32 v51, $0x3;
	[tilespmem:v48+s31+$0x0] =	vst.idx.msk $0xffff, v33  }
0x37c: {  	v33 =	vshll.u32 v52, v1;
	[tilespmem:v49+s31+$0x0] =	vst.idx.msk $0xffff, v36  }
0x37d: {  	v33 =	vbroadcast v33, $0x0;
	[tilespmem:v50+s31+$0x0] =	vst.idx.msk $0xffff, v38  }
0x37e: {  	[tilespmem:v34+s31+$0x0] =	vst.idx.msk $0xffff, v40  }
0x37f: {  	v53 =	vadd.s32 v25, v33;
	v34 =	vld [tilespmem:s14+$0x80]  }
0x380: {  	v54 =	vadd.s32 v26, v33;
	v36 =	vld [tilespmem:s14+$0x90]  }
0x381: {  	v55 =	vadd.s32 v27, v33;
	v38 =	vld [tilespmem:s14+$0xA0]  }
0x382: {  	s29 =	simm.s32 $0x7;
	v33 =	vadd.s32 v28, v33;
	v40 =	vld [tilespmem:s14+$0xB0]  }
0x383: {  	v56 =	vmov s29  }
0x384: {  	v57 =	vshrl.u32 v56, $0x3;
	[tilespmem:v53+s31+$0x0] =	vst.idx.msk $0xffff, v34  }
0x385: {  	v34 =	vshll.u32 v57, v1;
	[tilespmem:v54+s31+$0x0] =	vst.idx.msk $0xffff, v36  }
0x386: {  	v58 =	vbroadcast v34, $0x0;
	[tilespmem:v55+s31+$0x0] =	vst.idx.msk $0xffff, v38  }
0x387: {  	[tilespmem:v33+s31+$0x0] =	vst.idx.msk $0xffff, v40  }
0x388: {  	v59 =	vadd.s32 v29, v58;
	v33 =	vld [tilespmem:s14+$0xC0]  }
0x389: {  	v60 =	vadd.s32 v30, v58;
	v37 =	vld [tilespmem:s14+$0xD0]  }
0x38a: {  	v61 =	vadd.s32 v31, v58;
	v39 =	vld [tilespmem:s14+$0xE0]  }
0x38b: {  	s7 =	simm.s32 $0x8  }
0x38c: {  	v62 =	vmov s7;
	v35 =	vadd.s32 v32, v58;
	v34 =	vld [tilespmem:s14+$0xF0]  }
0x38d: {  	v41 =	vshrl.u32 v62, $0x3;
	[tilespmem:v59+s31+$0x0] =	vst.idx.msk $0xffff, v33  }
0x38e: {  	v63 =	vshll.u32 v41, v1;
	[tilespmem:v60+s31+$0x0] =	vst.idx.msk $0xffff, v37  }
0x38f: {  	s11 =	simm.s32 $0x10;
	v33 =	vbroadcast v63, $0x0;
	[tilespmem:v61+s31+$0x0] =	vst.idx.msk $0xffff, v39  }
.LBB2_14:
0x390: {  	p0 =	slt.u32 s11, $0x78  }
0x391: {  	[tilespmem:v35+s31+$0x0] =	vst.idx.msk $0xffff, v34;
	s14 =	sadd.s32 $0x200, s14;
	s12 =	smov.u32 s11;
	s11 =	sadd.s32 $0x8, s11  }
0x392: {  	v34 =	vld [tilespmem:s14+$0xFFFFFF00];
	v35 =	vadd.s32 v0, v33  }
0x393: {  	v37 =	vadd.s32 v2, v33;
	v36 =	vld [tilespmem:s14+$0xFFFFFF10]  }
0x394: {  	v39 =	vadd.s32 v3, v33;
	v38 =	vld [tilespmem:s14+$0xFFFFFF20]  }
0x395: {  	s15 =	sadd.s32 $0x1, s7;
	v33 =	vadd.s32 v4, v33;
	v40 =	vld [tilespmem:s14+$0xFFFFFF30]  }
0x396: {  	v41 =	vmov s15  }
0x397: {  	[tilespmem:v35+s31+$0x0] =	vst.idx.msk $0xffff, v34;
	v34 =	vshrl.u32 v41, $0x3  }
0x398: {  	[tilespmem:v37+s31+$0x0] =	vst.idx.msk $0xffff, v36;
	v34 =	vshll.u32 v34, v1  }
0x399: {  	[tilespmem:v39+s31+$0x0] =	vst.idx.msk $0xffff, v38;
	v34 =	vbroadcast v34, $0x0  }
0x39a: {  	[tilespmem:v33+s31+$0x0] =	vst.idx.msk $0xffff, v40  }
0x39b: {  	v33 =	vld [tilespmem:s14+$0xFFFFFF40];
	v35 =	vadd.s32 v5, v34  }
0x39c: {  	v37 =	vadd.s32 v6, v34;
	v36 =	vld [tilespmem:s14+$0xFFFFFF50]  }
0x39d: {  	v39 =	vadd.s32 v7, v34;
	v38 =	vld [tilespmem:s14+$0xFFFFFF60]  }
0x39e: {  	s15 =	sadd.s32 $0x2, s7;
	v34 =	vadd.s32 v8, v34;
	v40 =	vld [tilespmem:s14+$0xFFFFFF70]  }
0x39f: {  	v41 =	vmov s15  }
0x3a0: {  	[tilespmem:v35+s31+$0x0] =	vst.idx.msk $0xffff, v33;
	v33 =	vshrl.u32 v41, $0x3  }
0x3a1: {  	[tilespmem:v37+s31+$0x0] =	vst.idx.msk $0xffff, v36;
	v33 =	vshll.u32 v33, v1  }
0x3a2: {  	[tilespmem:v39+s31+$0x0] =	vst.idx.msk $0xffff, v38;
	v33 =	vbroadcast v33, $0x0  }
0x3a3: {  	[tilespmem:v34+s31+$0x0] =	vst.idx.msk $0xffff, v40  }
0x3a4: {  	v34 =	vld [tilespmem:s14+$0xFFFFFF80];
	v35 =	vadd.s32 v9, v33  }
0x3a5: {  	v37 =	vadd.s32 v10, v33;
	v36 =	vld [tilespmem:s14+$0xFFFFFF90]  }
0x3a6: {  	v39 =	vadd.s32 v11, v33;
	v38 =	vld [tilespmem:s14+$0xFFFFFFA0]  }
0x3a7: {  	s15 =	sadd.s32 $0x3, s7;
	v33 =	vadd.s32 v12, v33;
	v40 =	vld [tilespmem:s14+$0xFFFFFFB0]  }
0x3a8: {  	v41 =	vmov s15  }
0x3a9: {  	[tilespmem:v35+s31+$0x0] =	vst.idx.msk $0xffff, v34;
	v34 =	vshrl.u32 v41, $0x3  }
0x3aa: {  	[tilespmem:v37+s31+$0x0] =	vst.idx.msk $0xffff, v36;
	v34 =	vshll.u32 v34, v1  }
0x3ab: {  	[tilespmem:v39+s31+$0x0] =	vst.idx.msk $0xffff, v38;
	v34 =	vbroadcast v34, $0x0  }
0x3ac: {  	[tilespmem:v33+s31+$0x0] =	vst.idx.msk $0xffff, v40  }
0x3ad: {  	v33 =	vld [tilespmem:s14+$0xFFFFFFC0];
	v35 =	vadd.s32 v13, v34  }
0x3ae: {  	v37 =	vadd.s32 v14, v34;
	v36 =	vld [tilespmem:s14+$0xFFFFFFD0]  }
0x3af: {  	v39 =	vadd.s32 v15, v34;
	v38 =	vld [tilespmem:s14+$0xFFFFFFE0]  }
0x3b0: {  	s15 =	sadd.s32 $0x4, s7;
	v34 =	vadd.s32 v16, v34;
	v40 =	vld [tilespmem:s14+$0xFFFFFFF0]  }
0x3b1: {  	v41 =	vmov s15  }
0x3b2: {  	[tilespmem:v35+s31+$0x0] =	vst.idx.msk $0xffff, v33;
	v33 =	vshrl.u32 v41, $0x3  }
0x3b3: {  	[tilespmem:v37+s31+$0x0] =	vst.idx.msk $0xffff, v36;
	v33 =	vshll.u32 v33, v1  }
0x3b4: {  	[tilespmem:v39+s31+$0x0] =	vst.idx.msk $0xffff, v38;
	v33 =	vbroadcast v33, $0x0  }
0x3b5: {  	[tilespmem:v34+s31+$0x0] =	vst.idx.msk $0xffff, v40  }
0x3b6: {  	v34 =	vld [tilespmem:s14+$0x0];
	v35 =	vadd.s32 v17, v33  }
0x3b7: {  	v37 =	vadd.s32 v18, v33;
	v36 =	vld [tilespmem:s14+$0x10]  }
0x3b8: {  	v39 =	vadd.s32 v19, v33;
	v38 =	vld [tilespmem:s14+$0x20]  }
0x3b9: {  	s15 =	sadd.s32 $0x5, s7;
	v33 =	vadd.s32 v20, v33;
	v40 =	vld [tilespmem:s14+$0x30]  }
0x3ba: {  	v41 =	vmov s15  }
0x3bb: {  	[tilespmem:v35+s31+$0x0] =	vst.idx.msk $0xffff, v34;
	v34 =	vshrl.u32 v41, $0x3  }
0x3bc: {  	[tilespmem:v37+s31+$0x0] =	vst.idx.msk $0xffff, v36;
	v34 =	vshll.u32 v34, v1  }
0x3bd: {  	[tilespmem:v39+s31+$0x0] =	vst.idx.msk $0xffff, v38;
	v34 =	vbroadcast v34, $0x0  }
0x3be: {  	[tilespmem:v33+s31+$0x0] =	vst.idx.msk $0xffff, v40  }
0x3bf: {  	v33 =	vld [tilespmem:s14+$0x40];
	v35 =	vadd.s32 v21, v34  }
0x3c0: {  	v37 =	vadd.s32 v22, v34;
	v36 =	vld [tilespmem:s14+$0x50]  }
0x3c1: {  	v39 =	vadd.s32 v23, v34;
	v38 =	vld [tilespmem:s14+$0x60]  }
0x3c2: {  	s15 =	sadd.s32 $0x6, s7;
	v34 =	vadd.s32 v24, v34;
	v40 =	vld [tilespmem:s14+$0x70]  }
0x3c3: {  	v41 =	vmov s15  }
0x3c4: {  	[tilespmem:v35+s31+$0x0] =	vst.idx.msk $0xffff, v33;
	v33 =	vshrl.u32 v41, $0x3  }
0x3c5: {  	[tilespmem:v37+s31+$0x0] =	vst.idx.msk $0xffff, v36;
	v33 =	vshll.u32 v33, v1  }
0x3c6: {  	[tilespmem:v39+s31+$0x0] =	vst.idx.msk $0xffff, v38;
	v33 =	vbroadcast v33, $0x0  }
0x3c7: {  	[tilespmem:v34+s31+$0x0] =	vst.idx.msk $0xffff, v40  }
0x3c8: {  	v34 =	vld [tilespmem:s14+$0x80];
	v35 =	vadd.s32 v25, v33  }
0x3c9: {  	v37 =	vadd.s32 v26, v33;
	v36 =	vld [tilespmem:s14+$0x90]  }
0x3ca: {  	v39 =	vadd.s32 v27, v33;
	v38 =	vld [tilespmem:s14+$0xA0]  }
0x3cb: {  	s15 =	sadd.s32 $0x7, s7;
	s7 =	smov.u32 s12;
	v33 =	vadd.s32 v28, v33;
	v40 =	vld [tilespmem:s14+$0xB0]  }
0x3cc: {  	v41 =	vmov s15  }
0x3cd: {  	[tilespmem:v35+s31+$0x0] =	vst.idx.msk $0xffff, v34;
	v34 =	vshrl.u32 v41, $0x3  }
0x3ce: {  	[tilespmem:v37+s31+$0x0] =	vst.idx.msk $0xffff, v36;
	v34 =	vshll.u32 v34, v1  }
0x3cf: {  	[tilespmem:v39+s31+$0x0] =	vst.idx.msk $0xffff, v38;
	v35 =	vbroadcast v34, $0x0  }
0x3d0: {  	[tilespmem:v33+s31+$0x0] =	vst.idx.msk $0xffff, v40  }
0x3d1: {  	v33 =	vld [tilespmem:s14+$0xC0];
	v36 =	vadd.s32 v29, v35  }
0x3d2: {  	v38 =	vadd.s32 v30, v35;
	v37 =	vld [tilespmem:s14+$0xD0]  }
0x3d3: {  	v40 =	vadd.s32 v31, v35;
	v39 =	vld [tilespmem:s14+$0xE0]  }
.Ltmp6:
0x3d4: {  	v35 =	vadd.s32 v32, v35;
	v34 =	vld [tilespmem:s14+$0xF0];
	(pc) =	sbr.rel @p0 .LBB2_14-.Ltmp6, $4  }
0x3d5: {  	v41 =	vmov s7  }
0x3d6: {  	v41 =	vshrl.u32 v41, $0x3;
	[tilespmem:v36+s31+$0x0] =	vst.idx.msk $0xffff, v33  }
0x3d7: {  	v33 =	vshll.u32 v41, v1;
	[tilespmem:v38+s31+$0x0] =	vst.idx.msk $0xffff, v37  }
0x3d8: {  	v33 =	vbroadcast v33, $0x0;
	[tilespmem:v40+s31+$0x0] =	vst.idx.msk $0xffff, v39  }
0x3d9: {  	_ =	sdelay $0x3  }
0x3da: {  	[tilespmem:v35+s31+$0x0] =	vst.idx.msk $0xffff, v34;
	s11 =	sadd.s32 $0x200, s14  }
0x3db: {  	v34 =	vld [tilespmem:s11+$0xFFFFFF00];
	v48 =	vadd.s32 v0, v33  }
0x3dc: {  	v36 =	vld [tilespmem:s11+$0xFFFFFF10];
	v37 =	vadd.s32 v2, v33  }
0x3dd: {  	v38 =	vld [tilespmem:s11+$0xFFFFFF20];
	v39 =	vadd.s32 v3, v33  }
0x3de: {  	s12 =	sadd.s32 $0x1, s7;
	v40 =	vld [tilespmem:s11+$0xFFFFFF30];
	v49 =	vadd.s32 v4, v33  }
0x3df: {  	v41 =	vmov s12  }
0x3e0: {  	v50 =	vshrl.u32 v41, $0x3;
	[tilespmem:v48+s31+$0x0] =	vst.idx.msk $0xffff, v34  }
0x3e1: {  	v34 =	vshll.u32 v50, v1;
	[tilespmem:v37+s31+$0x0] =	vst.idx.msk $0xffff, v36  }
0x3e2: {  	v34 =	vbroadcast v34, $0x0;
	[tilespmem:v39+s31+$0x0] =	vst.idx.msk $0xffff, v38  }
0x3e3: {  	[tilespmem:v49+s31+$0x0] =	vst.idx.msk $0xffff, v40  }
0x3e4: {  	v51 =	vadd.s32 v5, v34;
	v33 =	vld [tilespmem:s11+$0xFFFFFF40]  }
0x3e5: {  	v52 =	vadd.s32 v6, v34;
	v36 =	vld [tilespmem:s11+$0xFFFFFF50]  }
0x3e6: {  	v53 =	vadd.s32 v7, v34;
	v38 =	vld [tilespmem:s11+$0xFFFFFF60]  }
0x3e7: {  	s22 =	sadd.s32 $0x2, s7;
	v34 =	vadd.s32 v8, v34;
	v40 =	vld [tilespmem:s11+$0xFFFFFF70]  }
0x3e8: {  	v54 =	vmov s22  }
0x3e9: {  	v55 =	vshrl.u32 v54, $0x3;
	[tilespmem:v51+s31+$0x0] =	vst.idx.msk $0xffff, v33  }
0x3ea: {  	v33 =	vshll.u32 v55, v1;
	[tilespmem:v52+s31+$0x0] =	vst.idx.msk $0xffff, v36  }
0x3eb: {  	v33 =	vbroadcast v33, $0x0;
	[tilespmem:v53+s31+$0x0] =	vst.idx.msk $0xffff, v38  }
0x3ec: {  	[tilespmem:v34+s31+$0x0] =	vst.idx.msk $0xffff, v40  }
0x3ed: {  	v56 =	vadd.s32 v9, v33;
	v34 =	vld [tilespmem:s11+$0xFFFFFF80]  }
0x3ee: {  	v57 =	vadd.s32 v10, v33;
	v36 =	vld [tilespmem:s11+$0xFFFFFF90]  }
0x3ef: {  	v58 =	vadd.s32 v11, v33;
	v38 =	vld [tilespmem:s11+$0xFFFFFFA0]  }
0x3f0: {  	s25 =	sadd.s32 $0x3, s7;
	v33 =	vadd.s32 v12, v33;
	v40 =	vld [tilespmem:s11+$0xFFFFFFB0]  }
0x3f1: {  	v59 =	vmov s25  }
0x3f2: {  	v60 =	vshrl.u32 v59, $0x3;
	[tilespmem:v56+s31+$0x0] =	vst.idx.msk $0xffff, v34  }
0x3f3: {  	v34 =	vshll.u32 v60, v1;
	[tilespmem:v57+s31+$0x0] =	vst.idx.msk $0xffff, v36  }
0x3f4: {  	v34 =	vbroadcast v34, $0x0;
	[tilespmem:v58+s31+$0x0] =	vst.idx.msk $0xffff, v38  }
0x3f5: {  	[tilespmem:v33+s31+$0x0] =	vst.idx.msk $0xffff, v40  }
0x3f6: {  	v61 =	vadd.s32 v13, v34;
	v33 =	vld [tilespmem:s11+$0xFFFFFFC0]  }
0x3f7: {  	v62 =	vadd.s32 v14, v34;
	v36 =	vld [tilespmem:s11+$0xFFFFFFD0]  }
0x3f8: {  	v63 =	vadd.s32 v15, v34;
	v38 =	vld [tilespmem:s11+$0xFFFFFFE0]  }
0x3f9: {  	s29 =	sadd.s32 $0x4, s7;
	v34 =	vadd.s32 v16, v34;
	v40 =	vld [tilespmem:s11+$0xFFFFFFF0]  }
0x3fa: {  	v44 =	vmov s29  }
0x3fb: {  	v45 =	vshrl.u32 v44, $0x3;
	[tilespmem:v61+s31+$0x0] =	vst.idx.msk $0xffff, v33  }
0x3fc: {  	v33 =	vshll.u32 v45, v1;
	[tilespmem:v62+s31+$0x0] =	vst.idx.msk $0xffff, v36  }
0x3fd: {  	v33 =	vbroadcast v33, $0x0;
	[tilespmem:v63+s31+$0x0] =	vst.idx.msk $0xffff, v38  }
0x3fe: {  	[tilespmem:v34+s31+$0x0] =	vst.idx.msk $0xffff, v40  }
0x3ff: {  	v46 =	vadd.s32 v17, v33;
	v34 =	vld [tilespmem:s11+$0x0]  }
0x400: {  	v47 =	vadd.s32 v18, v33;
	v36 =	vld [tilespmem:s11+$0x10]  }
0x401: {  	v48 =	vadd.s32 v19, v33;
	v38 =	vld [tilespmem:s11+$0x20]  }
0x402: {  	s8 =	sadd.s32 $0x5, s7;
	v33 =	vadd.s32 v20, v33;
	v40 =	vld [tilespmem:s11+$0x30]  }
0x403: {  	v49 =	vmov s8  }
0x404: {  	v50 =	vshrl.u32 v49, $0x3;
	[tilespmem:v46+s31+$0x0] =	vst.idx.msk $0xffff, v34  }
0x405: {  	v34 =	vshll.u32 v50, v1;
	[tilespmem:v47+s31+$0x0] =	vst.idx.msk $0xffff, v36  }
0x406: {  	v34 =	vbroadcast v34, $0x0;
	[tilespmem:v48+s31+$0x0] =	vst.idx.msk $0xffff, v38  }
0x407: {  	[tilespmem:v33+s31+$0x0] =	vst.idx.msk $0xffff, v40  }
0x408: {  	v51 =	vadd.s32 v21, v34;
	v33 =	vld [tilespmem:s11+$0x40]  }
0x409: {  	v52 =	vadd.s32 v22, v34;
	v36 =	vld [tilespmem:s11+$0x50]  }
0x40a: {  	v53 =	vadd.s32 v23, v34;
	v38 =	vld [tilespmem:s11+$0x60]  }
0x40b: {  	s9 =	sadd.s32 $0x6, s7;
	v34 =	vadd.s32 v24, v34;
	v40 =	vld [tilespmem:s11+$0x70]  }
0x40c: {  	v54 =	vmov s9  }
0x40d: {  	v55 =	vshrl.u32 v54, $0x3;
	[tilespmem:v51+s31+$0x0] =	vst.idx.msk $0xffff, v33  }
0x40e: {  	v33 =	vshll.u32 v55, v1;
	[tilespmem:v52+s31+$0x0] =	vst.idx.msk $0xffff, v36  }
0x40f: {  	v33 =	vbroadcast v33, $0x0;
	[tilespmem:v53+s31+$0x0] =	vst.idx.msk $0xffff, v38  }
0x410: {  	[tilespmem:v34+s31+$0x0] =	vst.idx.msk $0xffff, v40  }
0x411: {  	v56 =	vadd.s32 v25, v33;
	v34 =	vld [tilespmem:s11+$0x80]  }
0x412: {  	v57 =	vadd.s32 v26, v33;
	v36 =	vld [tilespmem:s11+$0x90]  }
0x413: {  	v58 =	vadd.s32 v27, v33;
	v38 =	vld [tilespmem:s11+$0xA0]  }
0x414: {  	s12 =	sadd.s32 $0x7, s7;
	v33 =	vadd.s32 v28, v33;
	v40 =	vld [tilespmem:s11+$0xB0]  }
0x415: {  	v59 =	vmov s12  }
0x416: {  	v60 =	vshrl.u32 v59, $0x3;
	[tilespmem:v56+s31+$0x0] =	vst.idx.msk $0xffff, v34  }
0x417: {  	v34 =	vshll.u32 v60, v1;
	[tilespmem:v57+s31+$0x0] =	vst.idx.msk $0xffff, v36  }
0x418: {  	v34 =	vbroadcast v34, $0x0;
	[tilespmem:v58+s31+$0x0] =	vst.idx.msk $0xffff, v38  }
0x419: {  	[tilespmem:v33+s31+$0x0] =	vst.idx.msk $0xffff, v40  }
0x41a: {  	v61 =	vadd.s32 v29, v34;
	v33 =	vld [tilespmem:s11+$0xC0]  }
0x41b: {  	v62 =	vadd.s32 v30, v34;
	v36 =	vld [tilespmem:s11+$0xD0]  }
0x41c: {  	v63 =	vadd.s32 v31, v34;
	v38 =	vld [tilespmem:s11+$0xE0]  }
0x41d: {  	v34 =	vadd.s32 v32, v34;
	v40 =	vld [tilespmem:s11+$0xF0];
	_ =	sdelay $0x1  }
0x41e: {  	[tilespmem:v61+s31+$0x0] =	vst.idx.msk $0xffff, v33  }
0x41f: {  	[tilespmem:v62+s31+$0x0] =	vst.idx.msk $0xffff, v36  }
0x420: {  	[tilespmem:v63+s31+$0x0] =	vst.idx.msk $0xffff, v38  }
0x421: {  	s14 =	simm.s32 $0x14A00;
	s25 =	simm.s32 $0x0;
	[tilespmem:v34+s31+$0x0] =	vst.idx.msk $0xffff, v40  }
0x422: {  	[hbm4b:s10+s25] =	stream.linear.scatter [tilespmem:s14], [sflag:$0x8], $0x80, $0x38;
	[tilespmem:$0x16C00] =	vst v63  }
0x423: {  	s15 =	simm.s32 $0x14A88;
	s17 =	sadd.s32 $0x10, s10  }
0x424: {  	[hbm4b:s17+s25] =	stream.linear.scatter [tilespmem:s15], [sflag:$0x8], $0x80, $0x38;
	[tilespmem:$0x16C00] =	vst v63  }
0x425: {  	s22 =	simm.s32 $0x14B10;
	s29 =	sadd.s32 $0x20, s10;
	s7 =	simm.s32 $0x440  }
0x426: {  	[hbm4b:s29+s25] =	stream.linear.scatter [tilespmem:s22], [sflag:$0x8], $0x80, $0x38;
	[tilespmem:$0x16C00] =	vst v63  }
0x427: {  	s9 =	sadd.s32 $0x30, s10;
	s12 =	simm.s32 $0x14C20;
	s8 =	simm.s32 $0x14B98  }
0x428: {  	[hbm4b:s9+s25] =	stream.linear.scatter [tilespmem:s8], [sflag:$0x8], $0x80, $0x38;
	[tilespmem:$0x16C00] =	vst v63  }
0x429: {  	s11 =	sadd.s32 $0x1000, s10;
	s14 =	sadd.s32 $0x40, s10;
	s15 =	simm.s32 $0x14CA8  }
0x42a: {  	[hbm4b:s14+s25] =	stream.linear.scatter [tilespmem:s12], [sflag:$0x8], $0x80, $0x38;
	[tilespmem:$0x16C00] =	vst v63  }
0x42b: {  	s17 =	sadd.s32 $0x50, s10;
	s22 =	simm.s32 $0x14D30;
	s29 =	sadd.s32 $0x60, s10  }
0x42c: {  	[hbm4b:s17+s25] =	stream.linear.scatter [tilespmem:s15], [sflag:$0x8], $0x80, $0x38;
	[tilespmem:$0x16C00] =	vst v63  }
0x42d: {  	s12 =	simm.s32 $0x2200;
	s14 =	simm.s32 $0x14DB8;
	s15 =	sadd.s32 $0x70, s10  }
0x42e: {  	[hbm4b:s29+s25] =	stream.linear.scatter [tilespmem:s22], [sflag:$0x8], $0x80, $0x38;
	[tilespmem:$0x16C00] =	vst v63  }
.LBB2_16:
0x42f: {  	[hbm4b:s15+s25] =	stream.linear.scatter [tilespmem:s14], [sflag:$0x8], $0x80, $0x38;
	[tilespmem:$0x16C00] =	vst v63  }
0x430: {  	s14 =	smov.u32 s7;
	s7 =	smov.u32 s12  }
0x431: {  	s17 =	sadd.s32 $0x1100, s12;
	s7 =	sshra.s32 s7, $0x2;
	s15 =	sadd.s32 $0x14A00, s14  }
0x432: {  	[hbm4b:s11+s25] =	stream.linear.scatter [tilespmem:s15], [sflag:$0x8], $0x80, $0x38;
	[tilespmem:$0x16C00] =	vst v63  }
0x433: {  	p0 =	seq.s32 s12, $0x7700;
	s12 =	sadd.s32 $0x14A88, s14;
	s15 =	sadd.s32 $0x10, s11  }
0x434: {  	[hbm4b:s15+s25] =	stream.linear.scatter [tilespmem:s12], [sflag:$0x8], $0x80, $0x38;
	[tilespmem:$0x16C00] =	vst v63  }
0x435: {  	s12 =	sadd.s32 $0x14B10, s14;
	s15 =	sadd.s32 $0x20, s11  }
0x436: {  	[hbm4b:s15+s25] =	stream.linear.scatter [tilespmem:s12], [sflag:$0x8], $0x80, $0x38;
	[tilespmem:$0x16C00] =	vst v63  }
0x437: {  	s12 =	sadd.s32 $0x14B98, s14;
	s15 =	sadd.s32 $0x30, s11  }
0x438: {  	[hbm4b:s15+s25] =	stream.linear.scatter [tilespmem:s12], [sflag:$0x8], $0x80, $0x38;
	[tilespmem:$0x16C00] =	vst v63  }
0x439: {  	s12 =	sadd.s32 $0x14C20, s14;
	s15 =	sadd.s32 $0x40, s11  }
0x43a: {  	[hbm4b:s15+s25] =	stream.linear.scatter [tilespmem:s12], [sflag:$0x8], $0x80, $0x38;
	[tilespmem:$0x16C00] =	vst v63  }
.Ltmp7:
0x43b: {  	s12 =	sadd.s32 $0x14CA8, s14;
	s15 =	sadd.s32 $0x50, s11;
	(pc) =	sbr.rel @!p0 .LBB2_16-.Ltmp7, $4  }
0x43c: {  	[hbm4b:s15+s25] =	stream.linear.scatter [tilespmem:s12], [sflag:$0x8], $0x80, $0x38;
	[tilespmem:$0x16C00] =	vst v63  }
0x43d: {  	s12 =	sadd.s32 $0x14D30, s14;
	s15 =	sadd.s32 $0x60, s11;
	s14 =	sadd.s32 $0x14DB8, s14  }
0x43e: {  	[hbm4b:s15+s25] =	stream.linear.scatter [tilespmem:s12], [sflag:$0x8], $0x80, $0x38;
	[tilespmem:$0x16C00] =	vst v63  }
0x43f: {  	s15 =	sadd.s32 $0x70, s11;
	s11 =	sadd.s32 $0x1000, s11;
	s12 =	smov.u32 s17  }
0x440: {  	[hbm4b:s15+s25] =	stream.linear.scatter [tilespmem:s14], [sflag:$0x8], $0x80, $0x38;
	[tilespmem:$0x16C00] =	vst v63  }
0x441: {  	s12 =	sadd.s32 $0x14A00, s7  }
0x442: {  	[hbm4b:s11+s25] =	stream.linear.scatter [tilespmem:s12], [sflag:$0x8], $0x80, $0x38;
	[tilespmem:$0x16C00] =	vst v63  }
0x443: {  	s22 =	sadd.s32 $0x14A88, s7;
	s29 =	sadd.s32 $0x10, s11  }
0x444: {  	[hbm4b:s29+s25] =	stream.linear.scatter [tilespmem:s22], [sflag:$0x8], $0x80, $0x38;
	[tilespmem:$0x16C00] =	vst v63  }
0x445: {  	s8 =	sadd.s32 $0x14B10, s7;
	s9 =	sadd.s32 $0x20, s11  }
0x446: {  	[hbm4b:s9+s25] =	stream.linear.scatter [tilespmem:s8], [sflag:$0x8], $0x80, $0x38;
	[tilespmem:$0x16C00] =	vst v63  }
0x447: {  	s15 =	sadd.s32 $0x14B98, s7;
	s17 =	sadd.s32 $0x30, s11  }
0x448: {  	[hbm4b:s17+s25] =	stream.linear.scatter [tilespmem:s15], [sflag:$0x8], $0x80, $0x38;
	[tilespmem:$0x16C00] =	vst v63  }
0x449: {  	s22 =	sadd.s32 $0x14C20, s7;
	s29 =	sadd.s32 $0x40, s11  }
0x44a: {  	[hbm4b:s29+s25] =	stream.linear.scatter [tilespmem:s22], [sflag:$0x8], $0x80, $0x38;
	[tilespmem:$0x16C00] =	vst v63  }
0x44b: {  	s8 =	sadd.s32 $0x14CA8, s7;
	s9 =	sadd.s32 $0x50, s11  }
0x44c: {  	[hbm4b:s9+s25] =	stream.linear.scatter [tilespmem:s8], [sflag:$0x8], $0x80, $0x38;
	[tilespmem:$0x16C00] =	vst v63  }
0x44d: {  	s15 =	sadd.s32 $0x14D30, s7;
	s17 =	sadd.s32 $0x60, s11  }
0x44e: {  	[hbm4b:s17+s25] =	stream.linear.scatter [tilespmem:s15], [sflag:$0x8], $0x80, $0x38;
	[tilespmem:$0x16C00] =	vst v63  }
0x44f: {  	s22 =	sadd.s32 $0x14DB8, s7;
	s29 =	sadd.s32 $0x70, s11  }
0x450: {  	[hbm4b:s29+s25] =	stream.linear.scatter [tilespmem:s22], [sflag:$0x8], $0x80, $0x38;
	[tilespmem:$0x16C00] =	vst v63  }
.LBB2_19:
0x451: {  	s15 =	smov.u32 s25;
	s25 =	sadd.s32 $0x1, s25  }
0x452: {  	_ =	swait.ge [sflag:s1], $0x2000;
	s29 =	sshllo.u32 s25, $0x2  }
0x453: {  	s11 =	simm.s32 $0x0;
	[sflag:s1] =	ssyncset.done $0x0;
	s7 =	sshll.u32 s29, $0x7  }
0x454: {  	v33 =	vmov s11;
	[sflag:s1] =	ssyncadd.s32 $0xFFFFE000;
	s7 =	sand.u32 $0x3FFFFF80, s7  }
0x455: {  	v33 =	vshrl.u32 v33, $0x3;
	[tilespmem:s19], [sflag:$0x4] =	stream.indirect.gather [hbm4b:s4+s13], $0x40, s7, s13, $0xb8;
	[tilespmem:$0x16C00] =	vst v63  }
0x456: {  	v33 =	vshll.u32 v33, v1;
	_ =	swait.ge [sflag:s20], $0x2000  }
0x457: {  	v33 =	vbroadcast v33, $0x0;
	[sflag:s20] =	ssyncset.done $0x0  }
0x458: {  	s17 =	simm.s32 $0x6500;
	[sflag:s20] =	ssyncadd.s32 $0xFFFFE000  }
0x459: {  	v35 =	vadd.s32 v0, v33;
	v34 =	vld [tilespmem:s17+$0xFFFFFF00]  }
0x45a: {  	v37 =	vadd.s32 v2, v33;
	v36 =	vld [tilespmem:s17+$0xFFFFFF10]  }
0x45b: {  	v39 =	vadd.s32 v3, v33;
	v38 =	vld [tilespmem:s17+$0xFFFFFF20]  }
0x45c: {  	s22 =	simm.s32 $0x1;
	v33 =	vadd.s32 v4, v33;
	v40 =	vld [tilespmem:s17+$0xFFFFFF30]  }
0x45d: {  	v41 =	vmov s22  }
0x45e: {  	v47 =	vshrl.u32 v41, $0x3;
	[tilespmem:v35+s21+$0x0] =	vst.idx.msk $0xffff, v34  }
0x45f: {  	v34 =	vshll.u32 v47, v1;
	[tilespmem:v37+s21+$0x0] =	vst.idx.msk $0xffff, v36  }
0x460: {  	v34 =	vbroadcast v34, $0x0;
	[tilespmem:v39+s21+$0x0] =	vst.idx.msk $0xffff, v38  }
0x461: {  	[tilespmem:v33+s21+$0x0] =	vst.idx.msk $0xffff, v40  }
0x462: {  	v48 =	vadd.s32 v5, v34;
	v33 =	vld [tilespmem:s17+$0xFFFFFF40]  }
0x463: {  	v49 =	vadd.s32 v6, v34;
	v36 =	vld [tilespmem:s17+$0xFFFFFF50]  }
0x464: {  	v50 =	vadd.s32 v7, v34;
	v38 =	vld [tilespmem:s17+$0xFFFFFF60]  }
0x465: {  	s8 =	simm.s32 $0x2;
	v34 =	vadd.s32 v8, v34;
	v40 =	vld [tilespmem:s17+$0xFFFFFF70]  }
0x466: {  	v51 =	vmov s8  }
0x467: {  	v52 =	vshrl.u32 v51, $0x3;
	[tilespmem:v48+s21+$0x0] =	vst.idx.msk $0xffff, v33  }
0x468: {  	v33 =	vshll.u32 v52, v1;
	[tilespmem:v49+s21+$0x0] =	vst.idx.msk $0xffff, v36  }
0x469: {  	v33 =	vbroadcast v33, $0x0;
	[tilespmem:v50+s21+$0x0] =	vst.idx.msk $0xffff, v38  }
0x46a: {  	[tilespmem:v34+s21+$0x0] =	vst.idx.msk $0xffff, v40  }
0x46b: {  	v53 =	vadd.s32 v9, v33;
	v34 =	vld [tilespmem:s17+$0xFFFFFF80]  }
0x46c: {  	v54 =	vadd.s32 v10, v33;
	v36 =	vld [tilespmem:s17+$0xFFFFFF90]  }
0x46d: {  	v55 =	vadd.s32 v11, v33;
	v38 =	vld [tilespmem:s17+$0xFFFFFFA0]  }
0x46e: {  	s9 =	simm.s32 $0x3;
	v33 =	vadd.s32 v12, v33;
	v40 =	vld [tilespmem:s17+$0xFFFFFFB0]  }
0x46f: {  	v56 =	vmov s9  }
0x470: {  	v57 =	vshrl.u32 v56, $0x3;
	[tilespmem:v53+s21+$0x0] =	vst.idx.msk $0xffff, v34  }
0x471: {  	v34 =	vshll.u32 v57, v1;
	[tilespmem:v54+s21+$0x0] =	vst.idx.msk $0xffff, v36  }
0x472: {  	v34 =	vbroadcast v34, $0x0;
	[tilespmem:v55+s21+$0x0] =	vst.idx.msk $0xffff, v38  }
0x473: {  	[tilespmem:v33+s21+$0x0] =	vst.idx.msk $0xffff, v40  }
0x474: {  	v58 =	vadd.s32 v13, v34;
	v33 =	vld [tilespmem:s17+$0xFFFFFFC0]  }
0x475: {  	v59 =	vadd.s32 v14, v34;
	v36 =	vld [tilespmem:s17+$0xFFFFFFD0]  }
0x476: {  	v60 =	vadd.s32 v15, v34;
	v38 =	vld [tilespmem:s17+$0xFFFFFFE0]  }
0x477: {  	s11 =	simm.s32 $0x4;
	v34 =	vadd.s32 v16, v34;
	v40 =	vld [tilespmem:s17+$0xFFFFFFF0]  }
0x478: {  	v61 =	vmov s11  }
0x479: {  	v62 =	vshrl.u32 v61, $0x3;
	[tilespmem:v58+s21+$0x0] =	vst.idx.msk $0xffff, v33  }
0x47a: {  	v33 =	vshll.u32 v62, v1;
	[tilespmem:v59+s21+$0x0] =	vst.idx.msk $0xffff, v36  }
0x47b: {  	v33 =	vbroadcast v33, $0x0;
	[tilespmem:v60+s21+$0x0] =	vst.idx.msk $0xffff, v38  }
0x47c: {  	[tilespmem:v34+s21+$0x0] =	vst.idx.msk $0xffff, v40  }
0x47d: {  	v63 =	vadd.s32 v17, v33;
	v34 =	vld [tilespmem:s17+$0x0]  }
0x47e: {  	v44 =	vadd.s32 v18, v33;
	v36 =	vld [tilespmem:s17+$0x10]  }
0x47f: {  	v45 =	vadd.s32 v19, v33;
	v38 =	vld [tilespmem:s17+$0x20]  }
0x480: {  	s12 =	simm.s32 $0x5;
	v33 =	vadd.s32 v20, v33;
	v40 =	vld [tilespmem:s17+$0x30]  }
0x481: {  	v46 =	vmov s12  }
0x482: {  	v47 =	vshrl.u32 v46, $0x3;
	[tilespmem:v63+s21+$0x0] =	vst.idx.msk $0xffff, v34  }
0x483: {  	v34 =	vshll.u32 v47, v1;
	[tilespmem:v44+s21+$0x0] =	vst.idx.msk $0xffff, v36  }
0x484: {  	v34 =	vbroadcast v34, $0x0;
	[tilespmem:v45+s21+$0x0] =	vst.idx.msk $0xffff, v38  }
0x485: {  	[tilespmem:v33+s21+$0x0] =	vst.idx.msk $0xffff, v40  }
0x486: {  	v48 =	vadd.s32 v21, v34;
	v33 =	vld [tilespmem:s17+$0x40]  }
0x487: {  	v49 =	vadd.s32 v22, v34;
	v36 =	vld [tilespmem:s17+$0x50]  }
0x488: {  	v50 =	vadd.s32 v23, v34;
	v38 =	vld [tilespmem:s17+$0x60]  }
0x489: {  	s14 =	simm.s32 $0x6;
	v34 =	vadd.s32 v24, v34;
	v40 =	vld [tilespmem:s17+$0x70]  }
0x48a: {  	v51 =	vmov s14  }
0x48b: {  	v52 =	vshrl.u32 v51, $0x3;
	[tilespmem:v48+s21+$0x0] =	vst.idx.msk $0xffff, v33  }
0x48c: {  	v33 =	vshll.u32 v52, v1;
	[tilespmem:v49+s21+$0x0] =	vst.idx.msk $0xffff, v36  }
0x48d: {  	v33 =	vbroadcast v33, $0x0;
	[tilespmem:v50+s21+$0x0] =	vst.idx.msk $0xffff, v38  }
0x48e: {  	[tilespmem:v34+s21+$0x0] =	vst.idx.msk $0xffff, v40  }
0x48f: {  	v53 =	vadd.s32 v25, v33;
	v34 =	vld [tilespmem:s17+$0x80]  }
0x490: {  	v54 =	vadd.s32 v26, v33;
	v36 =	vld [tilespmem:s17+$0x90]  }
0x491: {  	v55 =	vadd.s32 v27, v33;
	v38 =	vld [tilespmem:s17+$0xA0]  }
0x492: {  	s22 =	simm.s32 $0x7;
	v33 =	vadd.s32 v28, v33;
	v40 =	vld [tilespmem:s17+$0xB0]  }
0x493: {  	v56 =	vmov s22  }
0x494: {  	v57 =	vshrl.u32 v56, $0x3;
	[tilespmem:v53+s21+$0x0] =	vst.idx.msk $0xffff, v34  }
0x495: {  	v34 =	vshll.u32 v57, v1;
	[tilespmem:v54+s21+$0x0] =	vst.idx.msk $0xffff, v36  }
0x496: {  	v58 =	vbroadcast v34, $0x0;
	[tilespmem:v55+s21+$0x0] =	vst.idx.msk $0xffff, v38  }
0x497: {  	[tilespmem:v33+s21+$0x0] =	vst.idx.msk $0xffff, v40  }
0x498: {  	v59 =	vadd.s32 v29, v58;
	v33 =	vld [tilespmem:s17+$0xC0]  }
0x499: {  	v60 =	vadd.s32 v30, v58;
	v37 =	vld [tilespmem:s17+$0xD0]  }
0x49a: {  	v61 =	vadd.s32 v31, v58;
	v39 =	vld [tilespmem:s17+$0xE0]  }
0x49b: {  	s7 =	simm.s32 $0x8  }
0x49c: {  	v62 =	vmov s7;
	v35 =	vadd.s32 v32, v58;
	v34 =	vld [tilespmem:s17+$0xF0]  }
0x49d: {  	v41 =	vshrl.u32 v62, $0x3;
	[tilespmem:v59+s21+$0x0] =	vst.idx.msk $0xffff, v33  }
0x49e: {  	v63 =	vshll.u32 v41, v1;
	[tilespmem:v60+s21+$0x0] =	vst.idx.msk $0xffff, v37  }
0x49f: {  	s14 =	sshll.u32 s25, $0x2;
	s11 =	simm.s32 $0x10;
	v33 =	vbroadcast v63, $0x0;
	[tilespmem:v61+s21+$0x0] =	vst.idx.msk $0xffff, v39  }
.LBB2_20:
0x4a0: {  	p0 =	slt.u32 s11, $0x78  }
0x4a1: {  	[tilespmem:v35+s21+$0x0] =	vst.idx.msk $0xffff, v34;
	s17 =	sadd.s32 $0x200, s17;
	s12 =	smov.u32 s11;
	s11 =	sadd.s32 $0x8, s11  }
0x4a2: {  	v34 =	vld [tilespmem:s17+$0xFFFFFF00];
	v35 =	vadd.s32 v0, v33  }
0x4a3: {  	v37 =	vadd.s32 v2, v33;
	v36 =	vld [tilespmem:s17+$0xFFFFFF10]  }
0x4a4: {  	v39 =	vadd.s32 v3, v33;
	v38 =	vld [tilespmem:s17+$0xFFFFFF20]  }
0x4a5: {  	s22 =	sadd.s32 $0x1, s7;
	v33 =	vadd.s32 v4, v33;
	v40 =	vld [tilespmem:s17+$0xFFFFFF30]  }
0x4a6: {  	v41 =	vmov s22  }
0x4a7: {  	[tilespmem:v35+s21+$0x0] =	vst.idx.msk $0xffff, v34;
	v34 =	vshrl.u32 v41, $0x3  }
0x4a8: {  	[tilespmem:v37+s21+$0x0] =	vst.idx.msk $0xffff, v36;
	v34 =	vshll.u32 v34, v1  }
0x4a9: {  	[tilespmem:v39+s21+$0x0] =	vst.idx.msk $0xffff, v38;
	v34 =	vbroadcast v34, $0x0  }
0x4aa: {  	[tilespmem:v33+s21+$0x0] =	vst.idx.msk $0xffff, v40  }
0x4ab: {  	v33 =	vld [tilespmem:s17+$0xFFFFFF40];
	v35 =	vadd.s32 v5, v34  }
0x4ac: {  	v37 =	vadd.s32 v6, v34;
	v36 =	vld [tilespmem:s17+$0xFFFFFF50]  }
0x4ad: {  	v39 =	vadd.s32 v7, v34;
	v38 =	vld [tilespmem:s17+$0xFFFFFF60]  }
0x4ae: {  	s22 =	sadd.s32 $0x2, s7;
	v34 =	vadd.s32 v8, v34;
	v40 =	vld [tilespmem:s17+$0xFFFFFF70]  }
0x4af: {  	v41 =	vmov s22  }
0x4b0: {  	[tilespmem:v35+s21+$0x0] =	vst.idx.msk $0xffff, v33;
	v33 =	vshrl.u32 v41, $0x3  }
0x4b1: {  	[tilespmem:v37+s21+$0x0] =	vst.idx.msk $0xffff, v36;
	v33 =	vshll.u32 v33, v1  }
0x4b2: {  	[tilespmem:v39+s21+$0x0] =	vst.idx.msk $0xffff, v38;
	v33 =	vbroadcast v33, $0x0  }
0x4b3: {  	[tilespmem:v34+s21+$0x0] =	vst.idx.msk $0xffff, v40  }
0x4b4: {  	v34 =	vld [tilespmem:s17+$0xFFFFFF80];
	v35 =	vadd.s32 v9, v33  }
0x4b5: {  	v37 =	vadd.s32 v10, v33;
	v36 =	vld [tilespmem:s17+$0xFFFFFF90]  }
0x4b6: {  	v39 =	vadd.s32 v11, v33;
	v38 =	vld [tilespmem:s17+$0xFFFFFFA0]  }
0x4b7: {  	s22 =	sadd.s32 $0x3, s7;
	v33 =	vadd.s32 v12, v33;
	v40 =	vld [tilespmem:s17+$0xFFFFFFB0]  }
0x4b8: {  	v41 =	vmov s22  }
0x4b9: {  	[tilespmem:v35+s21+$0x0] =	vst.idx.msk $0xffff, v34;
	v34 =	vshrl.u32 v41, $0x3  }
0x4ba: {  	[tilespmem:v37+s21+$0x0] =	vst.idx.msk $0xffff, v36;
	v34 =	vshll.u32 v34, v1  }
0x4bb: {  	[tilespmem:v39+s21+$0x0] =	vst.idx.msk $0xffff, v38;
	v34 =	vbroadcast v34, $0x0  }
0x4bc: {  	[tilespmem:v33+s21+$0x0] =	vst.idx.msk $0xffff, v40  }
0x4bd: {  	v33 =	vld [tilespmem:s17+$0xFFFFFFC0];
	v35 =	vadd.s32 v13, v34  }
0x4be: {  	v37 =	vadd.s32 v14, v34;
	v36 =	vld [tilespmem:s17+$0xFFFFFFD0]  }
0x4bf: {  	v39 =	vadd.s32 v15, v34;
	v38 =	vld [tilespmem:s17+$0xFFFFFFE0]  }
0x4c0: {  	s22 =	sadd.s32 $0x4, s7;
	v34 =	vadd.s32 v16, v34;
	v40 =	vld [tilespmem:s17+$0xFFFFFFF0]  }
0x4c1: {  	v41 =	vmov s22  }
0x4c2: {  	[tilespmem:v35+s21+$0x0] =	vst.idx.msk $0xffff, v33;
	v33 =	vshrl.u32 v41, $0x3  }
0x4c3: {  	[tilespmem:v37+s21+$0x0] =	vst.idx.msk $0xffff, v36;
	v33 =	vshll.u32 v33, v1  }
0x4c4: {  	[tilespmem:v39+s21+$0x0] =	vst.idx.msk $0xffff, v38;
	v33 =	vbroadcast v33, $0x0  }
0x4c5: {  	[tilespmem:v34+s21+$0x0] =	vst.idx.msk $0xffff, v40  }
0x4c6: {  	v34 =	vld [tilespmem:s17+$0x0];
	v35 =	vadd.s32 v17, v33  }
0x4c7: {  	v37 =	vadd.s32 v18, v33;
	v36 =	vld [tilespmem:s17+$0x10]  }
0x4c8: {  	v39 =	vadd.s32 v19, v33;
	v38 =	vld [tilespmem:s17+$0x20]  }
0x4c9: {  	s22 =	sadd.s32 $0x5, s7;
	v33 =	vadd.s32 v20, v33;
	v40 =	vld [tilespmem:s17+$0x30]  }
0x4ca: {  	v41 =	vmov s22  }
0x4cb: {  	[tilespmem:v35+s21+$0x0] =	vst.idx.msk $0xffff, v34;
	v34 =	vshrl.u32 v41, $0x3  }
0x4cc: {  	[tilespmem:v37+s21+$0x0] =	vst.idx.msk $0xffff, v36;
	v34 =	vshll.u32 v34, v1  }
0x4cd: {  	[tilespmem:v39+s21+$0x0] =	vst.idx.msk $0xffff, v38;
	v34 =	vbroadcast v34, $0x0  }
0x4ce: {  	[tilespmem:v33+s21+$0x0] =	vst.idx.msk $0xffff, v40  }
0x4cf: {  	v33 =	vld [tilespmem:s17+$0x40];
	v35 =	vadd.s32 v21, v34  }
0x4d0: {  	v37 =	vadd.s32 v22, v34;
	v36 =	vld [tilespmem:s17+$0x50]  }
0x4d1: {  	v39 =	vadd.s32 v23, v34;
	v38 =	vld [tilespmem:s17+$0x60]  }
0x4d2: {  	s22 =	sadd.s32 $0x6, s7;
	v34 =	vadd.s32 v24, v34;
	v40 =	vld [tilespmem:s17+$0x70]  }
0x4d3: {  	v41 =	vmov s22  }
0x4d4: {  	[tilespmem:v35+s21+$0x0] =	vst.idx.msk $0xffff, v33;
	v33 =	vshrl.u32 v41, $0x3  }
0x4d5: {  	[tilespmem:v37+s21+$0x0] =	vst.idx.msk $0xffff, v36;
	v33 =	vshll.u32 v33, v1  }
0x4d6: {  	[tilespmem:v39+s21+$0x0] =	vst.idx.msk $0xffff, v38;
	v33 =	vbroadcast v33, $0x0  }
0x4d7: {  	[tilespmem:v34+s21+$0x0] =	vst.idx.msk $0xffff, v40  }
0x4d8: {  	v34 =	vld [tilespmem:s17+$0x80];
	v35 =	vadd.s32 v25, v33  }
0x4d9: {  	v37 =	vadd.s32 v26, v33;
	v36 =	vld [tilespmem:s17+$0x90]  }
0x4da: {  	v39 =	vadd.s32 v27, v33;
	v38 =	vld [tilespmem:s17+$0xA0]  }
0x4db: {  	s22 =	sadd.s32 $0x7, s7;
	s7 =	smov.u32 s12;
	v33 =	vadd.s32 v28, v33;
	v40 =	vld [tilespmem:s17+$0xB0]  }
0x4dc: {  	v41 =	vmov s22  }
0x4dd: {  	[tilespmem:v35+s21+$0x0] =	vst.idx.msk $0xffff, v34;
	v34 =	vshrl.u32 v41, $0x3  }
0x4de: {  	[tilespmem:v37+s21+$0x0] =	vst.idx.msk $0xffff, v36;
	v34 =	vshll.u32 v34, v1  }
0x4df: {  	[tilespmem:v39+s21+$0x0] =	vst.idx.msk $0xffff, v38;
	v35 =	vbroadcast v34, $0x0  }
0x4e0: {  	[tilespmem:v33+s21+$0x0] =	vst.idx.msk $0xffff, v40  }
0x4e1: {  	v33 =	vld [tilespmem:s17+$0xC0];
	v36 =	vadd.s32 v29, v35  }
0x4e2: {  	v38 =	vadd.s32 v30, v35;
	v37 =	vld [tilespmem:s17+$0xD0]  }
0x4e3: {  	v40 =	vadd.s32 v31, v35;
	v39 =	vld [tilespmem:s17+$0xE0]  }
.Ltmp8:
0x4e4: {  	v35 =	vadd.s32 v32, v35;
	v34 =	vld [tilespmem:s17+$0xF0];
	(pc) =	sbr.rel @p0 .LBB2_20-.Ltmp8, $4  }
0x4e5: {  	v41 =	vmov s7  }
0x4e6: {  	v41 =	vshrl.u32 v41, $0x3;
	[tilespmem:v36+s21+$0x0] =	vst.idx.msk $0xffff, v33  }
0x4e7: {  	v33 =	vshll.u32 v41, v1;
	[tilespmem:v38+s21+$0x0] =	vst.idx.msk $0xffff, v37  }
0x4e8: {  	v33 =	vbroadcast v33, $0x0;
	[tilespmem:v40+s21+$0x0] =	vst.idx.msk $0xffff, v39  }
0x4e9: {  	_ =	sdelay $0x3  }
0x4ea: {  	[tilespmem:v35+s21+$0x0] =	vst.idx.msk $0xffff, v34;
	s11 =	sadd.s32 $0x200, s17  }
0x4eb: {  	v34 =	vld [tilespmem:s11+$0xFFFFFF00];
	v48 =	vadd.s32 v0, v33  }
0x4ec: {  	v36 =	vld [tilespmem:s11+$0xFFFFFF10];
	v37 =	vadd.s32 v2, v33  }
0x4ed: {  	v38 =	vld [tilespmem:s11+$0xFFFFFF20];
	v39 =	vadd.s32 v3, v33  }
0x4ee: {  	s12 =	sadd.s32 $0x1, s7;
	v40 =	vld [tilespmem:s11+$0xFFFFFF30];
	v49 =	vadd.s32 v4, v33  }
0x4ef: {  	v41 =	vmov s12  }
0x4f0: {  	v50 =	vshrl.u32 v41, $0x3;
	[tilespmem:v48+s21+$0x0] =	vst.idx.msk $0xffff, v34  }
0x4f1: {  	v34 =	vshll.u32 v50, v1;
	[tilespmem:v37+s21+$0x0] =	vst.idx.msk $0xffff, v36  }
0x4f2: {  	v34 =	vbroadcast v34, $0x0;
	[tilespmem:v39+s21+$0x0] =	vst.idx.msk $0xffff, v38  }
0x4f3: {  	[tilespmem:v49+s21+$0x0] =	vst.idx.msk $0xffff, v40  }
0x4f4: {  	v51 =	vadd.s32 v5, v34;
	v33 =	vld [tilespmem:s11+$0xFFFFFF40]  }
0x4f5: {  	v52 =	vadd.s32 v6, v34;
	v36 =	vld [tilespmem:s11+$0xFFFFFF50]  }
0x4f6: {  	v53 =	vadd.s32 v7, v34;
	v38 =	vld [tilespmem:s11+$0xFFFFFF60]  }
0x4f7: {  	s8 =	sadd.s32 $0x2, s7;
	v34 =	vadd.s32 v8, v34;
	v40 =	vld [tilespmem:s11+$0xFFFFFF70]  }
0x4f8: {  	v54 =	vmov s8  }
0x4f9: {  	v55 =	vshrl.u32 v54, $0x3;
	[tilespmem:v51+s21+$0x0] =	vst.idx.msk $0xffff, v33  }
0x4fa: {  	v33 =	vshll.u32 v55, v1;
	[tilespmem:v52+s21+$0x0] =	vst.idx.msk $0xffff, v36  }
0x4fb: {  	v33 =	vbroadcast v33, $0x0;
	[tilespmem:v53+s21+$0x0] =	vst.idx.msk $0xffff, v38  }
0x4fc: {  	[tilespmem:v34+s21+$0x0] =	vst.idx.msk $0xffff, v40  }
0x4fd: {  	v56 =	vadd.s32 v9, v33;
	v34 =	vld [tilespmem:s11+$0xFFFFFF80]  }
0x4fe: {  	v57 =	vadd.s32 v10, v33;
	v36 =	vld [tilespmem:s11+$0xFFFFFF90]  }
0x4ff: {  	v58 =	vadd.s32 v11, v33;
	v38 =	vld [tilespmem:s11+$0xFFFFFFA0]  }
0x500: {  	s9 =	sadd.s32 $0x3, s7;
	v33 =	vadd.s32 v12, v33;
	v40 =	vld [tilespmem:s11+$0xFFFFFFB0]  }
0x501: {  	v59 =	vmov s9  }
0x502: {  	v60 =	vshrl.u32 v59, $0x3;
	[tilespmem:v56+s21+$0x0] =	vst.idx.msk $0xffff, v34  }
0x503: {  	v34 =	vshll.u32 v60, v1;
	[tilespmem:v57+s21+$0x0] =	vst.idx.msk $0xffff, v36  }
0x504: {  	v34 =	vbroadcast v34, $0x0;
	[tilespmem:v58+s21+$0x0] =	vst.idx.msk $0xffff, v38  }
0x505: {  	[tilespmem:v33+s21+$0x0] =	vst.idx.msk $0xffff, v40  }
0x506: {  	v61 =	vadd.s32 v13, v34;
	v33 =	vld [tilespmem:s11+$0xFFFFFFC0]  }
0x507: {  	v62 =	vadd.s32 v14, v34;
	v36 =	vld [tilespmem:s11+$0xFFFFFFD0]  }
0x508: {  	v63 =	vadd.s32 v15, v34;
	v38 =	vld [tilespmem:s11+$0xFFFFFFE0]  }
0x509: {  	s17 =	sadd.s32 $0x4, s7;
	v34 =	vadd.s32 v16, v34;
	v40 =	vld [tilespmem:s11+$0xFFFFFFF0]  }
0x50a: {  	v44 =	vmov s17  }
0x50b: {  	v45 =	vshrl.u32 v44, $0x3;
	[tilespmem:v61+s21+$0x0] =	vst.idx.msk $0xffff, v33  }
0x50c: {  	v33 =	vshll.u32 v45, v1;
	[tilespmem:v62+s21+$0x0] =	vst.idx.msk $0xffff, v36  }
0x50d: {  	v33 =	vbroadcast v33, $0x0;
	[tilespmem:v63+s21+$0x0] =	vst.idx.msk $0xffff, v38  }
0x50e: {  	[tilespmem:v34+s21+$0x0] =	vst.idx.msk $0xffff, v40  }
0x50f: {  	v46 =	vadd.s32 v17, v33;
	v34 =	vld [tilespmem:s11+$0x0]  }
0x510: {  	v47 =	vadd.s32 v18, v33;
	v36 =	vld [tilespmem:s11+$0x10]  }
0x511: {  	v48 =	vadd.s32 v19, v33;
	v38 =	vld [tilespmem:s11+$0x20]  }
0x512: {  	s22 =	sadd.s32 $0x5, s7;
	v33 =	vadd.s32 v20, v33;
	v40 =	vld [tilespmem:s11+$0x30]  }
0x513: {  	v49 =	vmov s22  }
0x514: {  	v50 =	vshrl.u32 v49, $0x3;
	[tilespmem:v46+s21+$0x0] =	vst.idx.msk $0xffff, v34  }
0x515: {  	v34 =	vshll.u32 v50, v1;
	[tilespmem:v47+s21+$0x0] =	vst.idx.msk $0xffff, v36  }
0x516: {  	v34 =	vbroadcast v34, $0x0;
	[tilespmem:v48+s21+$0x0] =	vst.idx.msk $0xffff, v38  }
0x517: {  	[tilespmem:v33+s21+$0x0] =	vst.idx.msk $0xffff, v40  }
0x518: {  	v51 =	vadd.s32 v21, v34;
	v33 =	vld [tilespmem:s11+$0x40]  }
0x519: {  	v52 =	vadd.s32 v22, v34;
	v36 =	vld [tilespmem:s11+$0x50]  }
0x51a: {  	v53 =	vadd.s32 v23, v34;
	v38 =	vld [tilespmem:s11+$0x60]  }
0x51b: {  	s8 =	sadd.s32 $0x6, s7;
	v34 =	vadd.s32 v24, v34;
	v40 =	vld [tilespmem:s11+$0x70]  }
0x51c: {  	v54 =	vmov s8  }
0x51d: {  	v55 =	vshrl.u32 v54, $0x3;
	[tilespmem:v51+s21+$0x0] =	vst.idx.msk $0xffff, v33  }
0x51e: {  	v33 =	vshll.u32 v55, v1;
	[tilespmem:v52+s21+$0x0] =	vst.idx.msk $0xffff, v36  }
0x51f: {  	v33 =	vbroadcast v33, $0x0;
	[tilespmem:v53+s21+$0x0] =	vst.idx.msk $0xffff, v38  }
0x520: {  	[tilespmem:v34+s21+$0x0] =	vst.idx.msk $0xffff, v40  }
0x521: {  	v56 =	vadd.s32 v25, v33;
	v34 =	vld [tilespmem:s11+$0x80]  }
0x522: {  	v57 =	vadd.s32 v26, v33;
	v36 =	vld [tilespmem:s11+$0x90]  }
0x523: {  	v58 =	vadd.s32 v27, v33;
	v38 =	vld [tilespmem:s11+$0xA0]  }
0x524: {  	s9 =	sadd.s32 $0x7, s7;
	v33 =	vadd.s32 v28, v33;
	v40 =	vld [tilespmem:s11+$0xB0]  }
0x525: {  	v59 =	vmov s9  }
0x526: {  	v60 =	vshrl.u32 v59, $0x3;
	[tilespmem:v56+s21+$0x0] =	vst.idx.msk $0xffff, v34  }
0x527: {  	v34 =	vshll.u32 v60, v1;
	[tilespmem:v57+s21+$0x0] =	vst.idx.msk $0xffff, v36  }
0x528: {  	v34 =	vbroadcast v34, $0x0;
	[tilespmem:v58+s21+$0x0] =	vst.idx.msk $0xffff, v38  }
0x529: {  	[tilespmem:v33+s21+$0x0] =	vst.idx.msk $0xffff, v40  }
0x52a: {  	v61 =	vadd.s32 v29, v34;
	v33 =	vld [tilespmem:s11+$0xC0]  }
0x52b: {  	v62 =	vadd.s32 v30, v34;
	v36 =	vld [tilespmem:s11+$0xD0]  }
0x52c: {  	v63 =	vadd.s32 v31, v34;
	v38 =	vld [tilespmem:s11+$0xE0]  }
0x52d: {  	v34 =	vadd.s32 v32, v34;
	v40 =	vld [tilespmem:s11+$0xF0]  }
0x52e: {  	s12 =	sadd.s32 s6, s14  }
0x52f: {  	s17 =	sshll.u32 s12, $0x7;
	[tilespmem:v61+s21+$0x0] =	vst.idx.msk $0xffff, v33  }
0x530: {  	s7 =	sshll.u32 s12, $0xA;
	s11 =	sand.u32 $0xE00, s17;
	[tilespmem:v62+s21+$0x0] =	vst.idx.msk $0xffff, v36  }
0x531: {  	s7 =	sand.u32 $0xFFF8000, s7;
	s11 =	sadd.s32 s2, s11;
	[tilespmem:v63+s21+$0x0] =	vst.idx.msk $0xffff, v38  }
0x532: {  	s22 =	simm.s32 $0xE400;
	s11 =	sadd.s32 s7, s11;
	[tilespmem:v34+s21+$0x0] =	vst.idx.msk $0xffff, v40  }
0x533: {  	[hbm4b:s11+s3] =	stream.linear.scatter [tilespmem:s22], [sflag:$0x5], $0x80, $0x38;
	[tilespmem:$0x16C00] =	vst v63  }
0x534: {  	s8 =	simm.s32 $0xE488;
	s9 =	sadd.s32 $0x10, s11  }
0x535: {  	[hbm4b:s9+s3] =	stream.linear.scatter [tilespmem:s8], [sflag:$0x5], $0x80, $0x38;
	[tilespmem:$0x16C00] =	vst v63  }
0x536: {  	s17 =	simm.s32 $0xE510;
	s22 =	sadd.s32 $0x20, s11  }
0x537: {  	[hbm4b:s22+s3] =	stream.linear.scatter [tilespmem:s17], [sflag:$0x5], $0x80, $0x38;
	[tilespmem:$0x16C00] =	vst v63  }
0x538: {  	s8 =	simm.s32 $0xE598;
	s9 =	sadd.s32 $0x30, s11  }
0x539: {  	[hbm4b:s9+s3] =	stream.linear.scatter [tilespmem:s8], [sflag:$0x5], $0x80, $0x38;
	[tilespmem:$0x16C00] =	vst v63  }
0x53a: {  	s17 =	simm.s32 $0xE620;
	s22 =	sadd.s32 $0x40, s11  }
0x53b: {  	[hbm4b:s22+s3] =	stream.linear.scatter [tilespmem:s17], [sflag:$0x5], $0x80, $0x38;
	[tilespmem:$0x16C00] =	vst v63  }
0x53c: {  	s12 =	simm.s32 $0x2200;
	s8 =	simm.s32 $0xE6A8;
	s9 =	sadd.s32 $0x50, s11  }
0x53d: {  	[hbm4b:s9+s3] =	stream.linear.scatter [tilespmem:s8], [sflag:$0x5], $0x80, $0x38;
	[tilespmem:$0x16C00] =	vst v63  }
0x53e: {  	s7 =	simm.s32 $0x440;
	s17 =	simm.s32 $0xE730;
	s22 =	sadd.s32 $0x60, s11  }
0x53f: {  	[hbm4b:s22+s3] =	stream.linear.scatter [tilespmem:s17], [sflag:$0x5], $0x80, $0x38;
	[tilespmem:$0x16C00] =	vst v63  }
0x540: {  	s17 =	simm.s32 $0xE7B8;
	s22 =	sadd.s32 $0x70, s11;
	s11 =	sadd.s32 $0x1000, s11  }
.LBB2_22:
0x541: {  	[hbm4b:s22+s3] =	stream.linear.scatter [tilespmem:s17], [sflag:$0x5], $0x80, $0x38;
	[tilespmem:$0x16C00] =	vst v63  }
0x542: {  	s17 =	smov.u32 s7;
	s7 =	smov.u32 s12  }
0x543: {  	s8 =	sadd.s32 $0x1100, s12;
	s7 =	sshra.s32 s7, $0x2;
	s22 =	sadd.s32 $0xE400, s17  }
0x544: {  	[hbm4b:s11+s3] =	stream.linear.scatter [tilespmem:s22], [sflag:$0x5], $0x80, $0x38;
	[tilespmem:$0x16C00] =	vst v63  }
0x545: {  	p0 =	sne.s32 s12, $0x7700;
	s12 =	sadd.s32 $0xE488, s17;
	s22 =	sadd.s32 $0x10, s11  }
0x546: {  	[hbm4b:s22+s3] =	stream.linear.scatter [tilespmem:s12], [sflag:$0x5], $0x80, $0x38;
	[tilespmem:$0x16C00] =	vst v63  }
0x547: {  	s12 =	sadd.s32 $0xE510, s17;
	s22 =	sadd.s32 $0x20, s11  }
0x548: {  	[hbm4b:s22+s3] =	stream.linear.scatter [tilespmem:s12], [sflag:$0x5], $0x80, $0x38;
	[tilespmem:$0x16C00] =	vst v63  }
0x549: {  	s12 =	sadd.s32 $0xE598, s17;
	s22 =	sadd.s32 $0x30, s11  }
0x54a: {  	[hbm4b:s22+s3] =	stream.linear.scatter [tilespmem:s12], [sflag:$0x5], $0x80, $0x38;
	[tilespmem:$0x16C00] =	vst v63  }
0x54b: {  	s12 =	sadd.s32 $0xE620, s17;
	s22 =	sadd.s32 $0x40, s11  }
0x54c: {  	[hbm4b:s22+s3] =	stream.linear.scatter [tilespmem:s12], [sflag:$0x5], $0x80, $0x38;
	[tilespmem:$0x16C00] =	vst v63  }
.Ltmp9:
0x54d: {  	s12 =	sadd.s32 $0xE6A8, s17;
	s22 =	sadd.s32 $0x50, s11;
	(pc) =	sbr.rel @p0 .LBB2_22-.Ltmp9, $4  }
0x54e: {  	[hbm4b:s22+s3] =	stream.linear.scatter [tilespmem:s12], [sflag:$0x5], $0x80, $0x38;
	[tilespmem:$0x16C00] =	vst v63  }
0x54f: {  	s12 =	sadd.s32 $0xE730, s17;
	s22 =	sadd.s32 $0x60, s11;
	s17 =	sadd.s32 $0xE7B8, s17  }
0x550: {  	[hbm4b:s22+s3] =	stream.linear.scatter [tilespmem:s12], [sflag:$0x5], $0x80, $0x38;
	[tilespmem:$0x16C00] =	vst v63  }
0x551: {  	s22 =	sadd.s32 $0x70, s11;
	s11 =	sadd.s32 $0x1000, s11;
	s12 =	smov.u32 s8  }
0x552: {  	[hbm4b:s22+s3] =	stream.linear.scatter [tilespmem:s17], [sflag:$0x5], $0x80, $0x38;
	[tilespmem:$0x16C00] =	vst v63  }
0x553: {  	s8 =	sadd.s32 $0xE400, s7  }
0x554: {  	[hbm4b:s11+s3] =	stream.linear.scatter [tilespmem:s8], [sflag:$0x5], $0x80, $0x38;
	[tilespmem:$0x16C00] =	vst v63  }
0x555: {  	s17 =	sadd.s32 $0xE488, s7;
	s12 =	sadd.s32 $0x10, s11  }
0x556: {  	[hbm4b:s12+s3] =	stream.linear.scatter [tilespmem:s17], [sflag:$0x5], $0x80, $0x38;
	[tilespmem:$0x16C00] =	vst v63  }
0x557: {  	s22 =	sadd.s32 $0xE510, s7;
	s9 =	sadd.s32 $0x20, s11  }
0x558: {  	[hbm4b:s9+s3] =	stream.linear.scatter [tilespmem:s22], [sflag:$0x5], $0x80, $0x38;
	[tilespmem:$0x16C00] =	vst v63  }
0x559: {  	s12 =	sadd.s32 $0xE598, s7;
	s17 =	sadd.s32 $0x30, s11  }
0x55a: {  	[hbm4b:s17+s3] =	stream.linear.scatter [tilespmem:s12], [sflag:$0x5], $0x80, $0x38;
	[tilespmem:$0x16C00] =	vst v63  }
0x55b: {  	s22 =	sadd.s32 $0xE620, s7;
	s9 =	sadd.s32 $0x40, s11  }
0x55c: {  	[hbm4b:s9+s3] =	stream.linear.scatter [tilespmem:s22], [sflag:$0x5], $0x80, $0x38;
	[tilespmem:$0x16C00] =	vst v63  }
0x55d: {  	s12 =	sadd.s32 $0xE6A8, s7;
	s17 =	sadd.s32 $0x50, s11  }
0x55e: {  	[hbm4b:s17+s3] =	stream.linear.scatter [tilespmem:s12], [sflag:$0x5], $0x80, $0x38;
	[tilespmem:$0x16C00] =	vst v63  }
0x55f: {  	s22 =	sadd.s32 $0xE730, s7;
	s9 =	sadd.s32 $0x60, s11  }
0x560: {  	[hbm4b:s9+s3] =	stream.linear.scatter [tilespmem:s22], [sflag:$0x5], $0x80, $0x38;
	[tilespmem:$0x16C00] =	vst v63  }
0x561: {  	p0 =	seq.s32 s15, $0x30;
	s17 =	sadd.s32 $0xE7B8, s7;
	s22 =	sadd.s32 $0x70, s11  }
0x562: {  	[hbm4b:s22+s3] =	stream.linear.scatter [tilespmem:s17], [sflag:$0x5], $0x80, $0x38;
	[tilespmem:$0x16C00] =	vst v63  }
0x563: {  	s7 =	sshll.u32 @!p0 s25, $0x9;
	s12 =	simm.s32 @!p0 $0x6400;
	_ =	swait.ge [sflag:s0], $0x2000  }
0x564: {  	s15 =	sand.u32 @!p0 $0x3FFFFE00, s7;
	s9 =	simm.s32 $0x0;
	[sflag:s0] =	ssyncset.done $0x0  }
0x565: {  	s8 =	sadd.s32 @!p0 $0x200, s15;
	s11 =	simm.s32 @!p0 $0x80;
	v33 =	vmov s9;
	[sflag:s0] =	ssyncadd.s32 $0xFFFFE000  }
0x566: {  	v33 =	vshrl.u32 v33, $0x3;
	[tilespmem:s12], [sflag:$0x1] =	stream.indirect.gather @!p0 [hbm4b:s4+s11], $0x40, s8, s11, $0xb8;
	[tilespmem:$0x16C00] =	vst v63  }
0x567: {  	v33 =	vshll.u32 v33, v1;
	_ =	swait.ge [sflag:s23], $0x2000  }
0x568: {  	v33 =	vbroadcast v33, $0x0;
	[sflag:s23] =	ssyncset.done $0x0  }
0x569: {  	s17 =	simm.s32 $0x8500;
	[sflag:s23] =	ssyncadd.s32 $0xFFFFE000  }
0x56a: {  	v35 =	vadd.s32 v0, v33;
	v34 =	vld [tilespmem:s17+$0xFFFFFF00]  }
0x56b: {  	v37 =	vadd.s32 v2, v33;
	v36 =	vld [tilespmem:s17+$0xFFFFFF10]  }
0x56c: {  	v39 =	vadd.s32 v3, v33;
	v38 =	vld [tilespmem:s17+$0xFFFFFF20]  }
0x56d: {  	v33 =	vadd.s32 v4, v33;
	s12 =	simm.s32 $0x1;
	v40 =	vld [tilespmem:s17+$0xFFFFFF30]  }
0x56e: {  	v41 =	vmov s12  }
0x56f: {  	v47 =	vshrl.u32 v41, $0x3;
	[tilespmem:v35+s24+$0x0] =	vst.idx.msk $0xffff, v34  }
0x570: {  	v34 =	vshll.u32 v47, v1;
	[tilespmem:v37+s24+$0x0] =	vst.idx.msk $0xffff, v36  }
0x571: {  	v34 =	vbroadcast v34, $0x0;
	[tilespmem:v39+s24+$0x0] =	vst.idx.msk $0xffff, v38  }
0x572: {  	[tilespmem:v33+s24+$0x0] =	vst.idx.msk $0xffff, v40  }
0x573: {  	v48 =	vadd.s32 v5, v34;
	v33 =	vld [tilespmem:s17+$0xFFFFFF40]  }
0x574: {  	v49 =	vadd.s32 v6, v34;
	v36 =	vld [tilespmem:s17+$0xFFFFFF50]  }
0x575: {  	v50 =	vadd.s32 v7, v34;
	v38 =	vld [tilespmem:s17+$0xFFFFFF60]  }
0x576: {  	s22 =	simm.s32 $0x2;
	v34 =	vadd.s32 v8, v34;
	v40 =	vld [tilespmem:s17+$0xFFFFFF70]  }
0x577: {  	v51 =	vmov s22  }
0x578: {  	v52 =	vshrl.u32 v51, $0x3;
	[tilespmem:v48+s24+$0x0] =	vst.idx.msk $0xffff, v33  }
0x579: {  	v33 =	vshll.u32 v52, v1;
	[tilespmem:v49+s24+$0x0] =	vst.idx.msk $0xffff, v36  }
0x57a: {  	v33 =	vbroadcast v33, $0x0;
	[tilespmem:v50+s24+$0x0] =	vst.idx.msk $0xffff, v38  }
0x57b: {  	[tilespmem:v34+s24+$0x0] =	vst.idx.msk $0xffff, v40  }
0x57c: {  	v53 =	vadd.s32 v9, v33;
	v34 =	vld [tilespmem:s17+$0xFFFFFF80]  }
0x57d: {  	v54 =	vadd.s32 v10, v33;
	v36 =	vld [tilespmem:s17+$0xFFFFFF90]  }
0x57e: {  	v55 =	vadd.s32 v11, v33;
	v38 =	vld [tilespmem:s17+$0xFFFFFFA0]  }
0x57f: {  	s8 =	simm.s32 $0x3;
	v33 =	vadd.s32 v12, v33;
	v40 =	vld [tilespmem:s17+$0xFFFFFFB0]  }
0x580: {  	v56 =	vmov s8  }
0x581: {  	v57 =	vshrl.u32 v56, $0x3;
	[tilespmem:v53+s24+$0x0] =	vst.idx.msk $0xffff, v34  }
0x582: {  	v34 =	vshll.u32 v57, v1;
	[tilespmem:v54+s24+$0x0] =	vst.idx.msk $0xffff, v36  }
0x583: {  	v34 =	vbroadcast v34, $0x0;
	[tilespmem:v55+s24+$0x0] =	vst.idx.msk $0xffff, v38  }
0x584: {  	[tilespmem:v33+s24+$0x0] =	vst.idx.msk $0xffff, v40  }
0x585: {  	v58 =	vadd.s32 v13, v34;
	v33 =	vld [tilespmem:s17+$0xFFFFFFC0]  }
0x586: {  	v59 =	vadd.s32 v14, v34;
	v36 =	vld [tilespmem:s17+$0xFFFFFFD0]  }
0x587: {  	v60 =	vadd.s32 v15, v34;
	v38 =	vld [tilespmem:s17+$0xFFFFFFE0]  }
0x588: {  	s9 =	simm.s32 $0x4;
	v34 =	vadd.s32 v16, v34;
	v40 =	vld [tilespmem:s17+$0xFFFFFFF0]  }
0x589: {  	v61 =	vmov s9  }
0x58a: {  	v62 =	vshrl.u32 v61, $0x3;
	[tilespmem:v58+s24+$0x0] =	vst.idx.msk $0xffff, v33  }
0x58b: {  	v33 =	vshll.u32 v62, v1;
	[tilespmem:v59+s24+$0x0] =	vst.idx.msk $0xffff, v36  }
0x58c: {  	v33 =	vbroadcast v33, $0x0;
	[tilespmem:v60+s24+$0x0] =	vst.idx.msk $0xffff, v38  }
0x58d: {  	[tilespmem:v34+s24+$0x0] =	vst.idx.msk $0xffff, v40  }
0x58e: {  	v63 =	vadd.s32 v17, v33;
	v34 =	vld [tilespmem:s17+$0x0]  }
0x58f: {  	v44 =	vadd.s32 v18, v33;
	v36 =	vld [tilespmem:s17+$0x10]  }
0x590: {  	v45 =	vadd.s32 v19, v33;
	v38 =	vld [tilespmem:s17+$0x20]  }
0x591: {  	s11 =	simm.s32 $0x5;
	v33 =	vadd.s32 v20, v33;
	v40 =	vld [tilespmem:s17+$0x30]  }
0x592: {  	v46 =	vmov s11  }
0x593: {  	v47 =	vshrl.u32 v46, $0x3;
	[tilespmem:v63+s24+$0x0] =	vst.idx.msk $0xffff, v34  }
0x594: {  	v34 =	vshll.u32 v47, v1;
	[tilespmem:v44+s24+$0x0] =	vst.idx.msk $0xffff, v36  }
0x595: {  	v34 =	vbroadcast v34, $0x0;
	[tilespmem:v45+s24+$0x0] =	vst.idx.msk $0xffff, v38  }
0x596: {  	[tilespmem:v33+s24+$0x0] =	vst.idx.msk $0xffff, v40  }
0x597: {  	v48 =	vadd.s32 v21, v34;
	v33 =	vld [tilespmem:s17+$0x40]  }
0x598: {  	v49 =	vadd.s32 v22, v34;
	v36 =	vld [tilespmem:s17+$0x50]  }
0x599: {  	v50 =	vadd.s32 v23, v34;
	v38 =	vld [tilespmem:s17+$0x60]  }
0x59a: {  	s12 =	simm.s32 $0x6;
	v34 =	vadd.s32 v24, v34;
	v40 =	vld [tilespmem:s17+$0x70]  }
0x59b: {  	v51 =	vmov s12  }
0x59c: {  	v52 =	vshrl.u32 v51, $0x3;
	[tilespmem:v48+s24+$0x0] =	vst.idx.msk $0xffff, v33  }
0x59d: {  	v33 =	vshll.u32 v52, v1;
	[tilespmem:v49+s24+$0x0] =	vst.idx.msk $0xffff, v36  }
0x59e: {  	v33 =	vbroadcast v33, $0x0;
	[tilespmem:v50+s24+$0x0] =	vst.idx.msk $0xffff, v38  }
0x59f: {  	[tilespmem:v34+s24+$0x0] =	vst.idx.msk $0xffff, v40  }
0x5a0: {  	v53 =	vadd.s32 v25, v33;
	v34 =	vld [tilespmem:s17+$0x80]  }
0x5a1: {  	v54 =	vadd.s32 v26, v33;
	v36 =	vld [tilespmem:s17+$0x90]  }
0x5a2: {  	v55 =	vadd.s32 v27, v33;
	v38 =	vld [tilespmem:s17+$0xA0]  }
0x5a3: {  	s22 =	simm.s32 $0x7;
	v33 =	vadd.s32 v28, v33;
	v40 =	vld [tilespmem:s17+$0xB0]  }
0x5a4: {  	v56 =	vmov s22  }
0x5a5: {  	v57 =	vshrl.u32 v56, $0x3;
	[tilespmem:v53+s24+$0x0] =	vst.idx.msk $0xffff, v34  }
0x5a6: {  	v34 =	vshll.u32 v57, v1;
	[tilespmem:v54+s24+$0x0] =	vst.idx.msk $0xffff, v36  }
0x5a7: {  	v58 =	vbroadcast v34, $0x0;
	[tilespmem:v55+s24+$0x0] =	vst.idx.msk $0xffff, v38  }
0x5a8: {  	[tilespmem:v33+s24+$0x0] =	vst.idx.msk $0xffff, v40  }
0x5a9: {  	v59 =	vadd.s32 v29, v58;
	v33 =	vld [tilespmem:s17+$0xC0]  }
0x5aa: {  	v60 =	vadd.s32 v30, v58;
	v37 =	vld [tilespmem:s17+$0xD0]  }
0x5ab: {  	v61 =	vadd.s32 v31, v58;
	v39 =	vld [tilespmem:s17+$0xE0]  }
0x5ac: {  	s11 =	simm.s32 $0x8  }
0x5ad: {  	v62 =	vmov s11;
	v35 =	vadd.s32 v32, v58;
	v34 =	vld [tilespmem:s17+$0xF0]  }
0x5ae: {  	v41 =	vshrl.u32 v62, $0x3;
	[tilespmem:v59+s24+$0x0] =	vst.idx.msk $0xffff, v33  }
0x5af: {  	v63 =	vshll.u32 v41, v1;
	[tilespmem:v60+s24+$0x0] =	vst.idx.msk $0xffff, v37  }
0x5b0: {  	s7 =	sor.u32 $0x1, s14;
	s12 =	simm.s32 $0x10;
	v33 =	vbroadcast v63, $0x0;
	[tilespmem:v61+s24+$0x0] =	vst.idx.msk $0xffff, v39  }
.LBB2_24:
0x5b1: {  	p1 =	slt.u32 s12, $0x78  }
0x5b2: {  	[tilespmem:v35+s24+$0x0] =	vst.idx.msk $0xffff, v34;
	s17 =	sadd.s32 $0x200, s17;
	s22 =	smov.u32 s12;
	s12 =	sadd.s32 $0x8, s12  }
0x5b3: {  	v34 =	vld [tilespmem:s17+$0xFFFFFF00];
	v35 =	vadd.s32 v0, v33  }
0x5b4: {  	v37 =	vadd.s32 v2, v33;
	v36 =	vld [tilespmem:s17+$0xFFFFFF10]  }
0x5b5: {  	v39 =	vadd.s32 v3, v33;
	v38 =	vld [tilespmem:s17+$0xFFFFFF20]  }
0x5b6: {  	s8 =	sadd.s32 $0x1, s11;
	v33 =	vadd.s32 v4, v33;
	v40 =	vld [tilespmem:s17+$0xFFFFFF30]  }
0x5b7: {  	v41 =	vmov s8  }
0x5b8: {  	[tilespmem:v35+s24+$0x0] =	vst.idx.msk $0xffff, v34;
	v34 =	vshrl.u32 v41, $0x3  }
0x5b9: {  	[tilespmem:v37+s24+$0x0] =	vst.idx.msk $0xffff, v36;
	v34 =	vshll.u32 v34, v1  }
0x5ba: {  	[tilespmem:v39+s24+$0x0] =	vst.idx.msk $0xffff, v38;
	v34 =	vbroadcast v34, $0x0  }
0x5bb: {  	[tilespmem:v33+s24+$0x0] =	vst.idx.msk $0xffff, v40  }
0x5bc: {  	v33 =	vld [tilespmem:s17+$0xFFFFFF40];
	v35 =	vadd.s32 v5, v34  }
0x5bd: {  	v37 =	vadd.s32 v6, v34;
	v36 =	vld [tilespmem:s17+$0xFFFFFF50]  }
0x5be: {  	v39 =	vadd.s32 v7, v34;
	v38 =	vld [tilespmem:s17+$0xFFFFFF60]  }
0x5bf: {  	s8 =	sadd.s32 $0x2, s11;
	v34 =	vadd.s32 v8, v34;
	v40 =	vld [tilespmem:s17+$0xFFFFFF70]  }
0x5c0: {  	v41 =	vmov s8  }
0x5c1: {  	[tilespmem:v35+s24+$0x0] =	vst.idx.msk $0xffff, v33;
	v33 =	vshrl.u32 v41, $0x3  }
0x5c2: {  	[tilespmem:v37+s24+$0x0] =	vst.idx.msk $0xffff, v36;
	v33 =	vshll.u32 v33, v1  }
0x5c3: {  	[tilespmem:v39+s24+$0x0] =	vst.idx.msk $0xffff, v38;
	v33 =	vbroadcast v33, $0x0  }
0x5c4: {  	[tilespmem:v34+s24+$0x0] =	vst.idx.msk $0xffff, v40  }
0x5c5: {  	v34 =	vld [tilespmem:s17+$0xFFFFFF80];
	v35 =	vadd.s32 v9, v33  }
0x5c6: {  	v37 =	vadd.s32 v10, v33;
	v36 =	vld [tilespmem:s17+$0xFFFFFF90]  }
0x5c7: {  	v39 =	vadd.s32 v11, v33;
	v38 =	vld [tilespmem:s17+$0xFFFFFFA0]  }
0x5c8: {  	s8 =	sadd.s32 $0x3, s11;
	v33 =	vadd.s32 v12, v33;
	v40 =	vld [tilespmem:s17+$0xFFFFFFB0]  }
0x5c9: {  	v41 =	vmov s8  }
0x5ca: {  	[tilespmem:v35+s24+$0x0] =	vst.idx.msk $0xffff, v34;
	v34 =	vshrl.u32 v41, $0x3  }
0x5cb: {  	[tilespmem:v37+s24+$0x0] =	vst.idx.msk $0xffff, v36;
	v34 =	vshll.u32 v34, v1  }
0x5cc: {  	[tilespmem:v39+s24+$0x0] =	vst.idx.msk $0xffff, v38;
	v34 =	vbroadcast v34, $0x0  }
0x5cd: {  	[tilespmem:v33+s24+$0x0] =	vst.idx.msk $0xffff, v40  }
0x5ce: {  	v33 =	vld [tilespmem:s17+$0xFFFFFFC0];
	v35 =	vadd.s32 v13, v34  }
0x5cf: {  	v37 =	vadd.s32 v14, v34;
	v36 =	vld [tilespmem:s17+$0xFFFFFFD0]  }
0x5d0: {  	v39 =	vadd.s32 v15, v34;
	v38 =	vld [tilespmem:s17+$0xFFFFFFE0]  }
0x5d1: {  	s8 =	sadd.s32 $0x4, s11;
	v34 =	vadd.s32 v16, v34;
	v40 =	vld [tilespmem:s17+$0xFFFFFFF0]  }
0x5d2: {  	v41 =	vmov s8  }
0x5d3: {  	[tilespmem:v35+s24+$0x0] =	vst.idx.msk $0xffff, v33;
	v33 =	vshrl.u32 v41, $0x3  }
0x5d4: {  	[tilespmem:v37+s24+$0x0] =	vst.idx.msk $0xffff, v36;
	v33 =	vshll.u32 v33, v1  }
0x5d5: {  	[tilespmem:v39+s24+$0x0] =	vst.idx.msk $0xffff, v38;
	v33 =	vbroadcast v33, $0x0  }
0x5d6: {  	[tilespmem:v34+s24+$0x0] =	vst.idx.msk $0xffff, v40  }
0x5d7: {  	v34 =	vld [tilespmem:s17+$0x0];
	v35 =	vadd.s32 v17, v33  }
0x5d8: {  	v37 =	vadd.s32 v18, v33;
	v36 =	vld [tilespmem:s17+$0x10]  }
0x5d9: {  	v39 =	vadd.s32 v19, v33;
	v38 =	vld [tilespmem:s17+$0x20]  }
0x5da: {  	s8 =	sadd.s32 $0x5, s11;
	v33 =	vadd.s32 v20, v33;
	v40 =	vld [tilespmem:s17+$0x30]  }
0x5db: {  	v41 =	vmov s8  }
0x5dc: {  	[tilespmem:v35+s24+$0x0] =	vst.idx.msk $0xffff, v34;
	v34 =	vshrl.u32 v41, $0x3  }
0x5dd: {  	[tilespmem:v37+s24+$0x0] =	vst.idx.msk $0xffff, v36;
	v34 =	vshll.u32 v34, v1  }
0x5de: {  	[tilespmem:v39+s24+$0x0] =	vst.idx.msk $0xffff, v38;
	v34 =	vbroadcast v34, $0x0  }
0x5df: {  	[tilespmem:v33+s24+$0x0] =	vst.idx.msk $0xffff, v40  }
0x5e0: {  	v33 =	vld [tilespmem:s17+$0x40];
	v35 =	vadd.s32 v21, v34  }
0x5e1: {  	v37 =	vadd.s32 v22, v34;
	v36 =	vld [tilespmem:s17+$0x50]  }
0x5e2: {  	v39 =	vadd.s32 v23, v34;
	v38 =	vld [tilespmem:s17+$0x60]  }
0x5e3: {  	s8 =	sadd.s32 $0x6, s11;
	v34 =	vadd.s32 v24, v34;
	v40 =	vld [tilespmem:s17+$0x70]  }
0x5e4: {  	v41 =	vmov s8  }
0x5e5: {  	[tilespmem:v35+s24+$0x0] =	vst.idx.msk $0xffff, v33;
	v33 =	vshrl.u32 v41, $0x3  }
0x5e6: {  	[tilespmem:v37+s24+$0x0] =	vst.idx.msk $0xffff, v36;
	v33 =	vshll.u32 v33, v1  }
0x5e7: {  	[tilespmem:v39+s24+$0x0] =	vst.idx.msk $0xffff, v38;
	v33 =	vbroadcast v33, $0x0  }
0x5e8: {  	[tilespmem:v34+s24+$0x0] =	vst.idx.msk $0xffff, v40  }
0x5e9: {  	v34 =	vld [tilespmem:s17+$0x80];
	v35 =	vadd.s32 v25, v33  }
0x5ea: {  	v37 =	vadd.s32 v26, v33;
	v36 =	vld [tilespmem:s17+$0x90]  }
0x5eb: {  	v39 =	vadd.s32 v27, v33;
	v38 =	vld [tilespmem:s17+$0xA0]  }
0x5ec: {  	s8 =	sadd.s32 $0x7, s11;
	s11 =	smov.u32 s22;
	v33 =	vadd.s32 v28, v33;
	v40 =	vld [tilespmem:s17+$0xB0]  }
0x5ed: {  	v41 =	vmov s8  }
0x5ee: {  	[tilespmem:v35+s24+$0x0] =	vst.idx.msk $0xffff, v34;
	v34 =	vshrl.u32 v41, $0x3  }
0x5ef: {  	[tilespmem:v37+s24+$0x0] =	vst.idx.msk $0xffff, v36;
	v34 =	vshll.u32 v34, v1  }
0x5f0: {  	[tilespmem:v39+s24+$0x0] =	vst.idx.msk $0xffff, v38;
	v35 =	vbroadcast v34, $0x0  }
0x5f1: {  	[tilespmem:v33+s24+$0x0] =	vst.idx.msk $0xffff, v40  }
0x5f2: {  	v33 =	vld [tilespmem:s17+$0xC0];
	v36 =	vadd.s32 v29, v35  }
0x5f3: {  	v38 =	vadd.s32 v30, v35;
	v37 =	vld [tilespmem:s17+$0xD0]  }
0x5f4: {  	v40 =	vadd.s32 v31, v35;
	v39 =	vld [tilespmem:s17+$0xE0]  }
.Ltmp10:
0x5f5: {  	v35 =	vadd.s32 v32, v35;
	v34 =	vld [tilespmem:s17+$0xF0];
	(pc) =	sbr.rel @p1 .LBB2_24-.Ltmp10, $4  }
0x5f6: {  	v41 =	vmov s11  }
0x5f7: {  	v41 =	vshrl.u32 v41, $0x3;
	[tilespmem:v36+s24+$0x0] =	vst.idx.msk $0xffff, v33  }
0x5f8: {  	v33 =	vshll.u32 v41, v1;
	[tilespmem:v38+s24+$0x0] =	vst.idx.msk $0xffff, v37  }
0x5f9: {  	v33 =	vbroadcast v33, $0x0;
	[tilespmem:v40+s24+$0x0] =	vst.idx.msk $0xffff, v39  }
0x5fa: {  	_ =	sdelay $0x3  }
0x5fb: {  	[tilespmem:v35+s24+$0x0] =	vst.idx.msk $0xffff, v34;
	s12 =	sadd.s32 $0x200, s17  }
0x5fc: {  	v34 =	vld [tilespmem:s12+$0xFFFFFF00];
	v48 =	vadd.s32 v0, v33  }
0x5fd: {  	v36 =	vld [tilespmem:s12+$0xFFFFFF10];
	v37 =	vadd.s32 v2, v33  }
0x5fe: {  	v38 =	vld [tilespmem:s12+$0xFFFFFF20];
	v39 =	vadd.s32 v3, v33  }
0x5ff: {  	s8 =	sadd.s32 $0x1, s11;
	v40 =	vld [tilespmem:s12+$0xFFFFFF30];
	v49 =	vadd.s32 v4, v33  }
0x600: {  	v41 =	vmov s8  }
0x601: {  	v50 =	vshrl.u32 v41, $0x3;
	[tilespmem:v48+s24+$0x0] =	vst.idx.msk $0xffff, v34  }
0x602: {  	v34 =	vshll.u32 v50, v1;
	[tilespmem:v37+s24+$0x0] =	vst.idx.msk $0xffff, v36  }
0x603: {  	v34 =	vbroadcast v34, $0x0;
	[tilespmem:v39+s24+$0x0] =	vst.idx.msk $0xffff, v38  }
0x604: {  	[tilespmem:v49+s24+$0x0] =	vst.idx.msk $0xffff, v40  }
0x605: {  	v51 =	vadd.s32 v5, v34;
	v33 =	vld [tilespmem:s12+$0xFFFFFF40]  }
0x606: {  	v52 =	vadd.s32 v6, v34;
	v36 =	vld [tilespmem:s12+$0xFFFFFF50]  }
0x607: {  	v53 =	vadd.s32 v7, v34;
	v38 =	vld [tilespmem:s12+$0xFFFFFF60]  }
0x608: {  	s9 =	sadd.s32 $0x2, s11;
	v34 =	vadd.s32 v8, v34;
	v40 =	vld [tilespmem:s12+$0xFFFFFF70]  }
0x609: {  	v54 =	vmov s9  }
0x60a: {  	v55 =	vshrl.u32 v54, $0x3;
	[tilespmem:v51+s24+$0x0] =	vst.idx.msk $0xffff, v33  }
0x60b: {  	v33 =	vshll.u32 v55, v1;
	[tilespmem:v52+s24+$0x0] =	vst.idx.msk $0xffff, v36  }
0x60c: {  	v33 =	vbroadcast v33, $0x0;
	[tilespmem:v53+s24+$0x0] =	vst.idx.msk $0xffff, v38  }
0x60d: {  	[tilespmem:v34+s24+$0x0] =	vst.idx.msk $0xffff, v40  }
0x60e: {  	v56 =	vadd.s32 v9, v33;
	v34 =	vld [tilespmem:s12+$0xFFFFFF80]  }
0x60f: {  	v57 =	vadd.s32 v10, v33;
	v36 =	vld [tilespmem:s12+$0xFFFFFF90]  }
0x610: {  	v58 =	vadd.s32 v11, v33;
	v38 =	vld [tilespmem:s12+$0xFFFFFFA0]  }
0x611: {  	s17 =	sadd.s32 $0x3, s11;
	v33 =	vadd.s32 v12, v33;
	v40 =	vld [tilespmem:s12+$0xFFFFFFB0]  }
0x612: {  	v59 =	vmov s17  }
0x613: {  	v60 =	vshrl.u32 v59, $0x3;
	[tilespmem:v56+s24+$0x0] =	vst.idx.msk $0xffff, v34  }
0x614: {  	v34 =	vshll.u32 v60, v1;
	[tilespmem:v57+s24+$0x0] =	vst.idx.msk $0xffff, v36  }
0x615: {  	v34 =	vbroadcast v34, $0x0;
	[tilespmem:v58+s24+$0x0] =	vst.idx.msk $0xffff, v38  }
0x616: {  	[tilespmem:v33+s24+$0x0] =	vst.idx.msk $0xffff, v40  }
0x617: {  	v61 =	vadd.s32 v13, v34;
	v33 =	vld [tilespmem:s12+$0xFFFFFFC0]  }
0x618: {  	v62 =	vadd.s32 v14, v34;
	v36 =	vld [tilespmem:s12+$0xFFFFFFD0]  }
0x619: {  	v63 =	vadd.s32 v15, v34;
	v38 =	vld [tilespmem:s12+$0xFFFFFFE0]  }
0x61a: {  	s22 =	sadd.s32 $0x4, s11;
	v34 =	vadd.s32 v16, v34;
	v40 =	vld [tilespmem:s12+$0xFFFFFFF0]  }
0x61b: {  	v44 =	vmov s22  }
0x61c: {  	v45 =	vshrl.u32 v44, $0x3;
	[tilespmem:v61+s24+$0x0] =	vst.idx.msk $0xffff, v33  }
0x61d: {  	v33 =	vshll.u32 v45, v1;
	[tilespmem:v62+s24+$0x0] =	vst.idx.msk $0xffff, v36  }
0x61e: {  	v33 =	vbroadcast v33, $0x0;
	[tilespmem:v63+s24+$0x0] =	vst.idx.msk $0xffff, v38  }
0x61f: {  	[tilespmem:v34+s24+$0x0] =	vst.idx.msk $0xffff, v40  }
0x620: {  	v46 =	vadd.s32 v17, v33;
	v34 =	vld [tilespmem:s12+$0x0]  }
0x621: {  	v47 =	vadd.s32 v18, v33;
	v36 =	vld [tilespmem:s12+$0x10]  }
0x622: {  	v48 =	vadd.s32 v19, v33;
	v38 =	vld [tilespmem:s12+$0x20]  }
0x623: {  	s9 =	sadd.s32 $0x5, s11;
	v33 =	vadd.s32 v20, v33;
	v40 =	vld [tilespmem:s12+$0x30]  }
0x624: {  	v49 =	vmov s9  }
0x625: {  	v50 =	vshrl.u32 v49, $0x3;
	[tilespmem:v46+s24+$0x0] =	vst.idx.msk $0xffff, v34  }
0x626: {  	v34 =	vshll.u32 v50, v1;
	[tilespmem:v47+s24+$0x0] =	vst.idx.msk $0xffff, v36  }
0x627: {  	v34 =	vbroadcast v34, $0x0;
	[tilespmem:v48+s24+$0x0] =	vst.idx.msk $0xffff, v38  }
0x628: {  	[tilespmem:v33+s24+$0x0] =	vst.idx.msk $0xffff, v40  }
0x629: {  	v51 =	vadd.s32 v21, v34;
	v33 =	vld [tilespmem:s12+$0x40]  }
0x62a: {  	v52 =	vadd.s32 v22, v34;
	v36 =	vld [tilespmem:s12+$0x50]  }
0x62b: {  	v53 =	vadd.s32 v23, v34;
	v38 =	vld [tilespmem:s12+$0x60]  }
0x62c: {  	s17 =	sadd.s32 $0x6, s11;
	v34 =	vadd.s32 v24, v34;
	v40 =	vld [tilespmem:s12+$0x70]  }
0x62d: {  	v54 =	vmov s17  }
0x62e: {  	v55 =	vshrl.u32 v54, $0x3;
	[tilespmem:v51+s24+$0x0] =	vst.idx.msk $0xffff, v33  }
0x62f: {  	v33 =	vshll.u32 v55, v1;
	[tilespmem:v52+s24+$0x0] =	vst.idx.msk $0xffff, v36  }
0x630: {  	v33 =	vbroadcast v33, $0x0;
	[tilespmem:v53+s24+$0x0] =	vst.idx.msk $0xffff, v38  }
0x631: {  	[tilespmem:v34+s24+$0x0] =	vst.idx.msk $0xffff, v40  }
0x632: {  	v56 =	vadd.s32 v25, v33;
	v34 =	vld [tilespmem:s12+$0x80]  }
0x633: {  	v57 =	vadd.s32 v26, v33;
	v36 =	vld [tilespmem:s12+$0x90]  }
0x634: {  	v58 =	vadd.s32 v27, v33;
	v38 =	vld [tilespmem:s12+$0xA0]  }
0x635: {  	s22 =	sadd.s32 $0x7, s11;
	v33 =	vadd.s32 v28, v33;
	v40 =	vld [tilespmem:s12+$0xB0]  }
0x636: {  	v59 =	vmov s22  }
0x637: {  	v60 =	vshrl.u32 v59, $0x3;
	[tilespmem:v56+s24+$0x0] =	vst.idx.msk $0xffff, v34  }
0x638: {  	v34 =	vshll.u32 v60, v1;
	[tilespmem:v57+s24+$0x0] =	vst.idx.msk $0xffff, v36  }
0x639: {  	v34 =	vbroadcast v34, $0x0;
	[tilespmem:v58+s24+$0x0] =	vst.idx.msk $0xffff, v38  }
0x63a: {  	[tilespmem:v33+s24+$0x0] =	vst.idx.msk $0xffff, v40  }
0x63b: {  	v61 =	vadd.s32 v29, v34;
	v33 =	vld [tilespmem:s12+$0xC0]  }
0x63c: {  	v62 =	vadd.s32 v30, v34;
	v36 =	vld [tilespmem:s12+$0xD0]  }
0x63d: {  	v63 =	vadd.s32 v31, v34;
	v38 =	vld [tilespmem:s12+$0xE0]  }
0x63e: {  	v34 =	vadd.s32 v32, v34;
	v40 =	vld [tilespmem:s12+$0xF0]  }
0x63f: {  	s7 =	sadd.s32 s6, s7  }
0x640: {  	s9 =	sshll.u32 s7, $0x7;
	[tilespmem:v61+s24+$0x0] =	vst.idx.msk $0xffff, v33  }
0x641: {  	s7 =	sshll.u32 s7, $0xA;
	s8 =	sand.u32 $0xE80, s9;
	[tilespmem:v62+s24+$0x0] =	vst.idx.msk $0xffff, v36  }
0x642: {  	s7 =	sand.u32 $0xFFF8000, s7;
	s8 =	sadd.s32 s2, s8;
	[tilespmem:v63+s24+$0x0] =	vst.idx.msk $0xffff, v38  }
0x643: {  	s11 =	simm.s32 $0x10600;
	s8 =	sadd.s32 s7, s8;
	[tilespmem:v34+s24+$0x0] =	vst.idx.msk $0xffff, v40  }
0x644: {  	[hbm4b:s8+s3] =	stream.linear.scatter [tilespmem:s11], [sflag:$0x6], $0x80, $0x38;
	[tilespmem:$0x16C00] =	vst v63  }
0x645: {  	s17 =	sadd.s32 $0x10, s8;
	s12 =	simm.s32 $0x10688  }
0x646: {  	[hbm4b:s17+s3] =	stream.linear.scatter [tilespmem:s12], [sflag:$0x6], $0x80, $0x38;
	[tilespmem:$0x16C00] =	vst v63  }
0x647: {  	s22 =	simm.s32 $0x10710;
	s9 =	sadd.s32 $0x20, s8  }
0x648: {  	[hbm4b:s9+s3] =	stream.linear.scatter [tilespmem:s22], [sflag:$0x6], $0x80, $0x38;
	[tilespmem:$0x16C00] =	vst v63  }
0x649: {  	s12 =	simm.s32 $0x10798;
	s17 =	sadd.s32 $0x30, s8  }
0x64a: {  	[hbm4b:s17+s3] =	stream.linear.scatter [tilespmem:s12], [sflag:$0x6], $0x80, $0x38;
	[tilespmem:$0x16C00] =	vst v63  }
0x64b: {  	s22 =	simm.s32 $0x10820;
	s9 =	sadd.s32 $0x40, s8  }
0x64c: {  	[hbm4b:s9+s3] =	stream.linear.scatter [tilespmem:s22], [sflag:$0x6], $0x80, $0x38;
	[tilespmem:$0x16C00] =	vst v63  }
0x64d: {  	s7 =	simm.s32 $0x440;
	s11 =	simm.s32 $0x108A8;
	s12 =	sadd.s32 $0x50, s8  }
0x64e: {  	[hbm4b:s12+s3] =	stream.linear.scatter [tilespmem:s11], [sflag:$0x6], $0x80, $0x38;
	[tilespmem:$0x16C00] =	vst v63  }
0x64f: {  	s17 =	simm.s32 $0x10930;
	s22 =	sadd.s32 $0x60, s8;
	s12 =	simm.s32 $0x2200  }
0x650: {  	[hbm4b:s22+s3] =	stream.linear.scatter [tilespmem:s17], [sflag:$0x6], $0x80, $0x38;
	[tilespmem:$0x16C00] =	vst v63  }
0x651: {  	s11 =	sadd.s32 $0x1000, s8;
	s17 =	simm.s32 $0x109B8;
	s22 =	sadd.s32 $0x70, s8  }
.LBB2_26:
0x652: {  	[hbm4b:s22+s3] =	stream.linear.scatter [tilespmem:s17], [sflag:$0x6], $0x80, $0x38;
	[tilespmem:$0x16C00] =	vst v63  }
0x653: {  	s8 =	smov.u32 s7;
	s7 =	smov.u32 s12  }
0x654: {  	s9 =	sadd.s32 $0x1100, s12;
	s7 =	sshra.s32 s7, $0x2;
	s17 =	sadd.s32 $0x10600, s8  }
0x655: {  	[hbm4b:s11+s3] =	stream.linear.scatter [tilespmem:s17], [sflag:$0x6], $0x80, $0x38;
	[tilespmem:$0x16C00] =	vst v63  }
0x656: {  	p1 =	sne.s32 s12, $0x7700;
	s12 =	sadd.s32 $0x10688, s8;
	s17 =	sadd.s32 $0x10, s11  }
0x657: {  	[hbm4b:s17+s3] =	stream.linear.scatter [tilespmem:s12], [sflag:$0x6], $0x80, $0x38;
	[tilespmem:$0x16C00] =	vst v63  }
0x658: {  	s12 =	sadd.s32 $0x10710, s8;
	s17 =	sadd.s32 $0x20, s11  }
0x659: {  	[hbm4b:s17+s3] =	stream.linear.scatter [tilespmem:s12], [sflag:$0x6], $0x80, $0x38;
	[tilespmem:$0x16C00] =	vst v63  }
0x65a: {  	s12 =	sadd.s32 $0x10798, s8;
	s17 =	sadd.s32 $0x30, s11  }
0x65b: {  	[hbm4b:s17+s3] =	stream.linear.scatter [tilespmem:s12], [sflag:$0x6], $0x80, $0x38;
	[tilespmem:$0x16C00] =	vst v63  }
0x65c: {  	s12 =	sadd.s32 $0x10820, s8;
	s17 =	sadd.s32 $0x40, s11  }
0x65d: {  	[hbm4b:s17+s3] =	stream.linear.scatter [tilespmem:s12], [sflag:$0x6], $0x80, $0x38;
	[tilespmem:$0x16C00] =	vst v63  }
.Ltmp11:
0x65e: {  	s12 =	sadd.s32 $0x108A8, s8;
	s17 =	sadd.s32 $0x50, s11;
	(pc) =	sbr.rel @p1 .LBB2_26-.Ltmp11, $4  }
0x65f: {  	[hbm4b:s17+s3] =	stream.linear.scatter [tilespmem:s12], [sflag:$0x6], $0x80, $0x38;
	[tilespmem:$0x16C00] =	vst v63  }
0x660: {  	s22 =	sadd.s32 $0x70, s11;
	s12 =	sadd.s32 $0x10930, s8;
	s17 =	sadd.s32 $0x60, s11  }
0x661: {  	[hbm4b:s17+s3] =	stream.linear.scatter [tilespmem:s12], [sflag:$0x6], $0x80, $0x38;
	[tilespmem:$0x16C00] =	vst v63  }
0x662: {  	s11 =	sadd.s32 $0x1000, s11;
	s17 =	sadd.s32 $0x109B8, s8;
	s12 =	smov.u32 s9  }
0x663: {  	[hbm4b:s22+s3] =	stream.linear.scatter [tilespmem:s17], [sflag:$0x6], $0x80, $0x38;
	[tilespmem:$0x16C00] =	vst v63  }
0x664: {  	s8 =	sadd.s32 $0x10600, s7  }
0x665: {  	[hbm4b:s11+s3] =	stream.linear.scatter [tilespmem:s8], [sflag:$0x6], $0x80, $0x38;
	[tilespmem:$0x16C00] =	vst v63  }
0x666: {  	s12 =	sadd.s32 $0x10688, s7;
	s9 =	sadd.s32 $0x10, s11  }
0x667: {  	[hbm4b:s9+s3] =	stream.linear.scatter [tilespmem:s12], [sflag:$0x6], $0x80, $0x38;
	[tilespmem:$0x16C00] =	vst v63  }
0x668: {  	s17 =	sadd.s32 $0x10710, s7;
	s22 =	sadd.s32 $0x20, s11  }
0x669: {  	[hbm4b:s22+s3] =	stream.linear.scatter [tilespmem:s17], [sflag:$0x6], $0x80, $0x38;
	[tilespmem:$0x16C00] =	vst v63  }
0x66a: {  	s9 =	sadd.s32 $0x10798, s7;
	s12 =	sadd.s32 $0x30, s11  }
0x66b: {  	[hbm4b:s12+s3] =	stream.linear.scatter [tilespmem:s9], [sflag:$0x6], $0x80, $0x38;
	[tilespmem:$0x16C00] =	vst v63  }
0x66c: {  	s17 =	sadd.s32 $0x10820, s7;
	s22 =	sadd.s32 $0x40, s11  }
0x66d: {  	[hbm4b:s22+s3] =	stream.linear.scatter [tilespmem:s17], [sflag:$0x6], $0x80, $0x38;
	[tilespmem:$0x16C00] =	vst v63  }
0x66e: {  	s9 =	sadd.s32 $0x108A8, s7;
	s12 =	sadd.s32 $0x50, s11  }
0x66f: {  	[hbm4b:s12+s3] =	stream.linear.scatter [tilespmem:s9], [sflag:$0x6], $0x80, $0x38;
	[tilespmem:$0x16C00] =	vst v63  }
0x670: {  	s17 =	sadd.s32 $0x10930, s7;
	s22 =	sadd.s32 $0x60, s11  }
0x671: {  	[hbm4b:s22+s3] =	stream.linear.scatter [tilespmem:s17], [sflag:$0x6], $0x80, $0x38;
	[tilespmem:$0x16C00] =	vst v63  }
0x672: {  	s12 =	sadd.s32 $0x109B8, s7;
	s17 =	sadd.s32 $0x70, s11  }
0x673: {  	[hbm4b:s17+s3] =	stream.linear.scatter [tilespmem:s12], [sflag:$0x6], $0x80, $0x38;
	[tilespmem:$0x16C00] =	vst v63  }
0x674: {  	_ =	swait.ge [sflag:s16], $0x2000  }
0x675: {  	s8 =	sadd.s32 @!p0 $0x280, s15;
	s22 =	simm.s32 $0x0;
	[sflag:s16] =	ssyncset.done $0x0  }
0x676: {  	s9 =	simm.s32 @!p0 $0x80;
	s11 =	simm.s32 @!p0 $0x8400;
	v33 =	vmov s22;
	[sflag:s16] =	ssyncadd.s32 $0xFFFFE000  }
0x677: {  	v33 =	vshrl.u32 v33, $0x3;
	[tilespmem:s11], [sflag:$0x2] =	stream.indirect.gather @!p0 [hbm4b:s4+s9], $0x40, s8, s9, $0xb8;
	[tilespmem:$0x16C00] =	vst v63  }
0x678: {  	v33 =	vshll.u32 v33, v1;
	_ =	swait.ge [sflag:s26], $0x2000  }
0x679: {  	v33 =	vbroadcast v33, $0x0;
	[sflag:s26] =	ssyncset.done $0x0  }
0x67a: {  	s17 =	simm.s32 $0xA500;
	[sflag:s26] =	ssyncadd.s32 $0xFFFFE000  }
0x67b: {  	v35 =	vadd.s32 v0, v33;
	v34 =	vld [tilespmem:s17+$0xFFFFFF00]  }
0x67c: {  	v37 =	vadd.s32 v2, v33;
	v36 =	vld [tilespmem:s17+$0xFFFFFF10]  }
0x67d: {  	v39 =	vadd.s32 v3, v33;
	v38 =	vld [tilespmem:s17+$0xFFFFFF20]  }
0x67e: {  	s12 =	simm.s32 $0x1;
	v33 =	vadd.s32 v4, v33;
	v40 =	vld [tilespmem:s17+$0xFFFFFF30]  }
0x67f: {  	v41 =	vmov s12  }
0x680: {  	v47 =	vshrl.u32 v41, $0x3;
	[tilespmem:v35+s28+$0x0] =	vst.idx.msk $0xffff, v34  }
0x681: {  	v34 =	vshll.u32 v47, v1;
	[tilespmem:v37+s28+$0x0] =	vst.idx.msk $0xffff, v36  }
0x682: {  	v34 =	vbroadcast v34, $0x0;
	[tilespmem:v39+s28+$0x0] =	vst.idx.msk $0xffff, v38  }
0x683: {  	[tilespmem:v33+s28+$0x0] =	vst.idx.msk $0xffff, v40  }
0x684: {  	v48 =	vadd.s32 v5, v34;
	v33 =	vld [tilespmem:s17+$0xFFFFFF40]  }
0x685: {  	v49 =	vadd.s32 v6, v34;
	v36 =	vld [tilespmem:s17+$0xFFFFFF50]  }
0x686: {  	v50 =	vadd.s32 v7, v34;
	v38 =	vld [tilespmem:s17+$0xFFFFFF60]  }
0x687: {  	s22 =	simm.s32 $0x2;
	v34 =	vadd.s32 v8, v34;
	v40 =	vld [tilespmem:s17+$0xFFFFFF70]  }
0x688: {  	v51 =	vmov s22  }
0x689: {  	v52 =	vshrl.u32 v51, $0x3;
	[tilespmem:v48+s28+$0x0] =	vst.idx.msk $0xffff, v33  }
0x68a: {  	v33 =	vshll.u32 v52, v1;
	[tilespmem:v49+s28+$0x0] =	vst.idx.msk $0xffff, v36  }
0x68b: {  	v33 =	vbroadcast v33, $0x0;
	[tilespmem:v50+s28+$0x0] =	vst.idx.msk $0xffff, v38  }
0x68c: {  	[tilespmem:v34+s28+$0x0] =	vst.idx.msk $0xffff, v40  }
0x68d: {  	v53 =	vadd.s32 v9, v33;
	v34 =	vld [tilespmem:s17+$0xFFFFFF80]  }
0x68e: {  	v54 =	vadd.s32 v10, v33;
	v36 =	vld [tilespmem:s17+$0xFFFFFF90]  }
0x68f: {  	v55 =	vadd.s32 v11, v33;
	v38 =	vld [tilespmem:s17+$0xFFFFFFA0]  }
0x690: {  	s8 =	simm.s32 $0x3;
	v33 =	vadd.s32 v12, v33;
	v40 =	vld [tilespmem:s17+$0xFFFFFFB0]  }
0x691: {  	v56 =	vmov s8  }
0x692: {  	v57 =	vshrl.u32 v56, $0x3;
	[tilespmem:v53+s28+$0x0] =	vst.idx.msk $0xffff, v34  }
0x693: {  	v34 =	vshll.u32 v57, v1;
	[tilespmem:v54+s28+$0x0] =	vst.idx.msk $0xffff, v36  }
0x694: {  	v34 =	vbroadcast v34, $0x0;
	[tilespmem:v55+s28+$0x0] =	vst.idx.msk $0xffff, v38  }
0x695: {  	[tilespmem:v33+s28+$0x0] =	vst.idx.msk $0xffff, v40  }
0x696: {  	v58 =	vadd.s32 v13, v34;
	v33 =	vld [tilespmem:s17+$0xFFFFFFC0]  }
0x697: {  	v59 =	vadd.s32 v14, v34;
	v36 =	vld [tilespmem:s17+$0xFFFFFFD0]  }
0x698: {  	v60 =	vadd.s32 v15, v34;
	v38 =	vld [tilespmem:s17+$0xFFFFFFE0]  }
0x699: {  	s9 =	simm.s32 $0x4;
	v34 =	vadd.s32 v16, v34;
	v40 =	vld [tilespmem:s17+$0xFFFFFFF0]  }
0x69a: {  	v61 =	vmov s9  }
0x69b: {  	v62 =	vshrl.u32 v61, $0x3;
	[tilespmem:v58+s28+$0x0] =	vst.idx.msk $0xffff, v33  }
0x69c: {  	v33 =	vshll.u32 v62, v1;
	[tilespmem:v59+s28+$0x0] =	vst.idx.msk $0xffff, v36  }
0x69d: {  	v33 =	vbroadcast v33, $0x0;
	[tilespmem:v60+s28+$0x0] =	vst.idx.msk $0xffff, v38  }
0x69e: {  	[tilespmem:v34+s28+$0x0] =	vst.idx.msk $0xffff, v40  }
0x69f: {  	v63 =	vadd.s32 v17, v33;
	v34 =	vld [tilespmem:s17+$0x0]  }
0x6a0: {  	v44 =	vadd.s32 v18, v33;
	v36 =	vld [tilespmem:s17+$0x10]  }
0x6a1: {  	v45 =	vadd.s32 v19, v33;
	v38 =	vld [tilespmem:s17+$0x20]  }
0x6a2: {  	s11 =	simm.s32 $0x5;
	v33 =	vadd.s32 v20, v33;
	v40 =	vld [tilespmem:s17+$0x30]  }
0x6a3: {  	v46 =	vmov s11  }
0x6a4: {  	v47 =	vshrl.u32 v46, $0x3;
	[tilespmem:v63+s28+$0x0] =	vst.idx.msk $0xffff, v34  }
0x6a5: {  	v34 =	vshll.u32 v47, v1;
	[tilespmem:v44+s28+$0x0] =	vst.idx.msk $0xffff, v36  }
0x6a6: {  	v34 =	vbroadcast v34, $0x0;
	[tilespmem:v45+s28+$0x0] =	vst.idx.msk $0xffff, v38  }
0x6a7: {  	[tilespmem:v33+s28+$0x0] =	vst.idx.msk $0xffff, v40  }
0x6a8: {  	v48 =	vadd.s32 v21, v34;
	v33 =	vld [tilespmem:s17+$0x40]  }
0x6a9: {  	v49 =	vadd.s32 v22, v34;
	v36 =	vld [tilespmem:s17+$0x50]  }
0x6aa: {  	v50 =	vadd.s32 v23, v34;
	v38 =	vld [tilespmem:s17+$0x60]  }
0x6ab: {  	s12 =	simm.s32 $0x6;
	v34 =	vadd.s32 v24, v34;
	v40 =	vld [tilespmem:s17+$0x70]  }
0x6ac: {  	v51 =	vmov s12  }
0x6ad: {  	v52 =	vshrl.u32 v51, $0x3;
	[tilespmem:v48+s28+$0x0] =	vst.idx.msk $0xffff, v33  }
0x6ae: {  	v33 =	vshll.u32 v52, v1;
	[tilespmem:v49+s28+$0x0] =	vst.idx.msk $0xffff, v36  }
0x6af: {  	v33 =	vbroadcast v33, $0x0;
	[tilespmem:v50+s28+$0x0] =	vst.idx.msk $0xffff, v38  }
0x6b0: {  	[tilespmem:v34+s28+$0x0] =	vst.idx.msk $0xffff, v40  }
0x6b1: {  	v53 =	vadd.s32 v25, v33;
	v34 =	vld [tilespmem:s17+$0x80]  }
0x6b2: {  	v54 =	vadd.s32 v26, v33;
	v36 =	vld [tilespmem:s17+$0x90]  }
0x6b3: {  	v55 =	vadd.s32 v27, v33;
	v38 =	vld [tilespmem:s17+$0xA0]  }
0x6b4: {  	s22 =	simm.s32 $0x7;
	v33 =	vadd.s32 v28, v33;
	v40 =	vld [tilespmem:s17+$0xB0]  }
0x6b5: {  	v56 =	vmov s22  }
0x6b6: {  	v57 =	vshrl.u32 v56, $0x3;
	[tilespmem:v53+s28+$0x0] =	vst.idx.msk $0xffff, v34  }
0x6b7: {  	v34 =	vshll.u32 v57, v1;
	[tilespmem:v54+s28+$0x0] =	vst.idx.msk $0xffff, v36  }
0x6b8: {  	v58 =	vbroadcast v34, $0x0;
	[tilespmem:v55+s28+$0x0] =	vst.idx.msk $0xffff, v38  }
0x6b9: {  	[tilespmem:v33+s28+$0x0] =	vst.idx.msk $0xffff, v40  }
0x6ba: {  	v59 =	vadd.s32 v29, v58;
	v33 =	vld [tilespmem:s17+$0xC0]  }
0x6bb: {  	v60 =	vadd.s32 v30, v58;
	v37 =	vld [tilespmem:s17+$0xD0]  }
0x6bc: {  	v61 =	vadd.s32 v31, v58;
	v39 =	vld [tilespmem:s17+$0xE0]  }
0x6bd: {  	s11 =	simm.s32 $0x8  }
0x6be: {  	v62 =	vmov s11;
	v35 =	vadd.s32 v32, v58;
	v34 =	vld [tilespmem:s17+$0xF0]  }
0x6bf: {  	v41 =	vshrl.u32 v62, $0x3;
	[tilespmem:v59+s28+$0x0] =	vst.idx.msk $0xffff, v33  }
0x6c0: {  	v63 =	vshll.u32 v41, v1;
	[tilespmem:v60+s28+$0x0] =	vst.idx.msk $0xffff, v37  }
0x6c1: {  	s7 =	sor.u32 $0x2, s14;
	s12 =	simm.s32 $0x10;
	v33 =	vbroadcast v63, $0x0;
	[tilespmem:v61+s28+$0x0] =	vst.idx.msk $0xffff, v39  }
.LBB2_28:
0x6c2: {  	p1 =	slt.u32 s12, $0x78  }
0x6c3: {  	[tilespmem:v35+s28+$0x0] =	vst.idx.msk $0xffff, v34;
	s17 =	sadd.s32 $0x200, s17;
	s14 =	smov.u32 s12;
	s12 =	sadd.s32 $0x8, s12  }
0x6c4: {  	v34 =	vld [tilespmem:s17+$0xFFFFFF00];
	v35 =	vadd.s32 v0, v33  }
0x6c5: {  	v37 =	vadd.s32 v2, v33;
	v36 =	vld [tilespmem:s17+$0xFFFFFF10]  }
0x6c6: {  	v39 =	vadd.s32 v3, v33;
	v38 =	vld [tilespmem:s17+$0xFFFFFF20]  }
0x6c7: {  	s8 =	sadd.s32 $0x1, s11;
	v33 =	vadd.s32 v4, v33;
	v40 =	vld [tilespmem:s17+$0xFFFFFF30]  }
0x6c8: {  	v41 =	vmov s8  }
0x6c9: {  	[tilespmem:v35+s28+$0x0] =	vst.idx.msk $0xffff, v34;
	v34 =	vshrl.u32 v41, $0x3  }
0x6ca: {  	[tilespmem:v37+s28+$0x0] =	vst.idx.msk $0xffff, v36;
	v34 =	vshll.u32 v34, v1  }
0x6cb: {  	[tilespmem:v39+s28+$0x0] =	vst.idx.msk $0xffff, v38;
	v34 =	vbroadcast v34, $0x0  }
0x6cc: {  	[tilespmem:v33+s28+$0x0] =	vst.idx.msk $0xffff, v40  }
0x6cd: {  	v33 =	vld [tilespmem:s17+$0xFFFFFF40];
	v35 =	vadd.s32 v5, v34  }
0x6ce: {  	v37 =	vadd.s32 v6, v34;
	v36 =	vld [tilespmem:s17+$0xFFFFFF50]  }
0x6cf: {  	v39 =	vadd.s32 v7, v34;
	v38 =	vld [tilespmem:s17+$0xFFFFFF60]  }
0x6d0: {  	s8 =	sadd.s32 $0x2, s11;
	v34 =	vadd.s32 v8, v34;
	v40 =	vld [tilespmem:s17+$0xFFFFFF70]  }
0x6d1: {  	v41 =	vmov s8  }
0x6d2: {  	[tilespmem:v35+s28+$0x0] =	vst.idx.msk $0xffff, v33;
	v33 =	vshrl.u32 v41, $0x3  }
0x6d3: {  	[tilespmem:v37+s28+$0x0] =	vst.idx.msk $0xffff, v36;
	v33 =	vshll.u32 v33, v1  }
0x6d4: {  	[tilespmem:v39+s28+$0x0] =	vst.idx.msk $0xffff, v38;
	v33 =	vbroadcast v33, $0x0  }
0x6d5: {  	[tilespmem:v34+s28+$0x0] =	vst.idx.msk $0xffff, v40  }
0x6d6: {  	v34 =	vld [tilespmem:s17+$0xFFFFFF80];
	v35 =	vadd.s32 v9, v33  }
0x6d7: {  	v37 =	vadd.s32 v10, v33;
	v36 =	vld [tilespmem:s17+$0xFFFFFF90]  }
0x6d8: {  	v39 =	vadd.s32 v11, v33;
	v38 =	vld [tilespmem:s17+$0xFFFFFFA0]  }
0x6d9: {  	s8 =	sadd.s32 $0x3, s11;
	v33 =	vadd.s32 v12, v33;
	v40 =	vld [tilespmem:s17+$0xFFFFFFB0]  }
0x6da: {  	v41 =	vmov s8  }
0x6db: {  	[tilespmem:v35+s28+$0x0] =	vst.idx.msk $0xffff, v34;
	v34 =	vshrl.u32 v41, $0x3  }
0x6dc: {  	[tilespmem:v37+s28+$0x0] =	vst.idx.msk $0xffff, v36;
	v34 =	vshll.u32 v34, v1  }
0x6dd: {  	[tilespmem:v39+s28+$0x0] =	vst.idx.msk $0xffff, v38;
	v34 =	vbroadcast v34, $0x0  }
0x6de: {  	[tilespmem:v33+s28+$0x0] =	vst.idx.msk $0xffff, v40  }
0x6df: {  	v33 =	vld [tilespmem:s17+$0xFFFFFFC0];
	v35 =	vadd.s32 v13, v34  }
0x6e0: {  	v37 =	vadd.s32 v14, v34;
	v36 =	vld [tilespmem:s17+$0xFFFFFFD0]  }
0x6e1: {  	v39 =	vadd.s32 v15, v34;
	v38 =	vld [tilespmem:s17+$0xFFFFFFE0]  }
0x6e2: {  	s8 =	sadd.s32 $0x4, s11;
	v34 =	vadd.s32 v16, v34;
	v40 =	vld [tilespmem:s17+$0xFFFFFFF0]  }
0x6e3: {  	v41 =	vmov s8  }
0x6e4: {  	[tilespmem:v35+s28+$0x0] =	vst.idx.msk $0xffff, v33;
	v33 =	vshrl.u32 v41, $0x3  }
0x6e5: {  	[tilespmem:v37+s28+$0x0] =	vst.idx.msk $0xffff, v36;
	v33 =	vshll.u32 v33, v1  }
0x6e6: {  	[tilespmem:v39+s28+$0x0] =	vst.idx.msk $0xffff, v38;
	v33 =	vbroadcast v33, $0x0  }
0x6e7: {  	[tilespmem:v34+s28+$0x0] =	vst.idx.msk $0xffff, v40  }
0x6e8: {  	v34 =	vld [tilespmem:s17+$0x0];
	v35 =	vadd.s32 v17, v33  }
0x6e9: {  	v37 =	vadd.s32 v18, v33;
	v36 =	vld [tilespmem:s17+$0x10]  }
0x6ea: {  	v39 =	vadd.s32 v19, v33;
	v38 =	vld [tilespmem:s17+$0x20]  }
0x6eb: {  	s8 =	sadd.s32 $0x5, s11;
	v33 =	vadd.s32 v20, v33;
	v40 =	vld [tilespmem:s17+$0x30]  }
0x6ec: {  	v41 =	vmov s8  }
0x6ed: {  	[tilespmem:v35+s28+$0x0] =	vst.idx.msk $0xffff, v34;
	v34 =	vshrl.u32 v41, $0x3  }
0x6ee: {  	[tilespmem:v37+s28+$0x0] =	vst.idx.msk $0xffff, v36;
	v34 =	vshll.u32 v34, v1  }
0x6ef: {  	[tilespmem:v39+s28+$0x0] =	vst.idx.msk $0xffff, v38;
	v34 =	vbroadcast v34, $0x0  }
0x6f0: {  	[tilespmem:v33+s28+$0x0] =	vst.idx.msk $0xffff, v40  }
0x6f1: {  	v33 =	vld [tilespmem:s17+$0x40];
	v35 =	vadd.s32 v21, v34  }
0x6f2: {  	v37 =	vadd.s32 v22, v34;
	v36 =	vld [tilespmem:s17+$0x50]  }
0x6f3: {  	v39 =	vadd.s32 v23, v34;
	v38 =	vld [tilespmem:s17+$0x60]  }
0x6f4: {  	s8 =	sadd.s32 $0x6, s11;
	v34 =	vadd.s32 v24, v34;
	v40 =	vld [tilespmem:s17+$0x70]  }
0x6f5: {  	v41 =	vmov s8  }
0x6f6: {  	[tilespmem:v35+s28+$0x0] =	vst.idx.msk $0xffff, v33;
	v33 =	vshrl.u32 v41, $0x3  }
0x6f7: {  	[tilespmem:v37+s28+$0x0] =	vst.idx.msk $0xffff, v36;
	v33 =	vshll.u32 v33, v1  }
0x6f8: {  	[tilespmem:v39+s28+$0x0] =	vst.idx.msk $0xffff, v38;
	v33 =	vbroadcast v33, $0x0  }
0x6f9: {  	[tilespmem:v34+s28+$0x0] =	vst.idx.msk $0xffff, v40  }
0x6fa: {  	v34 =	vld [tilespmem:s17+$0x80];
	v35 =	vadd.s32 v25, v33  }
0x6fb: {  	v37 =	vadd.s32 v26, v33;
	v36 =	vld [tilespmem:s17+$0x90]  }
0x6fc: {  	v39 =	vadd.s32 v27, v33;
	v38 =	vld [tilespmem:s17+$0xA0]  }
0x6fd: {  	s8 =	sadd.s32 $0x7, s11;
	s11 =	smov.u32 s14;
	v33 =	vadd.s32 v28, v33;
	v40 =	vld [tilespmem:s17+$0xB0]  }
0x6fe: {  	v41 =	vmov s8  }
0x6ff: {  	[tilespmem:v35+s28+$0x0] =	vst.idx.msk $0xffff, v34;
	v34 =	vshrl.u32 v41, $0x3  }
0x700: {  	[tilespmem:v37+s28+$0x0] =	vst.idx.msk $0xffff, v36;
	v34 =	vshll.u32 v34, v1  }
0x701: {  	[tilespmem:v39+s28+$0x0] =	vst.idx.msk $0xffff, v38;
	v35 =	vbroadcast v34, $0x0  }
0x702: {  	[tilespmem:v33+s28+$0x0] =	vst.idx.msk $0xffff, v40  }
0x703: {  	v33 =	vld [tilespmem:s17+$0xC0];
	v36 =	vadd.s32 v29, v35  }
0x704: {  	v38 =	vadd.s32 v30, v35;
	v37 =	vld [tilespmem:s17+$0xD0]  }
0x705: {  	v40 =	vadd.s32 v31, v35;
	v39 =	vld [tilespmem:s17+$0xE0]  }
.Ltmp12:
0x706: {  	v35 =	vadd.s32 v32, v35;
	v34 =	vld [tilespmem:s17+$0xF0];
	(pc) =	sbr.rel @p1 .LBB2_28-.Ltmp12, $4  }
0x707: {  	v41 =	vmov s11  }
0x708: {  	v41 =	vshrl.u32 v41, $0x3;
	[tilespmem:v36+s28+$0x0] =	vst.idx.msk $0xffff, v33  }
0x709: {  	v33 =	vshll.u32 v41, v1;
	[tilespmem:v38+s28+$0x0] =	vst.idx.msk $0xffff, v37  }
0x70a: {  	v33 =	vbroadcast v33, $0x0;
	[tilespmem:v40+s28+$0x0] =	vst.idx.msk $0xffff, v39  }
0x70b: {  	_ =	sdelay $0x3  }
0x70c: {  	[tilespmem:v35+s28+$0x0] =	vst.idx.msk $0xffff, v34;
	s12 =	sadd.s32 $0x200, s17  }
0x70d: {  	v34 =	vld [tilespmem:s12+$0xFFFFFF00];
	v48 =	vadd.s32 v0, v33  }
0x70e: {  	v36 =	vld [tilespmem:s12+$0xFFFFFF10];
	v37 =	vadd.s32 v2, v33  }
0x70f: {  	v38 =	vld [tilespmem:s12+$0xFFFFFF20];
	v39 =	vadd.s32 v3, v33  }
0x710: {  	s8 =	sadd.s32 $0x1, s11;
	v40 =	vld [tilespmem:s12+$0xFFFFFF30];
	v49 =	vadd.s32 v4, v33  }
0x711: {  	v41 =	vmov s8  }
0x712: {  	v50 =	vshrl.u32 v41, $0x3;
	[tilespmem:v48+s28+$0x0] =	vst.idx.msk $0xffff, v34  }
0x713: {  	v34 =	vshll.u32 v50, v1;
	[tilespmem:v37+s28+$0x0] =	vst.idx.msk $0xffff, v36  }
0x714: {  	v34 =	vbroadcast v34, $0x0;
	[tilespmem:v39+s28+$0x0] =	vst.idx.msk $0xffff, v38  }
0x715: {  	[tilespmem:v49+s28+$0x0] =	vst.idx.msk $0xffff, v40  }
0x716: {  	v51 =	vadd.s32 v5, v34;
	v33 =	vld [tilespmem:s12+$0xFFFFFF40]  }
0x717: {  	v52 =	vadd.s32 v6, v34;
	v36 =	vld [tilespmem:s12+$0xFFFFFF50]  }
0x718: {  	v53 =	vadd.s32 v7, v34;
	v38 =	vld [tilespmem:s12+$0xFFFFFF60]  }
0x719: {  	s14 =	sadd.s32 $0x2, s11;
	v34 =	vadd.s32 v8, v34;
	v40 =	vld [tilespmem:s12+$0xFFFFFF70]  }
0x71a: {  	v54 =	vmov s14  }
0x71b: {  	v55 =	vshrl.u32 v54, $0x3;
	[tilespmem:v51+s28+$0x0] =	vst.idx.msk $0xffff, v33  }
0x71c: {  	v33 =	vshll.u32 v55, v1;
	[tilespmem:v52+s28+$0x0] =	vst.idx.msk $0xffff, v36  }
0x71d: {  	v33 =	vbroadcast v33, $0x0;
	[tilespmem:v53+s28+$0x0] =	vst.idx.msk $0xffff, v38  }
0x71e: {  	[tilespmem:v34+s28+$0x0] =	vst.idx.msk $0xffff, v40  }
0x71f: {  	v56 =	vadd.s32 v9, v33;
	v34 =	vld [tilespmem:s12+$0xFFFFFF80]  }
0x720: {  	v57 =	vadd.s32 v10, v33;
	v36 =	vld [tilespmem:s12+$0xFFFFFF90]  }
0x721: {  	v58 =	vadd.s32 v11, v33;
	v38 =	vld [tilespmem:s12+$0xFFFFFFA0]  }
0x722: {  	s17 =	sadd.s32 $0x3, s11;
	v33 =	vadd.s32 v12, v33;
	v40 =	vld [tilespmem:s12+$0xFFFFFFB0]  }
0x723: {  	v59 =	vmov s17  }
0x724: {  	v60 =	vshrl.u32 v59, $0x3;
	[tilespmem:v56+s28+$0x0] =	vst.idx.msk $0xffff, v34  }
0x725: {  	v34 =	vshll.u32 v60, v1;
	[tilespmem:v57+s28+$0x0] =	vst.idx.msk $0xffff, v36  }
0x726: {  	v34 =	vbroadcast v34, $0x0;
	[tilespmem:v58+s28+$0x0] =	vst.idx.msk $0xffff, v38  }
0x727: {  	[tilespmem:v33+s28+$0x0] =	vst.idx.msk $0xffff, v40  }
0x728: {  	v61 =	vadd.s32 v13, v34;
	v33 =	vld [tilespmem:s12+$0xFFFFFFC0]  }
0x729: {  	v62 =	vadd.s32 v14, v34;
	v36 =	vld [tilespmem:s12+$0xFFFFFFD0]  }
0x72a: {  	v63 =	vadd.s32 v15, v34;
	v38 =	vld [tilespmem:s12+$0xFFFFFFE0]  }
0x72b: {  	s22 =	sadd.s32 $0x4, s11;
	v34 =	vadd.s32 v16, v34;
	v40 =	vld [tilespmem:s12+$0xFFFFFFF0]  }
0x72c: {  	v44 =	vmov s22  }
0x72d: {  	v45 =	vshrl.u32 v44, $0x3;
	[tilespmem:v61+s28+$0x0] =	vst.idx.msk $0xffff, v33  }
0x72e: {  	v33 =	vshll.u32 v45, v1;
	[tilespmem:v62+s28+$0x0] =	vst.idx.msk $0xffff, v36  }
0x72f: {  	v33 =	vbroadcast v33, $0x0;
	[tilespmem:v63+s28+$0x0] =	vst.idx.msk $0xffff, v38  }
0x730: {  	[tilespmem:v34+s28+$0x0] =	vst.idx.msk $0xffff, v40  }
0x731: {  	v46 =	vadd.s32 v17, v33;
	v34 =	vld [tilespmem:s12+$0x0]  }
0x732: {  	v47 =	vadd.s32 v18, v33;
	v36 =	vld [tilespmem:s12+$0x10]  }
0x733: {  	v48 =	vadd.s32 v19, v33;
	v38 =	vld [tilespmem:s12+$0x20]  }
0x734: {  	s9 =	sadd.s32 $0x5, s11;
	v33 =	vadd.s32 v20, v33;
	v40 =	vld [tilespmem:s12+$0x30]  }
0x735: {  	v49 =	vmov s9  }
0x736: {  	v50 =	vshrl.u32 v49, $0x3;
	[tilespmem:v46+s28+$0x0] =	vst.idx.msk $0xffff, v34  }
0x737: {  	v34 =	vshll.u32 v50, v1;
	[tilespmem:v47+s28+$0x0] =	vst.idx.msk $0xffff, v36  }
0x738: {  	v34 =	vbroadcast v34, $0x0;
	[tilespmem:v48+s28+$0x0] =	vst.idx.msk $0xffff, v38  }
0x739: {  	[tilespmem:v33+s28+$0x0] =	vst.idx.msk $0xffff, v40  }
0x73a: {  	v51 =	vadd.s32 v21, v34;
	v33 =	vld [tilespmem:s12+$0x40]  }
0x73b: {  	v52 =	vadd.s32 v22, v34;
	v36 =	vld [tilespmem:s12+$0x50]  }
0x73c: {  	v53 =	vadd.s32 v23, v34;
	v38 =	vld [tilespmem:s12+$0x60]  }
0x73d: {  	s14 =	sadd.s32 $0x6, s11;
	v34 =	vadd.s32 v24, v34;
	v40 =	vld [tilespmem:s12+$0x70]  }
0x73e: {  	v54 =	vmov s14  }
0x73f: {  	v55 =	vshrl.u32 v54, $0x3;
	[tilespmem:v51+s28+$0x0] =	vst.idx.msk $0xffff, v33  }
0x740: {  	v33 =	vshll.u32 v55, v1;
	[tilespmem:v52+s28+$0x0] =	vst.idx.msk $0xffff, v36  }
0x741: {  	v33 =	vbroadcast v33, $0x0;
	[tilespmem:v53+s28+$0x0] =	vst.idx.msk $0xffff, v38  }
0x742: {  	[tilespmem:v34+s28+$0x0] =	vst.idx.msk $0xffff, v40  }
0x743: {  	v56 =	vadd.s32 v25, v33;
	v34 =	vld [tilespmem:s12+$0x80]  }
0x744: {  	v57 =	vadd.s32 v26, v33;
	v36 =	vld [tilespmem:s12+$0x90]  }
0x745: {  	v58 =	vadd.s32 v27, v33;
	v38 =	vld [tilespmem:s12+$0xA0]  }
0x746: {  	s17 =	sadd.s32 $0x7, s11;
	v33 =	vadd.s32 v28, v33;
	v40 =	vld [tilespmem:s12+$0xB0]  }
0x747: {  	v59 =	vmov s17  }
0x748: {  	v60 =	vshrl.u32 v59, $0x3;
	[tilespmem:v56+s28+$0x0] =	vst.idx.msk $0xffff, v34  }
0x749: {  	v34 =	vshll.u32 v60, v1;
	[tilespmem:v57+s28+$0x0] =	vst.idx.msk $0xffff, v36  }
0x74a: {  	v34 =	vbroadcast v34, $0x0;
	[tilespmem:v58+s28+$0x0] =	vst.idx.msk $0xffff, v38  }
0x74b: {  	[tilespmem:v33+s28+$0x0] =	vst.idx.msk $0xffff, v40  }
0x74c: {  	v61 =	vadd.s32 v29, v34;
	v33 =	vld [tilespmem:s12+$0xC0]  }
0x74d: {  	v62 =	vadd.s32 v30, v34;
	v36 =	vld [tilespmem:s12+$0xD0]  }
0x74e: {  	v63 =	vadd.s32 v31, v34;
	v38 =	vld [tilespmem:s12+$0xE0]  }
0x74f: {  	v34 =	vadd.s32 v32, v34;
	v40 =	vld [tilespmem:s12+$0xF0]  }
0x750: {  	s7 =	sadd.s32 s6, s7  }
0x751: {  	s22 =	sshll.u32 s7, $0x7;
	[tilespmem:v61+s28+$0x0] =	vst.idx.msk $0xffff, v33  }
0x752: {  	s7 =	sshll.u32 s7, $0xA;
	s8 =	sand.u32 $0xF00, s22;
	[tilespmem:v62+s28+$0x0] =	vst.idx.msk $0xffff, v36  }
0x753: {  	s7 =	sand.u32 $0xFFF8000, s7;
	s8 =	sadd.s32 s2, s8;
	[tilespmem:v63+s28+$0x0] =	vst.idx.msk $0xffff, v38  }
0x754: {  	s8 =	sadd.s32 s7, s8;
	s9 =	simm.s32 $0x12800;
	[tilespmem:v34+s28+$0x0] =	vst.idx.msk $0xffff, v40  }
0x755: {  	[hbm4b:s8+s3] =	stream.linear.scatter [tilespmem:s9], [sflag:$0x7], $0x80, $0x38;
	[tilespmem:$0x16C00] =	vst v63  }
0x756: {  	s11 =	simm.s32 $0x12888;
	s9 =	sadd.s32 $0x10, s8  }
0x757: {  	[hbm4b:s9+s3] =	stream.linear.scatter [tilespmem:s11], [sflag:$0x7], $0x80, $0x38;
	[tilespmem:$0x16C00] =	vst v63  }
0x758: {  	s14 =	sadd.s32 $0x20, s8;
	s12 =	simm.s32 $0x12910  }
0x759: {  	[hbm4b:s14+s3] =	stream.linear.scatter [tilespmem:s12], [sflag:$0x7], $0x80, $0x38;
	[tilespmem:$0x16C00] =	vst v63  }
0x75a: {  	s17 =	simm.s32 $0x12998;
	s22 =	sadd.s32 $0x30, s8  }
0x75b: {  	[hbm4b:s22+s3] =	stream.linear.scatter [tilespmem:s17], [sflag:$0x7], $0x80, $0x38;
	[tilespmem:$0x16C00] =	vst v63  }
0x75c: {  	s9 =	simm.s32 $0x12A20;
	s11 =	sadd.s32 $0x40, s8  }
0x75d: {  	[hbm4b:s11+s3] =	stream.linear.scatter [tilespmem:s9], [sflag:$0x7], $0x80, $0x38;
	[tilespmem:$0x16C00] =	vst v63  }
0x75e: {  	s7 =	simm.s32 $0x440;
	s12 =	simm.s32 $0x12AA8;
	s14 =	sadd.s32 $0x50, s8  }
0x75f: {  	[hbm4b:s14+s3] =	stream.linear.scatter [tilespmem:s12], [sflag:$0x7], $0x80, $0x38;
	[tilespmem:$0x16C00] =	vst v63  }
0x760: {  	s17 =	simm.s32 $0x12B30;
	s22 =	sadd.s32 $0x60, s8;
	s11 =	sadd.s32 $0x1000, s8  }
0x761: {  	[hbm4b:s22+s3] =	stream.linear.scatter [tilespmem:s17], [sflag:$0x7], $0x80, $0x38;
	[tilespmem:$0x16C00] =	vst v63  }
0x762: {  	s12 =	simm.s32 $0x2200;
	s14 =	simm.s32 $0x12BB8;
	s17 =	sadd.s32 $0x70, s8  }
.LBB2_30:
0x763: {  	[hbm4b:s17+s3] =	stream.linear.scatter [tilespmem:s14], [sflag:$0x7], $0x80, $0x38;
	[tilespmem:$0x16C00] =	vst v63  }
0x764: {  	s8 =	smov.u32 s7;
	s7 =	smov.u32 s12  }
0x765: {  	s9 =	sadd.s32 $0x1100, s12;
	s7 =	sshra.s32 s7, $0x2;
	s14 =	sadd.s32 $0x12800, s8  }
0x766: {  	[hbm4b:s11+s3] =	stream.linear.scatter [tilespmem:s14], [sflag:$0x7], $0x80, $0x38;
	[tilespmem:$0x16C00] =	vst v63  }
0x767: {  	p1 =	sne.s32 s12, $0x7700;
	s12 =	sadd.s32 $0x12888, s8;
	s14 =	sadd.s32 $0x10, s11  }
0x768: {  	[hbm4b:s14+s3] =	stream.linear.scatter [tilespmem:s12], [sflag:$0x7], $0x80, $0x38;
	[tilespmem:$0x16C00] =	vst v63  }
0x769: {  	s12 =	sadd.s32 $0x12910, s8;
	s14 =	sadd.s32 $0x20, s11  }
0x76a: {  	[hbm4b:s14+s3] =	stream.linear.scatter [tilespmem:s12], [sflag:$0x7], $0x80, $0x38;
	[tilespmem:$0x16C00] =	vst v63  }
0x76b: {  	s12 =	sadd.s32 $0x12998, s8;
	s14 =	sadd.s32 $0x30, s11  }
0x76c: {  	[hbm4b:s14+s3] =	stream.linear.scatter [tilespmem:s12], [sflag:$0x7], $0x80, $0x38;
	[tilespmem:$0x16C00] =	vst v63  }
0x76d: {  	s12 =	sadd.s32 $0x12A20, s8;
	s14 =	sadd.s32 $0x40, s11  }
0x76e: {  	[hbm4b:s14+s3] =	stream.linear.scatter [tilespmem:s12], [sflag:$0x7], $0x80, $0x38;
	[tilespmem:$0x16C00] =	vst v63  }
.Ltmp13:
0x76f: {  	s12 =	sadd.s32 $0x12AA8, s8;
	s14 =	sadd.s32 $0x50, s11;
	(pc) =	sbr.rel @p1 .LBB2_30-.Ltmp13, $4  }
0x770: {  	[hbm4b:s14+s3] =	stream.linear.scatter [tilespmem:s12], [sflag:$0x7], $0x80, $0x38;
	[tilespmem:$0x16C00] =	vst v63  }
0x771: {  	s17 =	sadd.s32 $0x70, s11;
	s12 =	sadd.s32 $0x12B30, s8;
	s14 =	sadd.s32 $0x60, s11  }
0x772: {  	[hbm4b:s14+s3] =	stream.linear.scatter [tilespmem:s12], [sflag:$0x7], $0x80, $0x38;
	[tilespmem:$0x16C00] =	vst v63  }
0x773: {  	s11 =	sadd.s32 $0x1000, s11;
	s14 =	sadd.s32 $0x12BB8, s8;
	s12 =	smov.u32 s9  }
0x774: {  	[hbm4b:s17+s3] =	stream.linear.scatter [tilespmem:s14], [sflag:$0x7], $0x80, $0x38;
	[tilespmem:$0x16C00] =	vst v63  }
0x775: {  	s8 =	sadd.s32 $0x12800, s7  }
0x776: {  	[hbm4b:s11+s3] =	stream.linear.scatter [tilespmem:s8], [sflag:$0x7], $0x80, $0x38;
	[tilespmem:$0x16C00] =	vst v63  }
0x777: {  	s22 =	sadd.s32 $0x12888, s7;
	s9 =	sadd.s32 $0x10, s11  }
0x778: {  	[hbm4b:s9+s3] =	stream.linear.scatter [tilespmem:s22], [sflag:$0x7], $0x80, $0x38;
	[tilespmem:$0x16C00] =	vst v63  }
0x779: {  	s12 =	sadd.s32 $0x12910, s7;
	s14 =	sadd.s32 $0x20, s11  }
0x77a: {  	[hbm4b:s14+s3] =	stream.linear.scatter [tilespmem:s12], [sflag:$0x7], $0x80, $0x38;
	[tilespmem:$0x16C00] =	vst v63  }
0x77b: {  	s17 =	sadd.s32 $0x12998, s7;
	s22 =	sadd.s32 $0x30, s11  }
0x77c: {  	[hbm4b:s22+s3] =	stream.linear.scatter [tilespmem:s17], [sflag:$0x7], $0x80, $0x38;
	[tilespmem:$0x16C00] =	vst v63  }
0x77d: {  	s12 =	sadd.s32 $0x12A20, s7;
	s14 =	sadd.s32 $0x40, s11  }
0x77e: {  	[hbm4b:s14+s3] =	stream.linear.scatter [tilespmem:s12], [sflag:$0x7], $0x80, $0x38;
	[tilespmem:$0x16C00] =	vst v63  }
0x77f: {  	s17 =	sadd.s32 $0x12AA8, s7;
	s22 =	sadd.s32 $0x50, s11  }
0x780: {  	[hbm4b:s22+s3] =	stream.linear.scatter [tilespmem:s17], [sflag:$0x7], $0x80, $0x38;
	[tilespmem:$0x16C00] =	vst v63  }
0x781: {  	s9 =	sadd.s32 $0x12B30, s7;
	s12 =	sadd.s32 $0x60, s11  }
0x782: {  	[hbm4b:s12+s3] =	stream.linear.scatter [tilespmem:s9], [sflag:$0x7], $0x80, $0x38;
	[tilespmem:$0x16C00] =	vst v63  }
0x783: {  	s14 =	sadd.s32 $0x12BB8, s7;
	s17 =	sadd.s32 $0x70, s11  }
0x784: {  	[hbm4b:s17+s3] =	stream.linear.scatter [tilespmem:s14], [sflag:$0x7], $0x80, $0x38;
	[tilespmem:$0x16C00] =	vst v63  }
0x785: {  	_ =	swait.ge [sflag:s18], $0x2000  }
0x786: {  	s8 =	sadd.s32 @!p0 $0x300, s15;
	s22 =	simm.s32 $0x0;
	[sflag:s18] =	ssyncset.done $0x0  }
0x787: {  	s11 =	simm.s32 @!p0 $0xA400;
	v33 =	vmov s22;
	s9 =	simm.s32 @!p0 $0x80;
	[sflag:s18] =	ssyncadd.s32 $0xFFFFE000  }
0x788: {  	v33 =	vshrl.u32 v33, $0x3;
	[tilespmem:s11], [sflag:$0x3] =	stream.indirect.gather @!p0 [hbm4b:s4+s9], $0x40, s8, s9, $0xb8;
	[tilespmem:$0x16C00] =	vst v63  }
0x789: {  	v33 =	vshll.u32 v33, v1;
	_ =	swait.ge [sflag:s30], $0x2000  }
0x78a: {  	v33 =	vbroadcast v33, $0x0;
	[sflag:s30] =	ssyncset.done $0x0  }
0x78b: {  	s14 =	simm.s32 $0xC500;
	[sflag:s30] =	ssyncadd.s32 $0xFFFFE000  }
0x78c: {  	v35 =	vadd.s32 v0, v33;
	v34 =	vld [tilespmem:s14+$0xFFFFFF00]  }
0x78d: {  	v37 =	vadd.s32 v2, v33;
	v36 =	vld [tilespmem:s14+$0xFFFFFF10]  }
0x78e: {  	v39 =	vadd.s32 v3, v33;
	v38 =	vld [tilespmem:s14+$0xFFFFFF20]  }
0x78f: {  	v33 =	vadd.s32 v4, v33;
	s8 =	simm.s32 $0x1;
	v40 =	vld [tilespmem:s14+$0xFFFFFF30]  }
0x790: {  	v41 =	vmov s8  }
0x791: {  	v47 =	vshrl.u32 v41, $0x3;
	[tilespmem:v35+s31+$0x0] =	vst.idx.msk $0xffff, v34  }
0x792: {  	v34 =	vshll.u32 v47, v1;
	[tilespmem:v37+s31+$0x0] =	vst.idx.msk $0xffff, v36  }
0x793: {  	v34 =	vbroadcast v34, $0x0;
	[tilespmem:v39+s31+$0x0] =	vst.idx.msk $0xffff, v38  }
0x794: {  	[tilespmem:v33+s31+$0x0] =	vst.idx.msk $0xffff, v40  }
0x795: {  	v48 =	vadd.s32 v5, v34;
	v33 =	vld [tilespmem:s14+$0xFFFFFF40]  }
0x796: {  	v49 =	vadd.s32 v6, v34;
	v36 =	vld [tilespmem:s14+$0xFFFFFF50]  }
0x797: {  	v50 =	vadd.s32 v7, v34;
	v38 =	vld [tilespmem:s14+$0xFFFFFF60]  }
0x798: {  	s9 =	simm.s32 $0x2;
	v34 =	vadd.s32 v8, v34;
	v40 =	vld [tilespmem:s14+$0xFFFFFF70]  }
0x799: {  	v51 =	vmov s9  }
0x79a: {  	v52 =	vshrl.u32 v51, $0x3;
	[tilespmem:v48+s31+$0x0] =	vst.idx.msk $0xffff, v33  }
0x79b: {  	v33 =	vshll.u32 v52, v1;
	[tilespmem:v49+s31+$0x0] =	vst.idx.msk $0xffff, v36  }
0x79c: {  	v33 =	vbroadcast v33, $0x0;
	[tilespmem:v50+s31+$0x0] =	vst.idx.msk $0xffff, v38  }
0x79d: {  	[tilespmem:v34+s31+$0x0] =	vst.idx.msk $0xffff, v40  }
0x79e: {  	v53 =	vadd.s32 v9, v33;
	v34 =	vld [tilespmem:s14+$0xFFFFFF80]  }
0x79f: {  	v54 =	vadd.s32 v10, v33;
	v36 =	vld [tilespmem:s14+$0xFFFFFF90]  }
0x7a0: {  	v55 =	vadd.s32 v11, v33;
	v38 =	vld [tilespmem:s14+$0xFFFFFFA0]  }
0x7a1: {  	s11 =	simm.s32 $0x3;
	v33 =	vadd.s32 v12, v33;
	v40 =	vld [tilespmem:s14+$0xFFFFFFB0]  }
0x7a2: {  	v56 =	vmov s11  }
0x7a3: {  	v57 =	vshrl.u32 v56, $0x3;
	[tilespmem:v53+s31+$0x0] =	vst.idx.msk $0xffff, v34  }
0x7a4: {  	v34 =	vshll.u32 v57, v1;
	[tilespmem:v54+s31+$0x0] =	vst.idx.msk $0xffff, v36  }
0x7a5: {  	v34 =	vbroadcast v34, $0x0;
	[tilespmem:v55+s31+$0x0] =	vst.idx.msk $0xffff, v38  }
0x7a6: {  	[tilespmem:v33+s31+$0x0] =	vst.idx.msk $0xffff, v40  }
0x7a7: {  	v58 =	vadd.s32 v13, v34;
	v33 =	vld [tilespmem:s14+$0xFFFFFFC0]  }
0x7a8: {  	v59 =	vadd.s32 v14, v34;
	v36 =	vld [tilespmem:s14+$0xFFFFFFD0]  }
0x7a9: {  	v60 =	vadd.s32 v15, v34;
	v38 =	vld [tilespmem:s14+$0xFFFFFFE0]  }
0x7aa: {  	s12 =	simm.s32 $0x4;
	v34 =	vadd.s32 v16, v34;
	v40 =	vld [tilespmem:s14+$0xFFFFFFF0]  }
0x7ab: {  	v61 =	vmov s12  }
0x7ac: {  	v62 =	vshrl.u32 v61, $0x3;
	[tilespmem:v58+s31+$0x0] =	vst.idx.msk $0xffff, v33  }
0x7ad: {  	v33 =	vshll.u32 v62, v1;
	[tilespmem:v59+s31+$0x0] =	vst.idx.msk $0xffff, v36  }
0x7ae: {  	v33 =	vbroadcast v33, $0x0;
	[tilespmem:v60+s31+$0x0] =	vst.idx.msk $0xffff, v38  }
0x7af: {  	[tilespmem:v34+s31+$0x0] =	vst.idx.msk $0xffff, v40  }
0x7b0: {  	v63 =	vadd.s32 v17, v33;
	v34 =	vld [tilespmem:s14+$0x0]  }
0x7b1: {  	v44 =	vadd.s32 v18, v33;
	v36 =	vld [tilespmem:s14+$0x10]  }
0x7b2: {  	v45 =	vadd.s32 v19, v33;
	v38 =	vld [tilespmem:s14+$0x20]  }
0x7b3: {  	s15 =	simm.s32 $0x5;
	v33 =	vadd.s32 v20, v33;
	v40 =	vld [tilespmem:s14+$0x30]  }
0x7b4: {  	v46 =	vmov s15  }
0x7b5: {  	v47 =	vshrl.u32 v46, $0x3;
	[tilespmem:v63+s31+$0x0] =	vst.idx.msk $0xffff, v34  }
0x7b6: {  	v34 =	vshll.u32 v47, v1;
	[tilespmem:v44+s31+$0x0] =	vst.idx.msk $0xffff, v36  }
0x7b7: {  	v34 =	vbroadcast v34, $0x0;
	[tilespmem:v45+s31+$0x0] =	vst.idx.msk $0xffff, v38  }
0x7b8: {  	[tilespmem:v33+s31+$0x0] =	vst.idx.msk $0xffff, v40  }
0x7b9: {  	v48 =	vadd.s32 v21, v34;
	v33 =	vld [tilespmem:s14+$0x40]  }
0x7ba: {  	v49 =	vadd.s32 v22, v34;
	v36 =	vld [tilespmem:s14+$0x50]  }
0x7bb: {  	v50 =	vadd.s32 v23, v34;
	v38 =	vld [tilespmem:s14+$0x60]  }
0x7bc: {  	s17 =	simm.s32 $0x6;
	v34 =	vadd.s32 v24, v34;
	v40 =	vld [tilespmem:s14+$0x70]  }
0x7bd: {  	v51 =	vmov s17  }
0x7be: {  	v52 =	vshrl.u32 v51, $0x3;
	[tilespmem:v48+s31+$0x0] =	vst.idx.msk $0xffff, v33  }
0x7bf: {  	v33 =	vshll.u32 v52, v1;
	[tilespmem:v49+s31+$0x0] =	vst.idx.msk $0xffff, v36  }
0x7c0: {  	v33 =	vbroadcast v33, $0x0;
	[tilespmem:v50+s31+$0x0] =	vst.idx.msk $0xffff, v38  }
0x7c1: {  	[tilespmem:v34+s31+$0x0] =	vst.idx.msk $0xffff, v40  }
0x7c2: {  	v53 =	vadd.s32 v25, v33;
	v34 =	vld [tilespmem:s14+$0x80]  }
0x7c3: {  	v54 =	vadd.s32 v26, v33;
	v36 =	vld [tilespmem:s14+$0x90]  }
0x7c4: {  	v55 =	vadd.s32 v27, v33;
	v38 =	vld [tilespmem:s14+$0xA0]  }
0x7c5: {  	s22 =	simm.s32 $0x7;
	v33 =	vadd.s32 v28, v33;
	v40 =	vld [tilespmem:s14+$0xB0]  }
0x7c6: {  	v56 =	vmov s22  }
0x7c7: {  	v57 =	vshrl.u32 v56, $0x3;
	[tilespmem:v53+s31+$0x0] =	vst.idx.msk $0xffff, v34  }
0x7c8: {  	v34 =	vshll.u32 v57, v1;
	[tilespmem:v54+s31+$0x0] =	vst.idx.msk $0xffff, v36  }
0x7c9: {  	v58 =	vbroadcast v34, $0x0;
	[tilespmem:v55+s31+$0x0] =	vst.idx.msk $0xffff, v38  }
0x7ca: {  	[tilespmem:v33+s31+$0x0] =	vst.idx.msk $0xffff, v40  }
0x7cb: {  	v59 =	vadd.s32 v29, v58;
	v33 =	vld [tilespmem:s14+$0xC0]  }
0x7cc: {  	v60 =	vadd.s32 v30, v58;
	v37 =	vld [tilespmem:s14+$0xD0]  }
0x7cd: {  	v61 =	vadd.s32 v31, v58;
	v39 =	vld [tilespmem:s14+$0xE0]  }
0x7ce: {  	s7 =	simm.s32 $0x8  }
0x7cf: {  	v62 =	vmov s7;
	v35 =	vadd.s32 v32, v58;
	v34 =	vld [tilespmem:s14+$0xF0]  }
0x7d0: {  	v41 =	vshrl.u32 v62, $0x3;
	[tilespmem:v59+s31+$0x0] =	vst.idx.msk $0xffff, v33  }
0x7d1: {  	v63 =	vshll.u32 v41, v1;
	[tilespmem:v60+s31+$0x0] =	vst.idx.msk $0xffff, v37  }
0x7d2: {  	s11 =	simm.s32 $0x10;
	v33 =	vbroadcast v63, $0x0;
	[tilespmem:v61+s31+$0x0] =	vst.idx.msk $0xffff, v39  }
.LBB2_32:
0x7d3: {  	p0 =	slt.u32 s11, $0x78  }
0x7d4: {  	[tilespmem:v35+s31+$0x0] =	vst.idx.msk $0xffff, v34;
	s14 =	sadd.s32 $0x200, s14;
	s12 =	smov.u32 s11;
	s11 =	sadd.s32 $0x8, s11  }
0x7d5: {  	v34 =	vld [tilespmem:s14+$0xFFFFFF00];
	v35 =	vadd.s32 v0, v33  }
0x7d6: {  	v37 =	vadd.s32 v2, v33;
	v36 =	vld [tilespmem:s14+$0xFFFFFF10]  }
0x7d7: {  	v39 =	vadd.s32 v3, v33;
	v38 =	vld [tilespmem:s14+$0xFFFFFF20]  }
0x7d8: {  	s8 =	sadd.s32 $0x1, s7;
	v33 =	vadd.s32 v4, v33;
	v40 =	vld [tilespmem:s14+$0xFFFFFF30]  }
0x7d9: {  	v41 =	vmov s8  }
0x7da: {  	[tilespmem:v35+s31+$0x0] =	vst.idx.msk $0xffff, v34;
	v34 =	vshrl.u32 v41, $0x3  }
0x7db: {  	[tilespmem:v37+s31+$0x0] =	vst.idx.msk $0xffff, v36;
	v34 =	vshll.u32 v34, v1  }
0x7dc: {  	[tilespmem:v39+s31+$0x0] =	vst.idx.msk $0xffff, v38;
	v34 =	vbroadcast v34, $0x0  }
0x7dd: {  	[tilespmem:v33+s31+$0x0] =	vst.idx.msk $0xffff, v40  }
0x7de: {  	v33 =	vld [tilespmem:s14+$0xFFFFFF40];
	v35 =	vadd.s32 v5, v34  }
0x7df: {  	v37 =	vadd.s32 v6, v34;
	v36 =	vld [tilespmem:s14+$0xFFFFFF50]  }
0x7e0: {  	v39 =	vadd.s32 v7, v34;
	v38 =	vld [tilespmem:s14+$0xFFFFFF60]  }
0x7e1: {  	s8 =	sadd.s32 $0x2, s7;
	v34 =	vadd.s32 v8, v34;
	v40 =	vld [tilespmem:s14+$0xFFFFFF70]  }
0x7e2: {  	v41 =	vmov s8  }
0x7e3: {  	[tilespmem:v35+s31+$0x0] =	vst.idx.msk $0xffff, v33;
	v33 =	vshrl.u32 v41, $0x3  }
0x7e4: {  	[tilespmem:v37+s31+$0x0] =	vst.idx.msk $0xffff, v36;
	v33 =	vshll.u32 v33, v1  }
0x7e5: {  	[tilespmem:v39+s31+$0x0] =	vst.idx.msk $0xffff, v38;
	v33 =	vbroadcast v33, $0x0  }
0x7e6: {  	[tilespmem:v34+s31+$0x0] =	vst.idx.msk $0xffff, v40  }
0x7e7: {  	v34 =	vld [tilespmem:s14+$0xFFFFFF80];
	v35 =	vadd.s32 v9, v33  }
0x7e8: {  	v37 =	vadd.s32 v10, v33;
	v36 =	vld [tilespmem:s14+$0xFFFFFF90]  }
0x7e9: {  	v39 =	vadd.s32 v11, v33;
	v38 =	vld [tilespmem:s14+$0xFFFFFFA0]  }
0x7ea: {  	s8 =	sadd.s32 $0x3, s7;
	v33 =	vadd.s32 v12, v33;
	v40 =	vld [tilespmem:s14+$0xFFFFFFB0]  }
0x7eb: {  	v41 =	vmov s8  }
0x7ec: {  	[tilespmem:v35+s31+$0x0] =	vst.idx.msk $0xffff, v34;
	v34 =	vshrl.u32 v41, $0x3  }
0x7ed: {  	[tilespmem:v37+s31+$0x0] =	vst.idx.msk $0xffff, v36;
	v34 =	vshll.u32 v34, v1  }
0x7ee: {  	[tilespmem:v39+s31+$0x0] =	vst.idx.msk $0xffff, v38;
	v34 =	vbroadcast v34, $0x0  }
0x7ef: {  	[tilespmem:v33+s31+$0x0] =	vst.idx.msk $0xffff, v40  }
0x7f0: {  	v33 =	vld [tilespmem:s14+$0xFFFFFFC0];
	v35 =	vadd.s32 v13, v34  }
0x7f1: {  	v37 =	vadd.s32 v14, v34;
	v36 =	vld [tilespmem:s14+$0xFFFFFFD0]  }
0x7f2: {  	v39 =	vadd.s32 v15, v34;
	v38 =	vld [tilespmem:s14+$0xFFFFFFE0]  }
0x7f3: {  	s8 =	sadd.s32 $0x4, s7;
	v34 =	vadd.s32 v16, v34;
	v40 =	vld [tilespmem:s14+$0xFFFFFFF0]  }
0x7f4: {  	v41 =	vmov s8  }
0x7f5: {  	[tilespmem:v35+s31+$0x0] =	vst.idx.msk $0xffff, v33;
	v33 =	vshrl.u32 v41, $0x3  }
0x7f6: {  	[tilespmem:v37+s31+$0x0] =	vst.idx.msk $0xffff, v36;
	v33 =	vshll.u32 v33, v1  }
0x7f7: {  	[tilespmem:v39+s31+$0x0] =	vst.idx.msk $0xffff, v38;
	v33 =	vbroadcast v33, $0x0  }
0x7f8: {  	[tilespmem:v34+s31+$0x0] =	vst.idx.msk $0xffff, v40  }
0x7f9: {  	v34 =	vld [tilespmem:s14+$0x0];
	v35 =	vadd.s32 v17, v33  }
0x7fa: {  	v37 =	vadd.s32 v18, v33;
	v36 =	vld [tilespmem:s14+$0x10]  }
0x7fb: {  	v39 =	vadd.s32 v19, v33;
	v38 =	vld [tilespmem:s14+$0x20]  }
0x7fc: {  	s8 =	sadd.s32 $0x5, s7;
	v33 =	vadd.s32 v20, v33;
	v40 =	vld [tilespmem:s14+$0x30]  }
0x7fd: {  	v41 =	vmov s8  }
0x7fe: {  	[tilespmem:v35+s31+$0x0] =	vst.idx.msk $0xffff, v34;
	v34 =	vshrl.u32 v41, $0x3  }
0x7ff: {  	[tilespmem:v37+s31+$0x0] =	vst.idx.msk $0xffff, v36;
	v34 =	vshll.u32 v34, v1  }
0x800: {  	[tilespmem:v39+s31+$0x0] =	vst.idx.msk $0xffff, v38;
	v34 =	vbroadcast v34, $0x0  }
0x801: {  	[tilespmem:v33+s31+$0x0] =	vst.idx.msk $0xffff, v40  }
0x802: {  	v33 =	vld [tilespmem:s14+$0x40];
	v35 =	vadd.s32 v21, v34  }
0x803: {  	v37 =	vadd.s32 v22, v34;
	v36 =	vld [tilespmem:s14+$0x50]  }
0x804: {  	v39 =	vadd.s32 v23, v34;
	v38 =	vld [tilespmem:s14+$0x60]  }
0x805: {  	s8 =	sadd.s32 $0x6, s7;
	v34 =	vadd.s32 v24, v34;
	v40 =	vld [tilespmem:s14+$0x70]  }
0x806: {  	v41 =	vmov s8  }
0x807: {  	[tilespmem:v35+s31+$0x0] =	vst.idx.msk $0xffff, v33;
	v33 =	vshrl.u32 v41, $0x3  }
0x808: {  	[tilespmem:v37+s31+$0x0] =	vst.idx.msk $0xffff, v36;
	v33 =	vshll.u32 v33, v1  }
0x809: {  	[tilespmem:v39+s31+$0x0] =	vst.idx.msk $0xffff, v38;
	v33 =	vbroadcast v33, $0x0  }
0x80a: {  	[tilespmem:v34+s31+$0x0] =	vst.idx.msk $0xffff, v40  }
0x80b: {  	v34 =	vld [tilespmem:s14+$0x80];
	v35 =	vadd.s32 v25, v33  }
0x80c: {  	v37 =	vadd.s32 v26, v33;
	v36 =	vld [tilespmem:s14+$0x90]  }
0x80d: {  	v39 =	vadd.s32 v27, v33;
	v38 =	vld [tilespmem:s14+$0xA0]  }
0x80e: {  	s8 =	sadd.s32 $0x7, s7;
	s7 =	smov.u32 s12;
	v33 =	vadd.s32 v28, v33;
	v40 =	vld [tilespmem:s14+$0xB0]  }
0x80f: {  	v41 =	vmov s8  }
0x810: {  	[tilespmem:v35+s31+$0x0] =	vst.idx.msk $0xffff, v34;
	v34 =	vshrl.u32 v41, $0x3  }
0x811: {  	[tilespmem:v37+s31+$0x0] =	vst.idx.msk $0xffff, v36;
	v34 =	vshll.u32 v34, v1  }
0x812: {  	[tilespmem:v39+s31+$0x0] =	vst.idx.msk $0xffff, v38;
	v35 =	vbroadcast v34, $0x0  }
0x813: {  	[tilespmem:v33+s31+$0x0] =	vst.idx.msk $0xffff, v40  }
0x814: {  	v33 =	vld [tilespmem:s14+$0xC0];
	v36 =	vadd.s32 v29, v35  }
0x815: {  	v38 =	vadd.s32 v30, v35;
	v37 =	vld [tilespmem:s14+$0xD0]  }
0x816: {  	v40 =	vadd.s32 v31, v35;
	v39 =	vld [tilespmem:s14+$0xE0]  }
.Ltmp14:
0x817: {  	v35 =	vadd.s32 v32, v35;
	v34 =	vld [tilespmem:s14+$0xF0];
	(pc) =	sbr.rel @p0 .LBB2_32-.Ltmp14, $4  }
0x818: {  	v41 =	vmov s7  }
0x819: {  	v41 =	vshrl.u32 v41, $0x3;
	[tilespmem:v36+s31+$0x0] =	vst.idx.msk $0xffff, v33  }
0x81a: {  	v33 =	vshll.u32 v41, v1;
	[tilespmem:v38+s31+$0x0] =	vst.idx.msk $0xffff, v37  }
0x81b: {  	v33 =	vbroadcast v33, $0x0;
	[tilespmem:v40+s31+$0x0] =	vst.idx.msk $0xffff, v39  }
0x81c: {  	_ =	sdelay $0x3  }
0x81d: {  	[tilespmem:v35+s31+$0x0] =	vst.idx.msk $0xffff, v34;
	s11 =	sadd.s32 $0x200, s14  }
0x81e: {  	v34 =	vld [tilespmem:s11+$0xFFFFFF00];
	v48 =	vadd.s32 v0, v33  }
0x81f: {  	v36 =	vld [tilespmem:s11+$0xFFFFFF10];
	v37 =	vadd.s32 v2, v33  }
0x820: {  	v38 =	vld [tilespmem:s11+$0xFFFFFF20];
	v39 =	vadd.s32 v3, v33  }
0x821: {  	s8 =	sadd.s32 $0x1, s7;
	v40 =	vld [tilespmem:s11+$0xFFFFFF30];
	v49 =	vadd.s32 v4, v33  }
0x822: {  	v41 =	vmov s8  }
0x823: {  	v50 =	vshrl.u32 v41, $0x3;
	[tilespmem:v48+s31+$0x0] =	vst.idx.msk $0xffff, v34  }
0x824: {  	v34 =	vshll.u32 v50, v1;
	[tilespmem:v37+s31+$0x0] =	vst.idx.msk $0xffff, v36  }
0x825: {  	v34 =	vbroadcast v34, $0x0;
	[tilespmem:v39+s31+$0x0] =	vst.idx.msk $0xffff, v38  }
0x826: {  	[tilespmem:v49+s31+$0x0] =	vst.idx.msk $0xffff, v40  }
0x827: {  	v51 =	vadd.s32 v5, v34;
	v33 =	vld [tilespmem:s11+$0xFFFFFF40]  }
0x828: {  	v52 =	vadd.s32 v6, v34;
	v36 =	vld [tilespmem:s11+$0xFFFFFF50]  }
0x829: {  	v53 =	vadd.s32 v7, v34;
	v38 =	vld [tilespmem:s11+$0xFFFFFF60]  }
0x82a: {  	s12 =	sadd.s32 $0x2, s7;
	v34 =	vadd.s32 v8, v34;
	v40 =	vld [tilespmem:s11+$0xFFFFFF70]  }
0x82b: {  	v54 =	vmov s12  }
0x82c: {  	v55 =	vshrl.u32 v54, $0x3;
	[tilespmem:v51+s31+$0x0] =	vst.idx.msk $0xffff, v33  }
0x82d: {  	v33 =	vshll.u32 v55, v1;
	[tilespmem:v52+s31+$0x0] =	vst.idx.msk $0xffff, v36  }
0x82e: {  	v33 =	vbroadcast v33, $0x0;
	[tilespmem:v53+s31+$0x0] =	vst.idx.msk $0xffff, v38  }
0x82f: {  	[tilespmem:v34+s31+$0x0] =	vst.idx.msk $0xffff, v40  }
0x830: {  	v56 =	vadd.s32 v9, v33;
	v34 =	vld [tilespmem:s11+$0xFFFFFF80]  }
0x831: {  	v57 =	vadd.s32 v10, v33;
	v36 =	vld [tilespmem:s11+$0xFFFFFF90]  }
0x832: {  	v58 =	vadd.s32 v11, v33;
	v38 =	vld [tilespmem:s11+$0xFFFFFFA0]  }
0x833: {  	s14 =	sadd.s32 $0x3, s7;
	v33 =	vadd.s32 v12, v33;
	v40 =	vld [tilespmem:s11+$0xFFFFFFB0]  }
0x834: {  	v59 =	vmov s14  }
0x835: {  	v60 =	vshrl.u32 v59, $0x3;
	[tilespmem:v56+s31+$0x0] =	vst.idx.msk $0xffff, v34  }
0x836: {  	v34 =	vshll.u32 v60, v1;
	[tilespmem:v57+s31+$0x0] =	vst.idx.msk $0xffff, v36  }
0x837: {  	v34 =	vbroadcast v34, $0x0;
	[tilespmem:v58+s31+$0x0] =	vst.idx.msk $0xffff, v38  }
0x838: {  	[tilespmem:v33+s31+$0x0] =	vst.idx.msk $0xffff, v40  }
0x839: {  	v61 =	vadd.s32 v13, v34;
	v33 =	vld [tilespmem:s11+$0xFFFFFFC0]  }
0x83a: {  	v62 =	vadd.s32 v14, v34;
	v36 =	vld [tilespmem:s11+$0xFFFFFFD0]  }
0x83b: {  	v63 =	vadd.s32 v15, v34;
	v38 =	vld [tilespmem:s11+$0xFFFFFFE0]  }
0x83c: {  	s15 =	sadd.s32 $0x4, s7;
	v34 =	vadd.s32 v16, v34;
	v40 =	vld [tilespmem:s11+$0xFFFFFFF0]  }
0x83d: {  	v44 =	vmov s15  }
0x83e: {  	v45 =	vshrl.u32 v44, $0x3;
	[tilespmem:v61+s31+$0x0] =	vst.idx.msk $0xffff, v33  }
0x83f: {  	v33 =	vshll.u32 v45, v1;
	[tilespmem:v62+s31+$0x0] =	vst.idx.msk $0xffff, v36  }
0x840: {  	v33 =	vbroadcast v33, $0x0;
	[tilespmem:v63+s31+$0x0] =	vst.idx.msk $0xffff, v38  }
0x841: {  	[tilespmem:v34+s31+$0x0] =	vst.idx.msk $0xffff, v40  }
0x842: {  	v46 =	vadd.s32 v17, v33;
	v34 =	vld [tilespmem:s11+$0x0]  }
0x843: {  	v47 =	vadd.s32 v18, v33;
	v36 =	vld [tilespmem:s11+$0x10]  }
0x844: {  	v48 =	vadd.s32 v19, v33;
	v38 =	vld [tilespmem:s11+$0x20]  }
0x845: {  	s17 =	sadd.s32 $0x5, s7;
	v33 =	vadd.s32 v20, v33;
	v40 =	vld [tilespmem:s11+$0x30]  }
0x846: {  	v49 =	vmov s17  }
0x847: {  	v50 =	vshrl.u32 v49, $0x3;
	[tilespmem:v46+s31+$0x0] =	vst.idx.msk $0xffff, v34  }
0x848: {  	v34 =	vshll.u32 v50, v1;
	[tilespmem:v47+s31+$0x0] =	vst.idx.msk $0xffff, v36  }
0x849: {  	v34 =	vbroadcast v34, $0x0;
	[tilespmem:v48+s31+$0x0] =	vst.idx.msk $0xffff, v38  }
0x84a: {  	[tilespmem:v33+s31+$0x0] =	vst.idx.msk $0xffff, v40  }
0x84b: {  	v51 =	vadd.s32 v21, v34;
	v33 =	vld [tilespmem:s11+$0x40]  }
0x84c: {  	v52 =	vadd.s32 v22, v34;
	v36 =	vld [tilespmem:s11+$0x50]  }
0x84d: {  	v53 =	vadd.s32 v23, v34;
	v38 =	vld [tilespmem:s11+$0x60]  }
0x84e: {  	s22 =	sadd.s32 $0x6, s7;
	v34 =	vadd.s32 v24, v34;
	v40 =	vld [tilespmem:s11+$0x70]  }
0x84f: {  	v54 =	vmov s22  }
0x850: {  	v55 =	vshrl.u32 v54, $0x3;
	[tilespmem:v51+s31+$0x0] =	vst.idx.msk $0xffff, v33  }
0x851: {  	v33 =	vshll.u32 v55, v1;
	[tilespmem:v52+s31+$0x0] =	vst.idx.msk $0xffff, v36  }
0x852: {  	v33 =	vbroadcast v33, $0x0;
	[tilespmem:v53+s31+$0x0] =	vst.idx.msk $0xffff, v38  }
0x853: {  	[tilespmem:v34+s31+$0x0] =	vst.idx.msk $0xffff, v40  }
0x854: {  	v56 =	vadd.s32 v25, v33;
	v34 =	vld [tilespmem:s11+$0x80]  }
0x855: {  	v57 =	vadd.s32 v26, v33;
	v36 =	vld [tilespmem:s11+$0x90]  }
0x856: {  	v58 =	vadd.s32 v27, v33;
	v38 =	vld [tilespmem:s11+$0xA0]  }
0x857: {  	s9 =	sadd.s32 $0x7, s7;
	v33 =	vadd.s32 v28, v33;
	v40 =	vld [tilespmem:s11+$0xB0]  }
0x858: {  	v59 =	vmov s9  }
0x859: {  	v60 =	vshrl.u32 v59, $0x3;
	[tilespmem:v56+s31+$0x0] =	vst.idx.msk $0xffff, v34  }
0x85a: {  	v34 =	vshll.u32 v60, v1;
	[tilespmem:v57+s31+$0x0] =	vst.idx.msk $0xffff, v36  }
0x85b: {  	v34 =	vbroadcast v34, $0x0;
	[tilespmem:v58+s31+$0x0] =	vst.idx.msk $0xffff, v38  }
0x85c: {  	[tilespmem:v33+s31+$0x0] =	vst.idx.msk $0xffff, v40  }
0x85d: {  	v61 =	vadd.s32 v29, v34;
	v33 =	vld [tilespmem:s11+$0xC0]  }
0x85e: {  	v62 =	vadd.s32 v30, v34;
	v36 =	vld [tilespmem:s11+$0xD0]  }
0x85f: {  	v63 =	vadd.s32 v31, v34;
	v38 =	vld [tilespmem:s11+$0xE0]  }
0x860: {  	v34 =	vadd.s32 v32, v34;
	v40 =	vld [tilespmem:s11+$0xF0]  }
0x861: {  	s12 =	sadd.s32 s6, s29  }
0x862: {  	s14 =	sshll.u32 s12, $0x7;
	[tilespmem:v61+s31+$0x0] =	vst.idx.msk $0xffff, v33  }
0x863: {  	s7 =	sshll.u32 s12, $0xA;
	s8 =	sand.u32 $0xF80, s14;
	[tilespmem:v62+s31+$0x0] =	vst.idx.msk $0xffff, v36  }
0x864: {  	s7 =	sand.u32 $0xFFF8000, s7;
	s8 =	sadd.s32 s2, s8;
	[tilespmem:v63+s31+$0x0] =	vst.idx.msk $0xffff, v38  }
0x865: {  	s15 =	simm.s32 $0x14A00;
	s8 =	sadd.s32 s7, s8;
	[tilespmem:v34+s31+$0x0] =	vst.idx.msk $0xffff, v40  }
0x866: {  	[hbm4b:s8+s3] =	stream.linear.scatter [tilespmem:s15], [sflag:$0x8], $0x80, $0x38;
	[tilespmem:$0x16C00] =	vst v63  }
0x867: {  	s9 =	sadd.s32 $0x10, s8;
	s17 =	simm.s32 $0x14A88  }
0x868: {  	[hbm4b:s9+s3] =	stream.linear.scatter [tilespmem:s17], [sflag:$0x8], $0x80, $0x38;
	[tilespmem:$0x16C00] =	vst v63  }
0x869: {  	s22 =	simm.s32 $0x14B10;
	s12 =	simm.s32 $0x14C20;
	s29 =	sadd.s32 $0x20, s8  }
0x86a: {  	[hbm4b:s29+s3] =	stream.linear.scatter [tilespmem:s22], [sflag:$0x8], $0x80, $0x38;
	[tilespmem:$0x16C00] =	vst v63  }
0x86b: {  	s7 =	simm.s32 $0x440;
	s11 =	sadd.s32 $0x30, s8;
	s9 =	simm.s32 $0x14B98  }
0x86c: {  	[hbm4b:s11+s3] =	stream.linear.scatter [tilespmem:s9], [sflag:$0x8], $0x80, $0x38;
	[tilespmem:$0x16C00] =	vst v63  }
0x86d: {  	s14 =	sadd.s32 $0x40, s8;
	s15 =	simm.s32 $0x14CA8;
	s17 =	sadd.s32 $0x50, s8  }
0x86e: {  	[hbm4b:s14+s3] =	stream.linear.scatter [tilespmem:s12], [sflag:$0x8], $0x80, $0x38;
	[tilespmem:$0x16C00] =	vst v63  }
0x86f: {  	s22 =	simm.s32 $0x14D30;
	s29 =	sadd.s32 $0x60, s8;
	s11 =	sadd.s32 $0x1000, s8  }
0x870: {  	[hbm4b:s17+s3] =	stream.linear.scatter [tilespmem:s15], [sflag:$0x8], $0x80, $0x38;
	[tilespmem:$0x16C00] =	vst v63  }
0x871: {  	s12 =	simm.s32 $0x2200;
	s14 =	simm.s32 $0x14DB8;
	s15 =	sadd.s32 $0x70, s8  }
0x872: {  	[hbm4b:s29+s3] =	stream.linear.scatter [tilespmem:s22], [sflag:$0x8], $0x80, $0x38;
	[tilespmem:$0x16C00] =	vst v63  }
.LBB2_34:
0x873: {  	[hbm4b:s15+s3] =	stream.linear.scatter [tilespmem:s14], [sflag:$0x8], $0x80, $0x38;
	[tilespmem:$0x16C00] =	vst v63  }
0x874: {  	s8 =	smov.u32 s7;
	s7 =	smov.u32 s12  }
0x875: {  	s9 =	sadd.s32 $0x1100, s12;
	s7 =	sshra.s32 s7, $0x2;
	s14 =	sadd.s32 $0x14A00, s8  }
0x876: {  	[hbm4b:s11+s3] =	stream.linear.scatter [tilespmem:s14], [sflag:$0x8], $0x80, $0x38;
	[tilespmem:$0x16C00] =	vst v63  }
0x877: {  	p0 =	seq.s32 s12, $0x7700;
	s12 =	sadd.s32 $0x14A88, s8;
	s14 =	sadd.s32 $0x10, s11  }
0x878: {  	[hbm4b:s14+s3] =	stream.linear.scatter [tilespmem:s12], [sflag:$0x8], $0x80, $0x38;
	[tilespmem:$0x16C00] =	vst v63  }
0x879: {  	s12 =	sadd.s32 $0x14B10, s8;
	s14 =	sadd.s32 $0x20, s11  }
0x87a: {  	[hbm4b:s14+s3] =	stream.linear.scatter [tilespmem:s12], [sflag:$0x8], $0x80, $0x38;
	[tilespmem:$0x16C00] =	vst v63  }
0x87b: {  	s12 =	sadd.s32 $0x14B98, s8;
	s14 =	sadd.s32 $0x30, s11  }
0x87c: {  	[hbm4b:s14+s3] =	stream.linear.scatter [tilespmem:s12], [sflag:$0x8], $0x80, $0x38;
	[tilespmem:$0x16C00] =	vst v63  }
0x87d: {  	s12 =	sadd.s32 $0x14C20, s8;
	s14 =	sadd.s32 $0x40, s11  }
0x87e: {  	[hbm4b:s14+s3] =	stream.linear.scatter [tilespmem:s12], [sflag:$0x8], $0x80, $0x38;
	[tilespmem:$0x16C00] =	vst v63  }
.Ltmp15:
0x87f: {  	s12 =	sadd.s32 $0x14CA8, s8;
	s14 =	sadd.s32 $0x50, s11;
	(pc) =	sbr.rel @!p0 .LBB2_34-.Ltmp15, $4  }
0x880: {  	[hbm4b:s14+s3] =	stream.linear.scatter [tilespmem:s12], [sflag:$0x8], $0x80, $0x38;
	[tilespmem:$0x16C00] =	vst v63  }
0x881: {  	s15 =	sadd.s32 $0x70, s11;
	s12 =	sadd.s32 $0x14D30, s8;
	s14 =	sadd.s32 $0x60, s11  }
0x882: {  	[hbm4b:s14+s3] =	stream.linear.scatter [tilespmem:s12], [sflag:$0x8], $0x80, $0x38;
	[tilespmem:$0x16C00] =	vst v63  }
0x883: {  	s11 =	sadd.s32 $0x1000, s11;
	s14 =	sadd.s32 $0x14DB8, s8;
	s12 =	smov.u32 s9  }
0x884: {  	[hbm4b:s15+s3] =	stream.linear.scatter [tilespmem:s14], [sflag:$0x8], $0x80, $0x38;
	[tilespmem:$0x16C00] =	vst v63  }
0x885: {  	s8 =	sadd.s32 $0x14A00, s7  }
0x886: {  	[hbm4b:s11+s3] =	stream.linear.scatter [tilespmem:s8], [sflag:$0x8], $0x80, $0x38;
	[tilespmem:$0x16C00] =	vst v63  }
0x887: {  	s29 =	sadd.s32 $0x14A88, s7;
	s9 =	sadd.s32 $0x10, s11  }
0x888: {  	[hbm4b:s9+s3] =	stream.linear.scatter [tilespmem:s29], [sflag:$0x8], $0x80, $0x38;
	[tilespmem:$0x16C00] =	vst v63  }
0x889: {  	s12 =	sadd.s32 $0x14B10, s7;
	s14 =	sadd.s32 $0x20, s11  }
0x88a: {  	[hbm4b:s14+s3] =	stream.linear.scatter [tilespmem:s12], [sflag:$0x8], $0x80, $0x38;
	[tilespmem:$0x16C00] =	vst v63  }
0x88b: {  	s15 =	sadd.s32 $0x14B98, s7;
	s17 =	sadd.s32 $0x30, s11  }
0x88c: {  	[hbm4b:s17+s3] =	stream.linear.scatter [tilespmem:s15], [sflag:$0x8], $0x80, $0x38;
	[tilespmem:$0x16C00] =	vst v63  }
0x88d: {  	s22 =	sadd.s32 $0x14C20, s7;
	s29 =	sadd.s32 $0x40, s11  }
0x88e: {  	[hbm4b:s29+s3] =	stream.linear.scatter [tilespmem:s22], [sflag:$0x8], $0x80, $0x38;
	[tilespmem:$0x16C00] =	vst v63  }
0x88f: {  	s12 =	sadd.s32 $0x14CA8, s7;
	s14 =	sadd.s32 $0x50, s11  }
0x890: {  	[hbm4b:s14+s3] =	stream.linear.scatter [tilespmem:s12], [sflag:$0x8], $0x80, $0x38;
	[tilespmem:$0x16C00] =	vst v63  }
0x891: {  	s15 =	sadd.s32 $0x14D30, s7;
	s17 =	sadd.s32 $0x60, s11  }
0x892: {  	[hbm4b:s17+s3] =	stream.linear.scatter [tilespmem:s15], [sflag:$0x8], $0x80, $0x38;
	[tilespmem:$0x16C00] =	vst v63  }
0x893: {  	s22 =	sadd.s32 $0x14DB8, s7;
	s29 =	sadd.s32 $0x70, s11  }
0x894: {  	[hbm4b:s29+s3] =	stream.linear.scatter [tilespmem:s22], [sflag:$0x8], $0x80, $0x38;
	[tilespmem:$0x16C00] =	vst v63  }
0x895: {  	p0 =	seq.s32 s25, $0x31  }
.Ltmp16:
0x896: {  	_ = 	snop;
	(pc) =	sbr.rel @!p0 .LBB2_19-.Ltmp16, $1  }
0x897: {  	_ =	sdelay $0x3  }
0x898: {  	_ =	swait.ge [sflag:s1], $0x2000  }
0x899: {  	[sflag:s1] =	ssyncset.done $0x0  }
0x89a: {  	[sflag:s1] =	ssyncadd.s32 $0xFFFFE000  }
0x89b: {  	_ =	swait.ge [sflag:s0], $0x2000  }
0x89c: {  	[sflag:s0] =	ssyncset.done $0x0  }
0x89d: {  	[sflag:s0] =	ssyncadd.s32 $0xFFFFE000  }
0x89e: {  	_ =	swait.ge [sflag:s16], $0x2000  }
0x89f: {  	[sflag:s16] =	ssyncset.done $0x0  }
0x8a0: {  	[sflag:s16] =	ssyncadd.s32 $0xFFFFE000  }
0x8a1: {  	_ =	swait.ge [sflag:s18], $0x2000  }
0x8a2: {  	s11 =	rddreg [dreg:$0x7]  }
0x8a3: {  	s7 =	rddreg [dreg:$0x6];
	s11 =	sadd.s32 $0x1, s11  }
0x8a4: {  	p0 =	sne.s32 s11, s7  }
.Ltmp17:
0x8a5: {  	_ = 	snop;
	(pc) =	sbr.rel @p0 .LBB2_1-.Ltmp17, $3  }
0x8a6: {  	_ =	sdelay $0x1  }
0x8a7: {  	s8 =	simm.s32 $0x6400;
	[sflag:s18] =	ssyncset.done $0x0  }
0x8a8: {  	s9 =	simm.s32 $0x8400;
	s22 =	simm.s32 $0xA400;
	[sflag:s18] =	ssyncadd.s32 $0xFFFFE000  }
0x8a9: {  	_ =	sfence.sel $0x180000  }
0x8aa: {  	[bflag:$0x0] =	sbarrier.arrive $0xFFFF  }
0x8ab: {  	_ =	strace $0x90000047  }
0x8ac: {  	s0 =	stileid.u32;
	[bflag:$0x2] =	sbarrier.arrive $0xFFFF  }
0x8ad: {  	p0 =	sne.s32 s0, $0x0;
	s0 =	rddreg [dreg:$0x2]  }
0x8ae: {  	s0 =	sadd.s32 @!p0 $0x100000, s0  }
0x8af: {  	[sflag:s0] =	ssyncadd.tile.s32 @!p0 $0x1;
	_ =	shalt  }
.Lfunc_end2:
_tile_overlayer_lowered:
.L_overlay_start_2:
0x8b0: {  	(tag) =	ssettag $0x2  }
0x8b1: {  	s0 =	rddreg [dreg:$0x0];
	s2 =	stileid.u32  }
0x8b2: {  	s1 =	rddreg [dreg:$0x1];
	p0 =	sne.s32 s2, $0x0  }
0x8b3: {  	s3 =	rddreg [dreg:$0x2];
	[bflag:$0x3] =	sbarrier.arrive $0xFFFF;
	s2 =	simm.s32 @!p0 $0x1C09  }
0x8b4: {  	[timem:s3], [sflag:s2] =	dma.local @!p0 [hbm:s0], s1  }
0x8b5: {  	s0 =	simm.s32 @!p0 $0x9  }
0x8b6: {  	_ =	swait.ge @!p0 [sflag:s0], s1  }
0x8b7: {  	s1 =	ssub.s32 @!p0 $0x0, s1;
	[sflag:s0] =	ssyncset.done @!p0 $0x0  }
0x8b8: {  	[sflag:s0] =	ssyncadd.s32 @!p0 s1  }
0x8b9: {  	[bflag:$0x3] =	sbarrier.arrive $0xFFFF  }
0x8ba: {  	_ =	shalt  }

</sc_bundles>
